<compile_context>
chip_gen: v7x
topology: tpu7x:2x2x1
jax: 0.10.2.dev20260603
libtpu: 0.0.44.dev20260713+nightly
codegen_flags: <defaults>
</compile_context>

<pallas_src>
import functools

import jax
import jax.numpy as jnp
from jax import lax
from jax.experimental import pallas as pl
from jax.experimental.pallas import tpu as pltpu
from jax.experimental.pallas import tpu_sc as plsc

N = 10000
E = 320000
NFEAT = 128
NHID = 128
NCLASS = 40
NLAYERS = 3

NC = 2
NS = 16
NW = NC * NS
E_W = E // NW
K = 40
NCHUNK = E_W // K
NCHUNKP = 256
SB = 8
NSB = NCHUNK // SB
NQUAD = (NCHUNK - 2) // 4
SEG = 624
REM = N - NS * SEG

_MESH = plsc.VectorSubcoreMesh(core_axis_name="c", subcore_axis_name="s")


@functools.partial(
    pl.kernel,
    out_type=jax.ShapeDtypeStruct((NW, N), jnp.float32),
    mesh=_MESH,
    scratch_types=[
        pltpu.VMEM((NCHUNKP, K), jnp.int32),
        pltpu.VMEM((N,), jnp.float32),
    ],
    compiler_params=pltpu.CompilerParams(needs_layout_passes=False),
)
def _sc_deg(ei_hbm, out_hbm, colbuf, deg_local):
    c = lax.axis_index("c")
    s = lax.axis_index("s")
    wid = s * NC + c
    pltpu.sync_copy(ei_hbm.at[1, wid], colbuf)
    zeros = jnp.zeros((16,), jnp.float32)

    def zbody(i, carry):
        deg_local[pl.ds(i * 16, 16)] = zeros
        return carry

    lax.fori_loop(0, N // 16, zbody, 0)
    ones = jnp.ones((16,), jnp.float32)
    tailmask = lax.broadcasted_iota(jnp.int32, (16,), 0) >= 8

    def body(j, carry):
        plsc.addupdate_scatter(deg_local, [colbuf[j, pl.ds(0, 16)]], ones)
        plsc.addupdate_scatter(deg_local, [colbuf[j, pl.ds(16, 16)]], ones)
        plsc.addupdate_scatter(deg_local, [colbuf[j, pl.ds(24, 16)]], ones,
                               mask=tailmask)
        return carry

    lax.fori_loop(0, NCHUNK, body, 0)
    pltpu.sync_copy(deg_local, out_hbm.at[wid])




@functools.partial(
    pl.kernel,
    out_type=jax.ShapeDtypeStruct((NC, N, NHID), jnp.float32),
    mesh=_MESH,
    scratch_types=[
        pltpu.VMEM((2, SB, K), jnp.int32),
        pltpu.VMEM((2, SB, K), jnp.int32),
        pltpu.VMEM((4, K, NHID), jnp.float32),
        pltpu.VMEM_SHARED((N, NHID), jnp.float32),
    ] + [pltpu.SemaphoreType.DMA] * 10,
)
def _sc_scatter(table_hbm, ei_hbm, zero_hbm, out_hbm,
                rowidx, colidx, gbuf, acc,
                gsem0, gsem1, gsem2, gsem3,
                ssem0, ssem1, ssem2, ssem3, isem_r, isem_c):
    gsem = (gsem0, gsem1, gsem2, gsem3)
    ssem = (ssem0, ssem1, ssem2, ssem3)
    c = lax.axis_index("c")
    s = lax.axis_index("s")
    wid = s * NC + c

    def stage(sb, sem_pair_sync):
        q = pl.multiple_of(sb * SB, SB)
        bank = lax.rem(sb, 2)
        if sem_pair_sync:
            pltpu.sync_copy(ei_hbm.at[0, wid, pl.ds(q, SB)], rowidx.at[bank])
            pltpu.sync_copy(ei_hbm.at[1, wid, pl.ds(q, SB)], colidx.at[bank])
        else:
            pltpu.async_copy(ei_hbm.at[0, wid, pl.ds(q, SB)],
                             rowidx.at[bank], isem_r)
            pltpu.async_copy(ei_hbm.at[1, wid, pl.ds(q, SB)],
                             colidx.at[bank], isem_c)

    def stage_wait(sb):
        q = pl.multiple_of(sb * SB, SB)
        bank = lax.rem(sb, 2)
        pltpu.make_async_copy(ei_hbm.at[0, wid, pl.ds(q, SB)],
                              rowidx.at[bank], isem_r).wait()
        pltpu.make_async_copy(ei_hbm.at[1, wid, pl.ds(q, SB)],
                              colidx.at[bank], isem_c).wait()

    def fire_gather(i, slot):
        sb = lax.div(i, SB)
        bank = lax.rem(sb, 2)
        j = lax.rem(i, SB)
        pltpu.async_copy(table_hbm.at[rowidx.at[bank, j]], gbuf.at[slot],
                         gsem[slot])

    def wait_gather(slot):
        pltpu.make_async_copy(table_hbm.at[rowidx.at[0, 0]], gbuf.at[slot],
                              gsem[slot]).wait()

    def fire_scatter(i, slot):
        sb = lax.div(i, SB)
        bank = lax.rem(sb, 2)
        j = lax.rem(i, SB)
        pltpu.async_copy(gbuf.at[slot], acc.at[colidx.at[bank, j]],
                         ssem[slot], add=True)

    def drain_scatter(slot):
        pltpu.make_async_copy(gbuf.at[slot], acc.at[colidx.at[0, 0]],
                              ssem[slot]).wait()

    pltpu.sync_copy(zero_hbm.at[pl.ds(s * SEG, SEG)],
                    acc.at[pl.ds(s * SEG, SEG)])

    @pl.when(s == 0)
    def _zero_tail():
        pltpu.sync_copy(zero_hbm.at[pl.ds(NS * SEG, REM)],
                        acc.at[pl.ds(NS * SEG, REM)])

    stage(jnp.int32(0), True)
    stage(jnp.int32(1), False)
    plsc.subcore_barrier()
    fire_gather(jnp.int32(0), 0)
    fire_gather(jnp.int32(1), 1)

    def quad(q, carry):
        i0 = 4 * q
        wait_gather(0)
        fire_scatter(i0, 0)

        @pl.when(q > 0)
        def _drain2():
            drain_scatter(2)

        fire_gather(i0 + 2, 2)
        wait_gather(1)
        fire_scatter(i0 + 1, 1)

        @pl.when(q > 0)
        def _drain3():
            drain_scatter(3)

        fire_gather(i0 + 3, 3)

        @pl.when((lax.rem(q, 2) == 0) & (q > 0) & (q < 2 * NSB - 1))
        def _stage_next():
            stage(lax.div(q, 2) + 1, False)

        wait_gather(2)
        fire_scatter(i0 + 2, 2)
        drain_scatter(0)

        @pl.when(lax.rem(q, 2) == 1)
        def _wait_stage():
            stage_wait(lax.div(q, 2) + 1)

        fire_gather(i0 + 4, 0)
        wait_gather(3)
        fire_scatter(i0 + 3, 3)
        drain_scatter(1)
        fire_gather(i0 + 5, 1)
        return carry

    lax.fori_loop(0, NQUAD, quad, 0)
    wait_gather(0)
    fire_scatter(jnp.int32(NCHUNK - 2), 0)
    drain_scatter(2)
    wait_gather(1)
    fire_scatter(jnp.int32(NCHUNK - 1), 1)
    drain_scatter(3)
    drain_scatter(0)
    drain_scatter(1)
    plsc.subcore_barrier()
    pltpu.sync_copy(acc.at[pl.ds(s * SEG, SEG)],
                    out_hbm.at[c, pl.ds(s * SEG, SEG)])

    @pl.when(s == 0)
    def _dump_tail():
        pltpu.sync_copy(acc.at[pl.ds(NS * SEG, REM)],
                        out_hbm.at[c, pl.ds(NS * SEG, REM)])


BN = 1000
GRID = N // BN


def _dinv_body(dp_ref, dinv_ref):
    deg = jnp.sum(dp_ref[...], axis=0) + 1.0
    dinv_ref[...] = lax.rsqrt(deg).reshape(N, 1)


_dinv = pl.pallas_call(
    _dinv_body,
    in_specs=[pl.BlockSpec((NW, N), lambda: (0, 0))],
    out_specs=pl.BlockSpec((N, 1), lambda: (0, 0)),
    out_shape=jax.ShapeDtypeStruct((N, 1), jnp.float32),
)


def _enc_body(x_ref, dinv_ref, we_ref, be_ref, w0_ref, h2p_ref):
    h = jnp.maximum(
        jnp.dot(x_ref[...], we_ref[...], preferred_element_type=jnp.float32)
        + be_ref[...], 0.0)
    h2p_ref[...] = jnp.dot(h, w0_ref[...],
                           preferred_element_type=jnp.float32) * dinv_ref[...]


_enc = pl.pallas_call(
    _enc_body,
    grid=(GRID,),
    in_specs=[
        pl.BlockSpec((BN, NFEAT), lambda i: (i, 0)),
        pl.BlockSpec((BN, 1), lambda i: (i, 0)),
        pl.BlockSpec((NFEAT, NHID), lambda i: (0, 0)),
        pl.BlockSpec((1, NHID), lambda i: (0, 0)),
        pl.BlockSpec((NHID, NHID), lambda i: (0, 0)),
    ],
    out_specs=pl.BlockSpec((BN, NHID), lambda i: (i, 0)),
    out_shape=jax.ShapeDtypeStruct((N, NHID), jnp.float32),
)


def _mid_body(sp_ref, h2p_ref, dinv_ref, b_ref, w_ref, out_ref):
    sboth = sp_ref[0] + sp_ref[1]
    dinv = dinv_ref[...]
    h = jnp.maximum(dinv * (sboth + h2p_ref[...]) + b_ref[...], 0.0)
    out_ref[...] = jnp.dot(h, w_ref[...],
                           preferred_element_type=jnp.float32) * dinv


_mid = pl.pallas_call(
    _mid_body,
    grid=(GRID,),
    in_specs=[
        pl.BlockSpec((NC, BN, NHID), lambda i: (0, i, 0)),
        pl.BlockSpec((BN, NHID), lambda i: (i, 0)),
        pl.BlockSpec((BN, 1), lambda i: (i, 0)),
        pl.BlockSpec((1, NHID), lambda i: (0, 0)),
        pl.BlockSpec((NHID, NHID), lambda i: (0, 0)),
    ],
    out_specs=pl.BlockSpec((BN, NHID), lambda i: (i, 0)),
    out_shape=jax.ShapeDtypeStruct((N, NHID), jnp.float32),
)


def _dec_body(sp_ref, h2p_ref, dinv_ref, b_ref, wd_ref, bd_ref, out_ref):
    sboth = sp_ref[0] + sp_ref[1]
    h = jnp.maximum(dinv_ref[...] * (sboth + h2p_ref[...]) + b_ref[...], 0.0)
    out_ref[...] = jnp.dot(h, wd_ref[...],
                           preferred_element_type=jnp.float32) + bd_ref[...]


_dec = pl.pallas_call(
    _dec_body,
    grid=(GRID,),
    in_specs=[
        pl.BlockSpec((NC, BN, NHID), lambda i: (0, i, 0)),
        pl.BlockSpec((BN, NHID), lambda i: (i, 0)),
        pl.BlockSpec((BN, 1), lambda i: (i, 0)),
        pl.BlockSpec((1, NHID), lambda i: (0, 0)),
        pl.BlockSpec((NHID, NCLASS), lambda i: (0, 0)),
        pl.BlockSpec((1, NCLASS), lambda i: (0, 0)),
    ],
    out_specs=pl.BlockSpec((BN, NCLASS), lambda i: (i, 0)),
    out_shape=jax.ShapeDtypeStruct((N, NCLASS), jnp.float32),
)


def kernel(x, edge_index, W_enc, b_enc, W_conv, b_conv, W_dec, b_dec):
    ei4 = jnp.pad(edge_index.reshape(2, NW, NCHUNK, K),
                  ((0, 0), (0, 0), (0, NCHUNKP - NCHUNK), (0, 0)))
    zeros2d = jnp.zeros((N, NHID), jnp.float32)
    deg_parts = _sc_deg(ei4)
    dinv = _dinv(deg_parts)
    h2p = _enc(x, dinv, W_enc, b_enc.reshape(1, NHID), W_conv[0])
    for i in range(NLAYERS):
        sp = _sc_scatter(h2p, ei4, zeros2d)
        if i + 1 < NLAYERS:
            h2p = _mid(sp, h2p, dinv, b_conv[i].reshape(1, NHID),
                       W_conv[i + 1])
        else:
            out = _dec(sp, h2p, dinv, b_conv[i].reshape(1, NHID),
                       W_dec, b_dec.reshape(1, NCLASS))
    return out

# --- scband reference (transcript-rebuilt; emitter-appended) ---
"""Pipeline reference for scband-plain-gnn-5858335391829 (READ-ONLY COPY).

The authoritative reference and input builder live on the scoring server;
editing this copy changes nothing except your own understanding.
"""

import jax, jax.numpy as jnp
import numpy as np

N = 10000
E = 320000
NFEAT = 128
NHID = 128
NCLASS = 40
NLAYERS = 3


def setup_inputs(seed: int = 0) -> dict:
    key = jax.random.key(seed)
    ks = jax.random.split(key, 8)
    x = jax.random.normal(ks[0], (N, NFEAT), dtype=jnp.float32)
    edge_index = jax.random.randint(ks[1], (2, E), 0, N, dtype=jnp.int32)
    W_enc = jax.random.normal(ks[2], (NFEAT, NHID), dtype=jnp.float32) * (1.0 / np.sqrt(NFEAT))
    b_enc = jnp.zeros((NHID,), dtype=jnp.float32)
    W_conv = jax.random.normal(ks[3], (NLAYERS, NHID, NHID), dtype=jnp.float32) * (1.0 / np.sqrt(NHID))
    b_conv = jnp.zeros((NLAYERS, NHID), dtype=jnp.float32)
    W_dec = jax.random.normal(ks[4], (NHID, NCLASS), dtype=jnp.float32) * (1.0 / np.sqrt(NHID))
    b_dec = jnp.zeros((NCLASS,), dtype=jnp.float32)
    return {"x": x, "edge_index": edge_index, "W_enc": W_enc, "b_enc": b_enc,
            "W_conv": W_conv, "b_conv": b_conv, "W_dec": W_dec, "b_dec": b_dec}


def _gcn_layer(h, row, col, W, b):
    # GCNConv: linear transform, then symmetric-normalized scatter-add aggregation
    h2 = h @ W
    deg = jnp.zeros((N,), dtype=h.dtype).at[col].add(1.0)
    dinv = jnp.where(deg > 0, 1.0 / jnp.sqrt(deg), 0.0)
    norm = dinv[row] * dinv[col]
    msg = h2[row] * norm[:, None]
    agg = jnp.zeros_like(h2).at[col].add(msg)
    return agg + b


def reference(x, edge_index, W_enc, b_enc, W_conv, b_conv, W_dec, b_dec):
    # dropout is identity in eval mode (drop_in=drop=0.0)
    h = jax.nn.relu(x @ W_enc + b_enc)
    loops = jnp.arange(N, dtype=edge_index.dtype)
    row = jnp.concatenate([edge_index[0], loops])  # src with self-loops
    col = jnp.concatenate([edge_index[1], loops])  # dst with self-loops
    for i in range(NLAYERS):
        h = jax.nn.relu(_gcn_layer(h, row, col, W_conv[i], b_conv[i]))
    out = h @ W_dec + b_dec
    return out

if __name__ == "__main__":
    import jax
    _d = setup_inputs()
    print(jax.jit(kernel)(*tuple(_d.values())))

</pallas_src>

<mosaic_0001>
#map = affine_map<(d0, d1) -> (0, 0)>
#map1 = affine_map<(d0, d1) -> (0, 0, 0, 0)>
#map2 = affine_map<(d0, d1) -> (0, 0, 0)>
module attributes {stable_mosaic.version = 14 : i64} {
  func.func @_sc_scatter(%arg0: i32, %arg1: i32, %arg2: memref<10000x128xf32, #tpu.memory_space<hbm>>, %arg3: memref<2x32x256x40xi32, #tpu.memory_space<hbm>>, %arg4: memref<10000x128xf32, #tpu.memory_space<hbm>>, %arg5: memref<2x10000x128xf32, #tpu.memory_space<hbm>>, %arg6: memref<2x8x40xi32, #tpu.memory_space<vmem>>, %arg7: memref<2x8x40xi32, #tpu.memory_space<vmem>>, %arg8: memref<4x40x128xf32, #tpu.memory_space<vmem>>, %arg9: memref<10000x128xf32, #tpu.memory_space<vmem_shared>>, %arg10: memref<!tpu.dma_semaphore, #tpu.memory_space<semaphore_mem>>, %arg11: memref<!tpu.dma_semaphore, #tpu.memory_space<semaphore_mem>>, %arg12: memref<!tpu.dma_semaphore, #tpu.memory_space<semaphore_mem>>, %arg13: memref<!tpu.dma_semaphore, #tpu.memory_space<semaphore_mem>>, %arg14: memref<!tpu.dma_semaphore, #tpu.memory_space<semaphore_mem>>, %arg15: memref<!tpu.dma_semaphore, #tpu.memory_space<semaphore_mem>>, %arg16: memref<!tpu.dma_semaphore, #tpu.memory_space<semaphore_mem>>, %arg17: memref<!tpu.dma_semaphore, #tpu.memory_space<semaphore_mem>>, %arg18: memref<!tpu.dma_semaphore, #tpu.memory_space<semaphore_mem>>, %arg19: memref<!tpu.dma_semaphore, #tpu.memory_space<semaphore_mem>>) attributes {dimension_semantics = [#tpu.dimension_semantics<core_parallel>, #tpu.dimension_semantics<subcore_parallel>], iteration_bounds = array<i64: 2, 16>, scalar_prefetch = 0 : i64, scratch_operands = 14 : i64, tpu.core_type = #tpu.core_type<sc_vector_subcore>, window_params = [{transform_indices = #map}, {transform_indices = #map1}, {transform_indices = #map}, {transform_indices = #map2}]} {
    %mul3A = arith.constant 2 : i32
    %mul3A_0 = arith.muli %arg1, %mul3A : i32
    %add3A = arith.addi %mul3A_0, %arg0 : i32
    %mul3A_1 = arith.constant 624 : i32
    %mul3A_2 = arith.muli %arg1, %mul3A_1 : i32
    %mul3A_3 = arith.constant 624 : i32
    %mul3A_4 = arith.muli %arg1, %mul3A_3 : i32
    "tpu.region"() ({
      %run_scoped3A_216 = tpu.sem_alloc : memref<!tpu.dma_semaphore, #tpu.memory_space<semaphore_mem>>
      %dma_start3A_217 = arith.constant 0 : i32
      %dma_start3A_218 = tpu.memref_slice %arg9[%mul3A_4, %dma_start3A_217] : memref<10000x128xf32, #tpu.memory_space<vmem_shared>> -> memref<624x128xf32, #tpu.memory_space<vmem_shared>>
      %dma_start3A_219 = arith.constant 0 : i32
      %dma_start3A_220 = tpu.memref_slice %arg4[%mul3A_2, %dma_start3A_219] : memref<10000x128xf32, #tpu.memory_space<hbm>> -> memref<624x128xf32, #tpu.memory_space<hbm>>
      tpu.enqueue_dma source(%dma_start3A_220 : memref<624x128xf32, #tpu.memory_space<hbm>>) target(%dma_start3A_218 : memref<624x128xf32, #tpu.memory_space<vmem_shared>>) target_semaphore(%run_scoped3A_216 : memref<!tpu.dma_semaphore, #tpu.memory_space<semaphore_mem>>)
      %dma_wait3A_221 = arith.constant 0 : i32
      %dma_wait3A_222 = tpu.memref_slice %arg9[%mul3A_4, %dma_wait3A_221] : memref<10000x128xf32, #tpu.memory_space<vmem_shared>> -> memref<624x128xf32, #tpu.memory_space<vmem_shared>>
      %dma_wait3A_223 = arith.constant 0 : i32
      %dma_wait3A_224 = tpu.memref_slice %arg4[%mul3A_2, %dma_wait3A_223] : memref<10000x128xf32, #tpu.memory_space<hbm>> -> memref<624x128xf32, #tpu.memory_space<hbm>>
      tpu.wait_dma2 semaphore(%run_scoped3A_216 : memref<!tpu.dma_semaphore, #tpu.memory_space<semaphore_mem>>) src(%dma_wait3A_224 : memref<624x128xf32, #tpu.memory_space<hbm>>) dst(%dma_wait3A_222 : memref<624x128xf32, #tpu.memory_space<vmem_shared>>)
      tpu.yield
    }) : () -> ()
    %eq3A = arith.constant 0 : i32
    %eq3A_5 = arith.cmpi eq, %arg1, %eq3A : i32
    %convert_element_type3A = arith.extui %eq3A_5 : i1 to i32
    %cond3A = arith.constant 0 : i32
    %cond3A_6 = arith.cmpi ne, %convert_element_type3A, %cond3A : i32
    scf.if %cond3A_6 {
      "tpu.region"() ({
        %run_scoped3A_216 = tpu.sem_alloc : memref<!tpu.dma_semaphore, #tpu.memory_space<semaphore_mem>>
        %dma_start3A_217 = arith.constant 9984 : i32
        %dma_start3A_218 = arith.constant 0 : i32
        %dma_start3A_219 = tpu.memref_slice %arg9[%dma_start3A_217, %dma_start3A_218] : memref<10000x128xf32, #tpu.memory_space<vmem_shared>> -> memref<16x128xf32, #tpu.memory_space<vmem_shared>>
        %dma_start3A_220 = arith.constant 9984 : i32
        %dma_start3A_221 = arith.constant 0 : i32
        %dma_start3A_222 = tpu.memref_slice %arg4[%dma_start3A_220, %dma_start3A_221] : memref<10000x128xf32, #tpu.memory_space<hbm>> -> memref<16x128xf32, #tpu.memory_space<hbm>>
        tpu.enqueue_dma source(%dma_start3A_222 : memref<16x128xf32, #tpu.memory_space<hbm>>) target(%dma_start3A_219 : memref<16x128xf32, #tpu.memory_space<vmem_shared>>) target_semaphore(%run_scoped3A_216 : memref<!tpu.dma_semaphore, #tpu.memory_space<semaphore_mem>>)
        %dma_wait3A_223 = arith.constant 9984 : i32
        %dma_wait3A_224 = arith.constant 0 : i32
        %dma_wait3A_225 = tpu.memref_slice %arg9[%dma_wait3A_223, %dma_wait3A_224] : memref<10000x128xf32, #tpu.memory_space<vmem_shared>> -> memref<16x128xf32, #tpu.memory_space<vmem_shared>>
        %dma_wait3A_226 = arith.constant 9984 : i32
        %dma_wait3A_227 = arith.constant 0 : i32
        %dma_wait3A_228 = tpu.memref_slice %arg4[%dma_wait3A_226, %dma_wait3A_227] : memref<10000x128xf32, #tpu.memory_space<hbm>> -> memref<16x128xf32, #tpu.memory_space<hbm>>
        tpu.wait_dma2 semaphore(%run_scoped3A_216 : memref<!tpu.dma_semaphore, #tpu.memory_space<semaphore_mem>>) src(%dma_wait3A_228 : memref<16x128xf32, #tpu.memory_space<hbm>>) dst(%dma_wait3A_225 : memref<16x128xf32, #tpu.memory_space<vmem_shared>>)
        tpu.yield
      }) : () -> ()
    } else {
    }
    %mul3A_7 = arith.constant 0 : i32
    %mul3A_8 = arith.constant 8 : i32
    %mul3A_9 = arith.muli %mul3A_7, %mul3A_8 : i32
    %multiple_of3A = tpu.assume_multiple %mul3A_9, 8 : i32
    %rem3A = arith.constant 0 : i32
    %rem3A_10 = arith.constant 2 : i32
    %rem3A_11 = arith.remsi %rem3A, %rem3A_10 : i32
    %run_scoped3A = arith.constant 0 : i32
    "tpu.region"() ({
      %run_scoped3A_216 = tpu.sem_alloc : memref<!tpu.dma_semaphore, #tpu.memory_space<semaphore_mem>>
      %dma_start3A_217 = arith.constant 0 : i32
      %dma_start3A_218 = arith.constant 0 : i32
      %dma_start3A_219 = tpu.memref_slice %arg6[%rem3A_11, %dma_start3A_217, %dma_start3A_218] : memref<2x8x40xi32, #tpu.memory_space<vmem>> -> memref<1x8x40xi32, #tpu.memory_space<vmem>>
      %dma_start3A_220 = tpu.memref_squeeze %dma_start3A_219 : memref<1x8x40xi32, #tpu.memory_space<vmem>> -> memref<8x40xi32, #tpu.memory_space<vmem>>
      %dma_start3A_221 = arith.constant 0 : i32
      %dma_start3A_222 = tpu.memref_slice %arg3[%run_scoped3A, %add3A, %multiple_of3A, %dma_start3A_221] : memref<2x32x256x40xi32, #tpu.memory_space<hbm>> -> memref<1x1x8x40xi32, #tpu.memory_space<hbm>>
      %dma_start3A_223 = tpu.memref_squeeze %dma_start3A_222 : memref<1x1x8x40xi32, #tpu.memory_space<hbm>> -> memref<8x40xi32, #tpu.memory_space<hbm>>
      %dma_start3A_224 = arith.constant 0 : i32
      %dma_start3A_225 = arith.constant 0 : i32
      %dma_start3A_226 = tpu.memref_slice %arg6[%rem3A_11, %dma_start3A_224, %dma_start3A_225] : memref<2x8x40xi32, #tpu.memory_space<vmem>> -> memref<1x8x40xi32, #tpu.memory_space<vmem>>
      %dma_start3A_227 = tpu.memref_squeeze %dma_start3A_226 : memref<1x8x40xi32, #tpu.memory_space<vmem>> -> memref<8x40xi32, #tpu.memory_space<vmem>>
      %dma_start3A_228 = arith.constant 0 : i32
      %dma_start3A_229 = tpu.memref_slice %arg3[%run_scoped3A, %add3A, %multiple_of3A, %dma_start3A_228] : memref<2x32x256x40xi32, #tpu.memory_space<hbm>> -> memref<1x1x8x40xi32, #tpu.memory_space<hbm>>
      %dma_start3A_230 = tpu.memref_squeeze %dma_start3A_229 : memref<1x1x8x40xi32, #tpu.memory_space<hbm>> -> memref<8x40xi32, #tpu.memory_space<hbm>>
      tpu.enqueue_dma source(%dma_start3A_230 : memref<8x40xi32, #tpu.memory_space<hbm>>) target(%dma_start3A_227 : memref<8x40xi32, #tpu.memory_space<vmem>>) target_semaphore(%run_scoped3A_216 : memref<!tpu.dma_semaphore, #tpu.memory_space<semaphore_mem>>)
      %dma_wait3A_231 = arith.constant 0 : i32
      %dma_wait3A_232 = arith.constant 0 : i32
      %dma_wait3A_233 = tpu.memref_slice %arg6[%rem3A_11, %dma_wait3A_231, %dma_wait3A_232] : memref<2x8x40xi32, #tpu.memory_space<vmem>> -> memref<1x8x40xi32, #tpu.memory_space<vmem>>
      %dma_wait3A_234 = tpu.memref_squeeze %dma_wait3A_233 : memref<1x8x40xi32, #tpu.memory_space<vmem>> -> memref<8x40xi32, #tpu.memory_space<vmem>>
      %dma_wait3A_235 = arith.constant 0 : i32
      %dma_wait3A_236 = tpu.memref_slice %arg3[%run_scoped3A, %add3A, %multiple_of3A, %dma_wait3A_235] : memref<2x32x256x40xi32, #tpu.memory_space<hbm>> -> memref<1x1x8x40xi32, #tpu.memory_space<hbm>>
      %dma_wait3A_237 = tpu.memref_squeeze %dma_wait3A_236 : memref<1x1x8x40xi32, #tpu.memory_space<hbm>> -> memref<8x40xi32, #tpu.memory_space<hbm>>
      %dma_wait3A_238 = arith.constant 0 : i32
      %dma_wait3A_239 = arith.constant 0 : i32
      %dma_wait3A_240 = tpu.memref_slice %arg6[%rem3A_11, %dma_wait3A_238, %dma_wait3A_239] : memref<2x8x40xi32, #tpu.memory_space<vmem>> -> memref<1x8x40xi32, #tpu.memory_space<vmem>>
      %dma_wait3A_241 = tpu.memref_squeeze %dma_wait3A_240 : memref<1x8x40xi32, #tpu.memory_space<vmem>> -> memref<8x40xi32, #tpu.memory_space<vmem>>
      %dma_wait3A_242 = arith.constant 0 : i32
      %dma_wait3A_243 = tpu.memref_slice %arg3[%run_scoped3A, %add3A, %multiple_of3A, %dma_wait3A_242] : memref<2x32x256x40xi32, #tpu.memory_space<hbm>> -> memref<1x1x8x40xi32, #tpu.memory_space<hbm>>
      %dma_wait3A_244 = tpu.memref_squeeze %dma_wait3A_243 : memref<1x1x8x40xi32, #tpu.memory_space<hbm>> -> memref<8x40xi32, #tpu.memory_space<hbm>>
      tpu.wait_dma2 semaphore(%run_scoped3A_216 : memref<!tpu.dma_semaphore, #tpu.memory_space<semaphore_mem>>) src(%dma_wait3A_244 : memref<8x40xi32, #tpu.memory_space<hbm>>) dst(%dma_wait3A_241 : memref<8x40xi32, #tpu.memory_space<vmem>>)
      tpu.yield
    }) : () -> ()
    %run_scoped3A_12 = arith.constant 1 : i32
    "tpu.region"() ({
      %run_scoped3A_216 = tpu.sem_alloc : memref<!tpu.dma_semaphore, #tpu.memory_space<semaphore_mem>>
      %dma_start3A_217 = arith.constant 0 : i32
      %dma_start3A_218 = arith.constant 0 : i32
      %dma_start3A_219 = tpu.memref_slice %arg7[%rem3A_11, %dma_start3A_217, %dma_start3A_218] : memref<2x8x40xi32, #tpu.memory_space<vmem>> -> memref<1x8x40xi32, #tpu.memory_space<vmem>>
      %dma_start3A_220 = tpu.memref_squeeze %dma_start3A_219 : memref<1x8x40xi32, #tpu.memory_space<vmem>> -> memref<8x40xi32, #tpu.memory_space<vmem>>
      %dma_start3A_221 = arith.constant 0 : i32
      %dma_start3A_222 = tpu.memref_slice %arg3[%run_scoped3A_12, %add3A, %multiple_of3A, %dma_start3A_221] : memref<2x32x256x40xi32, #tpu.memory_space<hbm>> -> memref<1x1x8x40xi32, #tpu.memory_space<hbm>>
      %dma_start3A_223 = tpu.memref_squeeze %dma_start3A_222 : memref<1x1x8x40xi32, #tpu.memory_space<hbm>> -> memref<8x40xi32, #tpu.memory_space<hbm>>
      %dma_start3A_224 = arith.constant 0 : i32
      %dma_start3A_225 = arith.constant 0 : i32
      %dma_start3A_226 = tpu.memref_slice %arg7[%rem3A_11, %dma_start3A_224, %dma_start3A_225] : memref<2x8x40xi32, #tpu.memory_space<vmem>> -> memref<1x8x40xi32, #tpu.memory_space<vmem>>
      %dma_start3A_227 = tpu.memref_squeeze %dma_start3A_226 : memref<1x8x40xi32, #tpu.memory_space<vmem>> -> memref<8x40xi32, #tpu.memory_space<vmem>>
      %dma_start3A_228 = arith.constant 0 : i32
      %dma_start3A_229 = tpu.memref_slice %arg3[%run_scoped3A_12, %add3A, %multiple_of3A, %dma_start3A_228] : memref<2x32x256x40xi32, #tpu.memory_space<hbm>> -> memref<1x1x8x40xi32, #tpu.memory_space<hbm>>
      %dma_start3A_230 = tpu.memref_squeeze %dma_start3A_229 : memref<1x1x8x40xi32, #tpu.memory_space<hbm>> -> memref<8x40xi32, #tpu.memory_space<hbm>>
      tpu.enqueue_dma source(%dma_start3A_230 : memref<8x40xi32, #tpu.memory_space<hbm>>) target(%dma_start3A_227 : memref<8x40xi32, #tpu.memory_space<vmem>>) target_semaphore(%run_scoped3A_216 : memref<!tpu.dma_semaphore, #tpu.memory_space<semaphore_mem>>)
      %dma_wait3A_231 = arith.constant 0 : i32
      %dma_wait3A_232 = arith.constant 0 : i32
      %dma_wait3A_233 = tpu.memref_slice %arg7[%rem3A_11, %dma_wait3A_231, %dma_wait3A_232] : memref<2x8x40xi32, #tpu.memory_space<vmem>> -> memref<1x8x40xi32, #tpu.memory_space<vmem>>
      %dma_wait3A_234 = tpu.memref_squeeze %dma_wait3A_233 : memref<1x8x40xi32, #tpu.memory_space<vmem>> -> memref<8x40xi32, #tpu.memory_space<vmem>>
      %dma_wait3A_235 = arith.constant 0 : i32
      %dma_wait3A_236 = tpu.memref_slice %arg3[%run_scoped3A_12, %add3A, %multiple_of3A, %dma_wait3A_235] : memref<2x32x256x40xi32, #tpu.memory_space<hbm>> -> memref<1x1x8x40xi32, #tpu.memory_space<hbm>>
      %dma_wait3A_237 = tpu.memref_squeeze %dma_wait3A_236 : memref<1x1x8x40xi32, #tpu.memory_space<hbm>> -> memref<8x40xi32, #tpu.memory_space<hbm>>
      %dma_wait3A_238 = arith.constant 0 : i32
      %dma_wait3A_239 = arith.constant 0 : i32
      %dma_wait3A_240 = tpu.memref_slice %arg7[%rem3A_11, %dma_wait3A_238, %dma_wait3A_239] : memref<2x8x40xi32, #tpu.memory_space<vmem>> -> memref<1x8x40xi32, #tpu.memory_space<vmem>>
      %dma_wait3A_241 = tpu.memref_squeeze %dma_wait3A_240 : memref<1x8x40xi32, #tpu.memory_space<vmem>> -> memref<8x40xi32, #tpu.memory_space<vmem>>
      %dma_wait3A_242 = arith.constant 0 : i32
      %dma_wait3A_243 = tpu.memref_slice %arg3[%run_scoped3A_12, %add3A, %multiple_of3A, %dma_wait3A_242] : memref<2x32x256x40xi32, #tpu.memory_space<hbm>> -> memref<1x1x8x40xi32, #tpu.memory_space<hbm>>
      %dma_wait3A_244 = tpu.memref_squeeze %dma_wait3A_243 : memref<1x1x8x40xi32, #tpu.memory_space<hbm>> -> memref<8x40xi32, #tpu.memory_space<hbm>>
      tpu.wait_dma2 semaphore(%run_scoped3A_216 : memref<!tpu.dma_semaphore, #tpu.memory_space<semaphore_mem>>) src(%dma_wait3A_244 : memref<8x40xi32, #tpu.memory_space<hbm>>) dst(%dma_wait3A_241 : memref<8x40xi32, #tpu.memory_space<vmem>>)
      tpu.yield
    }) : () -> ()
    %mul3A_13 = arith.constant 1 : i32
    %mul3A_14 = arith.constant 8 : i32
    %mul3A_15 = arith.muli %mul3A_13, %mul3A_14 : i32
    %multiple_of3A_16 = tpu.assume_multiple %mul3A_15, 8 : i32
    %rem3A_17 = arith.constant 1 : i32
    %rem3A_18 = arith.constant 2 : i32
    %rem3A_19 = arith.remsi %rem3A_17, %rem3A_18 : i32
    %dma_start3A = arith.constant 0 : i32
    %dma_start3A_20 = arith.constant 0 : i32
    %dma_start3A_21 = arith.constant 0 : i32
    %dma_start3A_22 = tpu.memref_slice %arg6[%rem3A_19, %dma_start3A_20, %dma_start3A_21] : memref<2x8x40xi32, #tpu.memory_space<vmem>> -> memref<1x8x40xi32, #tpu.memory_space<vmem>>
    %dma_start3A_23 = tpu.memref_squeeze %dma_start3A_22 : memref<1x8x40xi32, #tpu.memory_space<vmem>> -> memref<8x40xi32, #tpu.memory_space<vmem>>
    %dma_start3A_24 = arith.constant 0 : i32
    %dma_start3A_25 = tpu.memref_slice %arg3[%dma_start3A, %add3A, %multiple_of3A_16, %dma_start3A_24] : memref<2x32x256x40xi32, #tpu.memory_space<hbm>> -> memref<1x1x8x40xi32, #tpu.memory_space<hbm>>
    %dma_start3A_26 = tpu.memref_squeeze %dma_start3A_25 : memref<1x1x8x40xi32, #tpu.memory_space<hbm>> -> memref<8x40xi32, #tpu.memory_space<hbm>>
    %dma_start3A_27 = arith.constant 0 : i32
    %dma_start3A_28 = arith.constant 0 : i32
    %dma_start3A_29 = tpu.memref_slice %arg6[%rem3A_19, %dma_start3A_27, %dma_start3A_28] : memref<2x8x40xi32, #tpu.memory_space<vmem>> -> memref<1x8x40xi32, #tpu.memory_space<vmem>>
    %dma_start3A_30 = tpu.memref_squeeze %dma_start3A_29 : memref<1x8x40xi32, #tpu.memory_space<vmem>> -> memref<8x40xi32, #tpu.memory_space<vmem>>
    %dma_start3A_31 = arith.constant 0 : i32
    %dma_start3A_32 = tpu.memref_slice %arg3[%dma_start3A, %add3A, %multiple_of3A_16, %dma_start3A_31] : memref<2x32x256x40xi32, #tpu.memory_space<hbm>> -> memref<1x1x8x40xi32, #tpu.memory_space<hbm>>
    %dma_start3A_33 = tpu.memref_squeeze %dma_start3A_32 : memref<1x1x8x40xi32, #tpu.memory_space<hbm>> -> memref<8x40xi32, #tpu.memory_space<hbm>>
    tpu.enqueue_dma source(%dma_start3A_33 : memref<8x40xi32, #tpu.memory_space<hbm>>) target(%dma_start3A_30 : memref<8x40xi32, #tpu.memory_space<vmem>>) target_semaphore(%arg18 : memref<!tpu.dma_semaphore, #tpu.memory_space<semaphore_mem>>)
    %dma_start3A_34 = arith.constant 1 : i32
    %dma_start3A_35 = arith.constant 0 : i32
    %dma_start3A_36 = arith.constant 0 : i32
    %dma_start3A_37 = tpu.memref_slice %arg7[%rem3A_19, %dma_start3A_35, %dma_start3A_36] : memref<2x8x40xi32, #tpu.memory_space<vmem>> -> memref<1x8x40xi32, #tpu.memory_space<vmem>>
    %dma_start3A_38 = tpu.memref_squeeze %dma_start3A_37 : memref<1x8x40xi32, #tpu.memory_space<vmem>> -> memref<8x40xi32, #tpu.memory_space<vmem>>
    %dma_start3A_39 = arith.constant 0 : i32
    %dma_start3A_40 = tpu.memref_slice %arg3[%dma_start3A_34, %add3A, %multiple_of3A_16, %dma_start3A_39] : memref<2x32x256x40xi32, #tpu.memory_space<hbm>> -> memref<1x1x8x40xi32, #tpu.memory_space<hbm>>
    %dma_start3A_41 = tpu.memref_squeeze %dma_start3A_40 : memref<1x1x8x40xi32, #tpu.memory_space<hbm>> -> memref<8x40xi32, #tpu.memory_space<hbm>>
    %dma_start3A_42 = arith.constant 0 : i32
    %dma_start3A_43 = arith.constant 0 : i32
    %dma_start3A_44 = tpu.memref_slice %arg7[%rem3A_19, %dma_start3A_42, %dma_start3A_43] : memref<2x8x40xi32, #tpu.memory_space<vmem>> -> memref<1x8x40xi32, #tpu.memory_space<vmem>>
    %dma_start3A_45 = tpu.memref_squeeze %dma_start3A_44 : memref<1x8x40xi32, #tpu.memory_space<vmem>> -> memref<8x40xi32, #tpu.memory_space<vmem>>
    %dma_start3A_46 = arith.constant 0 : i32
    %dma_start3A_47 = tpu.memref_slice %arg3[%dma_start3A_34, %add3A, %multiple_of3A_16, %dma_start3A_46] : memref<2x32x256x40xi32, #tpu.memory_space<hbm>> -> memref<1x1x8x40xi32, #tpu.memory_space<hbm>>
    %dma_start3A_48 = tpu.memref_squeeze %dma_start3A_47 : memref<1x1x8x40xi32, #tpu.memory_space<hbm>> -> memref<8x40xi32, #tpu.memory_space<hbm>>
    tpu.enqueue_dma source(%dma_start3A_48 : memref<8x40xi32, #tpu.memory_space<hbm>>) target(%dma_start3A_45 : memref<8x40xi32, #tpu.memory_space<vmem>>) target_semaphore(%arg19 : memref<!tpu.dma_semaphore, #tpu.memory_space<semaphore_mem>>)
    %barrier3A = arith.constant 0 : index
    tpu.barrier barrier_id(%barrier3A)
    %div3A = arith.constant 0 : i32
    %div3A_49 = arith.constant 8 : i32
    %div3A_50 = arith.divsi %div3A, %div3A_49 : i32
    %rem3A_51 = arith.constant 2 : i32
    %rem3A_52 = arith.remsi %div3A_50, %rem3A_51 : i32
    %rem3A_53 = arith.constant 0 : i32
    %rem3A_54 = arith.constant 8 : i32
    %rem3A_55 = arith.remsi %rem3A_53, %rem3A_54 : i32
    %dma_start3A_56 = arith.constant 0 : i32
    %dma_start3A_57 = arith.constant 0 : i32
    %dma_start3A_58 = arith.constant 0 : i32
    %dma_start3A_59 = tpu.memref_slice %arg8[%dma_start3A_56, %dma_start3A_57, %dma_start3A_58] : memref<4x40x128xf32, #tpu.memory_space<vmem>> -> memref<1x40x128xf32, #tpu.memory_space<vmem>>
    %dma_start3A_60 = tpu.memref_squeeze %dma_start3A_59 : memref<1x40x128xf32, #tpu.memory_space<vmem>> -> memref<40x128xf32, #tpu.memory_space<vmem>>
    %dma_start3A_61 = arith.constant 0 : i32
    %dma_start3A_62 = tpu.memref_slice %arg6[%rem3A_52, %rem3A_55, %dma_start3A_61] : memref<2x8x40xi32, #tpu.memory_space<vmem>> -> memref<1x1x40xi32, #tpu.memory_space<vmem>>
    %dma_start3A_63 = tpu.memref_squeeze %dma_start3A_62 : memref<1x1x40xi32, #tpu.memory_space<vmem>> -> memref<40xi32, #tpu.memory_space<vmem>>
    %dma_start3A_64 = arith.constant 0 : i32
    %dma_start3A_65 = arith.constant 0 : i32
    %dma_start3A_66 = tpu.memref_slice %arg2[%dma_start3A_64, %dma_start3A_65] : memref<10000x128xf32, #tpu.memory_space<hbm>> -> memref<10000x128xf32, #tpu.memory_space<hbm>>
    tpu.enqueue_indirect_dma source(%dma_start3A_66 : memref<10000x128xf32, #tpu.memory_space<hbm>>) target(%dma_start3A_60 : memref<40x128xf32, #tpu.memory_space<vmem>>) offsets(%dma_start3A_63 : memref<40xi32, #tpu.memory_space<vmem>>) semaphore(%arg10 : memref<!tpu.dma_semaphore, #tpu.memory_space<semaphore_mem>>)
    %div3A_67 = arith.constant 1 : i32
    %div3A_68 = arith.constant 8 : i32
    %div3A_69 = arith.divsi %div3A_67, %div3A_68 : i32
    %rem3A_70 = arith.constant 2 : i32
    %rem3A_71 = arith.remsi %div3A_69, %rem3A_70 : i32
    %rem3A_72 = arith.constant 1 : i32
    %rem3A_73 = arith.constant 8 : i32
    %rem3A_74 = arith.remsi %rem3A_72, %rem3A_73 : i32
    %dma_start3A_75 = arith.constant 1 : i32
    %dma_start3A_76 = arith.constant 0 : i32
    %dma_start3A_77 = arith.constant 0 : i32
    %dma_start3A_78 = tpu.memref_slice %arg8[%dma_start3A_75, %dma_start3A_76, %dma_start3A_77] : memref<4x40x128xf32, #tpu.memory_space<vmem>> -> memref<1x40x128xf32, #tpu.memory_space<vmem>>
    %dma_start3A_79 = tpu.memref_squeeze %dma_start3A_78 : memref<1x40x128xf32, #tpu.memory_space<vmem>> -> memref<40x128xf32, #tpu.memory_space<vmem>>
    %dma_start3A_80 = arith.constant 0 : i32
    %dma_start3A_81 = tpu.memref_slice %arg6[%rem3A_71, %rem3A_74, %dma_start3A_80] : memref<2x8x40xi32, #tpu.memory_space<vmem>> -> memref<1x1x40xi32, #tpu.memory_space<vmem>>
    %dma_start3A_82 = tpu.memref_squeeze %dma_start3A_81 : memref<1x1x40xi32, #tpu.memory_space<vmem>> -> memref<40xi32, #tpu.memory_space<vmem>>
    %dma_start3A_83 = arith.constant 0 : i32
    %dma_start3A_84 = arith.constant 0 : i32
    %dma_start3A_85 = tpu.memref_slice %arg2[%dma_start3A_83, %dma_start3A_84] : memref<10000x128xf32, #tpu.memory_space<hbm>> -> memref<10000x128xf32, #tpu.memory_space<hbm>>
    tpu.enqueue_indirect_dma source(%dma_start3A_85 : memref<10000x128xf32, #tpu.memory_space<hbm>>) target(%dma_start3A_79 : memref<40x128xf32, #tpu.memory_space<vmem>>) offsets(%dma_start3A_82 : memref<40xi32, #tpu.memory_space<vmem>>) semaphore(%arg11 : memref<!tpu.dma_semaphore, #tpu.memory_space<semaphore_mem>>)
    %scan3A = arith.constant 0 : i32
    %scan3A_86 = arith.constant 0 : i32
    %scan3A_87 = arith.constant 62 : i32
    %scan3A_88 = arith.addi %scan3A_86, %scan3A_87 : i32
    %scan3A_89 = arith.constant 1 : i32
    scf.for %scan3A_216 = %scan3A_86 to %scan3A_88 step %scan3A_89  : i32 {
      %mul3A_217 = arith.constant 4 : i32
      %mul3A_218 = arith.muli %mul3A_217, %scan3A_216 : i32
      %dma_wait3A_219 = arith.constant 0 : i32
      %dma_wait3A_220 = arith.constant 0 : i32
      %dma_wait3A_221 = arith.constant 0 : i32
      %dma_wait3A_222 = arith.constant 0 : i32
      %dma_wait3A_223 = arith.constant 0 : i32
      %dma_wait3A_224 = tpu.memref_slice %arg8[%dma_wait3A_221, %dma_wait3A_222, %dma_wait3A_223] : memref<4x40x128xf32, #tpu.memory_space<vmem>> -> memref<1x40x128xf32, #tpu.memory_space<vmem>>
      %dma_wait3A_225 = tpu.memref_squeeze %dma_wait3A_224 : memref<1x40x128xf32, #tpu.memory_space<vmem>> -> memref<40x128xf32, #tpu.memory_space<vmem>>
      %dma_wait3A_226 = arith.constant 0 : i32
      %dma_wait3A_227 = tpu.memref_slice %arg6[%dma_wait3A_219, %dma_wait3A_220, %dma_wait3A_226] : memref<2x8x40xi32, #tpu.memory_space<vmem>> -> memref<1x1x40xi32, #tpu.memory_space<vmem>>
      %dma_wait3A_228 = tpu.memref_squeeze %dma_wait3A_227 : memref<1x1x40xi32, #tpu.memory_space<vmem>> -> memref<40xi32, #tpu.memory_space<vmem>>
      %dma_wait3A_229 = arith.constant 0 : i32
      %dma_wait3A_230 = arith.constant 0 : i32
      %dma_wait3A_231 = tpu.memref_slice %arg2[%dma_wait3A_229, %dma_wait3A_230] : memref<10000x128xf32, #tpu.memory_space<hbm>> -> memref<10000x128xf32, #tpu.memory_space<hbm>>
      tpu.wait_indirect_dma semaphore(%arg10 : memref<!tpu.dma_semaphore, #tpu.memory_space<semaphore_mem>>) src(%dma_wait3A_231 : memref<10000x128xf32, #tpu.memory_space<hbm>>) dst(%dma_wait3A_225 : memref<40x128xf32, #tpu.memory_space<vmem>>)
      %div3A_232 = arith.constant 8 : i32
      %div3A_233 = arith.divsi %mul3A_218, %div3A_232 : i32
      %rem3A_234 = arith.constant 2 : i32
      %rem3A_235 = arith.remsi %div3A_233, %rem3A_234 : i32
      %rem3A_236 = arith.constant 8 : i32
      %rem3A_237 = arith.remsi %mul3A_218, %rem3A_236 : i32
      %dma_start3A_238 = arith.constant 0 : i32
      %dma_start3A_239 = arith.constant 0 : i32
      %dma_start3A_240 = arith.constant 0 : i32
      %dma_start3A_241 = tpu.memref_slice %arg8[%dma_start3A_238, %dma_start3A_239, %dma_start3A_240] : memref<4x40x128xf32, #tpu.memory_space<vmem>> -> memref<1x40x128xf32, #tpu.memory_space<vmem>>
      %dma_start3A_242 = tpu.memref_squeeze %dma_start3A_241 : memref<1x40x128xf32, #tpu.memory_space<vmem>> -> memref<40x128xf32, #tpu.memory_space<vmem>>
      %dma_start3A_243 = arith.constant 0 : i32
      %dma_start3A_244 = tpu.memref_slice %arg7[%rem3A_235, %rem3A_237, %dma_start3A_243] : memref<2x8x40xi32, #tpu.memory_space<vmem>> -> memref<1x1x40xi32, #tpu.memory_space<vmem>>
      %dma_start3A_245 = tpu.memref_squeeze %dma_start3A_244 : memref<1x1x40xi32, #tpu.memory_space<vmem>> -> memref<40xi32, #tpu.memory_space<vmem>>
      %dma_start3A_246 = arith.constant 0 : i32
      %dma_start3A_247 = arith.constant 0 : i32
      %dma_start3A_248 = tpu.memref_slice %arg9[%dma_start3A_246, %dma_start3A_247] : memref<10000x128xf32, #tpu.memory_space<vmem_shared>> -> memref<10000x128xf32, #tpu.memory_space<vmem_shared>>
      tpu.enqueue_indirect_dma source(%dma_start3A_242 : memref<40x128xf32, #tpu.memory_space<vmem>>) target(%dma_start3A_248 : memref<10000x128xf32, #tpu.memory_space<vmem_shared>>) offsets(%dma_start3A_245 : memref<40xi32, #tpu.memory_space<vmem>>) semaphore(%arg14 : memref<!tpu.dma_semaphore, #tpu.memory_space<semaphore_mem>>) {add = true}
      %gt3A = arith.constant 0 : i32
      %gt3A_249 = arith.cmpi sgt, %scan3A_216, %gt3A : i32
      %convert_element_type3A_250 = arith.extui %gt3A_249 : i1 to i32
      %cond3A_251 = arith.constant 0 : i32
      %cond3A_252 = arith.cmpi ne, %convert_element_type3A_250, %cond3A_251 : i32
      scf.if %cond3A_252 {
        %dma_wait3A_474 = arith.constant 2 : i32
        %dma_wait3A_475 = arith.constant 0 : i32
        %dma_wait3A_476 = arith.constant 0 : i32
        %dma_wait3A_477 = arith.constant 0 : i32
        %dma_wait3A_478 = arith.constant 0 : i32
        %dma_wait3A_479 = tpu.memref_slice %arg8[%dma_wait3A_474, %dma_wait3A_477, %dma_wait3A_478] : memref<4x40x128xf32, #tpu.memory_space<vmem>> -> memref<1x40x128xf32, #tpu.memory_space<vmem>>
        %dma_wait3A_480 = tpu.memref_squeeze %dma_wait3A_479 : memref<1x40x128xf32, #tpu.memory_space<vmem>> -> memref<40x128xf32, #tpu.memory_space<vmem>>
        %dma_wait3A_481 = arith.constant 0 : i32
        %dma_wait3A_482 = tpu.memref_slice %arg7[%dma_wait3A_475, %dma_wait3A_476, %dma_wait3A_481] : memref<2x8x40xi32, #tpu.memory_space<vmem>> -> memref<1x1x40xi32, #tpu.memory_space<vmem>>
        %dma_wait3A_483 = tpu.memref_squeeze %dma_wait3A_482 : memref<1x1x40xi32, #tpu.memory_space<vmem>> -> memref<40xi32, #tpu.memory_space<vmem>>
        %dma_wait3A_484 = arith.constant 0 : i32
        %dma_wait3A_485 = arith.constant 0 : i32
        %dma_wait3A_486 = tpu.memref_slice %arg9[%dma_wait3A_484, %dma_wait3A_485] : memref<10000x128xf32, #tpu.memory_space<vmem_shared>> -> memref<10000x128xf32, #tpu.memory_space<vmem_shared>>
        tpu.wait_indirect_dma semaphore(%arg16 : memref<!tpu.dma_semaphore, #tpu.memory_space<semaphore_mem>>) src(%dma_wait3A_480 : memref<40x128xf32, #tpu.memory_space<vmem>>) dst(%dma_wait3A_486 : memref<10000x128xf32, #tpu.memory_space<vmem_shared>>)
      } else {
      }
      %add3A_253 = arith.constant 2 : i32
      %add3A_254 = arith.addi %mul3A_218, %add3A_253 : i32
      %div3A_255 = arith.constant 8 : i32
      %div3A_256 = arith.divsi %add3A_254, %div3A_255 : i32
      %rem3A_257 = arith.constant 2 : i32
      %rem3A_258 = arith.remsi %div3A_256, %rem3A_257 : i32
      %rem3A_259 = arith.constant 8 : i32
      %rem3A_260 = arith.remsi %add3A_254, %rem3A_259 : i32
      %dma_start3A_261 = arith.constant 2 : i32
      %dma_start3A_262 = arith.constant 0 : i32
      %dma_start3A_263 = arith.constant 0 : i32
      %dma_start3A_264 = tpu.memref_slice %arg8[%dma_start3A_261, %dma_start3A_262, %dma_start3A_263] : memref<4x40x128xf32, #tpu.memory_space<vmem>> -> memref<1x40x128xf32, #tpu.memory_space<vmem>>
      %dma_start3A_265 = tpu.memref_squeeze %dma_start3A_264 : memref<1x40x128xf32, #tpu.memory_space<vmem>> -> memref<40x128xf32, #tpu.memory_space<vmem>>
      %dma_start3A_266 = arith.constant 0 : i32
      %dma_start3A_267 = tpu.memref_slice %arg6[%rem3A_258, %rem3A_260, %dma_start3A_266] : memref<2x8x40xi32, #tpu.memory_space<vmem>> -> memref<1x1x40xi32, #tpu.memory_space<vmem>>
      %dma_start3A_268 = tpu.memref_squeeze %dma_start3A_267 : memref<1x1x40xi32, #tpu.memory_space<vmem>> -> memref<40xi32, #tpu.memory_space<vmem>>
      %dma_start3A_269 = arith.constant 0 : i32
      %dma_start3A_270 = arith.constant 0 : i32
      %dma_start3A_271 = tpu.memref_slice %arg2[%dma_start3A_269, %dma_start3A_270] : memref<10000x128xf32, #tpu.memory_space<hbm>> -> memref<10000x128xf32, #tpu.memory_space<hbm>>
      tpu.enqueue_indirect_dma source(%dma_start3A_271 : memref<10000x128xf32, #tpu.memory_space<hbm>>) target(%dma_start3A_265 : memref<40x128xf32, #tpu.memory_space<vmem>>) offsets(%dma_start3A_268 : memref<40xi32, #tpu.memory_space<vmem>>) semaphore(%arg12 : memref<!tpu.dma_semaphore, #tpu.memory_space<semaphore_mem>>)
      %dma_wait3A_272 = arith.constant 0 : i32
      %dma_wait3A_273 = arith.constant 0 : i32
      %dma_wait3A_274 = arith.constant 1 : i32
      %dma_wait3A_275 = arith.constant 0 : i32
      %dma_wait3A_276 = arith.constant 0 : i32
      %dma_wait3A_277 = tpu.memref_slice %arg8[%dma_wait3A_274, %dma_wait3A_275, %dma_wait3A_276] : memref<4x40x128xf32, #tpu.memory_space<vmem>> -> memref<1x40x128xf32, #tpu.memory_space<vmem>>
      %dma_wait3A_278 = tpu.memref_squeeze %dma_wait3A_277 : memref<1x40x128xf32, #tpu.memory_space<vmem>> -> memref<40x128xf32, #tpu.memory_space<vmem>>
      %dma_wait3A_279 = arith.constant 0 : i32
      %dma_wait3A_280 = tpu.memref_slice %arg6[%dma_wait3A_272, %dma_wait3A_273, %dma_wait3A_279] : memref<2x8x40xi32, #tpu.memory_space<vmem>> -> memref<1x1x40xi32, #tpu.memory_space<vmem>>
      %dma_wait3A_281 = tpu.memref_squeeze %dma_wait3A_280 : memref<1x1x40xi32, #tpu.memory_space<vmem>> -> memref<40xi32, #tpu.memory_space<vmem>>
      %dma_wait3A_282 = arith.constant 0 : i32
      %dma_wait3A_283 = arith.constant 0 : i32
      %dma_wait3A_284 = tpu.memref_slice %arg2[%dma_wait3A_282, %dma_wait3A_283] : memref<10000x128xf32, #tpu.memory_space<hbm>> -> memref<10000x128xf32, #tpu.memory_space<hbm>>
      tpu.wait_indirect_dma semaphore(%arg11 : memref<!tpu.dma_semaphore, #tpu.memory_space<semaphore_mem>>) src(%dma_wait3A_284 : memref<10000x128xf32, #tpu.memory_space<hbm>>) dst(%dma_wait3A_278 : memref<40x128xf32, #tpu.memory_space<vmem>>)
      %add3A_285 = arith.constant 1 : i32
      %add3A_286 = arith.addi %mul3A_218, %add3A_285 : i32
      %div3A_287 = arith.constant 8 : i32
      %div3A_288 = arith.divsi %add3A_286, %div3A_287 : i32
      %rem3A_289 = arith.constant 2 : i32
      %rem3A_290 = arith.remsi %div3A_288, %rem3A_289 : i32
      %rem3A_291 = arith.constant 8 : i32
      %rem3A_292 = arith.remsi %add3A_286, %rem3A_291 : i32
      %dma_start3A_293 = arith.constant 1 : i32
      %dma_start3A_294 = arith.constant 0 : i32
      %dma_start3A_295 = arith.constant 0 : i32
      %dma_start3A_296 = tpu.memref_slice %arg8[%dma_start3A_293, %dma_start3A_294, %dma_start3A_295] : memref<4x40x128xf32, #tpu.memory_space<vmem>> -> memref<1x40x128xf32, #tpu.memory_space<vmem>>
      %dma_start3A_297 = tpu.memref_squeeze %dma_start3A_296 : memref<1x40x128xf32, #tpu.memory_space<vmem>> -> memref<40x128xf32, #tpu.memory_space<vmem>>
      %dma_start3A_298 = arith.constant 0 : i32
      %dma_start3A_299 = tpu.memref_slice %arg7[%rem3A_290, %rem3A_292, %dma_start3A_298] : memref<2x8x40xi32, #tpu.memory_space<vmem>> -> memref<1x1x40xi32, #tpu.memory_space<vmem>>
      %dma_start3A_300 = tpu.memref_squeeze %dma_start3A_299 : memref<1x1x40xi32, #tpu.memory_space<vmem>> -> memref<40xi32, #tpu.memory_space<vmem>>
      %dma_start3A_301 = arith.constant 0 : i32
      %dma_start3A_302 = arith.constant 0 : i32
      %dma_start3A_303 = tpu.memref_slice %arg9[%dma_start3A_301, %dma_start3A_302] : memref<10000x128xf32, #tpu.memory_space<vmem_shared>> -> memref<10000x128xf32, #tpu.memory_space<vmem_shared>>
      tpu.enqueue_indirect_dma source(%dma_start3A_297 : memref<40x128xf32, #tpu.memory_space<vmem>>) target(%dma_start3A_303 : memref<10000x128xf32, #tpu.memory_space<vmem_shared>>) offsets(%dma_start3A_300 : memref<40xi32, #tpu.memory_space<vmem>>) semaphore(%arg15 : memref<!tpu.dma_semaphore, #tpu.memory_space<semaphore_mem>>) {add = true}
      %gt3A_304 = arith.constant 0 : i32
      %gt3A_305 = arith.cmpi sgt, %scan3A_216, %gt3A_304 : i32
      %convert_element_type3A_306 = arith.extui %gt3A_305 : i1 to i32
      %cond3A_307 = arith.constant 0 : i32
      %cond3A_308 = arith.cmpi ne, %convert_element_type3A_306, %cond3A_307 : i32
      scf.if %cond3A_308 {
        %dma_wait3A_474 = arith.constant 3 : i32
        %dma_wait3A_475 = arith.constant 0 : i32
        %dma_wait3A_476 = arith.constant 0 : i32
        %dma_wait3A_477 = arith.constant 0 : i32
        %dma_wait3A_478 = arith.constant 0 : i32
        %dma_wait3A_479 = tpu.memref_slice %arg8[%dma_wait3A_474, %dma_wait3A_477, %dma_wait3A_478] : memref<4x40x128xf32, #tpu.memory_space<vmem>> -> memref<1x40x128xf32, #tpu.memory_space<vmem>>
        %dma_wait3A_480 = tpu.memref_squeeze %dma_wait3A_479 : memref<1x40x128xf32, #tpu.memory_space<vmem>> -> memref<40x128xf32, #tpu.memory_space<vmem>>
        %dma_wait3A_481 = arith.constant 0 : i32
        %dma_wait3A_482 = tpu.memref_slice %arg7[%dma_wait3A_475, %dma_wait3A_476, %dma_wait3A_481] : memref<2x8x40xi32, #tpu.memory_space<vmem>> -> memref<1x1x40xi32, #tpu.memory_space<vmem>>
        %dma_wait3A_483 = tpu.memref_squeeze %dma_wait3A_482 : memref<1x1x40xi32, #tpu.memory_space<vmem>> -> memref<40xi32, #tpu.memory_space<vmem>>
        %dma_wait3A_484 = arith.constant 0 : i32
        %dma_wait3A_485 = arith.constant 0 : i32
        %dma_wait3A_486 = tpu.memref_slice %arg9[%dma_wait3A_484, %dma_wait3A_485] : memref<10000x128xf32, #tpu.memory_space<vmem_shared>> -> memref<10000x128xf32, #tpu.memory_space<vmem_shared>>
        tpu.wait_indirect_dma semaphore(%arg17 : memref<!tpu.dma_semaphore, #tpu.memory_space<semaphore_mem>>) src(%dma_wait3A_480 : memref<40x128xf32, #tpu.memory_space<vmem>>) dst(%dma_wait3A_486 : memref<10000x128xf32, #tpu.memory_space<vmem_shared>>)
      } else {
      }
      %add3A_309 = arith.constant 3 : i32
      %add3A_310 = arith.addi %mul3A_218, %add3A_309 : i32
      %div3A_311 = arith.constant 8 : i32
      %div3A_312 = arith.divsi %add3A_310, %div3A_311 : i32
      %rem3A_313 = arith.constant 2 : i32
      %rem3A_314 = arith.remsi %div3A_312, %rem3A_313 : i32
      %rem3A_315 = arith.constant 8 : i32
      %rem3A_316 = arith.remsi %add3A_310, %rem3A_315 : i32
      %dma_start3A_317 = arith.constant 3 : i32
      %dma_start3A_318 = arith.constant 0 : i32
      %dma_start3A_319 = arith.constant 0 : i32
      %dma_start3A_320 = tpu.memref_slice %arg8[%dma_start3A_317, %dma_start3A_318, %dma_start3A_319] : memref<4x40x128xf32, #tpu.memory_space<vmem>> -> memref<1x40x128xf32, #tpu.memory_space<vmem>>
      %dma_start3A_321 = tpu.memref_squeeze %dma_start3A_320 : memref<1x40x128xf32, #tpu.memory_space<vmem>> -> memref<40x128xf32, #tpu.memory_space<vmem>>
      %dma_start3A_322 = arith.constant 0 : i32
      %dma_start3A_323 = tpu.memref_slice %arg6[%rem3A_314, %rem3A_316, %dma_start3A_322] : memref<2x8x40xi32, #tpu.memory_space<vmem>> -> memref<1x1x40xi32, #tpu.memory_space<vmem>>
      %dma_start3A_324 = tpu.memref_squeeze %dma_start3A_323 : memref<1x1x40xi32, #tpu.memory_space<vmem>> -> memref<40xi32, #tpu.memory_space<vmem>>
      %dma_start3A_325 = arith.constant 0 : i32
      %dma_start3A_326 = arith.constant 0 : i32
      %dma_start3A_327 = tpu.memref_slice %arg2[%dma_start3A_325, %dma_start3A_326] : memref<10000x128xf32, #tpu.memory_space<hbm>> -> memref<10000x128xf32, #tpu.memory_space<hbm>>
      tpu.enqueue_indirect_dma source(%dma_start3A_327 : memref<10000x128xf32, #tpu.memory_space<hbm>>) target(%dma_start3A_321 : memref<40x128xf32, #tpu.memory_space<vmem>>) offsets(%dma_start3A_324 : memref<40xi32, #tpu.memory_space<vmem>>) semaphore(%arg13 : memref<!tpu.dma_semaphore, #tpu.memory_space<semaphore_mem>>)
      %rem3A_328 = arith.constant 2 : i32
      %rem3A_329 = arith.remsi %scan3A_216, %rem3A_328 : i32
      %eq3A_330 = arith.constant 0 : i32
      %eq3A_331 = arith.cmpi eq, %rem3A_329, %eq3A_330 : i32
      %gt3A_332 = arith.constant 0 : i32
      %gt3A_333 = arith.cmpi sgt, %scan3A_216, %gt3A_332 : i32
      %and3A = arith.andi %eq3A_331, %gt3A_333 : i1
      %lt3A = arith.constant 61 : i32
      %lt3A_334 = arith.cmpi slt, %scan3A_216, %lt3A : i32
      %and3A_335 = arith.andi %and3A, %lt3A_334 : i1
      %convert_element_type3A_336 = arith.extui %and3A_335 : i1 to i32
      %cond3A_337 = arith.constant 0 : i32
      %cond3A_338 = arith.cmpi ne, %convert_element_type3A_336, %cond3A_337 : i32
      scf.if %cond3A_338 {
        %div3A_474 = arith.constant 2 : i32
        %div3A_475 = arith.divsi %scan3A_216, %div3A_474 : i32
        %add3A_476 = arith.constant 1 : i32
        %add3A_477 = arith.addi %div3A_475, %add3A_476 : i32
        %mul3A_478 = arith.constant 8 : i32
        %mul3A_479 = arith.muli %add3A_477, %mul3A_478 : i32
        %multiple_of3A_480 = tpu.assume_multiple %mul3A_479, 8 : i32
        %rem3A_481 = arith.constant 2 : i32
        %rem3A_482 = arith.remsi %add3A_477, %rem3A_481 : i32
        %dma_start3A_483 = arith.constant 0 : i32
        %dma_start3A_484 = arith.constant 0 : i32
        %dma_start3A_485 = arith.constant 0 : i32
        %dma_start3A_486 = tpu.memref_slice %arg6[%rem3A_482, %dma_start3A_484, %dma_start3A_485] : memref<2x8x40xi32, #tpu.memory_space<vmem>> -> memref<1x8x40xi32, #tpu.memory_space<vmem>>
        %dma_start3A_487 = tpu.memref_squeeze %dma_start3A_486 : memref<1x8x40xi32, #tpu.memory_space<vmem>> -> memref<8x40xi32, #tpu.memory_space<vmem>>
        %dma_start3A_488 = arith.constant 0 : i32
        %dma_start3A_489 = tpu.memref_slice %arg3[%dma_start3A_483, %add3A, %multiple_of3A_480, %dma_start3A_488] : memref<2x32x256x40xi32, #tpu.memory_space<hbm>> -> memref<1x1x8x40xi32, #tpu.memory_space<hbm>>
        %dma_start3A_490 = tpu.memref_squeeze %dma_start3A_489 : memref<1x1x8x40xi32, #tpu.memory_space<hbm>> -> memref<8x40xi32, #tpu.memory_space<hbm>>
        %dma_start3A_491 = arith.constant 0 : i32
        %dma_start3A_492 = arith.constant 0 : i32
        %dma_start3A_493 = tpu.memref_slice %arg6[%rem3A_482, %dma_start3A_491, %dma_start3A_492] : memref<2x8x40xi32, #tpu.memory_space<vmem>> -> memref<1x8x40xi32, #tpu.memory_space<vmem>>
        %dma_start3A_494 = tpu.memref_squeeze %dma_start3A_493 : memref<1x8x40xi32, #tpu.memory_space<vmem>> -> memref<8x40xi32, #tpu.memory_space<vmem>>
        %dma_start3A_495 = arith.constant 0 : i32
        %dma_start3A_496 = tpu.memref_slice %arg3[%dma_start3A_483, %add3A, %multiple_of3A_480, %dma_start3A_495] : memref<2x32x256x40xi32, #tpu.memory_space<hbm>> -> memref<1x1x8x40xi32, #tpu.memory_space<hbm>>
        %dma_start3A_497 = tpu.memref_squeeze %dma_start3A_496 : memref<1x1x8x40xi32, #tpu.memory_space<hbm>> -> memref<8x40xi32, #tpu.memory_space<hbm>>
        tpu.enqueue_dma source(%dma_start3A_497 : memref<8x40xi32, #tpu.memory_space<hbm>>) target(%dma_start3A_494 : memref<8x40xi32, #tpu.memory_space<vmem>>) target_semaphore(%arg18 : memref<!tpu.dma_semaphore, #tpu.memory_space<semaphore_mem>>)
        %dma_start3A_498 = arith.constant 1 : i32
        %dma_start3A_499 = arith.constant 0 : i32
        %dma_start3A_500 = arith.constant 0 : i32
        %dma_start3A_501 = tpu.memref_slice %arg7[%rem3A_482, %dma_start3A_499, %dma_start3A_500] : memref<2x8x40xi32, #tpu.memory_space<vmem>> -> memref<1x8x40xi32, #tpu.memory_space<vmem>>
        %dma_start3A_502 = tpu.memref_squeeze %dma_start3A_501 : memref<1x8x40xi32, #tpu.memory_space<vmem>> -> memref<8x40xi32, #tpu.memory_space<vmem>>
        %dma_start3A_503 = arith.constant 0 : i32
        %dma_start3A_504 = tpu.memref_slice %arg3[%dma_start3A_498, %add3A, %multiple_of3A_480, %dma_start3A_503] : memref<2x32x256x40xi32, #tpu.memory_space<hbm>> -> memref<1x1x8x40xi32, #tpu.memory_space<hbm>>
        %dma_start3A_505 = tpu.memref_squeeze %dma_start3A_504 : memref<1x1x8x40xi32, #tpu.memory_space<hbm>> -> memref<8x40xi32, #tpu.memory_space<hbm>>
        %dma_start3A_506 = arith.constant 0 : i32
        %dma_start3A_507 = arith.constant 0 : i32
        %dma_start3A_508 = tpu.memref_slice %arg7[%rem3A_482, %dma_start3A_506, %dma_start3A_507] : memref<2x8x40xi32, #tpu.memory_space<vmem>> -> memref<1x8x40xi32, #tpu.memory_space<vmem>>
        %dma_start3A_509 = tpu.memref_squeeze %dma_start3A_508 : memref<1x8x40xi32, #tpu.memory_space<vmem>> -> memref<8x40xi32, #tpu.memory_space<vmem>>
        %dma_start3A_510 = arith.constant 0 : i32
        %dma_start3A_511 = tpu.memref_slice %arg3[%dma_start3A_498, %add3A, %multiple_of3A_480, %dma_start3A_510] : memref<2x32x256x40xi32, #tpu.memory_space<hbm>> -> memref<1x1x8x40xi32, #tpu.memory_space<hbm>>
        %dma_start3A_512 = tpu.memref_squeeze %dma_start3A_511 : memref<1x1x8x40xi32, #tpu.memory_space<hbm>> -> memref<8x40xi32, #tpu.memory_space<hbm>>
        tpu.enqueue_dma source(%dma_start3A_512 : memref<8x40xi32, #tpu.memory_space<hbm>>) target(%dma_start3A_509 : memref<8x40xi32, #tpu.memory_space<vmem>>) target_semaphore(%arg19 : memref<!tpu.dma_semaphore, #tpu.memory_space<semaphore_mem>>)
      } else {
      }
      %dma_wait3A_339 = arith.constant 0 : i32
      %dma_wait3A_340 = arith.constant 0 : i32
      %dma_wait3A_341 = arith.constant 2 : i32
      %dma_wait3A_342 = arith.constant 0 : i32
      %dma_wait3A_343 = arith.constant 0 : i32
      %dma_wait3A_344 = tpu.memref_slice %arg8[%dma_wait3A_341, %dma_wait3A_342, %dma_wait3A_343] : memref<4x40x128xf32, #tpu.memory_space<vmem>> -> memref<1x40x128xf32, #tpu.memory_space<vmem>>
      %dma_wait3A_345 = tpu.memref_squeeze %dma_wait3A_344 : memref<1x40x128xf32, #tpu.memory_space<vmem>> -> memref<40x128xf32, #tpu.memory_space<vmem>>
      %dma_wait3A_346 = arith.constant 0 : i32
      %dma_wait3A_347 = tpu.memref_slice %arg6[%dma_wait3A_339, %dma_wait3A_340, %dma_wait3A_346] : memref<2x8x40xi32, #tpu.memory_space<vmem>> -> memref<1x1x40xi32, #tpu.memory_space<vmem>>
      %dma_wait3A_348 = tpu.memref_squeeze %dma_wait3A_347 : memref<1x1x40xi32, #tpu.memory_space<vmem>> -> memref<40xi32, #tpu.memory_space<vmem>>
      %dma_wait3A_349 = arith.constant 0 : i32
      %dma_wait3A_350 = arith.constant 0 : i32
      %dma_wait3A_351 = tpu.memref_slice %arg2[%dma_wait3A_349, %dma_wait3A_350] : memref<10000x128xf32, #tpu.memory_space<hbm>> -> memref<10000x128xf32, #tpu.memory_space<hbm>>
      tpu.wait_indirect_dma semaphore(%arg12 : memref<!tpu.dma_semaphore, #tpu.memory_space<semaphore_mem>>) src(%dma_wait3A_351 : memref<10000x128xf32, #tpu.memory_space<hbm>>) dst(%dma_wait3A_345 : memref<40x128xf32, #tpu.memory_space<vmem>>)
      %add3A_352 = arith.constant 2 : i32
      %add3A_353 = arith.addi %mul3A_218, %add3A_352 : i32
      %div3A_354 = arith.constant 8 : i32
      %div3A_355 = arith.divsi %add3A_353, %div3A_354 : i32
      %rem3A_356 = arith.constant 2 : i32
      %rem3A_357 = arith.remsi %div3A_355, %rem3A_356 : i32
      %rem3A_358 = arith.constant 8 : i32
      %rem3A_359 = arith.remsi %add3A_353, %rem3A_358 : i32
      %dma_start3A_360 = arith.constant 2 : i32
      %dma_start3A_361 = arith.constant 0 : i32
      %dma_start3A_362 = arith.constant 0 : i32
      %dma_start3A_363 = tpu.memref_slice %arg8[%dma_start3A_360, %dma_start3A_361, %dma_start3A_362] : memref<4x40x128xf32, #tpu.memory_space<vmem>> -> memref<1x40x128xf32, #tpu.memory_space<vmem>>
      %dma_start3A_364 = tpu.memref_squeeze %dma_start3A_363 : memref<1x40x128xf32, #tpu.memory_space<vmem>> -> memref<40x128xf32, #tpu.memory_space<vmem>>
      %dma_start3A_365 = arith.constant 0 : i32
      %dma_start3A_366 = tpu.memref_slice %arg7[%rem3A_357, %rem3A_359, %dma_start3A_365] : memref<2x8x40xi32, #tpu.memory_space<vmem>> -> memref<1x1x40xi32, #tpu.memory_space<vmem>>
      %dma_start3A_367 = tpu.memref_squeeze %dma_start3A_366 : memref<1x1x40xi32, #tpu.memory_space<vmem>> -> memref<40xi32, #tpu.memory_space<vmem>>
      %dma_start3A_368 = arith.constant 0 : i32
      %dma_start3A_369 = arith.constant 0 : i32
      %dma_start3A_370 = tpu.memref_slice %arg9[%dma_start3A_368, %dma_start3A_369] : memref<10000x128xf32, #tpu.memory_space<vmem_shared>> -> memref<10000x128xf32, #tpu.memory_space<vmem_shared>>
      tpu.enqueue_indirect_dma source(%dma_start3A_364 : memref<40x128xf32, #tpu.memory_space<vmem>>) target(%dma_start3A_370 : memref<10000x128xf32, #tpu.memory_space<vmem_shared>>) offsets(%dma_start3A_367 : memref<40xi32, #tpu.memory_space<vmem>>) semaphore(%arg16 : memref<!tpu.dma_semaphore, #tpu.memory_space<semaphore_mem>>) {add = true}
      %dma_wait3A_371 = arith.constant 0 : i32
      %dma_wait3A_372 = arith.constant 0 : i32
      %dma_wait3A_373 = arith.constant 0 : i32
      %dma_wait3A_374 = arith.constant 0 : i32
      %dma_wait3A_375 = arith.constant 0 : i32
      %dma_wait3A_376 = tpu.memref_slice %arg8[%dma_wait3A_371, %dma_wait3A_374, %dma_wait3A_375] : memref<4x40x128xf32, #tpu.memory_space<vmem>> -> memref<1x40x128xf32, #tpu.memory_space<vmem>>
      %dma_wait3A_377 = tpu.memref_squeeze %dma_wait3A_376 : memref<1x40x128xf32, #tpu.memory_space<vmem>> -> memref<40x128xf32, #tpu.memory_space<vmem>>
      %dma_wait3A_378 = arith.constant 0 : i32
      %dma_wait3A_379 = tpu.memref_slice %arg7[%dma_wait3A_372, %dma_wait3A_373, %dma_wait3A_378] : memref<2x8x40xi32, #tpu.memory_space<vmem>> -> memref<1x1x40xi32, #tpu.memory_space<vmem>>
      %dma_wait3A_380 = tpu.memref_squeeze %dma_wait3A_379 : memref<1x1x40xi32, #tpu.memory_space<vmem>> -> memref<40xi32, #tpu.memory_space<vmem>>
      %dma_wait3A_381 = arith.constant 0 : i32
      %dma_wait3A_382 = arith.constant 0 : i32
      %dma_wait3A_383 = tpu.memref_slice %arg9[%dma_wait3A_381, %dma_wait3A_382] : memref<10000x128xf32, #tpu.memory_space<vmem_shared>> -> memref<10000x128xf32, #tpu.memory_space<vmem_shared>>
      tpu.wait_indirect_dma semaphore(%arg14 : memref<!tpu.dma_semaphore, #tpu.memory_space<semaphore_mem>>) src(%dma_wait3A_377 : memref<40x128xf32, #tpu.memory_space<vmem>>) dst(%dma_wait3A_383 : memref<10000x128xf32, #tpu.memory_space<vmem_shared>>)
      %rem3A_384 = arith.constant 2 : i32
      %rem3A_385 = arith.remsi %scan3A_216, %rem3A_384 : i32
      %eq3A_386 = arith.constant 1 : i32
      %eq3A_387 = arith.cmpi eq, %rem3A_385, %eq3A_386 : i32
      %convert_element_type3A_388 = arith.extui %eq3A_387 : i1 to i32
      %cond3A_389 = arith.constant 0 : i32
      %cond3A_390 = arith.cmpi ne, %convert_element_type3A_388, %cond3A_389 : i32
      scf.if %cond3A_390 {
        %div3A_474 = arith.constant 2 : i32
        %div3A_475 = arith.divsi %scan3A_216, %div3A_474 : i32
        %add3A_476 = arith.constant 1 : i32
        %add3A_477 = arith.addi %div3A_475, %add3A_476 : i32
        %mul3A_478 = arith.constant 8 : i32
        %mul3A_479 = arith.muli %add3A_477, %mul3A_478 : i32
        %multiple_of3A_480 = tpu.assume_multiple %mul3A_479, 8 : i32
        %rem3A_481 = arith.constant 2 : i32
        %rem3A_482 = arith.remsi %add3A_477, %rem3A_481 : i32
        %dma_wait3A_483 = arith.constant 0 : i32
        %dma_wait3A_484 = arith.constant 0 : i32
        %dma_wait3A_485 = arith.constant 0 : i32
        %dma_wait3A_486 = tpu.memref_slice %arg6[%rem3A_482, %dma_wait3A_484, %dma_wait3A_485] : memref<2x8x40xi32, #tpu.memory_space<vmem>> -> memref<1x8x40xi32, #tpu.memory_space<vmem>>
        %dma_wait3A_487 = tpu.memref_squeeze %dma_wait3A_486 : memref<1x8x40xi32, #tpu.memory_space<vmem>> -> memref<8x40xi32, #tpu.memory_space<vmem>>
        %dma_wait3A_488 = arith.constant 0 : i32
        %dma_wait3A_489 = tpu.memref_slice %arg3[%dma_wait3A_483, %add3A, %multiple_of3A_480, %dma_wait3A_488] : memref<2x32x256x40xi32, #tpu.memory_space<hbm>> -> memref<1x1x8x40xi32, #tpu.memory_space<hbm>>
        %dma_wait3A_490 = tpu.memref_squeeze %dma_wait3A_489 : memref<1x1x8x40xi32, #tpu.memory_space<hbm>> -> memref<8x40xi32, #tpu.memory_space<hbm>>
        %dma_wait3A_491 = arith.constant 0 : i32
        %dma_wait3A_492 = arith.constant 0 : i32
        %dma_wait3A_493 = tpu.memref_slice %arg6[%rem3A_482, %dma_wait3A_491, %dma_wait3A_492] : memref<2x8x40xi32, #tpu.memory_space<vmem>> -> memref<1x8x40xi32, #tpu.memory_space<vmem>>
        %dma_wait3A_494 = tpu.memref_squeeze %dma_wait3A_493 : memref<1x8x40xi32, #tpu.memory_space<vmem>> -> memref<8x40xi32, #tpu.memory_space<vmem>>
        %dma_wait3A_495 = arith.constant 0 : i32
        %dma_wait3A_496 = tpu.memref_slice %arg3[%dma_wait3A_483, %add3A, %multiple_of3A_480, %dma_wait3A_495] : memref<2x32x256x40xi32, #tpu.memory_space<hbm>> -> memref<1x1x8x40xi32, #tpu.memory_space<hbm>>
        %dma_wait3A_497 = tpu.memref_squeeze %dma_wait3A_496 : memref<1x1x8x40xi32, #tpu.memory_space<hbm>> -> memref<8x40xi32, #tpu.memory_space<hbm>>
        tpu.wait_dma2 semaphore(%arg18 : memref<!tpu.dma_semaphore, #tpu.memory_space<semaphore_mem>>) src(%dma_wait3A_497 : memref<8x40xi32, #tpu.memory_space<hbm>>) dst(%dma_wait3A_494 : memref<8x40xi32, #tpu.memory_space<vmem>>)
        %dma_wait3A_498 = arith.constant 1 : i32
        %dma_wait3A_499 = arith.constant 0 : i32
        %dma_wait3A_500 = arith.constant 0 : i32
        %dma_wait3A_501 = tpu.memref_slice %arg7[%rem3A_482, %dma_wait3A_499, %dma_wait3A_500] : memref<2x8x40xi32, #tpu.memory_space<vmem>> -> memref<1x8x40xi32, #tpu.memory_space<vmem>>
        %dma_wait3A_502 = tpu.memref_squeeze %dma_wait3A_501 : memref<1x8x40xi32, #tpu.memory_space<vmem>> -> memref<8x40xi32, #tpu.memory_space<vmem>>
        %dma_wait3A_503 = arith.constant 0 : i32
        %dma_wait3A_504 = tpu.memref_slice %arg3[%dma_wait3A_498, %add3A, %multiple_of3A_480, %dma_wait3A_503] : memref<2x32x256x40xi32, #tpu.memory_space<hbm>> -> memref<1x1x8x40xi32, #tpu.memory_space<hbm>>
        %dma_wait3A_505 = tpu.memref_squeeze %dma_wait3A_504 : memref<1x1x8x40xi32, #tpu.memory_space<hbm>> -> memref<8x40xi32, #tpu.memory_space<hbm>>
        %dma_wait3A_506 = arith.constant 0 : i32
        %dma_wait3A_507 = arith.constant 0 : i32
        %dma_wait3A_508 = tpu.memref_slice %arg7[%rem3A_482, %dma_wait3A_506, %dma_wait3A_507] : memref<2x8x40xi32, #tpu.memory_space<vmem>> -> memref<1x8x40xi32, #tpu.memory_space<vmem>>
        %dma_wait3A_509 = tpu.memref_squeeze %dma_wait3A_508 : memref<1x8x40xi32, #tpu.memory_space<vmem>> -> memref<8x40xi32, #tpu.memory_space<vmem>>
        %dma_wait3A_510 = arith.constant 0 : i32
        %dma_wait3A_511 = tpu.memref_slice %arg3[%dma_wait3A_498, %add3A, %multiple_of3A_480, %dma_wait3A_510] : memref<2x32x256x40xi32, #tpu.memory_space<hbm>> -> memref<1x1x8x40xi32, #tpu.memory_space<hbm>>
        %dma_wait3A_512 = tpu.memref_squeeze %dma_wait3A_511 : memref<1x1x8x40xi32, #tpu.memory_space<hbm>> -> memref<8x40xi32, #tpu.memory_space<hbm>>
        tpu.wait_dma2 semaphore(%arg19 : memref<!tpu.dma_semaphore, #tpu.memory_space<semaphore_mem>>) src(%dma_wait3A_512 : memref<8x40xi32, #tpu.memory_space<hbm>>) dst(%dma_wait3A_509 : memref<8x40xi32, #tpu.memory_space<vmem>>)
      } else {
      }
      %add3A_391 = arith.constant 4 : i32
      %add3A_392 = arith.addi %mul3A_218, %add3A_391 : i32
      %div3A_393 = arith.constant 8 : i32
      %div3A_394 = arith.divsi %add3A_392, %div3A_393 : i32
      %rem3A_395 = arith.constant 2 : i32
      %rem3A_396 = arith.remsi %div3A_394, %rem3A_395 : i32
      %rem3A_397 = arith.constant 8 : i32
      %rem3A_398 = arith.remsi %add3A_392, %rem3A_397 : i32
      %dma_start3A_399 = arith.constant 0 : i32
      %dma_start3A_400 = arith.constant 0 : i32
      %dma_start3A_401 = arith.constant 0 : i32
      %dma_start3A_402 = tpu.memref_slice %arg8[%dma_start3A_399, %dma_start3A_400, %dma_start3A_401] : memref<4x40x128xf32, #tpu.memory_space<vmem>> -> memref<1x40x128xf32, #tpu.memory_space<vmem>>
      %dma_start3A_403 = tpu.memref_squeeze %dma_start3A_402 : memref<1x40x128xf32, #tpu.memory_space<vmem>> -> memref<40x128xf32, #tpu.memory_space<vmem>>
      %dma_start3A_404 = arith.constant 0 : i32
      %dma_start3A_405 = tpu.memref_slice %arg6[%rem3A_396, %rem3A_398, %dma_start3A_404] : memref<2x8x40xi32, #tpu.memory_space<vmem>> -> memref<1x1x40xi32, #tpu.memory_space<vmem>>
      %dma_start3A_406 = tpu.memref_squeeze %dma_start3A_405 : memref<1x1x40xi32, #tpu.memory_space<vmem>> -> memref<40xi32, #tpu.memory_space<vmem>>
      %dma_start3A_407 = arith.constant 0 : i32
      %dma_start3A_408 = arith.constant 0 : i32
      %dma_start3A_409 = tpu.memref_slice %arg2[%dma_start3A_407, %dma_start3A_408] : memref<10000x128xf32, #tpu.memory_space<hbm>> -> memref<10000x128xf32, #tpu.memory_space<hbm>>
      tpu.enqueue_indirect_dma source(%dma_start3A_409 : memref<10000x128xf32, #tpu.memory_space<hbm>>) target(%dma_start3A_403 : memref<40x128xf32, #tpu.memory_space<vmem>>) offsets(%dma_start3A_406 : memref<40xi32, #tpu.memory_space<vmem>>) semaphore(%arg10 : memref<!tpu.dma_semaphore, #tpu.memory_space<semaphore_mem>>)
      %dma_wait3A_410 = arith.constant 0 : i32
      %dma_wait3A_411 = arith.constant 0 : i32
      %dma_wait3A_412 = arith.constant 3 : i32
      %dma_wait3A_413 = arith.constant 0 : i32
      %dma_wait3A_414 = arith.constant 0 : i32
      %dma_wait3A_415 = tpu.memref_slice %arg8[%dma_wait3A_412, %dma_wait3A_413, %dma_wait3A_414] : memref<4x40x128xf32, #tpu.memory_space<vmem>> -> memref<1x40x128xf32, #tpu.memory_space<vmem>>
      %dma_wait3A_416 = tpu.memref_squeeze %dma_wait3A_415 : memref<1x40x128xf32, #tpu.memory_space<vmem>> -> memref<40x128xf32, #tpu.memory_space<vmem>>
      %dma_wait3A_417 = arith.constant 0 : i32
      %dma_wait3A_418 = tpu.memref_slice %arg6[%dma_wait3A_410, %dma_wait3A_411, %dma_wait3A_417] : memref<2x8x40xi32, #tpu.memory_space<vmem>> -> memref<1x1x40xi32, #tpu.memory_space<vmem>>
      %dma_wait3A_419 = tpu.memref_squeeze %dma_wait3A_418 : memref<1x1x40xi32, #tpu.memory_space<vmem>> -> memref<40xi32, #tpu.memory_space<vmem>>
      %dma_wait3A_420 = arith.constant 0 : i32
      %dma_wait3A_421 = arith.constant 0 : i32
      %dma_wait3A_422 = tpu.memref_slice %arg2[%dma_wait3A_420, %dma_wait3A_421] : memref<10000x128xf32, #tpu.memory_space<hbm>> -> memref<10000x128xf32, #tpu.memory_space<hbm>>
      tpu.wait_indirect_dma semaphore(%arg13 : memref<!tpu.dma_semaphore, #tpu.memory_space<semaphore_mem>>) src(%dma_wait3A_422 : memref<10000x128xf32, #tpu.memory_space<hbm>>) dst(%dma_wait3A_416 : memref<40x128xf32, #tpu.memory_space<vmem>>)
      %add3A_423 = arith.constant 3 : i32
      %add3A_424 = arith.addi %mul3A_218, %add3A_423 : i32
      %div3A_425 = arith.constant 8 : i32
      %div3A_426 = arith.divsi %add3A_424, %div3A_425 : i32
      %rem3A_427 = arith.constant 2 : i32
      %rem3A_428 = arith.remsi %div3A_426, %rem3A_427 : i32
      %rem3A_429 = arith.constant 8 : i32
      %rem3A_430 = arith.remsi %add3A_424, %rem3A_429 : i32
      %dma_start3A_431 = arith.constant 3 : i32
      %dma_start3A_432 = arith.constant 0 : i32
      %dma_start3A_433 = arith.constant 0 : i32
      %dma_start3A_434 = tpu.memref_slice %arg8[%dma_start3A_431, %dma_start3A_432, %dma_start3A_433] : memref<4x40x128xf32, #tpu.memory_space<vmem>> -> memref<1x40x128xf32, #tpu.memory_space<vmem>>
      %dma_start3A_435 = tpu.memref_squeeze %dma_start3A_434 : memref<1x40x128xf32, #tpu.memory_space<vmem>> -> memref<40x128xf32, #tpu.memory_space<vmem>>
      %dma_start3A_436 = arith.constant 0 : i32
      %dma_start3A_437 = tpu.memref_slice %arg7[%rem3A_428, %rem3A_430, %dma_start3A_436] : memref<2x8x40xi32, #tpu.memory_space<vmem>> -> memref<1x1x40xi32, #tpu.memory_space<vmem>>
      %dma_start3A_438 = tpu.memref_squeeze %dma_start3A_437 : memref<1x1x40xi32, #tpu.memory_space<vmem>> -> memref<40xi32, #tpu.memory_space<vmem>>
      %dma_start3A_439 = arith.constant 0 : i32
      %dma_start3A_440 = arith.constant 0 : i32
      %dma_start3A_441 = tpu.memref_slice %arg9[%dma_start3A_439, %dma_start3A_440] : memref<10000x128xf32, #tpu.memory_space<vmem_shared>> -> memref<10000x128xf32, #tpu.memory_space<vmem_shared>>
      tpu.enqueue_indirect_dma source(%dma_start3A_435 : memref<40x128xf32, #tpu.memory_space<vmem>>) target(%dma_start3A_441 : memref<10000x128xf32, #tpu.memory_space<vmem_shared>>) offsets(%dma_start3A_438 : memref<40xi32, #tpu.memory_space<vmem>>) semaphore(%arg17 : memref<!tpu.dma_semaphore, #tpu.memory_space<semaphore_mem>>) {add = true}
      %dma_wait3A_442 = arith.constant 1 : i32
      %dma_wait3A_443 = arith.constant 0 : i32
      %dma_wait3A_444 = arith.constant 0 : i32
      %dma_wait3A_445 = arith.constant 0 : i32
      %dma_wait3A_446 = arith.constant 0 : i32
      %dma_wait3A_447 = tpu.memref_slice %arg8[%dma_wait3A_442, %dma_wait3A_445, %dma_wait3A_446] : memref<4x40x128xf32, #tpu.memory_space<vmem>> -> memref<1x40x128xf32, #tpu.memory_space<vmem>>
      %dma_wait3A_448 = tpu.memref_squeeze %dma_wait3A_447 : memref<1x40x128xf32, #tpu.memory_space<vmem>> -> memref<40x128xf32, #tpu.memory_space<vmem>>
      %dma_wait3A_449 = arith.constant 0 : i32
      %dma_wait3A_450 = tpu.memref_slice %arg7[%dma_wait3A_443, %dma_wait3A_444, %dma_wait3A_449] : memref<2x8x40xi32, #tpu.memory_space<vmem>> -> memref<1x1x40xi32, #tpu.memory_space<vmem>>
      %dma_wait3A_451 = tpu.memref_squeeze %dma_wait3A_450 : memref<1x1x40xi32, #tpu.memory_space<vmem>> -> memref<40xi32, #tpu.memory_space<vmem>>
      %dma_wait3A_452 = arith.constant 0 : i32
      %dma_wait3A_453 = arith.constant 0 : i32
      %dma_wait3A_454 = tpu.memref_slice %arg9[%dma_wait3A_452, %dma_wait3A_453] : memref<10000x128xf32, #tpu.memory_space<vmem_shared>> -> memref<10000x128xf32, #tpu.memory_space<vmem_shared>>
      tpu.wait_indirect_dma semaphore(%arg15 : memref<!tpu.dma_semaphore, #tpu.memory_space<semaphore_mem>>) src(%dma_wait3A_448 : memref<40x128xf32, #tpu.memory_space<vmem>>) dst(%dma_wait3A_454 : memref<10000x128xf32, #tpu.memory_space<vmem_shared>>)
      %add3A_455 = arith.constant 5 : i32
      %add3A_456 = arith.addi %mul3A_218, %add3A_455 : i32
      %div3A_457 = arith.constant 8 : i32
      %div3A_458 = arith.divsi %add3A_456, %div3A_457 : i32
      %rem3A_459 = arith.constant 2 : i32
      %rem3A_460 = arith.remsi %div3A_458, %rem3A_459 : i32
      %rem3A_461 = arith.constant 8 : i32
      %rem3A_462 = arith.remsi %add3A_456, %rem3A_461 : i32
      %dma_start3A_463 = arith.constant 1 : i32
      %dma_start3A_464 = arith.constant 0 : i32
      %dma_start3A_465 = arith.constant 0 : i32
      %dma_start3A_466 = tpu.memref_slice %arg8[%dma_start3A_463, %dma_start3A_464, %dma_start3A_465] : memref<4x40x128xf32, #tpu.memory_space<vmem>> -> memref<1x40x128xf32, #tpu.memory_space<vmem>>
      %dma_start3A_467 = tpu.memref_squeeze %dma_start3A_466 : memref<1x40x128xf32, #tpu.memory_space<vmem>> -> memref<40x128xf32, #tpu.memory_space<vmem>>
      %dma_start3A_468 = arith.constant 0 : i32
      %dma_start3A_469 = tpu.memref_slice %arg6[%rem3A_460, %rem3A_462, %dma_start3A_468] : memref<2x8x40xi32, #tpu.memory_space<vmem>> -> memref<1x1x40xi32, #tpu.memory_space<vmem>>
      %dma_start3A_470 = tpu.memref_squeeze %dma_start3A_469 : memref<1x1x40xi32, #tpu.memory_space<vmem>> -> memref<40xi32, #tpu.memory_space<vmem>>
      %dma_start3A_471 = arith.constant 0 : i32
      %dma_start3A_472 = arith.constant 0 : i32
      %dma_start3A_473 = tpu.memref_slice %arg2[%dma_start3A_471, %dma_start3A_472] : memref<10000x128xf32, #tpu.memory_space<hbm>> -> memref<10000x128xf32, #tpu.memory_space<hbm>>
      tpu.enqueue_indirect_dma source(%dma_start3A_473 : memref<10000x128xf32, #tpu.memory_space<hbm>>) target(%dma_start3A_467 : memref<40x128xf32, #tpu.memory_space<vmem>>) offsets(%dma_start3A_470 : memref<40xi32, #tpu.memory_space<vmem>>) semaphore(%arg11 : memref<!tpu.dma_semaphore, #tpu.memory_space<semaphore_mem>>)
    }
    %scan3A_90 = arith.constant 62 : i32
    %dma_wait3A = arith.constant 0 : i32
    %dma_wait3A_91 = arith.constant 0 : i32
    %dma_wait3A_92 = arith.constant 0 : i32
    %dma_wait3A_93 = arith.constant 0 : i32
    %dma_wait3A_94 = arith.constant 0 : i32
    %dma_wait3A_95 = tpu.memref_slice %arg8[%dma_wait3A_92, %dma_wait3A_93, %dma_wait3A_94] : memref<4x40x128xf32, #tpu.memory_space<vmem>> -> memref<1x40x128xf32, #tpu.memory_space<vmem>>
    %dma_wait3A_96 = tpu.memref_squeeze %dma_wait3A_95 : memref<1x40x128xf32, #tpu.memory_space<vmem>> -> memref<40x128xf32, #tpu.memory_space<vmem>>
    %dma_wait3A_97 = arith.constant 0 : i32
    %dma_wait3A_98 = tpu.memref_slice %arg6[%dma_wait3A, %dma_wait3A_91, %dma_wait3A_97] : memref<2x8x40xi32, #tpu.memory_space<vmem>> -> memref<1x1x40xi32, #tpu.memory_space<vmem>>
    %dma_wait3A_99 = tpu.memref_squeeze %dma_wait3A_98 : memref<1x1x40xi32, #tpu.memory_space<vmem>> -> memref<40xi32, #tpu.memory_space<vmem>>
    %dma_wait3A_100 = arith.constant 0 : i32
    %dma_wait3A_101 = arith.constant 0 : i32
    %dma_wait3A_102 = tpu.memref_slice %arg2[%dma_wait3A_100, %dma_wait3A_101] : memref<10000x128xf32, #tpu.memory_space<hbm>> -> memref<10000x128xf32, #tpu.memory_space<hbm>>
    tpu.wait_indirect_dma semaphore(%arg10 : memref<!tpu.dma_semaphore, #tpu.memory_space<semaphore_mem>>) src(%dma_wait3A_102 : memref<10000x128xf32, #tpu.memory_space<hbm>>) dst(%dma_wait3A_96 : memref<40x128xf32, #tpu.memory_space<vmem>>)
    %div3A_103 = arith.constant 248 : i32
    %div3A_104 = arith.constant 8 : i32
    %div3A_105 = arith.divsi %div3A_103, %div3A_104 : i32
    %rem3A_106 = arith.constant 2 : i32
    %rem3A_107 = arith.remsi %div3A_105, %rem3A_106 : i32
    %rem3A_108 = arith.constant 248 : i32
    %rem3A_109 = arith.constant 8 : i32
    %rem3A_110 = arith.remsi %rem3A_108, %rem3A_109 : i32
    %dma_start3A_111 = arith.constant 0 : i32
    %dma_start3A_112 = arith.constant 0 : i32
    %dma_start3A_113 = arith.constant 0 : i32
    %dma_start3A_114 = tpu.memref_slice %arg8[%dma_start3A_111, %dma_start3A_112, %dma_start3A_113] : memref<4x40x128xf32, #tpu.memory_space<vmem>> -> memref<1x40x128xf32, #tpu.memory_space<vmem>>
    %dma_start3A_115 = tpu.memref_squeeze %dma_start3A_114 : memref<1x40x128xf32, #tpu.memory_space<vmem>> -> memref<40x128xf32, #tpu.memory_space<vmem>>
    %dma_start3A_116 = arith.constant 0 : i32
    %dma_start3A_117 = tpu.memref_slice %arg7[%rem3A_107, %rem3A_110, %dma_start3A_116] : memref<2x8x40xi32, #tpu.memory_space<vmem>> -> memref<1x1x40xi32, #tpu.memory_space<vmem>>
    %dma_start3A_118 = tpu.memref_squeeze %dma_start3A_117 : memref<1x1x40xi32, #tpu.memory_space<vmem>> -> memref<40xi32, #tpu.memory_space<vmem>>
    %dma_start3A_119 = arith.constant 0 : i32
    %dma_start3A_120 = arith.constant 0 : i32
    %dma_start3A_121 = tpu.memref_slice %arg9[%dma_start3A_119, %dma_start3A_120] : memref<10000x128xf32, #tpu.memory_space<vmem_shared>> -> memref<10000x128xf32, #tpu.memory_space<vmem_shared>>
    tpu.enqueue_indirect_dma source(%dma_start3A_115 : memref<40x128xf32, #tpu.memory_space<vmem>>) target(%dma_start3A_121 : memref<10000x128xf32, #tpu.memory_space<vmem_shared>>) offsets(%dma_start3A_118 : memref<40xi32, #tpu.memory_space<vmem>>) semaphore(%arg14 : memref<!tpu.dma_semaphore, #tpu.memory_space<semaphore_mem>>) {add = true}
    %dma_wait3A_122 = arith.constant 2 : i32
    %dma_wait3A_123 = arith.constant 0 : i32
    %dma_wait3A_124 = arith.constant 0 : i32
    %dma_wait3A_125 = arith.constant 0 : i32
    %dma_wait3A_126 = arith.constant 0 : i32
    %dma_wait3A_127 = tpu.memref_slice %arg8[%dma_wait3A_122, %dma_wait3A_125, %dma_wait3A_126] : memref<4x40x128xf32, #tpu.memory_space<vmem>> -> memref<1x40x128xf32, #tpu.memory_space<vmem>>
    %dma_wait3A_128 = tpu.memref_squeeze %dma_wait3A_127 : memref<1x40x128xf32, #tpu.memory_space<vmem>> -> memref<40x128xf32, #tpu.memory_space<vmem>>
    %dma_wait3A_129 = arith.constant 0 : i32
    %dma_wait3A_130 = tpu.memref_slice %arg7[%dma_wait3A_123, %dma_wait3A_124, %dma_wait3A_129] : memref<2x8x40xi32, #tpu.memory_space<vmem>> -> memref<1x1x40xi32, #tpu.memory_space<vmem>>
    %dma_wait3A_131 = tpu.memref_squeeze %dma_wait3A_130 : memref<1x1x40xi32, #tpu.memory_space<vmem>> -> memref<40xi32, #tpu.memory_space<vmem>>
    %dma_wait3A_132 = arith.constant 0 : i32
    %dma_wait3A_133 = arith.constant 0 : i32
    %dma_wait3A_134 = tpu.memref_slice %arg9[%dma_wait3A_132, %dma_wait3A_133] : memref<10000x128xf32, #tpu.memory_space<vmem_shared>> -> memref<10000x128xf32, #tpu.memory_space<vmem_shared>>
    tpu.wait_indirect_dma semaphore(%arg16 : memref<!tpu.dma_semaphore, #tpu.memory_space<semaphore_mem>>) src(%dma_wait3A_128 : memref<40x128xf32, #tpu.memory_space<vmem>>) dst(%dma_wait3A_134 : memref<10000x128xf32, #tpu.memory_space<vmem_shared>>)
    %dma_wait3A_135 = arith.constant 0 : i32
    %dma_wait3A_136 = arith.constant 0 : i32
    %dma_wait3A_137 = arith.constant 1 : i32
    %dma_wait3A_138 = arith.constant 0 : i32
    %dma_wait3A_139 = arith.constant 0 : i32
    %dma_wait3A_140 = tpu.memref_slice %arg8[%dma_wait3A_137, %dma_wait3A_138, %dma_wait3A_139] : memref<4x40x128xf32, #tpu.memory_space<vmem>> -> memref<1x40x128xf32, #tpu.memory_space<vmem>>
    %dma_wait3A_141 = tpu.memref_squeeze %dma_wait3A_140 : memref<1x40x128xf32, #tpu.memory_space<vmem>> -> memref<40x128xf32, #tpu.memory_space<vmem>>
    %dma_wait3A_142 = arith.constant 0 : i32
    %dma_wait3A_143 = tpu.memref_slice %arg6[%dma_wait3A_135, %dma_wait3A_136, %dma_wait3A_142] : memref<2x8x40xi32, #tpu.memory_space<vmem>> -> memref<1x1x40xi32, #tpu.memory_space<vmem>>
    %dma_wait3A_144 = tpu.memref_squeeze %dma_wait3A_143 : memref<1x1x40xi32, #tpu.memory_space<vmem>> -> memref<40xi32, #tpu.memory_space<vmem>>
    %dma_wait3A_145 = arith.constant 0 : i32
    %dma_wait3A_146 = arith.constant 0 : i32
    %dma_wait3A_147 = tpu.memref_slice %arg2[%dma_wait3A_145, %dma_wait3A_146] : memref<10000x128xf32, #tpu.memory_space<hbm>> -> memref<10000x128xf32, #tpu.memory_space<hbm>>
    tpu.wait_indirect_dma semaphore(%arg11 : memref<!tpu.dma_semaphore, #tpu.memory_space<semaphore_mem>>) src(%dma_wait3A_147 : memref<10000x128xf32, #tpu.memory_space<hbm>>) dst(%dma_wait3A_141 : memref<40x128xf32, #tpu.memory_space<vmem>>)
    %div3A_148 = arith.constant 249 : i32
    %div3A_149 = arith.constant 8 : i32
    %div3A_150 = arith.divsi %div3A_148, %div3A_149 : i32
    %rem3A_151 = arith.constant 2 : i32
    %rem3A_152 = arith.remsi %div3A_150, %rem3A_151 : i32
    %rem3A_153 = arith.constant 249 : i32
    %rem3A_154 = arith.constant 8 : i32
    %rem3A_155 = arith.remsi %rem3A_153, %rem3A_154 : i32
    %dma_start3A_156 = arith.constant 1 : i32
    %dma_start3A_157 = arith.constant 0 : i32
    %dma_start3A_158 = arith.constant 0 : i32
    %dma_start3A_159 = tpu.memref_slice %arg8[%dma_start3A_156, %dma_start3A_157, %dma_start3A_158] : memref<4x40x128xf32, #tpu.memory_space<vmem>> -> memref<1x40x128xf32, #tpu.memory_space<vmem>>
    %dma_start3A_160 = tpu.memref_squeeze %dma_start3A_159 : memref<1x40x128xf32, #tpu.memory_space<vmem>> -> memref<40x128xf32, #tpu.memory_space<vmem>>
    %dma_start3A_161 = arith.constant 0 : i32
    %dma_start3A_162 = tpu.memref_slice %arg7[%rem3A_152, %rem3A_155, %dma_start3A_161] : memref<2x8x40xi32, #tpu.memory_space<vmem>> -> memref<1x1x40xi32, #tpu.memory_space<vmem>>
    %dma_start3A_163 = tpu.memref_squeeze %dma_start3A_162 : memref<1x1x40xi32, #tpu.memory_space<vmem>> -> memref<40xi32, #tpu.memory_space<vmem>>
    %dma_start3A_164 = arith.constant 0 : i32
    %dma_start3A_165 = arith.constant 0 : i32
    %dma_start3A_166 = tpu.memref_slice %arg9[%dma_start3A_164, %dma_start3A_165] : memref<10000x128xf32, #tpu.memory_space<vmem_shared>> -> memref<10000x128xf32, #tpu.memory_space<vmem_shared>>
    tpu.enqueue_indirect_dma source(%dma_start3A_160 : memref<40x128xf32, #tpu.memory_space<vmem>>) target(%dma_start3A_166 : memref<10000x128xf32, #tpu.memory_space<vmem_shared>>) offsets(%dma_start3A_163 : memref<40xi32, #tpu.memory_space<vmem>>) semaphore(%arg15 : memref<!tpu.dma_semaphore, #tpu.memory_space<semaphore_mem>>) {add = true}
    %dma_wait3A_167 = arith.constant 3 : i32
    %dma_wait3A_168 = arith.constant 0 : i32
    %dma_wait3A_169 = arith.constant 0 : i32
    %dma_wait3A_170 = arith.constant 0 : i32
    %dma_wait3A_171 = arith.constant 0 : i32
    %dma_wait3A_172 = tpu.memref_slice %arg8[%dma_wait3A_167, %dma_wait3A_170, %dma_wait3A_171] : memref<4x40x128xf32, #tpu.memory_space<vmem>> -> memref<1x40x128xf32, #tpu.memory_space<vmem>>
    %dma_wait3A_173 = tpu.memref_squeeze %dma_wait3A_172 : memref<1x40x128xf32, #tpu.memory_space<vmem>> -> memref<40x128xf32, #tpu.memory_space<vmem>>
    %dma_wait3A_174 = arith.constant 0 : i32
    %dma_wait3A_175 = tpu.memref_slice %arg7[%dma_wait3A_168, %dma_wait3A_169, %dma_wait3A_174] : memref<2x8x40xi32, #tpu.memory_space<vmem>> -> memref<1x1x40xi32, #tpu.memory_space<vmem>>
    %dma_wait3A_176 = tpu.memref_squeeze %dma_wait3A_175 : memref<1x1x40xi32, #tpu.memory_space<vmem>> -> memref<40xi32, #tpu.memory_space<vmem>>
    %dma_wait3A_177 = arith.constant 0 : i32
    %dma_wait3A_178 = arith.constant 0 : i32
    %dma_wait3A_179 = tpu.memref_slice %arg9[%dma_wait3A_177, %dma_wait3A_178] : memref<10000x128xf32, #tpu.memory_space<vmem_shared>> -> memref<10000x128xf32, #tpu.memory_space<vmem_shared>>
    tpu.wait_indirect_dma semaphore(%arg17 : memref<!tpu.dma_semaphore, #tpu.memory_space<semaphore_mem>>) src(%dma_wait3A_173 : memref<40x128xf32, #tpu.memory_space<vmem>>) dst(%dma_wait3A_179 : memref<10000x128xf32, #tpu.memory_space<vmem_shared>>)
    %dma_wait3A_180 = arith.constant 0 : i32
    %dma_wait3A_181 = arith.constant 0 : i32
    %dma_wait3A_182 = arith.constant 0 : i32
    %dma_wait3A_183 = arith.constant 0 : i32
    %dma_wait3A_184 = arith.constant 0 : i32
    %dma_wait3A_185 = tpu.memref_slice %arg8[%dma_wait3A_180, %dma_wait3A_183, %dma_wait3A_184] : memref<4x40x128xf32, #tpu.memory_space<vmem>> -> memref<1x40x128xf32, #tpu.memory_space<vmem>>
    %dma_wait3A_186 = tpu.memref_squeeze %dma_wait3A_185 : memref<1x40x128xf32, #tpu.memory_space<vmem>> -> memref<40x128xf32, #tpu.memory_space<vmem>>
    %dma_wait3A_187 = arith.constant 0 : i32
    %dma_wait3A_188 = tpu.memref_slice %arg7[%dma_wait3A_181, %dma_wait3A_182, %dma_wait3A_187] : memref<2x8x40xi32, #tpu.memory_space<vmem>> -> memref<1x1x40xi32, #tpu.memory_space<vmem>>
    %dma_wait3A_189 = tpu.memref_squeeze %dma_wait3A_188 : memref<1x1x40xi32, #tpu.memory_space<vmem>> -> memref<40xi32, #tpu.memory_space<vmem>>
    %dma_wait3A_190 = arith.constant 0 : i32
    %dma_wait3A_191 = arith.constant 0 : i32
    %dma_wait3A_192 = tpu.memref_slice %arg9[%dma_wait3A_190, %dma_wait3A_191] : memref<10000x128xf32, #tpu.memory_space<vmem_shared>> -> memref<10000x128xf32, #tpu.memory_space<vmem_shared>>
    tpu.wait_indirect_dma semaphore(%arg14 : memref<!tpu.dma_semaphore, #tpu.memory_space<semaphore_mem>>) src(%dma_wait3A_186 : memref<40x128xf32, #tpu.memory_space<vmem>>) dst(%dma_wait3A_192 : memref<10000x128xf32, #tpu.memory_space<vmem_shared>>)
    %dma_wait3A_193 = arith.constant 1 : i32
    %dma_wait3A_194 = arith.constant 0 : i32
    %dma_wait3A_195 = arith.constant 0 : i32
    %dma_wait3A_196 = arith.constant 0 : i32
    %dma_wait3A_197 = arith.constant 0 : i32
    %dma_wait3A_198 = tpu.memref_slice %arg8[%dma_wait3A_193, %dma_wait3A_196, %dma_wait3A_197] : memref<4x40x128xf32, #tpu.memory_space<vmem>> -> memref<1x40x128xf32, #tpu.memory_space<vmem>>
    %dma_wait3A_199 = tpu.memref_squeeze %dma_wait3A_198 : memref<1x40x128xf32, #tpu.memory_space<vmem>> -> memref<40x128xf32, #tpu.memory_space<vmem>>
    %dma_wait3A_200 = arith.constant 0 : i32
    %dma_wait3A_201 = tpu.memref_slice %arg7[%dma_wait3A_194, %dma_wait3A_195, %dma_wait3A_200] : memref<2x8x40xi32, #tpu.memory_space<vmem>> -> memref<1x1x40xi32, #tpu.memory_space<vmem>>
    %dma_wait3A_202 = tpu.memref_squeeze %dma_wait3A_201 : memref<1x1x40xi32, #tpu.memory_space<vmem>> -> memref<40xi32, #tpu.memory_space<vmem>>
    %dma_wait3A_203 = arith.constant 0 : i32
    %dma_wait3A_204 = arith.constant 0 : i32
    %dma_wait3A_205 = tpu.memref_slice %arg9[%dma_wait3A_203, %dma_wait3A_204] : memref<10000x128xf32, #tpu.memory_space<vmem_shared>> -> memref<10000x128xf32, #tpu.memory_space<vmem_shared>>
    tpu.wait_indirect_dma semaphore(%arg15 : memref<!tpu.dma_semaphore, #tpu.memory_space<semaphore_mem>>) src(%dma_wait3A_199 : memref<40x128xf32, #tpu.memory_space<vmem>>) dst(%dma_wait3A_205 : memref<10000x128xf32, #tpu.memory_space<vmem_shared>>)
    %barrier3A_206 = arith.constant 0 : index
    tpu.barrier barrier_id(%barrier3A_206)
    %mul3A_207 = arith.constant 624 : i32
    %mul3A_208 = arith.muli %arg1, %mul3A_207 : i32
    %mul3A_209 = arith.constant 624 : i32
    %mul3A_210 = arith.muli %arg1, %mul3A_209 : i32
    "tpu.region"() ({
      %run_scoped3A_216 = tpu.sem_alloc : memref<!tpu.dma_semaphore, #tpu.memory_space<semaphore_mem>>
      %dma_start3A_217 = arith.constant 0 : i32
      %dma_start3A_218 = tpu.memref_slice %arg5[%arg0, %mul3A_210, %dma_start3A_217] : memref<2x10000x128xf32, #tpu.memory_space<hbm>> -> memref<1x624x128xf32, #tpu.memory_space<hbm>>
      %dma_start3A_219 = tpu.memref_squeeze %dma_start3A_218 : memref<1x624x128xf32, #tpu.memory_space<hbm>> -> memref<624x128xf32, #tpu.memory_space<hbm>>
      %dma_start3A_220 = arith.constant 0 : i32
      %dma_start3A_221 = tpu.memref_slice %arg9[%mul3A_208, %dma_start3A_220] : memref<10000x128xf32, #tpu.memory_space<vmem_shared>> -> memref<624x128xf32, #tpu.memory_space<vmem_shared>>
      tpu.enqueue_dma source(%dma_start3A_221 : memref<624x128xf32, #tpu.memory_space<vmem_shared>>) target(%dma_start3A_219 : memref<624x128xf32, #tpu.memory_space<hbm>>) target_semaphore(%run_scoped3A_216 : memref<!tpu.dma_semaphore, #tpu.memory_space<semaphore_mem>>)
      %dma_wait3A_222 = arith.constant 0 : i32
      %dma_wait3A_223 = tpu.memref_slice %arg5[%arg0, %mul3A_210, %dma_wait3A_222] : memref<2x10000x128xf32, #tpu.memory_space<hbm>> -> memref<1x624x128xf32, #tpu.memory_space<hbm>>
      %dma_wait3A_224 = tpu.memref_squeeze %dma_wait3A_223 : memref<1x624x128xf32, #tpu.memory_space<hbm>> -> memref<624x128xf32, #tpu.memory_space<hbm>>
      %dma_wait3A_225 = arith.constant 0 : i32
      %dma_wait3A_226 = tpu.memref_slice %arg9[%mul3A_208, %dma_wait3A_225] : memref<10000x128xf32, #tpu.memory_space<vmem_shared>> -> memref<624x128xf32, #tpu.memory_space<vmem_shared>>
      tpu.wait_dma2 semaphore(%run_scoped3A_216 : memref<!tpu.dma_semaphore, #tpu.memory_space<semaphore_mem>>) src(%dma_wait3A_226 : memref<624x128xf32, #tpu.memory_space<vmem_shared>>) dst(%dma_wait3A_224 : memref<624x128xf32, #tpu.memory_space<hbm>>)
      tpu.yield
    }) : () -> ()
    %eq3A_211 = arith.constant 0 : i32
    %eq3A_212 = arith.cmpi eq, %arg1, %eq3A_211 : i32
    %convert_element_type3A_213 = arith.extui %eq3A_212 : i1 to i32
    %cond3A_214 = arith.constant 0 : i32
    %cond3A_215 = arith.cmpi ne, %convert_element_type3A_213, %cond3A_214 : i32
    scf.if %cond3A_215 {
      "tpu.region"() ({
        %run_scoped3A_216 = tpu.sem_alloc : memref<!tpu.dma_semaphore, #tpu.memory_space<semaphore_mem>>
        %dma_start3A_217 = arith.constant 9984 : i32
        %dma_start3A_218 = arith.constant 0 : i32
        %dma_start3A_219 = tpu.memref_slice %arg5[%arg0, %dma_start3A_217, %dma_start3A_218] : memref<2x10000x128xf32, #tpu.memory_space<hbm>> -> memref<1x16x128xf32, #tpu.memory_space<hbm>>
        %dma_start3A_220 = tpu.memref_squeeze %dma_start3A_219 : memref<1x16x128xf32, #tpu.memory_space<hbm>> -> memref<16x128xf32, #tpu.memory_space<hbm>>
        %dma_start3A_221 = arith.constant 9984 : i32
        %dma_start3A_222 = arith.constant 0 : i32
        %dma_start3A_223 = tpu.memref_slice %arg9[%dma_start3A_221, %dma_start3A_222] : memref<10000x128xf32, #tpu.memory_space<vmem_shared>> -> memref<16x128xf32, #tpu.memory_space<vmem_shared>>
        tpu.enqueue_dma source(%dma_start3A_223 : memref<16x128xf32, #tpu.memory_space<vmem_shared>>) target(%dma_start3A_220 : memref<16x128xf32, #tpu.memory_space<hbm>>) target_semaphore(%run_scoped3A_216 : memref<!tpu.dma_semaphore, #tpu.memory_space<semaphore_mem>>)
        %dma_wait3A_224 = arith.constant 9984 : i32
        %dma_wait3A_225 = arith.constant 0 : i32
        %dma_wait3A_226 = tpu.memref_slice %arg5[%arg0, %dma_wait3A_224, %dma_wait3A_225] : memref<2x10000x128xf32, #tpu.memory_space<hbm>> -> memref<1x16x128xf32, #tpu.memory_space<hbm>>
        %dma_wait3A_227 = tpu.memref_squeeze %dma_wait3A_226 : memref<1x16x128xf32, #tpu.memory_space<hbm>> -> memref<16x128xf32, #tpu.memory_space<hbm>>
        %dma_wait3A_228 = arith.constant 9984 : i32
        %dma_wait3A_229 = arith.constant 0 : i32
        %dma_wait3A_230 = tpu.memref_slice %arg9[%dma_wait3A_228, %dma_wait3A_229] : memref<10000x128xf32, #tpu.memory_space<vmem_shared>> -> memref<16x128xf32, #tpu.memory_space<vmem_shared>>
        tpu.wait_dma2 semaphore(%run_scoped3A_216 : memref<!tpu.dma_semaphore, #tpu.memory_space<semaphore_mem>>) src(%dma_wait3A_230 : memref<16x128xf32, #tpu.memory_space<vmem_shared>>) dst(%dma_wait3A_227 : memref<16x128xf32, #tpu.memory_space<hbm>>)
        tpu.yield
      }) : () -> ()
    } else {
    }
    return
  }
}

#map = affine_map<(d0, d1) -> (0, 0, 0, 0)>
#map1 = affine_map<(d0, d1) -> (0, 0)>
module attributes {stable_mosaic.version = 14 : i64} {
  func.func @_sc_deg(%arg0: i32, %arg1: i32, %arg2: memref<2x32x256x40xi32, #tpu.memory_space<hbm>>, %arg3: memref<32x10000xf32, #tpu.memory_space<hbm>>, %arg4: memref<256x40xi32, #tpu.memory_space<vmem>>, %arg5: memref<10000xf32, #tpu.memory_space<vmem>>) attributes {dimension_semantics = [#tpu.dimension_semantics<core_parallel>, #tpu.dimension_semantics<subcore_parallel>], iteration_bounds = array<i64: 2, 16>, scalar_prefetch = 0 : i64, scratch_operands = 2 : i64, tpu.core_type = #tpu.core_type<sc_vector_subcore>, window_params = [{transform_indices = #map}, {transform_indices = #map1}]} {
    %mul3A = arith.constant 2 : i32
    %mul3A_0 = arith.muli %arg1, %mul3A : i32
    %add3A = arith.addi %mul3A_0, %arg0 : i32
    %run_scoped3A = arith.constant 1 : i32
    "tpu.region"() ({
      %run_scoped3A_17 = tpu.sem_alloc : memref<!tpu.dma_semaphore, #tpu.memory_space<semaphore_mem>>
      %dma_start3A = arith.constant 0 : i32
      %dma_start3A_18 = arith.constant 0 : i32
      %dma_start3A_19 = tpu.memref_slice %arg2[%run_scoped3A, %add3A, %dma_start3A, %dma_start3A_18] : memref<2x32x256x40xi32, #tpu.memory_space<hbm>> -> memref<1x1x256x40xi32, #tpu.memory_space<hbm>>
      %dma_start3A_20 = tpu.memref_squeeze %dma_start3A_19 : memref<1x1x256x40xi32, #tpu.memory_space<hbm>> -> memref<256x40xi32, #tpu.memory_space<hbm>>
      %dma_start3A_21 = arith.constant 0 : i32
      %dma_start3A_22 = arith.constant 0 : i32
      %dma_start3A_23 = tpu.memref_slice %arg2[%run_scoped3A, %add3A, %dma_start3A_21, %dma_start3A_22] : memref<2x32x256x40xi32, #tpu.memory_space<hbm>> -> memref<1x1x256x40xi32, #tpu.memory_space<hbm>>
      %dma_start3A_24 = tpu.memref_squeeze %dma_start3A_23 : memref<1x1x256x40xi32, #tpu.memory_space<hbm>> -> memref<256x40xi32, #tpu.memory_space<hbm>>
      tpu.enqueue_dma source(%dma_start3A_24 : memref<256x40xi32, #tpu.memory_space<hbm>>) target(%arg4 : memref<256x40xi32, #tpu.memory_space<vmem>>) target_semaphore(%run_scoped3A_17 : memref<!tpu.dma_semaphore, #tpu.memory_space<semaphore_mem>>)
      %dma_wait3A = arith.constant 0 : i32
      %dma_wait3A_25 = arith.constant 0 : i32
      %dma_wait3A_26 = tpu.memref_slice %arg2[%run_scoped3A, %add3A, %dma_wait3A, %dma_wait3A_25] : memref<2x32x256x40xi32, #tpu.memory_space<hbm>> -> memref<1x1x256x40xi32, #tpu.memory_space<hbm>>
      %dma_wait3A_27 = tpu.memref_squeeze %dma_wait3A_26 : memref<1x1x256x40xi32, #tpu.memory_space<hbm>> -> memref<256x40xi32, #tpu.memory_space<hbm>>
      %dma_wait3A_28 = arith.constant 0 : i32
      %dma_wait3A_29 = arith.constant 0 : i32
      %dma_wait3A_30 = tpu.memref_slice %arg2[%run_scoped3A, %add3A, %dma_wait3A_28, %dma_wait3A_29] : memref<2x32x256x40xi32, #tpu.memory_space<hbm>> -> memref<1x1x256x40xi32, #tpu.memory_space<hbm>>
      %dma_wait3A_31 = tpu.memref_squeeze %dma_wait3A_30 : memref<1x1x256x40xi32, #tpu.memory_space<hbm>> -> memref<256x40xi32, #tpu.memory_space<hbm>>
      tpu.wait_dma2 semaphore(%run_scoped3A_17 : memref<!tpu.dma_semaphore, #tpu.memory_space<semaphore_mem>>) src(%dma_wait3A_31 : memref<256x40xi32, #tpu.memory_space<hbm>>) dst(%arg4 : memref<256x40xi32, #tpu.memory_space<vmem>>)
      tpu.yield
    }) : () -> ()
    %broadcast_in_dim3A = arith.constant 0.000000e+00 : f32
    %broadcast_in_dim3A_1 = vector.broadcast %broadcast_in_dim3A : f32 to vector<16xf32>
    %scan3A = arith.constant 0 : i32
    %scan3A_2 = arith.constant 0 : i32
    %scan3A_3 = arith.constant 625 : i32
    %scan3A_4 = arith.addi %scan3A_2, %scan3A_3 : i32
    %scan3A_5 = arith.constant 1 : i32
    scf.for %scan3A_17 = %scan3A_2 to %scan3A_4 step %scan3A_5  : i32 {
      %mul3A_18 = arith.constant 16 : i32
      %mul3A_19 = arith.muli %scan3A_17, %mul3A_18 : i32
      %swap3A = arith.index_cast %mul3A_19 : i32 to index
      %swap3A_20 = tpu.vector_load %arg5[%swap3A] {strides = array<i32>} : memref<10000xf32, #tpu.memory_space<vmem>>, vector<16xf32>,
      tpu.vector_store %arg5[%swap3A], %broadcast_in_dim3A_1 {strides = array<i32>} : memref<10000xf32, #tpu.memory_space<vmem>>, vector<16xf32>,
    }
    %scan3A_6 = arith.constant 625 : i32
    %broadcast_in_dim3A_7 = arith.constant 1.000000e+00 : f32
    %broadcast_in_dim3A_8 = vector.broadcast %broadcast_in_dim3A_7 : f32 to vector<16xf32>
    %iota3A = tpu.iota {dimensions = array<i32: 0>} : vector<16xi32>
    %ge3A = arith.constant 8 : i32
    %ge3A_9 = vector.broadcast %ge3A : i32 to vector<16xi32>
    %ge3A_10 = arith.cmpi sge, %iota3A, %ge3A_9 : vector<16xi32>
    %scan3A_11 = arith.constant 0 : i32
    %scan3A_12 = arith.constant 0 : i32
    %scan3A_13 = arith.constant 250 : i32
    %scan3A_14 = arith.addi %scan3A_12, %scan3A_13 : i32
    %scan3A_15 = arith.constant 1 : i32
    scf.for %scan3A_17 = %scan3A_12 to %scan3A_14 step %scan3A_15  : i32 {
      %get3A = arith.index_cast %scan3A_17 : i32 to index
      %get3A_18 = arith.constant 0 : index
      %get3A_19 = tpu.vector_load %arg4[%get3A, %get3A_18] {strides = array<i32>} : memref<256x40xi32, #tpu.memory_space<vmem>>, vector<16xi32>,
      tpu.vector_store_idx %arg5[%get3A_19], %broadcast_in_dim3A_8 {add = true} : memref<10000xf32, #tpu.memory_space<vmem>>[vector<16xi32>], vector<16xf32>,
      %get3A_20 = arith.index_cast %scan3A_17 : i32 to index
      %get3A_21 = arith.constant 16 : index
      %get3A_22 = tpu.vector_load %arg4[%get3A_20, %get3A_21] {strides = array<i32>} : memref<256x40xi32, #tpu.memory_space<vmem>>, vector<16xi32>,
      tpu.vector_store_idx %arg5[%get3A_22], %broadcast_in_dim3A_8 {add = true} : memref<10000xf32, #tpu.memory_space<vmem>>[vector<16xi32>], vector<16xf32>,
      %get3A_23 = arith.index_cast %scan3A_17 : i32 to index
      %get3A_24 = arith.constant 24 : index
      %get3A_25 = tpu.vector_load %arg4[%get3A_23, %get3A_24] {strides = array<i32>} : memref<256x40xi32, #tpu.memory_space<vmem>>, vector<16xi32>,
      tpu.vector_store_idx %arg5[%get3A_25], %broadcast_in_dim3A_8 masked %ge3A_10 {add = true} : memref<10000xf32, #tpu.memory_space<vmem>>[vector<16xi32>], vector<16xf32>, vector<16xi1>
    }
    %scan3A_16 = arith.constant 250 : i32
    "tpu.region"() ({
      %run_scoped3A_17 = tpu.sem_alloc : memref<!tpu.dma_semaphore, #tpu.memory_space<semaphore_mem>>
      %dma_start3A = arith.constant 0 : i32
      %dma_start3A_18 = tpu.memref_slice %arg3[%add3A, %dma_start3A] : memref<32x10000xf32, #tpu.memory_space<hbm>> -> memref<1x10000xf32, #tpu.memory_space<hbm>>
      %dma_start3A_19 = tpu.memref_squeeze %dma_start3A_18 : memref<1x10000xf32, #tpu.memory_space<hbm>> -> memref<10000xf32, #tpu.memory_space<hbm>>
      %dma_start3A_20 = arith.constant 0 : i32
      %dma_start3A_21 = tpu.memref_slice %arg3[%add3A, %dma_start3A_20] : memref<32x10000xf32, #tpu.memory_space<hbm>> -> memref<1x10000xf32, #tpu.memory_space<hbm>>
      %dma_start3A_22 = tpu.memref_squeeze %dma_start3A_21 : memref<1x10000xf32, #tpu.memory_space<hbm>> -> memref<10000xf32, #tpu.memory_space<hbm>>
      tpu.enqueue_dma source(%arg5 : memref<10000xf32, #tpu.memory_space<vmem>>) target(%dma_start3A_22 : memref<10000xf32, #tpu.memory_space<hbm>>) target_semaphore(%run_scoped3A_17 : memref<!tpu.dma_semaphore, #tpu.memory_space<semaphore_mem>>)
      %dma_wait3A = arith.constant 0 : i32
      %dma_wait3A_23 = tpu.memref_slice %arg3[%add3A, %dma_wait3A] : memref<32x10000xf32, #tpu.memory_space<hbm>> -> memref<1x10000xf32, #tpu.memory_space<hbm>>
      %dma_wait3A_24 = tpu.memref_squeeze %dma_wait3A_23 : memref<1x10000xf32, #tpu.memory_space<hbm>> -> memref<10000xf32, #tpu.memory_space<hbm>>
      %dma_wait3A_25 = arith.constant 0 : i32
      %dma_wait3A_26 = tpu.memref_slice %arg3[%add3A, %dma_wait3A_25] : memref<32x10000xf32, #tpu.memory_space<hbm>> -> memref<1x10000xf32, #tpu.memory_space<hbm>>
      %dma_wait3A_27 = tpu.memref_squeeze %dma_wait3A_26 : memref<1x10000xf32, #tpu.memory_space<hbm>> -> memref<10000xf32, #tpu.memory_space<hbm>>
      tpu.wait_dma2 semaphore(%run_scoped3A_17 : memref<!tpu.dma_semaphore, #tpu.memory_space<semaphore_mem>>) src(%arg5 : memref<10000xf32, #tpu.memory_space<vmem>>) dst(%dma_wait3A_27 : memref<10000xf32, #tpu.memory_space<hbm>>)
      tpu.yield
    }) : () -> ()
    return
  }
}

#map = affine_map<(d0, d1) -> (0, 0)>
#map1 = affine_map<(d0, d1) -> (0, 0, 0, 0)>
#map2 = affine_map<(d0, d1) -> (0, 0, 0)>
module attributes {stable_mosaic.version = 14 : i64} {
  func.func @_sc_scatter(%arg0: i32, %arg1: i32, %arg2: memref<10000x128xf32, #tpu.memory_space<hbm>>, %arg3: memref<2x32x256x40xi32, #tpu.memory_space<hbm>>, %arg4: memref<10000x128xf32, #tpu.memory_space<hbm>>, %arg5: memref<2x10000x128xf32, #tpu.memory_space<hbm>>, %arg6: memref<2x8x40xi32, #tpu.memory_space<vmem>>, %arg7: memref<2x8x40xi32, #tpu.memory_space<vmem>>, %arg8: memref<4x40x128xf32, #tpu.memory_space<vmem>>, %arg9: memref<10000x128xf32, #tpu.memory_space<vmem_shared>>, %arg10: memref<!tpu.dma_semaphore, #tpu.memory_space<semaphore_mem>>, %arg11: memref<!tpu.dma_semaphore, #tpu.memory_space<semaphore_mem>>, %arg12: memref<!tpu.dma_semaphore, #tpu.memory_space<semaphore_mem>>, %arg13: memref<!tpu.dma_semaphore, #tpu.memory_space<semaphore_mem>>, %arg14: memref<!tpu.dma_semaphore, #tpu.memory_space<semaphore_mem>>, %arg15: memref<!tpu.dma_semaphore, #tpu.memory_space<semaphore_mem>>, %arg16: memref<!tpu.dma_semaphore, #tpu.memory_space<semaphore_mem>>, %arg17: memref<!tpu.dma_semaphore, #tpu.memory_space<semaphore_mem>>, %arg18: memref<!tpu.dma_semaphore, #tpu.memory_space<semaphore_mem>>, %arg19: memref<!tpu.dma_semaphore, #tpu.memory_space<semaphore_mem>>) attributes {dimension_semantics = [#tpu.dimension_semantics<core_parallel>, #tpu.dimension_semantics<subcore_parallel>], iteration_bounds = array<i64: 2, 16>, scalar_prefetch = 0 : i64, scratch_operands = 14 : i64, tpu.core_type = #tpu.core_type<sc_vector_subcore>, window_params = [{transform_indices = #map}, {transform_indices = #map1}, {transform_indices = #map}, {transform_indices = #map2}]} {
    %mul3A = arith.constant 2 : i32
    %mul3A_0 = arith.muli %arg1, %mul3A : i32
    %add3A = arith.addi %mul3A_0, %arg0 : i32
    %mul3A_1 = arith.constant 624 : i32
    %mul3A_2 = arith.muli %arg1, %mul3A_1 : i32
    %mul3A_3 = arith.constant 624 : i32
    %mul3A_4 = arith.muli %arg1, %mul3A_3 : i32
    "tpu.region"() ({
      %run_scoped3A_216 = tpu.sem_alloc : memref<!tpu.dma_semaphore, #tpu.memory_space<semaphore_mem>>
      %dma_start3A_217 = arith.constant 0 : i32
      %dma_start3A_218 = tpu.memref_slice %arg9[%mul3A_4, %dma_start3A_217] : memref<10000x128xf32, #tpu.memory_space<vmem_shared>> -> memref<624x128xf32, #tpu.memory_space<vmem_shared>>
      %dma_start3A_219 = arith.constant 0 : i32
      %dma_start3A_220 = tpu.memref_slice %arg4[%mul3A_2, %dma_start3A_219] : memref<10000x128xf32, #tpu.memory_space<hbm>> -> memref<624x128xf32, #tpu.memory_space<hbm>>
      tpu.enqueue_dma source(%dma_start3A_220 : memref<624x128xf32, #tpu.memory_space<hbm>>) target(%dma_start3A_218 : memref<624x128xf32, #tpu.memory_space<vmem_shared>>) target_semaphore(%run_scoped3A_216 : memref<!tpu.dma_semaphore, #tpu.memory_space<semaphore_mem>>)
      %dma_wait3A_221 = arith.constant 0 : i32
      %dma_wait3A_222 = tpu.memref_slice %arg9[%mul3A_4, %dma_wait3A_221] : memref<10000x128xf32, #tpu.memory_space<vmem_shared>> -> memref<624x128xf32, #tpu.memory_space<vmem_shared>>
      %dma_wait3A_223 = arith.constant 0 : i32
      %dma_wait3A_224 = tpu.memref_slice %arg4[%mul3A_2, %dma_wait3A_223] : memref<10000x128xf32, #tpu.memory_space<hbm>> -> memref<624x128xf32, #tpu.memory_space<hbm>>
      tpu.wait_dma2 semaphore(%run_scoped3A_216 : memref<!tpu.dma_semaphore, #tpu.memory_space<semaphore_mem>>) src(%dma_wait3A_224 : memref<624x128xf32, #tpu.memory_space<hbm>>) dst(%dma_wait3A_222 : memref<624x128xf32, #tpu.memory_space<vmem_shared>>)
      tpu.yield
    }) : () -> ()
    %eq3A = arith.constant 0 : i32
    %eq3A_5 = arith.cmpi eq, %arg1, %eq3A : i32
    %convert_element_type3A = arith.extui %eq3A_5 : i1 to i32
    %cond3A = arith.constant 0 : i32
    %cond3A_6 = arith.cmpi ne, %convert_element_type3A, %cond3A : i32
    scf.if %cond3A_6 {
      "tpu.region"() ({
        %run_scoped3A_216 = tpu.sem_alloc : memref<!tpu.dma_semaphore, #tpu.memory_space<semaphore_mem>>
        %dma_start3A_217 = arith.constant 9984 : i32
        %dma_start3A_218 = arith.constant 0 : i32
        %dma_start3A_219 = tpu.memref_slice %arg9[%dma_start3A_217, %dma_start3A_218] : memref<10000x128xf32, #tpu.memory_space<vmem_shared>> -> memref<16x128xf32, #tpu.memory_space<vmem_shared>>
        %dma_start3A_220 = arith.constant 9984 : i32
        %dma_start3A_221 = arith.constant 0 : i32
        %dma_start3A_222 = tpu.memref_slice %arg4[%dma_start3A_220, %dma_start3A_221] : memref<10000x128xf32, #tpu.memory_space<hbm>> -> memref<16x128xf32, #tpu.memory_space<hbm>>
        tpu.enqueue_dma source(%dma_start3A_222 : memref<16x128xf32, #tpu.memory_space<hbm>>) target(%dma_start3A_219 : memref<16x128xf32, #tpu.memory_space<vmem_shared>>) target_semaphore(%run_scoped3A_216 : memref<!tpu.dma_semaphore, #tpu.memory_space<semaphore_mem>>)
        %dma_wait3A_223 = arith.constant 9984 : i32
        %dma_wait3A_224 = arith.constant 0 : i32
        %dma_wait3A_225 = tpu.memref_slice %arg9[%dma_wait3A_223, %dma_wait3A_224] : memref<10000x128xf32, #tpu.memory_space<vmem_shared>> -> memref<16x128xf32, #tpu.memory_space<vmem_shared>>
        %dma_wait3A_226 = arith.constant 9984 : i32
        %dma_wait3A_227 = arith.constant 0 : i32
        %dma_wait3A_228 = tpu.memref_slice %arg4[%dma_wait3A_226, %dma_wait3A_227] : memref<10000x128xf32, #tpu.memory_space<hbm>> -> memref<16x128xf32, #tpu.memory_space<hbm>>
        tpu.wait_dma2 semaphore(%run_scoped3A_216 : memref<!tpu.dma_semaphore, #tpu.memory_space<semaphore_mem>>) src(%dma_wait3A_228 : memref<16x128xf32, #tpu.memory_space<hbm>>) dst(%dma_wait3A_225 : memref<16x128xf32, #tpu.memory_space<vmem_shared>>)
        tpu.yield
      }) : () -> ()
    } else {
    }
    %mul3A_7 = arith.constant 0 : i32
    %mul3A_8 = arith.constant 8 : i32
    %mul3A_9 = arith.muli %mul3A_7, %mul3A_8 : i32
    %multiple_of3A = tpu.assume_multiple %mul3A_9, 8 : i32
    %rem3A = arith.constant 0 : i32
    %rem3A_10 = arith.constant 2 : i32
    %rem3A_11 = arith.remsi %rem3A, %rem3A_10 : i32
    %run_scoped3A = arith.constant 0 : i32
    "tpu.region"() ({
      %run_scoped3A_216 = tpu.sem_alloc : memref<!tpu.dma_semaphore, #tpu.memory_space<semaphore_mem>>
      %dma_start3A_217 = arith.constant 0 : i32
      %dma_start3A_218 = arith.constant 0 : i32
      %dma_start3A_219 = tpu.memref_slice %arg6[%rem3A_11, %dma_start3A_217, %dma_start3A_218] : memref<2x8x40xi32, #tpu.memory_space<vmem>> -> memref<1x8x40xi32, #tpu.memory_space<vmem>>
      %dma_start3A_220 = tpu.memref_squeeze %dma_start3A_219 : memref<1x8x40xi32, #tpu.memory_space<vmem>> -> memref<8x40xi32, #tpu.memory_space<vmem>>
      %dma_start3A_221 = arith.constant 0 : i32
      %dma_start3A_222 = tpu.memref_slice %arg3[%run_scoped3A, %add3A, %multiple_of3A, %dma_start3A_221] : memref<2x32x256x40xi32, #tpu.memory_space<hbm>> -> memref<1x1x8x40xi32, #tpu.memory_space<hbm>>
      %dma_start3A_223 = tpu.memref_squeeze %dma_start3A_222 : memref<1x1x8x40xi32, #tpu.memory_space<hbm>> -> memref<8x40xi32, #tpu.memory_space<hbm>>
      %dma_start3A_224 = arith.constant 0 : i32
      %dma_start3A_225 = arith.constant 0 : i32
      %dma_start3A_226 = tpu.memref_slice %arg6[%rem3A_11, %dma_start3A_224, %dma_start3A_225] : memref<2x8x40xi32, #tpu.memory_space<vmem>> -> memref<1x8x40xi32, #tpu.memory_space<vmem>>
      %dma_start3A_227 = tpu.memref_squeeze %dma_start3A_226 : memref<1x8x40xi32, #tpu.memory_space<vmem>> -> memref<8x40xi32, #tpu.memory_space<vmem>>
      %dma_start3A_228 = arith.constant 0 : i32
      %dma_start3A_229 = tpu.memref_slice %arg3[%run_scoped3A, %add3A, %multiple_of3A, %dma_start3A_228] : memref<2x32x256x40xi32, #tpu.memory_space<hbm>> -> memref<1x1x8x40xi32, #tpu.memory_space<hbm>>
      %dma_start3A_230 = tpu.memref_squeeze %dma_start3A_229 : memref<1x1x8x40xi32, #tpu.memory_space<hbm>> -> memref<8x40xi32, #tpu.memory_space<hbm>>
      tpu.enqueue_dma source(%dma_start3A_230 : memref<8x40xi32, #tpu.memory_space<hbm>>) target(%dma_start3A_227 : memref<8x40xi32, #tpu.memory_space<vmem>>) target_semaphore(%run_scoped3A_216 : memref<!tpu.dma_semaphore, #tpu.memory_space<semaphore_mem>>)
      %dma_wait3A_231 = arith.constant 0 : i32
      %dma_wait3A_232 = arith.constant 0 : i32
      %dma_wait3A_233 = tpu.memref_slice %arg6[%rem3A_11, %dma_wait3A_231, %dma_wait3A_232] : memref<2x8x40xi32, #tpu.memory_space<vmem>> -> memref<1x8x40xi32, #tpu.memory_space<vmem>>
      %dma_wait3A_234 = tpu.memref_squeeze %dma_wait3A_233 : memref<1x8x40xi32, #tpu.memory_space<vmem>> -> memref<8x40xi32, #tpu.memory_space<vmem>>
      %dma_wait3A_235 = arith.constant 0 : i32
      %dma_wait3A_236 = tpu.memref_slice %arg3[%run_scoped3A, %add3A, %multiple_of3A, %dma_wait3A_235] : memref<2x32x256x40xi32, #tpu.memory_space<hbm>> -> memref<1x1x8x40xi32, #tpu.memory_space<hbm>>
      %dma_wait3A_237 = tpu.memref_squeeze %dma_wait3A_236 : memref<1x1x8x40xi32, #tpu.memory_space<hbm>> -> memref<8x40xi32, #tpu.memory_space<hbm>>
      %dma_wait3A_238 = arith.constant 0 : i32
      %dma_wait3A_239 = arith.constant 0 : i32
      %dma_wait3A_240 = tpu.memref_slice %arg6[%rem3A_11, %dma_wait3A_238, %dma_wait3A_239] : memref<2x8x40xi32, #tpu.memory_space<vmem>> -> memref<1x8x40xi32, #tpu.memory_space<vmem>>
      %dma_wait3A_241 = tpu.memref_squeeze %dma_wait3A_240 : memref<1x8x40xi32, #tpu.memory_space<vmem>> -> memref<8x40xi32, #tpu.memory_space<vmem>>
      %dma_wait3A_242 = arith.constant 0 : i32
      %dma_wait3A_243 = tpu.memref_slice %arg3[%run_scoped3A, %add3A, %multiple_of3A, %dma_wait3A_242] : memref<2x32x256x40xi32, #tpu.memory_space<hbm>> -> memref<1x1x8x40xi32, #tpu.memory_space<hbm>>
      %dma_wait3A_244 = tpu.memref_squeeze %dma_wait3A_243 : memref<1x1x8x40xi32, #tpu.memory_space<hbm>> -> memref<8x40xi32, #tpu.memory_space<hbm>>
      tpu.wait_dma2 semaphore(%run_scoped3A_216 : memref<!tpu.dma_semaphore, #tpu.memory_space<semaphore_mem>>) src(%dma_wait3A_244 : memref<8x40xi32, #tpu.memory_space<hbm>>) dst(%dma_wait3A_241 : memref<8x40xi32, #tpu.memory_space<vmem>>)
      tpu.yield
    }) : () -> ()
    %run_scoped3A_12 = arith.constant 1 : i32
    "tpu.region"() ({
      %run_scoped3A_216 = tpu.sem_alloc : memref<!tpu.dma_semaphore, #tpu.memory_space<semaphore_mem>>
      %dma_start3A_217 = arith.constant 0 : i32
      %dma_start3A_218 = arith.constant 0 : i32
      %dma_start3A_219 = tpu.memref_slice %arg7[%rem3A_11, %dma_start3A_217, %dma_start3A_218] : memref<2x8x40xi32, #tpu.memory_space<vmem>> -> memref<1x8x40xi32, #tpu.memory_space<vmem>>
      %dma_start3A_220 = tpu.memref_squeeze %dma_start3A_219 : memref<1x8x40xi32, #tpu.memory_space<vmem>> -> memref<8x40xi32, #tpu.memory_space<vmem>>
      %dma_start3A_221 = arith.constant 0 : i32
      %dma_start3A_222 = tpu.memref_slice %arg3[%run_scoped3A_12, %add3A, %multiple_of3A, %dma_start3A_221] : memref<2x32x256x40xi32, #tpu.memory_space<hbm>> -> memref<1x1x8x40xi32, #tpu.memory_space<hbm>>
      %dma_start3A_223 = tpu.memref_squeeze %dma_start3A_222 : memref<1x1x8x40xi32, #tpu.memory_space<hbm>> -> memref<8x40xi32, #tpu.memory_space<hbm>>
      %dma_start3A_224 = arith.constant 0 : i32
      %dma_start3A_225 = arith.constant 0 : i32
      %dma_start3A_226 = tpu.memref_slice %arg7[%rem3A_11, %dma_start3A_224, %dma_start3A_225] : memref<2x8x40xi32, #tpu.memory_space<vmem>> -> memref<1x8x40xi32, #tpu.memory_space<vmem>>
      %dma_start3A_227 = tpu.memref_squeeze %dma_start3A_226 : memref<1x8x40xi32, #tpu.memory_space<vmem>> -> memref<8x40xi32, #tpu.memory_space<vmem>>
      %dma_start3A_228 = arith.constant 0 : i32
      %dma_start3A_229 = tpu.memref_slice %arg3[%run_scoped3A_12, %add3A, %multiple_of3A, %dma_start3A_228] : memref<2x32x256x40xi32, #tpu.memory_space<hbm>> -> memref<1x1x8x40xi32, #tpu.memory_space<hbm>>
      %dma_start3A_230 = tpu.memref_squeeze %dma_start3A_229 : memref<1x1x8x40xi32, #tpu.memory_space<hbm>> -> memref<8x40xi32, #tpu.memory_space<hbm>>
      tpu.enqueue_dma source(%dma_start3A_230 : memref<8x40xi32, #tpu.memory_space<hbm>>) target(%dma_start3A_227 : memref<8x40xi32, #tpu.memory_space<vmem>>) target_semaphore(%run_scoped3A_216 : memref<!tpu.dma_semaphore, #tpu.memory_space<semaphore_mem>>)
      %dma_wait3A_231 = arith.constant 0 : i32
      %dma_wait3A_232 = arith.constant 0 : i32
      %dma_wait3A_233 = tpu.memref_slice %arg7[%rem3A_11, %dma_wait3A_231, %dma_wait3A_232] : memref<2x8x40xi32, #tpu.memory_space<vmem>> -> memref<1x8x40xi32, #tpu.memory_space<vmem>>
      %dma_wait3A_234 = tpu.memref_squeeze %dma_wait3A_233 : memref<1x8x40xi32, #tpu.memory_space<vmem>> -> memref<8x40xi32, #tpu.memory_space<vmem>>
      %dma_wait3A_235 = arith.constant 0 : i32
      %dma_wait3A_236 = tpu.memref_slice %arg3[%run_scoped3A_12, %add3A, %multiple_of3A, %dma_wait3A_235] : memref<2x32x256x40xi32, #tpu.memory_space<hbm>> -> memref<1x1x8x40xi32, #tpu.memory_space<hbm>>
      %dma_wait3A_237 = tpu.memref_squeeze %dma_wait3A_236 : memref<1x1x8x40xi32, #tpu.memory_space<hbm>> -> memref<8x40xi32, #tpu.memory_space<hbm>>
      %dma_wait3A_238 = arith.constant 0 : i32
      %dma_wait3A_239 = arith.constant 0 : i32
      %dma_wait3A_240 = tpu.memref_slice %arg7[%rem3A_11, %dma_wait3A_238, %dma_wait3A_239] : memref<2x8x40xi32, #tpu.memory_space<vmem>> -> memref<1x8x40xi32, #tpu.memory_space<vmem>>
      %dma_wait3A_241 = tpu.memref_squeeze %dma_wait3A_240 : memref<1x8x40xi32, #tpu.memory_space<vmem>> -> memref<8x40xi32, #tpu.memory_space<vmem>>
      %dma_wait3A_242 = arith.constant 0 : i32
      %dma_wait3A_243 = tpu.memref_slice %arg3[%run_scoped3A_12, %add3A, %multiple_of3A, %dma_wait3A_242] : memref<2x32x256x40xi32, #tpu.memory_space<hbm>> -> memref<1x1x8x40xi32, #tpu.memory_space<hbm>>
      %dma_wait3A_244 = tpu.memref_squeeze %dma_wait3A_243 : memref<1x1x8x40xi32, #tpu.memory_space<hbm>> -> memref<8x40xi32, #tpu.memory_space<hbm>>
      tpu.wait_dma2 semaphore(%run_scoped3A_216 : memref<!tpu.dma_semaphore, #tpu.memory_space<semaphore_mem>>) src(%dma_wait3A_244 : memref<8x40xi32, #tpu.memory_space<hbm>>) dst(%dma_wait3A_241 : memref<8x40xi32, #tpu.memory_space<vmem>>)
      tpu.yield
    }) : () -> ()
    %mul3A_13 = arith.constant 1 : i32
    %mul3A_14 = arith.constant 8 : i32
    %mul3A_15 = arith.muli %mul3A_13, %mul3A_14 : i32
    %multiple_of3A_16 = tpu.assume_multiple %mul3A_15, 8 : i32
    %rem3A_17 = arith.constant 1 : i32
    %rem3A_18 = arith.constant 2 : i32
    %rem3A_19 = arith.remsi %rem3A_17, %rem3A_18 : i32
    %dma_start3A = arith.constant 0 : i32
    %dma_start3A_20 = arith.constant 0 : i32
    %dma_start3A_21 = arith.constant 0 : i32
    %dma_start3A_22 = tpu.memref_slice %arg6[%rem3A_19, %dma_start3A_20, %dma_start3A_21] : memref<2x8x40xi32, #tpu.memory_space<vmem>> -> memref<1x8x40xi32, #tpu.memory_space<vmem>>
    %dma_start3A_23 = tpu.memref_squeeze %dma_start3A_22 : memref<1x8x40xi32, #tpu.memory_space<vmem>> -> memref<8x40xi32, #tpu.memory_space<vmem>>
    %dma_start3A_24 = arith.constant 0 : i32
    %dma_start3A_25 = tpu.memref_slice %arg3[%dma_start3A, %add3A, %multiple_of3A_16, %dma_start3A_24] : memref<2x32x256x40xi32, #tpu.memory_space<hbm>> -> memref<1x1x8x40xi32, #tpu.memory_space<hbm>>
    %dma_start3A_26 = tpu.memref_squeeze %dma_start3A_25 : memref<1x1x8x40xi32, #tpu.memory_space<hbm>> -> memref<8x40xi32, #tpu.memory_space<hbm>>
    %dma_start3A_27 = arith.constant 0 : i32
    %dma_start3A_28 = arith.constant 0 : i32
    %dma_start3A_29 = tpu.memref_slice %arg6[%rem3A_19, %dma_start3A_27, %dma_start3A_28] : memref<2x8x40xi32, #tpu.memory_space<vmem>> -> memref<1x8x40xi32, #tpu.memory_space<vmem>>
    %dma_start3A_30 = tpu.memref_squeeze %dma_start3A_29 : memref<1x8x40xi32, #tpu.memory_space<vmem>> -> memref<8x40xi32, #tpu.memory_space<vmem>>
    %dma_start3A_31 = arith.constant 0 : i32
    %dma_start3A_32 = tpu.memref_slice %arg3[%dma_start3A, %add3A, %multiple_of3A_16, %dma_start3A_31] : memref<2x32x256x40xi32, #tpu.memory_space<hbm>> -> memref<1x1x8x40xi32, #tpu.memory_space<hbm>>
    %dma_start3A_33 = tpu.memref_squeeze %dma_start3A_32 : memref<1x1x8x40xi32, #tpu.memory_space<hbm>> -> memref<8x40xi32, #tpu.memory_space<hbm>>
    tpu.enqueue_dma source(%dma_start3A_33 : memref<8x40xi32, #tpu.memory_space<hbm>>) target(%dma_start3A_30 : memref<8x40xi32, #tpu.memory_space<vmem>>) target_semaphore(%arg18 : memref<!tpu.dma_semaphore, #tpu.memory_space<semaphore_mem>>)
    %dma_start3A_34 = arith.constant 1 : i32
    %dma_start3A_35 = arith.constant 0 : i32
    %dma_start3A_36 = arith.constant 0 : i32
    %dma_start3A_37 = tpu.memref_slice %arg7[%rem3A_19, %dma_start3A_35, %dma_start3A_36] : memref<2x8x40xi32, #tpu.memory_space<vmem>> -> memref<1x8x40xi32, #tpu.memory_space<vmem>>
    %dma_start3A_38 = tpu.memref_squeeze %dma_start3A_37 : memref<1x8x40xi32, #tpu.memory_space<vmem>> -> memref<8x40xi32, #tpu.memory_space<vmem>>
    %dma_start3A_39 = arith.constant 0 : i32
    %dma_start3A_40 = tpu.memref_slice %arg3[%dma_start3A_34, %add3A, %multiple_of3A_16, %dma_start3A_39] : memref<2x32x256x40xi32, #tpu.memory_space<hbm>> -> memref<1x1x8x40xi32, #tpu.memory_space<hbm>>
    %dma_start3A_41 = tpu.memref_squeeze %dma_start3A_40 : memref<1x1x8x40xi32, #tpu.memory_space<hbm>> -> memref<8x40xi32, #tpu.memory_space<hbm>>
    %dma_start3A_42 = arith.constant 0 : i32
    %dma_start3A_43 = arith.constant 0 : i32
    %dma_start3A_44 = tpu.memref_slice %arg7[%rem3A_19, %dma_start3A_42, %dma_start3A_43] : memref<2x8x40xi32, #tpu.memory_space<vmem>> -> memref<1x8x40xi32, #tpu.memory_space<vmem>>
    %dma_start3A_45 = tpu.memref_squeeze %dma_start3A_44 : memref<1x8x40xi32, #tpu.memory_space<vmem>> -> memref<8x40xi32, #tpu.memory_space<vmem>>
    %dma_start3A_46 = arith.constant 0 : i32
    %dma_start3A_47 = tpu.memref_slice %arg3[%dma_start3A_34, %add3A, %multiple_of3A_16, %dma_start3A_46] : memref<2x32x256x40xi32, #tpu.memory_space<hbm>> -> memref<1x1x8x40xi32, #tpu.memory_space<hbm>>
    %dma_start3A_48 = tpu.memref_squeeze %dma_start3A_47 : memref<1x1x8x40xi32, #tpu.memory_space<hbm>> -> memref<8x40xi32, #tpu.memory_space<hbm>>
    tpu.enqueue_dma source(%dma_start3A_48 : memref<8x40xi32, #tpu.memory_space<hbm>>) target(%dma_start3A_45 : memref<8x40xi32, #tpu.memory_space<vmem>>) target_semaphore(%arg19 : memref<!tpu.dma_semaphore, #tpu.memory_space<semaphore_mem>>)
    %barrier3A = arith.constant 0 : index
    tpu.barrier barrier_id(%barrier3A)
    %div3A = arith.constant 0 : i32
    %div3A_49 = arith.constant 8 : i32
    %div3A_50 = arith.divsi %div3A, %div3A_49 : i32
    %rem3A_51 = arith.constant 2 : i32
    %rem3A_52 = arith.remsi %div3A_50, %rem3A_51 : i32
    %rem3A_53 = arith.constant 0 : i32
    %rem3A_54 = arith.constant 8 : i32
    %rem3A_55 = arith.remsi %rem3A_53, %rem3A_54 : i32
    %dma_start3A_56 = arith.constant 0 : i32
    %dma_start3A_57 = arith.constant 0 : i32
    %dma_start3A_58 = arith.constant 0 : i32
    %dma_start3A_59 = tpu.memref_slice %arg8[%dma_start3A_56, %dma_start3A_57, %dma_start3A_58] : memref<4x40x128xf32, #tpu.memory_space<vmem>> -> memref<1x40x128xf32, #tpu.memory_space<vmem>>
    %dma_start3A_60 = tpu.memref_squeeze %dma_start3A_59 : memref<1x40x128xf32, #tpu.memory_space<vmem>> -> memref<40x128xf32, #tpu.memory_space<vmem>>
    %dma_start3A_61 = arith.constant 0 : i32
    %dma_start3A_62 = tpu.memref_slice %arg6[%rem3A_52, %rem3A_55, %dma_start3A_61] : memref<2x8x40xi32, #tpu.memory_space<vmem>> -> memref<1x1x40xi32, #tpu.memory_space<vmem>>
    %dma_start3A_63 = tpu.memref_squeeze %dma_start3A_62 : memref<1x1x40xi32, #tpu.memory_space<vmem>> -> memref<40xi32, #tpu.memory_space<vmem>>
    %dma_start3A_64 = arith.constant 0 : i32
    %dma_start3A_65 = arith.constant 0 : i32
    %dma_start3A_66 = tpu.memref_slice %arg2[%dma_start3A_64, %dma_start3A_65] : memref<10000x128xf32, #tpu.memory_space<hbm>> -> memref<10000x128xf32, #tpu.memory_space<hbm>>
    tpu.enqueue_indirect_dma source(%dma_start3A_66 : memref<10000x128xf32, #tpu.memory_space<hbm>>) target(%dma_start3A_60 : memref<40x128xf32, #tpu.memory_space<vmem>>) offsets(%dma_start3A_63 : memref<40xi32, #tpu.memory_space<vmem>>) semaphore(%arg10 : memref<!tpu.dma_semaphore, #tpu.memory_space<semaphore_mem>>)
    %div3A_67 = arith.constant 1 : i32
    %div3A_68 = arith.constant 8 : i32
    %div3A_69 = arith.divsi %div3A_67, %div3A_68 : i32
    %rem3A_70 = arith.constant 2 : i32
    %rem3A_71 = arith.remsi %div3A_69, %rem3A_70 : i32
    %rem3A_72 = arith.constant 1 : i32
    %rem3A_73 = arith.constant 8 : i32
    %rem3A_74 = arith.remsi %rem3A_72, %rem3A_73 : i32
    %dma_start3A_75 = arith.constant 1 : i32
    %dma_start3A_76 = arith.constant 0 : i32
    %dma_start3A_77 = arith.constant 0 : i32
    %dma_start3A_78 = tpu.memref_slice %arg8[%dma_start3A_75, %dma_start3A_76, %dma_start3A_77] : memref<4x40x128xf32, #tpu.memory_space<vmem>> -> memref<1x40x128xf32, #tpu.memory_space<vmem>>
    %dma_start3A_79 = tpu.memref_squeeze %dma_start3A_78 : memref<1x40x128xf32, #tpu.memory_space<vmem>> -> memref<40x128xf32, #tpu.memory_space<vmem>>
    %dma_start3A_80 = arith.constant 0 : i32
    %dma_start3A_81 = tpu.memref_slice %arg6[%rem3A_71, %rem3A_74, %dma_start3A_80] : memref<2x8x40xi32, #tpu.memory_space<vmem>> -> memref<1x1x40xi32, #tpu.memory_space<vmem>>
    %dma_start3A_82 = tpu.memref_squeeze %dma_start3A_81 : memref<1x1x40xi32, #tpu.memory_space<vmem>> -> memref<40xi32, #tpu.memory_space<vmem>>
    %dma_start3A_83 = arith.constant 0 : i32
    %dma_start3A_84 = arith.constant 0 : i32
    %dma_start3A_85 = tpu.memref_slice %arg2[%dma_start3A_83, %dma_start3A_84] : memref<10000x128xf32, #tpu.memory_space<hbm>> -> memref<10000x128xf32, #tpu.memory_space<hbm>>
    tpu.enqueue_indirect_dma source(%dma_start3A_85 : memref<10000x128xf32, #tpu.memory_space<hbm>>) target(%dma_start3A_79 : memref<40x128xf32, #tpu.memory_space<vmem>>) offsets(%dma_start3A_82 : memref<40xi32, #tpu.memory_space<vmem>>) semaphore(%arg11 : memref<!tpu.dma_semaphore, #tpu.memory_space<semaphore_mem>>)
    %scan3A = arith.constant 0 : i32
    %scan3A_86 = arith.constant 0 : i32
    %scan3A_87 = arith.constant 62 : i32
    %scan3A_88 = arith.addi %scan3A_86, %scan3A_87 : i32
    %scan3A_89 = arith.constant 1 : i32
    scf.for %scan3A_216 = %scan3A_86 to %scan3A_88 step %scan3A_89  : i32 {
      %mul3A_217 = arith.constant 4 : i32
      %mul3A_218 = arith.muli %mul3A_217, %scan3A_216 : i32
      %dma_wait3A_219 = arith.constant 0 : i32
      %dma_wait3A_220 = arith.constant 0 : i32
      %dma_wait3A_221 = arith.constant 0 : i32
      %dma_wait3A_222 = arith.constant 0 : i32
      %dma_wait3A_223 = arith.constant 0 : i32
      %dma_wait3A_224 = tpu.memref_slice %arg8[%dma_wait3A_221, %dma_wait3A_222, %dma_wait3A_223] : memref<4x40x128xf32, #tpu.memory_space<vmem>> -> memref<1x40x128xf32, #tpu.memory_space<vmem>>
      %dma_wait3A_225 = tpu.memref_squeeze %dma_wait3A_224 : memref<1x40x128xf32, #tpu.memory_space<vmem>> -> memref<40x128xf32, #tpu.memory_space<vmem>>
      %dma_wait3A_226 = arith.constant 0 : i32
      %dma_wait3A_227 = tpu.memref_slice %arg6[%dma_wait3A_219, %dma_wait3A_220, %dma_wait3A_226] : memref<2x8x40xi32, #tpu.memory_space<vmem>> -> memref<1x1x40xi32, #tpu.memory_space<vmem>>
      %dma_wait3A_228 = tpu.memref_squeeze %dma_wait3A_227 : memref<1x1x40xi32, #tpu.memory_space<vmem>> -> memref<40xi32, #tpu.memory_space<vmem>>
      %dma_wait3A_229 = arith.constant 0 : i32
      %dma_wait3A_230 = arith.constant 0 : i32
      %dma_wait3A_231 = tpu.memref_slice %arg2[%dma_wait3A_229, %dma_wait3A_230] : memref<10000x128xf32, #tpu.memory_space<hbm>> -> memref<10000x128xf32, #tpu.memory_space<hbm>>
      tpu.wait_indirect_dma semaphore(%arg10 : memref<!tpu.dma_semaphore, #tpu.memory_space<semaphore_mem>>) src(%dma_wait3A_231 : memref<10000x128xf32, #tpu.memory_space<hbm>>) dst(%dma_wait3A_225 : memref<40x128xf32, #tpu.memory_space<vmem>>)
      %div3A_232 = arith.constant 8 : i32
      %div3A_233 = arith.divsi %mul3A_218, %div3A_232 : i32
      %rem3A_234 = arith.constant 2 : i32
      %rem3A_235 = arith.remsi %div3A_233, %rem3A_234 : i32
      %rem3A_236 = arith.constant 8 : i32
      %rem3A_237 = arith.remsi %mul3A_218, %rem3A_236 : i32
      %dma_start3A_238 = arith.constant 0 : i32
      %dma_start3A_239 = arith.constant 0 : i32
      %dma_start3A_240 = arith.constant 0 : i32
      %dma_start3A_241 = tpu.memref_slice %arg8[%dma_start3A_238, %dma_start3A_239, %dma_start3A_240] : memref<4x40x128xf32, #tpu.memory_space<vmem>> -> memref<1x40x128xf32, #tpu.memory_space<vmem>>
      %dma_start3A_242 = tpu.memref_squeeze %dma_start3A_241 : memref<1x40x128xf32, #tpu.memory_space<vmem>> -> memref<40x128xf32, #tpu.memory_space<vmem>>
      %dma_start3A_243 = arith.constant 0 : i32
      %dma_start3A_244 = tpu.memref_slice %arg7[%rem3A_235, %rem3A_237, %dma_start3A_243] : memref<2x8x40xi32, #tpu.memory_space<vmem>> -> memref<1x1x40xi32, #tpu.memory_space<vmem>>
      %dma_start3A_245 = tpu.memref_squeeze %dma_start3A_244 : memref<1x1x40xi32, #tpu.memory_space<vmem>> -> memref<40xi32, #tpu.memory_space<vmem>>
      %dma_start3A_246 = arith.constant 0 : i32
      %dma_start3A_247 = arith.constant 0 : i32
      %dma_start3A_248 = tpu.memref_slice %arg9[%dma_start3A_246, %dma_start3A_247] : memref<10000x128xf32, #tpu.memory_space<vmem_shared>> -> memref<10000x128xf32, #tpu.memory_space<vmem_shared>>
      tpu.enqueue_indirect_dma source(%dma_start3A_242 : memref<40x128xf32, #tpu.memory_space<vmem>>) target(%dma_start3A_248 : memref<10000x128xf32, #tpu.memory_space<vmem_shared>>) offsets(%dma_start3A_245 : memref<40xi32, #tpu.memory_space<vmem>>) semaphore(%arg14 : memref<!tpu.dma_semaphore, #tpu.memory_space<semaphore_mem>>) {add = true}
      %gt3A = arith.constant 0 : i32
      %gt3A_249 = arith.cmpi sgt, %scan3A_216, %gt3A : i32
      %convert_element_type3A_250 = arith.extui %gt3A_249 : i1 to i32
      %cond3A_251 = arith.constant 0 : i32
      %cond3A_252 = arith.cmpi ne, %convert_element_type3A_250, %cond3A_251 : i32
      scf.if %cond3A_252 {
        %dma_wait3A_474 = arith.constant 2 : i32
        %dma_wait3A_475 = arith.constant 0 : i32
        %dma_wait3A_476 = arith.constant 0 : i32
        %dma_wait3A_477 = arith.constant 0 : i32
        %dma_wait3A_478 = arith.constant 0 : i32
        %dma_wait3A_479 = tpu.memref_slice %arg8[%dma_wait3A_474, %dma_wait3A_477, %dma_wait3A_478] : memref<4x40x128xf32, #tpu.memory_space<vmem>> -> memref<1x40x128xf32, #tpu.memory_space<vmem>>
        %dma_wait3A_480 = tpu.memref_squeeze %dma_wait3A_479 : memref<1x40x128xf32, #tpu.memory_space<vmem>> -> memref<40x128xf32, #tpu.memory_space<vmem>>
        %dma_wait3A_481 = arith.constant 0 : i32
        %dma_wait3A_482 = tpu.memref_slice %arg7[%dma_wait3A_475, %dma_wait3A_476, %dma_wait3A_481] : memref<2x8x40xi32, #tpu.memory_space<vmem>> -> memref<1x1x40xi32, #tpu.memory_space<vmem>>
        %dma_wait3A_483 = tpu.memref_squeeze %dma_wait3A_482 : memref<1x1x40xi32, #tpu.memory_space<vmem>> -> memref<40xi32, #tpu.memory_space<vmem>>
        %dma_wait3A_484 = arith.constant 0 : i32
        %dma_wait3A_485 = arith.constant 0 : i32
        %dma_wait3A_486 = tpu.memref_slice %arg9[%dma_wait3A_484, %dma_wait3A_485] : memref<10000x128xf32, #tpu.memory_space<vmem_shared>> -> memref<10000x128xf32, #tpu.memory_space<vmem_shared>>
        tpu.wait_indirect_dma semaphore(%arg16 : memref<!tpu.dma_semaphore, #tpu.memory_space<semaphore_mem>>) src(%dma_wait3A_480 : memref<40x128xf32, #tpu.memory_space<vmem>>) dst(%dma_wait3A_486 : memref<10000x128xf32, #tpu.memory_space<vmem_shared>>)
      } else {
      }
      %add3A_253 = arith.constant 2 : i32
      %add3A_254 = arith.addi %mul3A_218, %add3A_253 : i32
      %div3A_255 = arith.constant 8 : i32
      %div3A_256 = arith.divsi %add3A_254, %div3A_255 : i32
      %rem3A_257 = arith.constant 2 : i32
      %rem3A_258 = arith.remsi %div3A_256, %rem3A_257 : i32
      %rem3A_259 = arith.constant 8 : i32
      %rem3A_260 = arith.remsi %add3A_254, %rem3A_259 : i32
      %dma_start3A_261 = arith.constant 2 : i32
      %dma_start3A_262 = arith.constant 0 : i32
      %dma_start3A_263 = arith.constant 0 : i32
      %dma_start3A_264 = tpu.memref_slice %arg8[%dma_start3A_261, %dma_start3A_262, %dma_start3A_263] : memref<4x40x128xf32, #tpu.memory_space<vmem>> -> memref<1x40x128xf32, #tpu.memory_space<vmem>>
      %dma_start3A_265 = tpu.memref_squeeze %dma_start3A_264 : memref<1x40x128xf32, #tpu.memory_space<vmem>> -> memref<40x128xf32, #tpu.memory_space<vmem>>
      %dma_start3A_266 = arith.constant 0 : i32
      %dma_start3A_267 = tpu.memref_slice %arg6[%rem3A_258, %rem3A_260, %dma_start3A_266] : memref<2x8x40xi32, #tpu.memory_space<vmem>> -> memref<1x1x40xi32, #tpu.memory_space<vmem>>
      %dma_start3A_268 = tpu.memref_squeeze %dma_start3A_267 : memref<1x1x40xi32, #tpu.memory_space<vmem>> -> memref<40xi32, #tpu.memory_space<vmem>>
      %dma_start3A_269 = arith.constant 0 : i32
      %dma_start3A_270 = arith.constant 0 : i32
      %dma_start3A_271 = tpu.memref_slice %arg2[%dma_start3A_269, %dma_start3A_270] : memref<10000x128xf32, #tpu.memory_space<hbm>> -> memref<10000x128xf32, #tpu.memory_space<hbm>>
      tpu.enqueue_indirect_dma source(%dma_start3A_271 : memref<10000x128xf32, #tpu.memory_space<hbm>>) target(%dma_start3A_265 : memref<40x128xf32, #tpu.memory_space<vmem>>) offsets(%dma_start3A_268 : memref<40xi32, #tpu.memory_space<vmem>>) semaphore(%arg12 : memref<!tpu.dma_semaphore, #tpu.memory_space<semaphore_mem>>)
      %dma_wait3A_272 = arith.constant 0 : i32
      %dma_wait3A_273 = arith.constant 0 : i32
      %dma_wait3A_274 = arith.constant 1 : i32
      %dma_wait3A_275 = arith.constant 0 : i32
      %dma_wait3A_276 = arith.constant 0 : i32
      %dma_wait3A_277 = tpu.memref_slice %arg8[%dma_wait3A_274, %dma_wait3A_275, %dma_wait3A_276] : memref<4x40x128xf32, #tpu.memory_space<vmem>> -> memref<1x40x128xf32, #tpu.memory_space<vmem>>
      %dma_wait3A_278 = tpu.memref_squeeze %dma_wait3A_277 : memref<1x40x128xf32, #tpu.memory_space<vmem>> -> memref<40x128xf32, #tpu.memory_space<vmem>>
      %dma_wait3A_279 = arith.constant 0 : i32
      %dma_wait3A_280 = tpu.memref_slice %arg6[%dma_wait3A_272, %dma_wait3A_273, %dma_wait3A_279] : memref<2x8x40xi32, #tpu.memory_space<vmem>> -> memref<1x1x40xi32, #tpu.memory_space<vmem>>
      %dma_wait3A_281 = tpu.memref_squeeze %dma_wait3A_280 : memref<1x1x40xi32, #tpu.memory_space<vmem>> -> memref<40xi32, #tpu.memory_space<vmem>>
      %dma_wait3A_282 = arith.constant 0 : i32
      %dma_wait3A_283 = arith.constant 0 : i32
      %dma_wait3A_284 = tpu.memref_slice %arg2[%dma_wait3A_282, %dma_wait3A_283] : memref<10000x128xf32, #tpu.memory_space<hbm>> -> memref<10000x128xf32, #tpu.memory_space<hbm>>
      tpu.wait_indirect_dma semaphore(%arg11 : memref<!tpu.dma_semaphore, #tpu.memory_space<semaphore_mem>>) src(%dma_wait3A_284 : memref<10000x128xf32, #tpu.memory_space<hbm>>) dst(%dma_wait3A_278 : memref<40x128xf32, #tpu.memory_space<vmem>>)
      %add3A_285 = arith.constant 1 : i32
      %add3A_286 = arith.addi %mul3A_218, %add3A_285 : i32
      %div3A_287 = arith.constant 8 : i32
      %div3A_288 = arith.divsi %add3A_286, %div3A_287 : i32
      %rem3A_289 = arith.constant 2 : i32
      %rem3A_290 = arith.remsi %div3A_288, %rem3A_289 : i32
      %rem3A_291 = arith.constant 8 : i32
      %rem3A_292 = arith.remsi %add3A_286, %rem3A_291 : i32
      %dma_start3A_293 = arith.constant 1 : i32
      %dma_start3A_294 = arith.constant 0 : i32
      %dma_start3A_295 = arith.constant 0 : i32
      %dma_start3A_296 = tpu.memref_slice %arg8[%dma_start3A_293, %dma_start3A_294, %dma_start3A_295] : memref<4x40x128xf32, #tpu.memory_space<vmem>> -> memref<1x40x128xf32, #tpu.memory_space<vmem>>
      %dma_start3A_297 = tpu.memref_squeeze %dma_start3A_296 : memref<1x40x128xf32, #tpu.memory_space<vmem>> -> memref<40x128xf32, #tpu.memory_space<vmem>>
      %dma_start3A_298 = arith.constant 0 : i32
      %dma_start3A_299 = tpu.memref_slice %arg7[%rem3A_290, %rem3A_292, %dma_start3A_298] : memref<2x8x40xi32, #tpu.memory_space<vmem>> -> memref<1x1x40xi32, #tpu.memory_space<vmem>>
      %dma_start3A_300 = tpu.memref_squeeze %dma_start3A_299 : memref<1x1x40xi32, #tpu.memory_space<vmem>> -> memref<40xi32, #tpu.memory_space<vmem>>
      %dma_start3A_301 = arith.constant 0 : i32
      %dma_start3A_302 = arith.constant 0 : i32
      %dma_start3A_303 = tpu.memref_slice %arg9[%dma_start3A_301, %dma_start3A_302] : memref<10000x128xf32, #tpu.memory_space<vmem_shared>> -> memref<10000x128xf32, #tpu.memory_space<vmem_shared>>
      tpu.enqueue_indirect_dma source(%dma_start3A_297 : memref<40x128xf32, #tpu.memory_space<vmem>>) target(%dma_start3A_303 : memref<10000x128xf32, #tpu.memory_space<vmem_shared>>) offsets(%dma_start3A_300 : memref<40xi32, #tpu.memory_space<vmem>>) semaphore(%arg15 : memref<!tpu.dma_semaphore, #tpu.memory_space<semaphore_mem>>) {add = true}
      %gt3A_304 = arith.constant 0 : i32
      %gt3A_305 = arith.cmpi sgt, %scan3A_216, %gt3A_304 : i32
      %convert_element_type3A_306 = arith.extui %gt3A_305 : i1 to i32
      %cond3A_307 = arith.constant 0 : i32
      %cond3A_308 = arith.cmpi ne, %convert_element_type3A_306, %cond3A_307 : i32
      scf.if %cond3A_308 {
        %dma_wait3A_474 = arith.constant 3 : i32
        %dma_wait3A_475 = arith.constant 0 : i32
        %dma_wait3A_476 = arith.constant 0 : i32
        %dma_wait3A_477 = arith.constant 0 : i32
        %dma_wait3A_478 = arith.constant 0 : i32
        %dma_wait3A_479 = tpu.memref_slice %arg8[%dma_wait3A_474, %dma_wait3A_477, %dma_wait3A_478] : memref<4x40x128xf32, #tpu.memory_space<vmem>> -> memref<1x40x128xf32, #tpu.memory_space<vmem>>
        %dma_wait3A_480 = tpu.memref_squeeze %dma_wait3A_479 : memref<1x40x128xf32, #tpu.memory_space<vmem>> -> memref<40x128xf32, #tpu.memory_space<vmem>>
        %dma_wait3A_481 = arith.constant 0 : i32
        %dma_wait3A_482 = tpu.memref_slice %arg7[%dma_wait3A_475, %dma_wait3A_476, %dma_wait3A_481] : memref<2x8x40xi32, #tpu.memory_space<vmem>> -> memref<1x1x40xi32, #tpu.memory_space<vmem>>
        %dma_wait3A_483 = tpu.memref_squeeze %dma_wait3A_482 : memref<1x1x40xi32, #tpu.memory_space<vmem>> -> memref<40xi32, #tpu.memory_space<vmem>>
        %dma_wait3A_484 = arith.constant 0 : i32
        %dma_wait3A_485 = arith.constant 0 : i32
        %dma_wait3A_486 = tpu.memref_slice %arg9[%dma_wait3A_484, %dma_wait3A_485] : memref<10000x128xf32, #tpu.memory_space<vmem_shared>> -> memref<10000x128xf32, #tpu.memory_space<vmem_shared>>
        tpu.wait_indirect_dma semaphore(%arg17 : memref<!tpu.dma_semaphore, #tpu.memory_space<semaphore_mem>>) src(%dma_wait3A_480 : memref<40x128xf32, #tpu.memory_space<vmem>>) dst(%dma_wait3A_486 : memref<10000x128xf32, #tpu.memory_space<vmem_shared>>)
      } else {
      }
      %add3A_309 = arith.constant 3 : i32
      %add3A_310 = arith.addi %mul3A_218, %add3A_309 : i32
      %div3A_311 = arith.constant 8 : i32
      %div3A_312 = arith.divsi %add3A_310, %div3A_311 : i32
      %rem3A_313 = arith.constant 2 : i32
      %rem3A_314 = arith.remsi %div3A_312, %rem3A_313 : i32
      %rem3A_315 = arith.constant 8 : i32
      %rem3A_316 = arith.remsi %add3A_310, %rem3A_315 : i32
      %dma_start3A_317 = arith.constant 3 : i32
      %dma_start3A_318 = arith.constant 0 : i32
      %dma_start3A_319 = arith.constant 0 : i32
      %dma_start3A_320 = tpu.memref_slice %arg8[%dma_start3A_317, %dma_start3A_318, %dma_start3A_319] : memref<4x40x128xf32, #tpu.memory_space<vmem>> -> memref<1x40x128xf32, #tpu.memory_space<vmem>>
      %dma_start3A_321 = tpu.memref_squeeze %dma_start3A_320 : memref<1x40x128xf32, #tpu.memory_space<vmem>> -> memref<40x128xf32, #tpu.memory_space<vmem>>
      %dma_start3A_322 = arith.constant 0 : i32
      %dma_start3A_323 = tpu.memref_slice %arg6[%rem3A_314, %rem3A_316, %dma_start3A_322] : memref<2x8x40xi32, #tpu.memory_space<vmem>> -> memref<1x1x40xi32, #tpu.memory_space<vmem>>
      %dma_start3A_324 = tpu.memref_squeeze %dma_start3A_323 : memref<1x1x40xi32, #tpu.memory_space<vmem>> -> memref<40xi32, #tpu.memory_space<vmem>>
      %dma_start3A_325 = arith.constant 0 : i32
      %dma_start3A_326 = arith.constant 0 : i32
      %dma_start3A_327 = tpu.memref_slice %arg2[%dma_start3A_325, %dma_start3A_326] : memref<10000x128xf32, #tpu.memory_space<hbm>> -> memref<10000x128xf32, #tpu.memory_space<hbm>>
      tpu.enqueue_indirect_dma source(%dma_start3A_327 : memref<10000x128xf32, #tpu.memory_space<hbm>>) target(%dma_start3A_321 : memref<40x128xf32, #tpu.memory_space<vmem>>) offsets(%dma_start3A_324 : memref<40xi32, #tpu.memory_space<vmem>>) semaphore(%arg13 : memref<!tpu.dma_semaphore, #tpu.memory_space<semaphore_mem>>)
      %rem3A_328 = arith.constant 2 : i32
      %rem3A_329 = arith.remsi %scan3A_216, %rem3A_328 : i32
      %eq3A_330 = arith.constant 0 : i32
      %eq3A_331 = arith.cmpi eq, %rem3A_329, %eq3A_330 : i32
      %gt3A_332 = arith.constant 0 : i32
      %gt3A_333 = arith.cmpi sgt, %scan3A_216, %gt3A_332 : i32
      %and3A = arith.andi %eq3A_331, %gt3A_333 : i1
      %lt3A = arith.constant 61 : i32
      %lt3A_334 = arith.cmpi slt, %scan3A_216, %lt3A : i32
      %and3A_335 = arith.andi %and3A, %lt3A_334 : i1
      %convert_element_type3A_336 = arith.extui %and3A_335 : i1 to i32
      %cond3A_337 = arith.constant 0 : i32
      %cond3A_338 = arith.cmpi ne, %convert_element_type3A_336, %cond3A_337 : i32
      scf.if %cond3A_338 {
        %div3A_474 = arith.constant 2 : i32
        %div3A_475 = arith.divsi %scan3A_216, %div3A_474 : i32
        %add3A_476 = arith.constant 1 : i32
        %add3A_477 = arith.addi %div3A_475, %add3A_476 : i32
        %mul3A_478 = arith.constant 8 : i32
        %mul3A_479 = arith.muli %add3A_477, %mul3A_478 : i32
        %multiple_of3A_480 = tpu.assume_multiple %mul3A_479, 8 : i32
        %rem3A_481 = arith.constant 2 : i32
        %rem3A_482 = arith.remsi %add3A_477, %rem3A_481 : i32
        %dma_start3A_483 = arith.constant 0 : i32
        %dma_start3A_484 = arith.constant 0 : i32
        %dma_start3A_485 = arith.constant 0 : i32
        %dma_start3A_486 = tpu.memref_slice %arg6[%rem3A_482, %dma_start3A_484, %dma_start3A_485] : memref<2x8x40xi32, #tpu.memory_space<vmem>> -> memref<1x8x40xi32, #tpu.memory_space<vmem>>
        %dma_start3A_487 = tpu.memref_squeeze %dma_start3A_486 : memref<1x8x40xi32, #tpu.memory_space<vmem>> -> memref<8x40xi32, #tpu.memory_space<vmem>>
        %dma_start3A_488 = arith.constant 0 : i32
        %dma_start3A_489 = tpu.memref_slice %arg3[%dma_start3A_483, %add3A, %multiple_of3A_480, %dma_start3A_488] : memref<2x32x256x40xi32, #tpu.memory_space<hbm>> -> memref<1x1x8x40xi32, #tpu.memory_space<hbm>>
        %dma_start3A_490 = tpu.memref_squeeze %dma_start3A_489 : memref<1x1x8x40xi32, #tpu.memory_space<hbm>> -> memref<8x40xi32, #tpu.memory_space<hbm>>
        %dma_start3A_491 = arith.constant 0 : i32
        %dma_start3A_492 = arith.constant 0 : i32
        %dma_start3A_493 = tpu.memref_slice %arg6[%rem3A_482, %dma_start3A_491, %dma_start3A_492] : memref<2x8x40xi32, #tpu.memory_space<vmem>> -> memref<1x8x40xi32, #tpu.memory_space<vmem>>
        %dma_start3A_494 = tpu.memref_squeeze %dma_start3A_493 : memref<1x8x40xi32, #tpu.memory_space<vmem>> -> memref<8x40xi32, #tpu.memory_space<vmem>>
        %dma_start3A_495 = arith.constant 0 : i32
        %dma_start3A_496 = tpu.memref_slice %arg3[%dma_start3A_483, %add3A, %multiple_of3A_480, %dma_start3A_495] : memref<2x32x256x40xi32, #tpu.memory_space<hbm>> -> memref<1x1x8x40xi32, #tpu.memory_space<hbm>>
        %dma_start3A_497 = tpu.memref_squeeze %dma_start3A_496 : memref<1x1x8x40xi32, #tpu.memory_space<hbm>> -> memref<8x40xi32, #tpu.memory_space<hbm>>
        tpu.enqueue_dma source(%dma_start3A_497 : memref<8x40xi32, #tpu.memory_space<hbm>>) target(%dma_start3A_494 : memref<8x40xi32, #tpu.memory_space<vmem>>) target_semaphore(%arg18 : memref<!tpu.dma_semaphore, #tpu.memory_space<semaphore_mem>>)
        %dma_start3A_498 = arith.constant 1 : i32
        %dma_start3A_499 = arith.constant 0 : i32
        %dma_start3A_500 = arith.constant 0 : i32
        %dma_start3A_501 = tpu.memref_slice %arg7[%rem3A_482, %dma_start3A_499, %dma_start3A_500] : memref<2x8x40xi32, #tpu.memory_space<vmem>> -> memref<1x8x40xi32, #tpu.memory_space<vmem>>
        %dma_start3A_502 = tpu.memref_squeeze %dma_start3A_501 : memref<1x8x40xi32, #tpu.memory_space<vmem>> -> memref<8x40xi32, #tpu.memory_space<vmem>>
        %dma_start3A_503 = arith.constant 0 : i32
        %dma_start3A_504 = tpu.memref_slice %arg3[%dma_start3A_498, %add3A, %multiple_of3A_480, %dma_start3A_503] : memref<2x32x256x40xi32, #tpu.memory_space<hbm>> -> memref<1x1x8x40xi32, #tpu.memory_space<hbm>>
        %dma_start3A_505 = tpu.memref_squeeze %dma_start3A_504 : memref<1x1x8x40xi32, #tpu.memory_space<hbm>> -> memref<8x40xi32, #tpu.memory_space<hbm>>
        %dma_start3A_506 = arith.constant 0 : i32
        %dma_start3A_507 = arith.constant 0 : i32
        %dma_start3A_508 = tpu.memref_slice %arg7[%rem3A_482, %dma_start3A_506, %dma_start3A_507] : memref<2x8x40xi32, #tpu.memory_space<vmem>> -> memref<1x8x40xi32, #tpu.memory_space<vmem>>
        %dma_start3A_509 = tpu.memref_squeeze %dma_start3A_508 : memref<1x8x40xi32, #tpu.memory_space<vmem>> -> memref<8x40xi32, #tpu.memory_space<vmem>>
        %dma_start3A_510 = arith.constant 0 : i32
        %dma_start3A_511 = tpu.memref_slice %arg3[%dma_start3A_498, %add3A, %multiple_of3A_480, %dma_start3A_510] : memref<2x32x256x40xi32, #tpu.memory_space<hbm>> -> memref<1x1x8x40xi32, #tpu.memory_space<hbm>>
        %dma_start3A_512 = tpu.memref_squeeze %dma_start3A_511 : memref<1x1x8x40xi32, #tpu.memory_space<hbm>> -> memref<8x40xi32, #tpu.memory_space<hbm>>
        tpu.enqueue_dma source(%dma_start3A_512 : memref<8x40xi32, #tpu.memory_space<hbm>>) target(%dma_start3A_509 : memref<8x40xi32, #tpu.memory_space<vmem>>) target_semaphore(%arg19 : memref<!tpu.dma_semaphore, #tpu.memory_space<semaphore_mem>>)
      } else {
      }
      %dma_wait3A_339 = arith.constant 0 : i32
      %dma_wait3A_340 = arith.constant 0 : i32
      %dma_wait3A_341 = arith.constant 2 : i32
      %dma_wait3A_342 = arith.constant 0 : i32
      %dma_wait3A_343 = arith.constant 0 : i32
      %dma_wait3A_344 = tpu.memref_slice %arg8[%dma_wait3A_341, %dma_wait3A_342, %dma_wait3A_343] : memref<4x40x128xf32, #tpu.memory_space<vmem>> -> memref<1x40x128xf32, #tpu.memory_space<vmem>>
      %dma_wait3A_345 = tpu.memref_squeeze %dma_wait3A_344 : memref<1x40x128xf32, #tpu.memory_space<vmem>> -> memref<40x128xf32, #tpu.memory_space<vmem>>
      %dma_wait3A_346 = arith.constant 0 : i32
      %dma_wait3A_347 = tpu.memref_slice %arg6[%dma_wait3A_339, %dma_wait3A_340, %dma_wait3A_346] : memref<2x8x40xi32, #tpu.memory_space<vmem>> -> memref<1x1x40xi32, #tpu.memory_space<vmem>>
      %dma_wait3A_348 = tpu.memref_squeeze %dma_wait3A_347 : memref<1x1x40xi32, #tpu.memory_space<vmem>> -> memref<40xi32, #tpu.memory_space<vmem>>
      %dma_wait3A_349 = arith.constant 0 : i32
      %dma_wait3A_350 = arith.constant 0 : i32
      %dma_wait3A_351 = tpu.memref_slice %arg2[%dma_wait3A_349, %dma_wait3A_350] : memref<10000x128xf32, #tpu.memory_space<hbm>> -> memref<10000x128xf32, #tpu.memory_space<hbm>>
      tpu.wait_indirect_dma semaphore(%arg12 : memref<!tpu.dma_semaphore, #tpu.memory_space<semaphore_mem>>) src(%dma_wait3A_351 : memref<10000x128xf32, #tpu.memory_space<hbm>>) dst(%dma_wait3A_345 : memref<40x128xf32, #tpu.memory_space<vmem>>)
      %add3A_352 = arith.constant 2 : i32
      %add3A_353 = arith.addi %mul3A_218, %add3A_352 : i32
      %div3A_354 = arith.constant 8 : i32
      %div3A_355 = arith.divsi %add3A_353, %div3A_354 : i32
      %rem3A_356 = arith.constant 2 : i32
      %rem3A_357 = arith.remsi %div3A_355, %rem3A_356 : i32
      %rem3A_358 = arith.constant 8 : i32
      %rem3A_359 = arith.remsi %add3A_353, %rem3A_358 : i32
      %dma_start3A_360 = arith.constant 2 : i32
      %dma_start3A_361 = arith.constant 0 : i32
      %dma_start3A_362 = arith.constant 0 : i32
      %dma_start3A_363 = tpu.memref_slice %arg8[%dma_start3A_360, %dma_start3A_361, %dma_start3A_362] : memref<4x40x128xf32, #tpu.memory_space<vmem>> -> memref<1x40x128xf32, #tpu.memory_space<vmem>>
      %dma_start3A_364 = tpu.memref_squeeze %dma_start3A_363 : memref<1x40x128xf32, #tpu.memory_space<vmem>> -> memref<40x128xf32, #tpu.memory_space<vmem>>
      %dma_start3A_365 = arith.constant 0 : i32
      %dma_start3A_366 = tpu.memref_slice %arg7[%rem3A_357, %rem3A_359, %dma_start3A_365] : memref<2x8x40xi32, #tpu.memory_space<vmem>> -> memref<1x1x40xi32, #tpu.memory_space<vmem>>
      %dma_start3A_367 = tpu.memref_squeeze %dma_start3A_366 : memref<1x1x40xi32, #tpu.memory_space<vmem>> -> memref<40xi32, #tpu.memory_space<vmem>>
      %dma_start3A_368 = arith.constant 0 : i32
      %dma_start3A_369 = arith.constant 0 : i32
      %dma_start3A_370 = tpu.memref_slice %arg9[%dma_start3A_368, %dma_start3A_369] : memref<10000x128xf32, #tpu.memory_space<vmem_shared>> -> memref<10000x128xf32, #tpu.memory_space<vmem_shared>>
      tpu.enqueue_indirect_dma source(%dma_start3A_364 : memref<40x128xf32, #tpu.memory_space<vmem>>) target(%dma_start3A_370 : memref<10000x128xf32, #tpu.memory_space<vmem_shared>>) offsets(%dma_start3A_367 : memref<40xi32, #tpu.memory_space<vmem>>) semaphore(%arg16 : memref<!tpu.dma_semaphore, #tpu.memory_space<semaphore_mem>>) {add = true}
      %dma_wait3A_371 = arith.constant 0 : i32
      %dma_wait3A_372 = arith.constant 0 : i32
      %dma_wait3A_373 = arith.constant 0 : i32
      %dma_wait3A_374 = arith.constant 0 : i32
      %dma_wait3A_375 = arith.constant 0 : i32
      %dma_wait3A_376 = tpu.memref_slice %arg8[%dma_wait3A_371, %dma_wait3A_374, %dma_wait3A_375] : memref<4x40x128xf32, #tpu.memory_space<vmem>> -> memref<1x40x128xf32, #tpu.memory_space<vmem>>
      %dma_wait3A_377 = tpu.memref_squeeze %dma_wait3A_376 : memref<1x40x128xf32, #tpu.memory_space<vmem>> -> memref<40x128xf32, #tpu.memory_space<vmem>>
      %dma_wait3A_378 = arith.constant 0 : i32
      %dma_wait3A_379 = tpu.memref_slice %arg7[%dma_wait3A_372, %dma_wait3A_373, %dma_wait3A_378] : memref<2x8x40xi32, #tpu.memory_space<vmem>> -> memref<1x1x40xi32, #tpu.memory_space<vmem>>
      %dma_wait3A_380 = tpu.memref_squeeze %dma_wait3A_379 : memref<1x1x40xi32, #tpu.memory_space<vmem>> -> memref<40xi32, #tpu.memory_space<vmem>>
      %dma_wait3A_381 = arith.constant 0 : i32
      %dma_wait3A_382 = arith.constant 0 : i32
      %dma_wait3A_383 = tpu.memref_slice %arg9[%dma_wait3A_381, %dma_wait3A_382] : memref<10000x128xf32, #tpu.memory_space<vmem_shared>> -> memref<10000x128xf32, #tpu.memory_space<vmem_shared>>
      tpu.wait_indirect_dma semaphore(%arg14 : memref<!tpu.dma_semaphore, #tpu.memory_space<semaphore_mem>>) src(%dma_wait3A_377 : memref<40x128xf32, #tpu.memory_space<vmem>>) dst(%dma_wait3A_383 : memref<10000x128xf32, #tpu.memory_space<vmem_shared>>)
      %rem3A_384 = arith.constant 2 : i32
      %rem3A_385 = arith.remsi %scan3A_216, %rem3A_384 : i32
      %eq3A_386 = arith.constant 1 : i32
      %eq3A_387 = arith.cmpi eq, %rem3A_385, %eq3A_386 : i32
      %convert_element_type3A_388 = arith.extui %eq3A_387 : i1 to i32
      %cond3A_389 = arith.constant 0 : i32
      %cond3A_390 = arith.cmpi ne, %convert_element_type3A_388, %cond3A_389 : i32
      scf.if %cond3A_390 {
        %div3A_474 = arith.constant 2 : i32
        %div3A_475 = arith.divsi %scan3A_216, %div3A_474 : i32
        %add3A_476 = arith.constant 1 : i32
        %add3A_477 = arith.addi %div3A_475, %add3A_476 : i32
        %mul3A_478 = arith.constant 8 : i32
        %mul3A_479 = arith.muli %add3A_477, %mul3A_478 : i32
        %multiple_of3A_480 = tpu.assume_multiple %mul3A_479, 8 : i32
        %rem3A_481 = arith.constant 2 : i32
        %rem3A_482 = arith.remsi %add3A_477, %rem3A_481 : i32
        %dma_wait3A_483 = arith.constant 0 : i32
        %dma_wait3A_484 = arith.constant 0 : i32
        %dma_wait3A_485 = arith.constant 0 : i32
        %dma_wait3A_486 = tpu.memref_slice %arg6[%rem3A_482, %dma_wait3A_484, %dma_wait3A_485] : memref<2x8x40xi32, #tpu.memory_space<vmem>> -> memref<1x8x40xi32, #tpu.memory_space<vmem>>
        %dma_wait3A_487 = tpu.memref_squeeze %dma_wait3A_486 : memref<1x8x40xi32, #tpu.memory_space<vmem>> -> memref<8x40xi32, #tpu.memory_space<vmem>>
        %dma_wait3A_488 = arith.constant 0 : i32
        %dma_wait3A_489 = tpu.memref_slice %arg3[%dma_wait3A_483, %add3A, %multiple_of3A_480, %dma_wait3A_488] : memref<2x32x256x40xi32, #tpu.memory_space<hbm>> -> memref<1x1x8x40xi32, #tpu.memory_space<hbm>>
        %dma_wait3A_490 = tpu.memref_squeeze %dma_wait3A_489 : memref<1x1x8x40xi32, #tpu.memory_space<hbm>> -> memref<8x40xi32, #tpu.memory_space<hbm>>
        %dma_wait3A_491 = arith.constant 0 : i32
        %dma_wait3A_492 = arith.constant 0 : i32
        %dma_wait3A_493 = tpu.memref_slice %arg6[%rem3A_482, %dma_wait3A_491, %dma_wait3A_492] : memref<2x8x40xi32, #tpu.memory_space<vmem>> -> memref<1x8x40xi32, #tpu.memory_space<vmem>>
        %dma_wait3A_494 = tpu.memref_squeeze %dma_wait3A_493 : memref<1x8x40xi32, #tpu.memory_space<vmem>> -> memref<8x40xi32, #tpu.memory_space<vmem>>
        %dma_wait3A_495 = arith.constant 0 : i32
        %dma_wait3A_496 = tpu.memref_slice %arg3[%dma_wait3A_483, %add3A, %multiple_of3A_480, %dma_wait3A_495] : memref<2x32x256x40xi32, #tpu.memory_space<hbm>> -> memref<1x1x8x40xi32, #tpu.memory_space<hbm>>
        %dma_wait3A_497 = tpu.memref_squeeze %dma_wait3A_496 : memref<1x1x8x40xi32, #tpu.memory_space<hbm>> -> memref<8x40xi32, #tpu.memory_space<hbm>>
        tpu.wait_dma2 semaphore(%arg18 : memref<!tpu.dma_semaphore, #tpu.memory_space<semaphore_mem>>) src(%dma_wait3A_497 : memref<8x40xi32, #tpu.memory_space<hbm>>) dst(%dma_wait3A_494 : memref<8x40xi32, #tpu.memory_space<vmem>>)
        %dma_wait3A_498 = arith.constant 1 : i32
        %dma_wait3A_499 = arith.constant 0 : i32
        %dma_wait3A_500 = arith.constant 0 : i32
        %dma_wait3A_501 = tpu.memref_slice %arg7[%rem3A_482, %dma_wait3A_499, %dma_wait3A_500] : memref<2x8x40xi32, #tpu.memory_space<vmem>> -> memref<1x8x40xi32, #tpu.memory_space<vmem>>
        %dma_wait3A_502 = tpu.memref_squeeze %dma_wait3A_501 : memref<1x8x40xi32, #tpu.memory_space<vmem>> -> memref<8x40xi32, #tpu.memory_space<vmem>>
        %dma_wait3A_503 = arith.constant 0 : i32
        %dma_wait3A_504 = tpu.memref_slice %arg3[%dma_wait3A_498, %add3A, %multiple_of3A_480, %dma_wait3A_503] : memref<2x32x256x40xi32, #tpu.memory_space<hbm>> -> memref<1x1x8x40xi32, #tpu.memory_space<hbm>>
        %dma_wait3A_505 = tpu.memref_squeeze %dma_wait3A_504 : memref<1x1x8x40xi32, #tpu.memory_space<hbm>> -> memref<8x40xi32, #tpu.memory_space<hbm>>
        %dma_wait3A_506 = arith.constant 0 : i32
        %dma_wait3A_507 = arith.constant 0 : i32
        %dma_wait3A_508 = tpu.memref_slice %arg7[%rem3A_482, %dma_wait3A_506, %dma_wait3A_507] : memref<2x8x40xi32, #tpu.memory_space<vmem>> -> memref<1x8x40xi32, #tpu.memory_space<vmem>>
        %dma_wait3A_509 = tpu.memref_squeeze %dma_wait3A_508 : memref<1x8x40xi32, #tpu.memory_space<vmem>> -> memref<8x40xi32, #tpu.memory_space<vmem>>
        %dma_wait3A_510 = arith.constant 0 : i32
        %dma_wait3A_511 = tpu.memref_slice %arg3[%dma_wait3A_498, %add3A, %multiple_of3A_480, %dma_wait3A_510] : memref<2x32x256x40xi32, #tpu.memory_space<hbm>> -> memref<1x1x8x40xi32, #tpu.memory_space<hbm>>
        %dma_wait3A_512 = tpu.memref_squeeze %dma_wait3A_511 : memref<1x1x8x40xi32, #tpu.memory_space<hbm>> -> memref<8x40xi32, #tpu.memory_space<hbm>>
        tpu.wait_dma2 semaphore(%arg19 : memref<!tpu.dma_semaphore, #tpu.memory_space<semaphore_mem>>) src(%dma_wait3A_512 : memref<8x40xi32, #tpu.memory_space<hbm>>) dst(%dma_wait3A_509 : memref<8x40xi32, #tpu.memory_space<vmem>>)
      } else {
      }
      %add3A_391 = arith.constant 4 : i32
      %add3A_392 = arith.addi %mul3A_218, %add3A_391 : i32
      %div3A_393 = arith.constant 8 : i32
      %div3A_394 = arith.divsi %add3A_392, %div3A_393 : i32
      %rem3A_395 = arith.constant 2 : i32
      %rem3A_396 = arith.remsi %div3A_394, %rem3A_395 : i32
      %rem3A_397 = arith.constant 8 : i32
      %rem3A_398 = arith.remsi %add3A_392, %rem3A_397 : i32
      %dma_start3A_399 = arith.constant 0 : i32
      %dma_start3A_400 = arith.constant 0 : i32
      %dma_start3A_401 = arith.constant 0 : i32
      %dma_start3A_402 = tpu.memref_slice %arg8[%dma_start3A_399, %dma_start3A_400, %dma_start3A_401] : memref<4x40x128xf32, #tpu.memory_space<vmem>> -> memref<1x40x128xf32, #tpu.memory_space<vmem>>
      %dma_start3A_403 = tpu.memref_squeeze %dma_start3A_402 : memref<1x40x128xf32, #tpu.memory_space<vmem>> -> memref<40x128xf32, #tpu.memory_space<vmem>>
      %dma_start3A_404 = arith.constant 0 : i32
      %dma_start3A_405 = tpu.memref_slice %arg6[%rem3A_396, %rem3A_398, %dma_start3A_404] : memref<2x8x40xi32, #tpu.memory_space<vmem>> -> memref<1x1x40xi32, #tpu.memory_space<vmem>>
      %dma_start3A_406 = tpu.memref_squeeze %dma_start3A_405 : memref<1x1x40xi32, #tpu.memory_space<vmem>> -> memref<40xi32, #tpu.memory_space<vmem>>
      %dma_start3A_407 = arith.constant 0 : i32
      %dma_start3A_408 = arith.constant 0 : i32
      %dma_start3A_409 = tpu.memref_slice %arg2[%dma_start3A_407, %dma_start3A_408] : memref<10000x128xf32, #tpu.memory_space<hbm>> -> memref<10000x128xf32, #tpu.memory_space<hbm>>
      tpu.enqueue_indirect_dma source(%dma_start3A_409 : memref<10000x128xf32, #tpu.memory_space<hbm>>) target(%dma_start3A_403 : memref<40x128xf32, #tpu.memory_space<vmem>>) offsets(%dma_start3A_406 : memref<40xi32, #tpu.memory_space<vmem>>) semaphore(%arg10 : memref<!tpu.dma_semaphore, #tpu.memory_space<semaphore_mem>>)
      %dma_wait3A_410 = arith.constant 0 : i32
      %dma_wait3A_411 = arith.constant 0 : i32
      %dma_wait3A_412 = arith.constant 3 : i32
      %dma_wait3A_413 = arith.constant 0 : i32
      %dma_wait3A_414 = arith.constant 0 : i32
      %dma_wait3A_415 = tpu.memref_slice %arg8[%dma_wait3A_412, %dma_wait3A_413, %dma_wait3A_414] : memref<4x40x128xf32, #tpu.memory_space<vmem>> -> memref<1x40x128xf32, #tpu.memory_space<vmem>>
      %dma_wait3A_416 = tpu.memref_squeeze %dma_wait3A_415 : memref<1x40x128xf32, #tpu.memory_space<vmem>> -> memref<40x128xf32, #tpu.memory_space<vmem>>
      %dma_wait3A_417 = arith.constant 0 : i32
      %dma_wait3A_418 = tpu.memref_slice %arg6[%dma_wait3A_410, %dma_wait3A_411, %dma_wait3A_417] : memref<2x8x40xi32, #tpu.memory_space<vmem>> -> memref<1x1x40xi32, #tpu.memory_space<vmem>>
      %dma_wait3A_419 = tpu.memref_squeeze %dma_wait3A_418 : memref<1x1x40xi32, #tpu.memory_space<vmem>> -> memref<40xi32, #tpu.memory_space<vmem>>
      %dma_wait3A_420 = arith.constant 0 : i32
      %dma_wait3A_421 = arith.constant 0 : i32
      %dma_wait3A_422 = tpu.memref_slice %arg2[%dma_wait3A_420, %dma_wait3A_421] : memref<10000x128xf32, #tpu.memory_space<hbm>> -> memref<10000x128xf32, #tpu.memory_space<hbm>>
      tpu.wait_indirect_dma semaphore(%arg13 : memref<!tpu.dma_semaphore, #tpu.memory_space<semaphore_mem>>) src(%dma_wait3A_422 : memref<10000x128xf32, #tpu.memory_space<hbm>>) dst(%dma_wait3A_416 : memref<40x128xf32, #tpu.memory_space<vmem>>)
      %add3A_423 = arith.constant 3 : i32
      %add3A_424 = arith.addi %mul3A_218, %add3A_423 : i32
      %div3A_425 = arith.constant 8 : i32
      %div3A_426 = arith.divsi %add3A_424, %div3A_425 : i32
      %rem3A_427 = arith.constant 2 : i32
      %rem3A_428 = arith.remsi %div3A_426, %rem3A_427 : i32
      %rem3A_429 = arith.constant 8 : i32
      %rem3A_430 = arith.remsi %add3A_424, %rem3A_429 : i32
      %dma_start3A_431 = arith.constant 3 : i32
      %dma_start3A_432 = arith.constant 0 : i32
      %dma_start3A_433 = arith.constant 0 : i32
      %dma_start3A_434 = tpu.memref_slice %arg8[%dma_start3A_431, %dma_start3A_432, %dma_start3A_433] : memref<4x40x128xf32, #tpu.memory_space<vmem>> -> memref<1x40x128xf32, #tpu.memory_space<vmem>>
      %dma_start3A_435 = tpu.memref_squeeze %dma_start3A_434 : memref<1x40x128xf32, #tpu.memory_space<vmem>> -> memref<40x128xf32, #tpu.memory_space<vmem>>
      %dma_start3A_436 = arith.constant 0 : i32
      %dma_start3A_437 = tpu.memref_slice %arg7[%rem3A_428, %rem3A_430, %dma_start3A_436] : memref<2x8x40xi32, #tpu.memory_space<vmem>> -> memref<1x1x40xi32, #tpu.memory_space<vmem>>
      %dma_start3A_438 = tpu.memref_squeeze %dma_start3A_437 : memref<1x1x40xi32, #tpu.memory_space<vmem>> -> memref<40xi32, #tpu.memory_space<vmem>>
      %dma_start3A_439 = arith.constant 0 : i32
      %dma_start3A_440 = arith.constant 0 : i32
      %dma_start3A_441 = tpu.memref_slice %arg9[%dma_start3A_439, %dma_start3A_440] : memref<10000x128xf32, #tpu.memory_space<vmem_shared>> -> memref<10000x128xf32, #tpu.memory_space<vmem_shared>>
      tpu.enqueue_indirect_dma source(%dma_start3A_435 : memref<40x128xf32, #tpu.memory_space<vmem>>) target(%dma_start3A_441 : memref<10000x128xf32, #tpu.memory_space<vmem_shared>>) offsets(%dma_start3A_438 : memref<40xi32, #tpu.memory_space<vmem>>) semaphore(%arg17 : memref<!tpu.dma_semaphore, #tpu.memory_space<semaphore_mem>>) {add = true}
      %dma_wait3A_442 = arith.constant 1 : i32
      %dma_wait3A_443 = arith.constant 0 : i32
      %dma_wait3A_444 = arith.constant 0 : i32
      %dma_wait3A_445 = arith.constant 0 : i32
      %dma_wait3A_446 = arith.constant 0 : i32
      %dma_wait3A_447 = tpu.memref_slice %arg8[%dma_wait3A_442, %dma_wait3A_445, %dma_wait3A_446] : memref<4x40x128xf32, #tpu.memory_space<vmem>> -> memref<1x40x128xf32, #tpu.memory_space<vmem>>
      %dma_wait3A_448 = tpu.memref_squeeze %dma_wait3A_447 : memref<1x40x128xf32, #tpu.memory_space<vmem>> -> memref<40x128xf32, #tpu.memory_space<vmem>>
      %dma_wait3A_449 = arith.constant 0 : i32
      %dma_wait3A_450 = tpu.memref_slice %arg7[%dma_wait3A_443, %dma_wait3A_444, %dma_wait3A_449] : memref<2x8x40xi32, #tpu.memory_space<vmem>> -> memref<1x1x40xi32, #tpu.memory_space<vmem>>
      %dma_wait3A_451 = tpu.memref_squeeze %dma_wait3A_450 : memref<1x1x40xi32, #tpu.memory_space<vmem>> -> memref<40xi32, #tpu.memory_space<vmem>>
      %dma_wait3A_452 = arith.constant 0 : i32
      %dma_wait3A_453 = arith.constant 0 : i32
      %dma_wait3A_454 = tpu.memref_slice %arg9[%dma_wait3A_452, %dma_wait3A_453] : memref<10000x128xf32, #tpu.memory_space<vmem_shared>> -> memref<10000x128xf32, #tpu.memory_space<vmem_shared>>
      tpu.wait_indirect_dma semaphore(%arg15 : memref<!tpu.dma_semaphore, #tpu.memory_space<semaphore_mem>>) src(%dma_wait3A_448 : memref<40x128xf32, #tpu.memory_space<vmem>>) dst(%dma_wait3A_454 : memref<10000x128xf32, #tpu.memory_space<vmem_shared>>)
      %add3A_455 = arith.constant 5 : i32
      %add3A_456 = arith.addi %mul3A_218, %add3A_455 : i32
      %div3A_457 = arith.constant 8 : i32
      %div3A_458 = arith.divsi %add3A_456, %div3A_457 : i32
      %rem3A_459 = arith.constant 2 : i32
      %rem3A_460 = arith.remsi %div3A_458, %rem3A_459 : i32
      %rem3A_461 = arith.constant 8 : i32
      %rem3A_462 = arith.remsi %add3A_456, %rem3A_461 : i32
      %dma_start3A_463 = arith.constant 1 : i32
      %dma_start3A_464 = arith.constant 0 : i32
      %dma_start3A_465 = arith.constant 0 : i32
      %dma_start3A_466 = tpu.memref_slice %arg8[%dma_start3A_463, %dma_start3A_464, %dma_start3A_465] : memref<4x40x128xf32, #tpu.memory_space<vmem>> -> memref<1x40x128xf32, #tpu.memory_space<vmem>>
      %dma_start3A_467 = tpu.memref_squeeze %dma_start3A_466 : memref<1x40x128xf32, #tpu.memory_space<vmem>> -> memref<40x128xf32, #tpu.memory_space<vmem>>
      %dma_start3A_468 = arith.constant 0 : i32
      %dma_start3A_469 = tpu.memref_slice %arg6[%rem3A_460, %rem3A_462, %dma_start3A_468] : memref<2x8x40xi32, #tpu.memory_space<vmem>> -> memref<1x1x40xi32, #tpu.memory_space<vmem>>
      %dma_start3A_470 = tpu.memref_squeeze %dma_start3A_469 : memref<1x1x40xi32, #tpu.memory_space<vmem>> -> memref<40xi32, #tpu.memory_space<vmem>>
      %dma_start3A_471 = arith.constant 0 : i32
      %dma_start3A_472 = arith.constant 0 : i32
      %dma_start3A_473 = tpu.memref_slice %arg2[%dma_start3A_471, %dma_start3A_472] : memref<10000x128xf32, #tpu.memory_space<hbm>> -> memref<10000x128xf32, #tpu.memory_space<hbm>>
      tpu.enqueue_indirect_dma source(%dma_start3A_473 : memref<10000x128xf32, #tpu.memory_space<hbm>>) target(%dma_start3A_467 : memref<40x128xf32, #tpu.memory_space<vmem>>) offsets(%dma_start3A_470 : memref<40xi32, #tpu.memory_space<vmem>>) semaphore(%arg11 : memref<!tpu.dma_semaphore, #tpu.memory_space<semaphore_mem>>)
    }
    %scan3A_90 = arith.constant 62 : i32
    %dma_wait3A = arith.constant 0 : i32
    %dma_wait3A_91 = arith.constant 0 : i32
    %dma_wait3A_92 = arith.constant 0 : i32
    %dma_wait3A_93 = arith.constant 0 : i32
    %dma_wait3A_94 = arith.constant 0 : i32
    %dma_wait3A_95 = tpu.memref_slice %arg8[%dma_wait3A_92, %dma_wait3A_93, %dma_wait3A_94] : memref<4x40x128xf32, #tpu.memory_space<vmem>> -> memref<1x40x128xf32, #tpu.memory_space<vmem>>
    %dma_wait3A_96 = tpu.memref_squeeze %dma_wait3A_95 : memref<1x40x128xf32, #tpu.memory_space<vmem>> -> memref<40x128xf32, #tpu.memory_space<vmem>>
    %dma_wait3A_97 = arith.constant 0 : i32
    %dma_wait3A_98 = tpu.memref_slice %arg6[%dma_wait3A, %dma_wait3A_91, %dma_wait3A_97] : memref<2x8x40xi32, #tpu.memory_space<vmem>> -> memref<1x1x40xi32, #tpu.memory_space<vmem>>
    %dma_wait3A_99 = tpu.memref_squeeze %dma_wait3A_98 : memref<1x1x40xi32, #tpu.memory_space<vmem>> -> memref<40xi32, #tpu.memory_space<vmem>>
    %dma_wait3A_100 = arith.constant 0 : i32
    %dma_wait3A_101 = arith.constant 0 : i32
    %dma_wait3A_102 = tpu.memref_slice %arg2[%dma_wait3A_100, %dma_wait3A_101] : memref<10000x128xf32, #tpu.memory_space<hbm>> -> memref<10000x128xf32, #tpu.memory_space<hbm>>
    tpu.wait_indirect_dma semaphore(%arg10 : memref<!tpu.dma_semaphore, #tpu.memory_space<semaphore_mem>>) src(%dma_wait3A_102 : memref<10000x128xf32, #tpu.memory_space<hbm>>) dst(%dma_wait3A_96 : memref<40x128xf32, #tpu.memory_space<vmem>>)
    %div3A_103 = arith.constant 248 : i32
    %div3A_104 = arith.constant 8 : i32
    %div3A_105 = arith.divsi %div3A_103, %div3A_104 : i32
    %rem3A_106 = arith.constant 2 : i32
    %rem3A_107 = arith.remsi %div3A_105, %rem3A_106 : i32
    %rem3A_108 = arith.constant 248 : i32
    %rem3A_109 = arith.constant 8 : i32
    %rem3A_110 = arith.remsi %rem3A_108, %rem3A_109 : i32
    %dma_start3A_111 = arith.constant 0 : i32
    %dma_start3A_112 = arith.constant 0 : i32
    %dma_start3A_113 = arith.constant 0 : i32
    %dma_start3A_114 = tpu.memref_slice %arg8[%dma_start3A_111, %dma_start3A_112, %dma_start3A_113] : memref<4x40x128xf32, #tpu.memory_space<vmem>> -> memref<1x40x128xf32, #tpu.memory_space<vmem>>
    %dma_start3A_115 = tpu.memref_squeeze %dma_start3A_114 : memref<1x40x128xf32, #tpu.memory_space<vmem>> -> memref<40x128xf32, #tpu.memory_space<vmem>>
    %dma_start3A_116 = arith.constant 0 : i32
    %dma_start3A_117 = tpu.memref_slice %arg7[%rem3A_107, %rem3A_110, %dma_start3A_116] : memref<2x8x40xi32, #tpu.memory_space<vmem>> -> memref<1x1x40xi32, #tpu.memory_space<vmem>>
    %dma_start3A_118 = tpu.memref_squeeze %dma_start3A_117 : memref<1x1x40xi32, #tpu.memory_space<vmem>> -> memref<40xi32, #tpu.memory_space<vmem>>
    %dma_start3A_119 = arith.constant 0 : i32
    %dma_start3A_120 = arith.constant 0 : i32
    %dma_start3A_121 = tpu.memref_slice %arg9[%dma_start3A_119, %dma_start3A_120] : memref<10000x128xf32, #tpu.memory_space<vmem_shared>> -> memref<10000x128xf32, #tpu.memory_space<vmem_shared>>
    tpu.enqueue_indirect_dma source(%dma_start3A_115 : memref<40x128xf32, #tpu.memory_space<vmem>>) target(%dma_start3A_121 : memref<10000x128xf32, #tpu.memory_space<vmem_shared>>) offsets(%dma_start3A_118 : memref<40xi32, #tpu.memory_space<vmem>>) semaphore(%arg14 : memref<!tpu.dma_semaphore, #tpu.memory_space<semaphore_mem>>) {add = true}
    %dma_wait3A_122 = arith.constant 2 : i32
    %dma_wait3A_123 = arith.constant 0 : i32
    %dma_wait3A_124 = arith.constant 0 : i32
    %dma_wait3A_125 = arith.constant 0 : i32
    %dma_wait3A_126 = arith.constant 0 : i32
    %dma_wait3A_127 = tpu.memref_slice %arg8[%dma_wait3A_122, %dma_wait3A_125, %dma_wait3A_126] : memref<4x40x128xf32, #tpu.memory_space<vmem>> -> memref<1x40x128xf32, #tpu.memory_space<vmem>>
    %dma_wait3A_128 = tpu.memref_squeeze %dma_wait3A_127 : memref<1x40x128xf32, #tpu.memory_space<vmem>> -> memref<40x128xf32, #tpu.memory_space<vmem>>
    %dma_wait3A_129 = arith.constant 0 : i32
    %dma_wait3A_130 = tpu.memref_slice %arg7[%dma_wait3A_123, %dma_wait3A_124, %dma_wait3A_129] : memref<2x8x40xi32, #tpu.memory_space<vmem>> -> memref<1x1x40xi32, #tpu.memory_space<vmem>>
    %dma_wait3A_131 = tpu.memref_squeeze %dma_wait3A_130 : memref<1x1x40xi32, #tpu.memory_space<vmem>> -> memref<40xi32, #tpu.memory_space<vmem>>
    %dma_wait3A_132 = arith.constant 0 : i32
    %dma_wait3A_133 = arith.constant 0 : i32
    %dma_wait3A_134 = tpu.memref_slice %arg9[%dma_wait3A_132, %dma_wait3A_133] : memref<10000x128xf32, #tpu.memory_space<vmem_shared>> -> memref<10000x128xf32, #tpu.memory_space<vmem_shared>>
    tpu.wait_indirect_dma semaphore(%arg16 : memref<!tpu.dma_semaphore, #tpu.memory_space<semaphore_mem>>) src(%dma_wait3A_128 : memref<40x128xf32, #tpu.memory_space<vmem>>) dst(%dma_wait3A_134 : memref<10000x128xf32, #tpu.memory_space<vmem_shared>>)
    %dma_wait3A_135 = arith.constant 0 : i32
    %dma_wait3A_136 = arith.constant 0 : i32
    %dma_wait3A_137 = arith.constant 1 : i32
    %dma_wait3A_138 = arith.constant 0 : i32
    %dma_wait3A_139 = arith.constant 0 : i32
    %dma_wait3A_140 = tpu.memref_slice %arg8[%dma_wait3A_137, %dma_wait3A_138, %dma_wait3A_139] : memref<4x40x128xf32, #tpu.memory_space<vmem>> -> memref<1x40x128xf32, #tpu.memory_space<vmem>>
    %dma_wait3A_141 = tpu.memref_squeeze %dma_wait3A_140 : memref<1x40x128xf32, #tpu.memory_space<vmem>> -> memref<40x128xf32, #tpu.memory_space<vmem>>
    %dma_wait3A_142 = arith.constant 0 : i32
    %dma_wait3A_143 = tpu.memref_slice %arg6[%dma_wait3A_135, %dma_wait3A_136, %dma_wait3A_142] : memref<2x8x40xi32, #tpu.memory_space<vmem>> -> memref<1x1x40xi32, #tpu.memory_space<vmem>>
    %dma_wait3A_144 = tpu.memref_squeeze %dma_wait3A_143 : memref<1x1x40xi32, #tpu.memory_space<vmem>> -> memref<40xi32, #tpu.memory_space<vmem>>
    %dma_wait3A_145 = arith.constant 0 : i32
    %dma_wait3A_146 = arith.constant 0 : i32
    %dma_wait3A_147 = tpu.memref_slice %arg2[%dma_wait3A_145, %dma_wait3A_146] : memref<10000x128xf32, #tpu.memory_space<hbm>> -> memref<10000x128xf32, #tpu.memory_space<hbm>>
    tpu.wait_indirect_dma semaphore(%arg11 : memref<!tpu.dma_semaphore, #tpu.memory_space<semaphore_mem>>) src(%dma_wait3A_147 : memref<10000x128xf32, #tpu.memory_space<hbm>>) dst(%dma_wait3A_141 : memref<40x128xf32, #tpu.memory_space<vmem>>)
    %div3A_148 = arith.constant 249 : i32
    %div3A_149 = arith.constant 8 : i32
    %div3A_150 = arith.divsi %div3A_148, %div3A_149 : i32
    %rem3A_151 = arith.constant 2 : i32
    %rem3A_152 = arith.remsi %div3A_150, %rem3A_151 : i32
    %rem3A_153 = arith.constant 249 : i32
    %rem3A_154 = arith.constant 8 : i32
    %rem3A_155 = arith.remsi %rem3A_153, %rem3A_154 : i32
    %dma_start3A_156 = arith.constant 1 : i32
    %dma_start3A_157 = arith.constant 0 : i32
    %dma_start3A_158 = arith.constant 0 : i32
    %dma_start3A_159 = tpu.memref_slice %arg8[%dma_start3A_156, %dma_start3A_157, %dma_start3A_158] : memref<4x40x128xf32, #tpu.memory_space<vmem>> -> memref<1x40x128xf32, #tpu.memory_space<vmem>>
    %dma_start3A_160 = tpu.memref_squeeze %dma_start3A_159 : memref<1x40x128xf32, #tpu.memory_space<vmem>> -> memref<40x128xf32, #tpu.memory_space<vmem>>
    %dma_start3A_161 = arith.constant 0 : i32
    %dma_start3A_162 = tpu.memref_slice %arg7[%rem3A_152, %rem3A_155, %dma_start3A_161] : memref<2x8x40xi32, #tpu.memory_space<vmem>> -> memref<1x1x40xi32, #tpu.memory_space<vmem>>
    %dma_start3A_163 = tpu.memref_squeeze %dma_start3A_162 : memref<1x1x40xi32, #tpu.memory_space<vmem>> -> memref<40xi32, #tpu.memory_space<vmem>>
    %dma_start3A_164 = arith.constant 0 : i32
    %dma_start3A_165 = arith.constant 0 : i32
    %dma_start3A_166 = tpu.memref_slice %arg9[%dma_start3A_164, %dma_start3A_165] : memref<10000x128xf32, #tpu.memory_space<vmem_shared>> -> memref<10000x128xf32, #tpu.memory_space<vmem_shared>>
    tpu.enqueue_indirect_dma source(%dma_start3A_160 : memref<40x128xf32, #tpu.memory_space<vmem>>) target(%dma_start3A_166 : memref<10000x128xf32, #tpu.memory_space<vmem_shared>>) offsets(%dma_start3A_163 : memref<40xi32, #tpu.memory_space<vmem>>) semaphore(%arg15 : memref<!tpu.dma_semaphore, #tpu.memory_space<semaphore_mem>>) {add = true}
    %dma_wait3A_167 = arith.constant 3 : i32
    %dma_wait3A_168 = arith.constant 0 : i32
    %dma_wait3A_169 = arith.constant 0 : i32
    %dma_wait3A_170 = arith.constant 0 : i32
    %dma_wait3A_171 = arith.constant 0 : i32
    %dma_wait3A_172 = tpu.memref_slice %arg8[%dma_wait3A_167, %dma_wait3A_170, %dma_wait3A_171] : memref<4x40x128xf32, #tpu.memory_space<vmem>> -> memref<1x40x128xf32, #tpu.memory_space<vmem>>
    %dma_wait3A_173 = tpu.memref_squeeze %dma_wait3A_172 : memref<1x40x128xf32, #tpu.memory_space<vmem>> -> memref<40x128xf32, #tpu.memory_space<vmem>>
    %dma_wait3A_174 = arith.constant 0 : i32
    %dma_wait3A_175 = tpu.memref_slice %arg7[%dma_wait3A_168, %dma_wait3A_169, %dma_wait3A_174] : memref<2x8x40xi32, #tpu.memory_space<vmem>> -> memref<1x1x40xi32, #tpu.memory_space<vmem>>
    %dma_wait3A_176 = tpu.memref_squeeze %dma_wait3A_175 : memref<1x1x40xi32, #tpu.memory_space<vmem>> -> memref<40xi32, #tpu.memory_space<vmem>>
    %dma_wait3A_177 = arith.constant 0 : i32
    %dma_wait3A_178 = arith.constant 0 : i32
    %dma_wait3A_179 = tpu.memref_slice %arg9[%dma_wait3A_177, %dma_wait3A_178] : memref<10000x128xf32, #tpu.memory_space<vmem_shared>> -> memref<10000x128xf32, #tpu.memory_space<vmem_shared>>
    tpu.wait_indirect_dma semaphore(%arg17 : memref<!tpu.dma_semaphore, #tpu.memory_space<semaphore_mem>>) src(%dma_wait3A_173 : memref<40x128xf32, #tpu.memory_space<vmem>>) dst(%dma_wait3A_179 : memref<10000x128xf32, #tpu.memory_space<vmem_shared>>)
    %dma_wait3A_180 = arith.constant 0 : i32
    %dma_wait3A_181 = arith.constant 0 : i32
    %dma_wait3A_182 = arith.constant 0 : i32
    %dma_wait3A_183 = arith.constant 0 : i32
    %dma_wait3A_184 = arith.constant 0 : i32
    %dma_wait3A_185 = tpu.memref_slice %arg8[%dma_wait3A_180, %dma_wait3A_183, %dma_wait3A_184] : memref<4x40x128xf32, #tpu.memory_space<vmem>> -> memref<1x40x128xf32, #tpu.memory_space<vmem>>
    %dma_wait3A_186 = tpu.memref_squeeze %dma_wait3A_185 : memref<1x40x128xf32, #tpu.memory_space<vmem>> -> memref<40x128xf32, #tpu.memory_space<vmem>>
    %dma_wait3A_187 = arith.constant 0 : i32
    %dma_wait3A_188 = tpu.memref_slice %arg7[%dma_wait3A_181, %dma_wait3A_182, %dma_wait3A_187] : memref<2x8x40xi32, #tpu.memory_space<vmem>> -> memref<1x1x40xi32, #tpu.memory_space<vmem>>
    %dma_wait3A_189 = tpu.memref_squeeze %dma_wait3A_188 : memref<1x1x40xi32, #tpu.memory_space<vmem>> -> memref<40xi32, #tpu.memory_space<vmem>>
    %dma_wait3A_190 = arith.constant 0 : i32
    %dma_wait3A_191 = arith.constant 0 : i32
    %dma_wait3A_192 = tpu.memref_slice %arg9[%dma_wait3A_190, %dma_wait3A_191] : memref<10000x128xf32, #tpu.memory_space<vmem_shared>> -> memref<10000x128xf32, #tpu.memory_space<vmem_shared>>
    tpu.wait_indirect_dma semaphore(%arg14 : memref<!tpu.dma_semaphore, #tpu.memory_space<semaphore_mem>>) src(%dma_wait3A_186 : memref<40x128xf32, #tpu.memory_space<vmem>>) dst(%dma_wait3A_192 : memref<10000x128xf32, #tpu.memory_space<vmem_shared>>)
    %dma_wait3A_193 = arith.constant 1 : i32
    %dma_wait3A_194 = arith.constant 0 : i32
    %dma_wait3A_195 = arith.constant 0 : i32
    %dma_wait3A_196 = arith.constant 0 : i32
    %dma_wait3A_197 = arith.constant 0 : i32
    %dma_wait3A_198 = tpu.memref_slice %arg8[%dma_wait3A_193, %dma_wait3A_196, %dma_wait3A_197] : memref<4x40x128xf32, #tpu.memory_space<vmem>> -> memref<1x40x128xf32, #tpu.memory_space<vmem>>
    %dma_wait3A_199 = tpu.memref_squeeze %dma_wait3A_198 : memref<1x40x128xf32, #tpu.memory_space<vmem>> -> memref<40x128xf32, #tpu.memory_space<vmem>>
    %dma_wait3A_200 = arith.constant 0 : i32
    %dma_wait3A_201 = tpu.memref_slice %arg7[%dma_wait3A_194, %dma_wait3A_195, %dma_wait3A_200] : memref<2x8x40xi32, #tpu.memory_space<vmem>> -> memref<1x1x40xi32, #tpu.memory_space<vmem>>
    %dma_wait3A_202 = tpu.memref_squeeze %dma_wait3A_201 : memref<1x1x40xi32, #tpu.memory_space<vmem>> -> memref<40xi32, #tpu.memory_space<vmem>>
    %dma_wait3A_203 = arith.constant 0 : i32
    %dma_wait3A_204 = arith.constant 0 : i32
    %dma_wait3A_205 = tpu.memref_slice %arg9[%dma_wait3A_203, %dma_wait3A_204] : memref<10000x128xf32, #tpu.memory_space<vmem_shared>> -> memref<10000x128xf32, #tpu.memory_space<vmem_shared>>
    tpu.wait_indirect_dma semaphore(%arg15 : memref<!tpu.dma_semaphore, #tpu.memory_space<semaphore_mem>>) src(%dma_wait3A_199 : memref<40x128xf32, #tpu.memory_space<vmem>>) dst(%dma_wait3A_205 : memref<10000x128xf32, #tpu.memory_space<vmem_shared>>)
    %barrier3A_206 = arith.constant 0 : index
    tpu.barrier barrier_id(%barrier3A_206)
    %mul3A_207 = arith.constant 624 : i32
    %mul3A_208 = arith.muli %arg1, %mul3A_207 : i32
    %mul3A_209 = arith.constant 624 : i32
    %mul3A_210 = arith.muli %arg1, %mul3A_209 : i32
    "tpu.region"() ({
      %run_scoped3A_216 = tpu.sem_alloc : memref<!tpu.dma_semaphore, #tpu.memory_space<semaphore_mem>>
      %dma_start3A_217 = arith.constant 0 : i32
      %dma_start3A_218 = tpu.memref_slice %arg5[%arg0, %mul3A_210, %dma_start3A_217] : memref<2x10000x128xf32, #tpu.memory_space<hbm>> -> memref<1x624x128xf32, #tpu.memory_space<hbm>>
      %dma_start3A_219 = tpu.memref_squeeze %dma_start3A_218 : memref<1x624x128xf32, #tpu.memory_space<hbm>> -> memref<624x128xf32, #tpu.memory_space<hbm>>
      %dma_start3A_220 = arith.constant 0 : i32
      %dma_start3A_221 = tpu.memref_slice %arg9[%mul3A_208, %dma_start3A_220] : memref<10000x128xf32, #tpu.memory_space<vmem_shared>> -> memref<624x128xf32, #tpu.memory_space<vmem_shared>>
      tpu.enqueue_dma source(%dma_start3A_221 : memref<624x128xf32, #tpu.memory_space<vmem_shared>>) target(%dma_start3A_219 : memref<624x128xf32, #tpu.memory_space<hbm>>) target_semaphore(%run_scoped3A_216 : memref<!tpu.dma_semaphore, #tpu.memory_space<semaphore_mem>>)
      %dma_wait3A_222 = arith.constant 0 : i32
      %dma_wait3A_223 = tpu.memref_slice %arg5[%arg0, %mul3A_210, %dma_wait3A_222] : memref<2x10000x128xf32, #tpu.memory_space<hbm>> -> memref<1x624x128xf32, #tpu.memory_space<hbm>>
      %dma_wait3A_224 = tpu.memref_squeeze %dma_wait3A_223 : memref<1x624x128xf32, #tpu.memory_space<hbm>> -> memref<624x128xf32, #tpu.memory_space<hbm>>
      %dma_wait3A_225 = arith.constant 0 : i32
      %dma_wait3A_226 = tpu.memref_slice %arg9[%mul3A_208, %dma_wait3A_225] : memref<10000x128xf32, #tpu.memory_space<vmem_shared>> -> memref<624x128xf32, #tpu.memory_space<vmem_shared>>
      tpu.wait_dma2 semaphore(%run_scoped3A_216 : memref<!tpu.dma_semaphore, #tpu.memory_space<semaphore_mem>>) src(%dma_wait3A_226 : memref<624x128xf32, #tpu.memory_space<vmem_shared>>) dst(%dma_wait3A_224 : memref<624x128xf32, #tpu.memory_space<hbm>>)
      tpu.yield
    }) : () -> ()
    %eq3A_211 = arith.constant 0 : i32
    %eq3A_212 = arith.cmpi eq, %arg1, %eq3A_211 : i32
    %convert_element_type3A_213 = arith.extui %eq3A_212 : i1 to i32
    %cond3A_214 = arith.constant 0 : i32
    %cond3A_215 = arith.cmpi ne, %convert_element_type3A_213, %cond3A_214 : i32
    scf.if %cond3A_215 {
      "tpu.region"() ({
        %run_scoped3A_216 = tpu.sem_alloc : memref<!tpu.dma_semaphore, #tpu.memory_space<semaphore_mem>>
        %dma_start3A_217 = arith.constant 9984 : i32
        %dma_start3A_218 = arith.constant 0 : i32
        %dma_start3A_219 = tpu.memref_slice %arg5[%arg0, %dma_start3A_217, %dma_start3A_218] : memref<2x10000x128xf32, #tpu.memory_space<hbm>> -> memref<1x16x128xf32, #tpu.memory_space<hbm>>
        %dma_start3A_220 = tpu.memref_squeeze %dma_start3A_219 : memref<1x16x128xf32, #tpu.memory_space<hbm>> -> memref<16x128xf32, #tpu.memory_space<hbm>>
        %dma_start3A_221 = arith.constant 9984 : i32
        %dma_start3A_222 = arith.constant 0 : i32
        %dma_start3A_223 = tpu.memref_slice %arg9[%dma_start3A_221, %dma_start3A_222] : memref<10000x128xf32, #tpu.memory_space<vmem_shared>> -> memref<16x128xf32, #tpu.memory_space<vmem_shared>>
        tpu.enqueue_dma source(%dma_start3A_223 : memref<16x128xf32, #tpu.memory_space<vmem_shared>>) target(%dma_start3A_220 : memref<16x128xf32, #tpu.memory_space<hbm>>) target_semaphore(%run_scoped3A_216 : memref<!tpu.dma_semaphore, #tpu.memory_space<semaphore_mem>>)
        %dma_wait3A_224 = arith.constant 9984 : i32
        %dma_wait3A_225 = arith.constant 0 : i32
        %dma_wait3A_226 = tpu.memref_slice %arg5[%arg0, %dma_wait3A_224, %dma_wait3A_225] : memref<2x10000x128xf32, #tpu.memory_space<hbm>> -> memref<1x16x128xf32, #tpu.memory_space<hbm>>
        %dma_wait3A_227 = tpu.memref_squeeze %dma_wait3A_226 : memref<1x16x128xf32, #tpu.memory_space<hbm>> -> memref<16x128xf32, #tpu.memory_space<hbm>>
        %dma_wait3A_228 = arith.constant 9984 : i32
        %dma_wait3A_229 = arith.constant 0 : i32
        %dma_wait3A_230 = tpu.memref_slice %arg9[%dma_wait3A_228, %dma_wait3A_229] : memref<10000x128xf32, #tpu.memory_space<vmem_shared>> -> memref<16x128xf32, #tpu.memory_space<vmem_shared>>
        tpu.wait_dma2 semaphore(%run_scoped3A_216 : memref<!tpu.dma_semaphore, #tpu.memory_space<semaphore_mem>>) src(%dma_wait3A_230 : memref<16x128xf32, #tpu.memory_space<vmem_shared>>) dst(%dma_wait3A_227 : memref<16x128xf32, #tpu.memory_space<hbm>>)
        tpu.yield
      }) : () -> ()
    } else {
    }
    return
  }
}

#map = affine_map<(d0, d1) -> (0, 0)>
#map1 = affine_map<(d0, d1) -> (0, 0, 0, 0)>
#map2 = affine_map<(d0, d1) -> (0, 0, 0)>
module attributes {stable_mosaic.version = 14 : i64} {
  func.func @_sc_scatter(%arg0: i32, %arg1: i32, %arg2: memref<10000x128xf32, #tpu.memory_space<hbm>>, %arg3: memref<2x32x256x40xi32, #tpu.memory_space<hbm>>, %arg4: memref<10000x128xf32, #tpu.memory_space<hbm>>, %arg5: memref<2x10000x128xf32, #tpu.memory_space<hbm>>, %arg6: memref<2x8x40xi32, #tpu.memory_space<vmem>>, %arg7: memref<2x8x40xi32, #tpu.memory_space<vmem>>, %arg8: memref<4x40x128xf32, #tpu.memory_space<vmem>>, %arg9: memref<10000x128xf32, #tpu.memory_space<vmem_shared>>, %arg10: memref<!tpu.dma_semaphore, #tpu.memory_space<semaphore_mem>>, %arg11: memref<!tpu.dma_semaphore, #tpu.memory_space<semaphore_mem>>, %arg12: memref<!tpu.dma_semaphore, #tpu.memory_space<semaphore_mem>>, %arg13: memref<!tpu.dma_semaphore, #tpu.memory_space<semaphore_mem>>, %arg14: memref<!tpu.dma_semaphore, #tpu.memory_space<semaphore_mem>>, %arg15: memref<!tpu.dma_semaphore, #tpu.memory_space<semaphore_mem>>, %arg16: memref<!tpu.dma_semaphore, #tpu.memory_space<semaphore_mem>>, %arg17: memref<!tpu.dma_semaphore, #tpu.memory_space<semaphore_mem>>, %arg18: memref<!tpu.dma_semaphore, #tpu.memory_space<semaphore_mem>>, %arg19: memref<!tpu.dma_semaphore, #tpu.memory_space<semaphore_mem>>) attributes {dimension_semantics = [#tpu.dimension_semantics<core_parallel>, #tpu.dimension_semantics<subcore_parallel>], iteration_bounds = array<i64: 2, 16>, scalar_prefetch = 0 : i64, scratch_operands = 14 : i64, tpu.core_type = #tpu.core_type<sc_vector_subcore>, window_params = [{transform_indices = #map}, {transform_indices = #map1}, {transform_indices = #map}, {transform_indices = #map2}]} {
    %mul3A = arith.constant 2 : i32
    %mul3A_0 = arith.muli %arg1, %mul3A : i32
    %add3A = arith.addi %mul3A_0, %arg0 : i32
    %mul3A_1 = arith.constant 624 : i32
    %mul3A_2 = arith.muli %arg1, %mul3A_1 : i32
    %mul3A_3 = arith.constant 624 : i32
    %mul3A_4 = arith.muli %arg1, %mul3A_3 : i32
    "tpu.region"() ({
      %run_scoped3A_216 = tpu.sem_alloc : memref<!tpu.dma_semaphore, #tpu.memory_space<semaphore_mem>>
      %dma_start3A_217 = arith.constant 0 : i32
      %dma_start3A_218 = tpu.memref_slice %arg9[%mul3A_4, %dma_start3A_217] : memref<10000x128xf32, #tpu.memory_space<vmem_shared>> -> memref<624x128xf32, #tpu.memory_space<vmem_shared>>
      %dma_start3A_219 = arith.constant 0 : i32
      %dma_start3A_220 = tpu.memref_slice %arg4[%mul3A_2, %dma_start3A_219] : memref<10000x128xf32, #tpu.memory_space<hbm>> -> memref<624x128xf32, #tpu.memory_space<hbm>>
      tpu.enqueue_dma source(%dma_start3A_220 : memref<624x128xf32, #tpu.memory_space<hbm>>) target(%dma_start3A_218 : memref<624x128xf32, #tpu.memory_space<vmem_shared>>) target_semaphore(%run_scoped3A_216 : memref<!tpu.dma_semaphore, #tpu.memory_space<semaphore_mem>>)
      %dma_wait3A_221 = arith.constant 0 : i32
      %dma_wait3A_222 = tpu.memref_slice %arg9[%mul3A_4, %dma_wait3A_221] : memref<10000x128xf32, #tpu.memory_space<vmem_shared>> -> memref<624x128xf32, #tpu.memory_space<vmem_shared>>
      %dma_wait3A_223 = arith.constant 0 : i32
      %dma_wait3A_224 = tpu.memref_slice %arg4[%mul3A_2, %dma_wait3A_223] : memref<10000x128xf32, #tpu.memory_space<hbm>> -> memref<624x128xf32, #tpu.memory_space<hbm>>
      tpu.wait_dma2 semaphore(%run_scoped3A_216 : memref<!tpu.dma_semaphore, #tpu.memory_space<semaphore_mem>>) src(%dma_wait3A_224 : memref<624x128xf32, #tpu.memory_space<hbm>>) dst(%dma_wait3A_222 : memref<624x128xf32, #tpu.memory_space<vmem_shared>>)
      tpu.yield
    }) : () -> ()
    %eq3A = arith.constant 0 : i32
    %eq3A_5 = arith.cmpi eq, %arg1, %eq3A : i32
    %convert_element_type3A = arith.extui %eq3A_5 : i1 to i32
    %cond3A = arith.constant 0 : i32
    %cond3A_6 = arith.cmpi ne, %convert_element_type3A, %cond3A : i32
    scf.if %cond3A_6 {
      "tpu.region"() ({
        %run_scoped3A_216 = tpu.sem_alloc : memref<!tpu.dma_semaphore, #tpu.memory_space<semaphore_mem>>
        %dma_start3A_217 = arith.constant 9984 : i32
        %dma_start3A_218 = arith.constant 0 : i32
        %dma_start3A_219 = tpu.memref_slice %arg9[%dma_start3A_217, %dma_start3A_218] : memref<10000x128xf32, #tpu.memory_space<vmem_shared>> -> memref<16x128xf32, #tpu.memory_space<vmem_shared>>
        %dma_start3A_220 = arith.constant 9984 : i32
        %dma_start3A_221 = arith.constant 0 : i32
        %dma_start3A_222 = tpu.memref_slice %arg4[%dma_start3A_220, %dma_start3A_221] : memref<10000x128xf32, #tpu.memory_space<hbm>> -> memref<16x128xf32, #tpu.memory_space<hbm>>
        tpu.enqueue_dma source(%dma_start3A_222 : memref<16x128xf32, #tpu.memory_space<hbm>>) target(%dma_start3A_219 : memref<16x128xf32, #tpu.memory_space<vmem_shared>>) target_semaphore(%run_scoped3A_216 : memref<!tpu.dma_semaphore, #tpu.memory_space<semaphore_mem>>)
        %dma_wait3A_223 = arith.constant 9984 : i32
        %dma_wait3A_224 = arith.constant 0 : i32
        %dma_wait3A_225 = tpu.memref_slice %arg9[%dma_wait3A_223, %dma_wait3A_224] : memref<10000x128xf32, #tpu.memory_space<vmem_shared>> -> memref<16x128xf32, #tpu.memory_space<vmem_shared>>
        %dma_wait3A_226 = arith.constant 9984 : i32
        %dma_wait3A_227 = arith.constant 0 : i32
        %dma_wait3A_228 = tpu.memref_slice %arg4[%dma_wait3A_226, %dma_wait3A_227] : memref<10000x128xf32, #tpu.memory_space<hbm>> -> memref<16x128xf32, #tpu.memory_space<hbm>>
        tpu.wait_dma2 semaphore(%run_scoped3A_216 : memref<!tpu.dma_semaphore, #tpu.memory_space<semaphore_mem>>) src(%dma_wait3A_228 : memref<16x128xf32, #tpu.memory_space<hbm>>) dst(%dma_wait3A_225 : memref<16x128xf32, #tpu.memory_space<vmem_shared>>)
        tpu.yield
      }) : () -> ()
    } else {
    }
    %mul3A_7 = arith.constant 0 : i32
    %mul3A_8 = arith.constant 8 : i32
    %mul3A_9 = arith.muli %mul3A_7, %mul3A_8 : i32
    %multiple_of3A = tpu.assume_multiple %mul3A_9, 8 : i32
    %rem3A = arith.constant 0 : i32
    %rem3A_10 = arith.constant 2 : i32
    %rem3A_11 = arith.remsi %rem3A, %rem3A_10 : i32
    %run_scoped3A = arith.constant 0 : i32
    "tpu.region"() ({
      %run_scoped3A_216 = tpu.sem_alloc : memref<!tpu.dma_semaphore, #tpu.memory_space<semaphore_mem>>
      %dma_start3A_217 = arith.constant 0 : i32
      %dma_start3A_218 = arith.constant 0 : i32
      %dma_start3A_219 = tpu.memref_slice %arg6[%rem3A_11, %dma_start3A_217, %dma_start3A_218] : memref<2x8x40xi32, #tpu.memory_space<vmem>> -> memref<1x8x40xi32, #tpu.memory_space<vmem>>
      %dma_start3A_220 = tpu.memref_squeeze %dma_start3A_219 : memref<1x8x40xi32, #tpu.memory_space<vmem>> -> memref<8x40xi32, #tpu.memory_space<vmem>>
      %dma_start3A_221 = arith.constant 0 : i32
      %dma_start3A_222 = tpu.memref_slice %arg3[%run_scoped3A, %add3A, %multiple_of3A, %dma_start3A_221] : memref<2x32x256x40xi32, #tpu.memory_space<hbm>> -> memref<1x1x8x40xi32, #tpu.memory_space<hbm>>
      %dma_start3A_223 = tpu.memref_squeeze %dma_start3A_222 : memref<1x1x8x40xi32, #tpu.memory_space<hbm>> -> memref<8x40xi32, #tpu.memory_space<hbm>>
      %dma_start3A_224 = arith.constant 0 : i32
      %dma_start3A_225 = arith.constant 0 : i32
      %dma_start3A_226 = tpu.memref_slice %arg6[%rem3A_11, %dma_start3A_224, %dma_start3A_225] : memref<2x8x40xi32, #tpu.memory_space<vmem>> -> memref<1x8x40xi32, #tpu.memory_space<vmem>>
      %dma_start3A_227 = tpu.memref_squeeze %dma_start3A_226 : memref<1x8x40xi32, #tpu.memory_space<vmem>> -> memref<8x40xi32, #tpu.memory_space<vmem>>
      %dma_start3A_228 = arith.constant 0 : i32
      %dma_start3A_229 = tpu.memref_slice %arg3[%run_scoped3A, %add3A, %multiple_of3A, %dma_start3A_228] : memref<2x32x256x40xi32, #tpu.memory_space<hbm>> -> memref<1x1x8x40xi32, #tpu.memory_space<hbm>>
      %dma_start3A_230 = tpu.memref_squeeze %dma_start3A_229 : memref<1x1x8x40xi32, #tpu.memory_space<hbm>> -> memref<8x40xi32, #tpu.memory_space<hbm>>
      tpu.enqueue_dma source(%dma_start3A_230 : memref<8x40xi32, #tpu.memory_space<hbm>>) target(%dma_start3A_227 : memref<8x40xi32, #tpu.memory_space<vmem>>) target_semaphore(%run_scoped3A_216 : memref<!tpu.dma_semaphore, #tpu.memory_space<semaphore_mem>>)
      %dma_wait3A_231 = arith.constant 0 : i32
      %dma_wait3A_232 = arith.constant 0 : i32
      %dma_wait3A_233 = tpu.memref_slice %arg6[%rem3A_11, %dma_wait3A_231, %dma_wait3A_232] : memref<2x8x40xi32, #tpu.memory_space<vmem>> -> memref<1x8x40xi32, #tpu.memory_space<vmem>>
      %dma_wait3A_234 = tpu.memref_squeeze %dma_wait3A_233 : memref<1x8x40xi32, #tpu.memory_space<vmem>> -> memref<8x40xi32, #tpu.memory_space<vmem>>
      %dma_wait3A_235 = arith.constant 0 : i32
      %dma_wait3A_236 = tpu.memref_slice %arg3[%run_scoped3A, %add3A, %multiple_of3A, %dma_wait3A_235] : memref<2x32x256x40xi32, #tpu.memory_space<hbm>> -> memref<1x1x8x40xi32, #tpu.memory_space<hbm>>
      %dma_wait3A_237 = tpu.memref_squeeze %dma_wait3A_236 : memref<1x1x8x40xi32, #tpu.memory_space<hbm>> -> memref<8x40xi32, #tpu.memory_space<hbm>>
      %dma_wait3A_238 = arith.constant 0 : i32
      %dma_wait3A_239 = arith.constant 0 : i32
      %dma_wait3A_240 = tpu.memref_slice %arg6[%rem3A_11, %dma_wait3A_238, %dma_wait3A_239] : memref<2x8x40xi32, #tpu.memory_space<vmem>> -> memref<1x8x40xi32, #tpu.memory_space<vmem>>
      %dma_wait3A_241 = tpu.memref_squeeze %dma_wait3A_240 : memref<1x8x40xi32, #tpu.memory_space<vmem>> -> memref<8x40xi32, #tpu.memory_space<vmem>>
      %dma_wait3A_242 = arith.constant 0 : i32
      %dma_wait3A_243 = tpu.memref_slice %arg3[%run_scoped3A, %add3A, %multiple_of3A, %dma_wait3A_242] : memref<2x32x256x40xi32, #tpu.memory_space<hbm>> -> memref<1x1x8x40xi32, #tpu.memory_space<hbm>>
      %dma_wait3A_244 = tpu.memref_squeeze %dma_wait3A_243 : memref<1x1x8x40xi32, #tpu.memory_space<hbm>> -> memref<8x40xi32, #tpu.memory_space<hbm>>
      tpu.wait_dma2 semaphore(%run_scoped3A_216 : memref<!tpu.dma_semaphore, #tpu.memory_space<semaphore_mem>>) src(%dma_wait3A_244 : memref<8x40xi32, #tpu.memory_space<hbm>>) dst(%dma_wait3A_241 : memref<8x40xi32, #tpu.memory_space<vmem>>)
      tpu.yield
    }) : () -> ()
    %run_scoped3A_12 = arith.constant 1 : i32
    "tpu.region"() ({
      %run_scoped3A_216 = tpu.sem_alloc : memref<!tpu.dma_semaphore, #tpu.memory_space<semaphore_mem>>
      %dma_start3A_217 = arith.constant 0 : i32
      %dma_start3A_218 = arith.constant 0 : i32
      %dma_start3A_219 = tpu.memref_slice %arg7[%rem3A_11, %dma_start3A_217, %dma_start3A_218] : memref<2x8x40xi32, #tpu.memory_space<vmem>> -> memref<1x8x40xi32, #tpu.memory_space<vmem>>
      %dma_start3A_220 = tpu.memref_squeeze %dma_start3A_219 : memref<1x8x40xi32, #tpu.memory_space<vmem>> -> memref<8x40xi32, #tpu.memory_space<vmem>>
      %dma_start3A_221 = arith.constant 0 : i32
      %dma_start3A_222 = tpu.memref_slice %arg3[%run_scoped3A_12, %add3A, %multiple_of3A, %dma_start3A_221] : memref<2x32x256x40xi32, #tpu.memory_space<hbm>> -> memref<1x1x8x40xi32, #tpu.memory_space<hbm>>
      %dma_start3A_223 = tpu.memref_squeeze %dma_start3A_222 : memref<1x1x8x40xi32, #tpu.memory_space<hbm>> -> memref<8x40xi32, #tpu.memory_space<hbm>>
      %dma_start3A_224 = arith.constant 0 : i32
      %dma_start3A_225 = arith.constant 0 : i32
      %dma_start3A_226 = tpu.memref_slice %arg7[%rem3A_11, %dma_start3A_224, %dma_start3A_225] : memref<2x8x40xi32, #tpu.memory_space<vmem>> -> memref<1x8x40xi32, #tpu.memory_space<vmem>>
      %dma_start3A_227 = tpu.memref_squeeze %dma_start3A_226 : memref<1x8x40xi32, #tpu.memory_space<vmem>> -> memref<8x40xi32, #tpu.memory_space<vmem>>
      %dma_start3A_228 = arith.constant 0 : i32
      %dma_start3A_229 = tpu.memref_slice %arg3[%run_scoped3A_12, %add3A, %multiple_of3A, %dma_start3A_228] : memref<2x32x256x40xi32, #tpu.memory_space<hbm>> -> memref<1x1x8x40xi32, #tpu.memory_space<hbm>>
      %dma_start3A_230 = tpu.memref_squeeze %dma_start3A_229 : memref<1x1x8x40xi32, #tpu.memory_space<hbm>> -> memref<8x40xi32, #tpu.memory_space<hbm>>
      tpu.enqueue_dma source(%dma_start3A_230 : memref<8x40xi32, #tpu.memory_space<hbm>>) target(%dma_start3A_227 : memref<8x40xi32, #tpu.memory_space<vmem>>) target_semaphore(%run_scoped3A_216 : memref<!tpu.dma_semaphore, #tpu.memory_space<semaphore_mem>>)
      %dma_wait3A_231 = arith.constant 0 : i32
      %dma_wait3A_232 = arith.constant 0 : i32
      %dma_wait3A_233 = tpu.memref_slice %arg7[%rem3A_11, %dma_wait3A_231, %dma_wait3A_232] : memref<2x8x40xi32, #tpu.memory_space<vmem>> -> memref<1x8x40xi32, #tpu.memory_space<vmem>>
      %dma_wait3A_234 = tpu.memref_squeeze %dma_wait3A_233 : memref<1x8x40xi32, #tpu.memory_space<vmem>> -> memref<8x40xi32, #tpu.memory_space<vmem>>
      %dma_wait3A_235 = arith.constant 0 : i32
      %dma_wait3A_236 = tpu.memref_slice %arg3[%run_scoped3A_12, %add3A, %multiple_of3A, %dma_wait3A_235] : memref<2x32x256x40xi32, #tpu.memory_space<hbm>> -> memref<1x1x8x40xi32, #tpu.memory_space<hbm>>
      %dma_wait3A_237 = tpu.memref_squeeze %dma_wait3A_236 : memref<1x1x8x40xi32, #tpu.memory_space<hbm>> -> memref<8x40xi32, #tpu.memory_space<hbm>>
      %dma_wait3A_238 = arith.constant 0 : i32
      %dma_wait3A_239 = arith.constant 0 : i32
      %dma_wait3A_240 = tpu.memref_slice %arg7[%rem3A_11, %dma_wait3A_238, %dma_wait3A_239] : memref<2x8x40xi32, #tpu.memory_space<vmem>> -> memref<1x8x40xi32, #tpu.memory_space<vmem>>
      %dma_wait3A_241 = tpu.memref_squeeze %dma_wait3A_240 : memref<1x8x40xi32, #tpu.memory_space<vmem>> -> memref<8x40xi32, #tpu.memory_space<vmem>>
      %dma_wait3A_242 = arith.constant 0 : i32
      %dma_wait3A_243 = tpu.memref_slice %arg3[%run_scoped3A_12, %add3A, %multiple_of3A, %dma_wait3A_242] : memref<2x32x256x40xi32, #tpu.memory_space<hbm>> -> memref<1x1x8x40xi32, #tpu.memory_space<hbm>>
      %dma_wait3A_244 = tpu.memref_squeeze %dma_wait3A_243 : memref<1x1x8x40xi32, #tpu.memory_space<hbm>> -> memref<8x40xi32, #tpu.memory_space<hbm>>
      tpu.wait_dma2 semaphore(%run_scoped3A_216 : memref<!tpu.dma_semaphore, #tpu.memory_space<semaphore_mem>>) src(%dma_wait3A_244 : memref<8x40xi32, #tpu.memory_space<hbm>>) dst(%dma_wait3A_241 : memref<8x40xi32, #tpu.memory_space<vmem>>)
      tpu.yield
    }) : () -> ()
    %mul3A_13 = arith.constant 1 : i32
    %mul3A_14 = arith.constant 8 : i32
    %mul3A_15 = arith.muli %mul3A_13, %mul3A_14 : i32
    %multiple_of3A_16 = tpu.assume_multiple %mul3A_15, 8 : i32
    %rem3A_17 = arith.constant 1 : i32
    %rem3A_18 = arith.constant 2 : i32
    %rem3A_19 = arith.remsi %rem3A_17, %rem3A_18 : i32
    %dma_start3A = arith.constant 0 : i32
    %dma_start3A_20 = arith.constant 0 : i32
    %dma_start3A_21 = arith.constant 0 : i32
    %dma_start3A_22 = tpu.memref_slice %arg6[%rem3A_19, %dma_start3A_20, %dma_start3A_21] : memref<2x8x40xi32, #tpu.memory_space<vmem>> -> memref<1x8x40xi32, #tpu.memory_space<vmem>>
    %dma_start3A_23 = tpu.memref_squeeze %dma_start3A_22 : memref<1x8x40xi32, #tpu.memory_space<vmem>> -> memref<8x40xi32, #tpu.memory_space<vmem>>
    %dma_start3A_24 = arith.constant 0 : i32
    %dma_start3A_25 = tpu.memref_slice %arg3[%dma_start3A, %add3A, %multiple_of3A_16, %dma_start3A_24] : memref<2x32x256x40xi32, #tpu.memory_space<hbm>> -> memref<1x1x8x40xi32, #tpu.memory_space<hbm>>
    %dma_start3A_26 = tpu.memref_squeeze %dma_start3A_25 : memref<1x1x8x40xi32, #tpu.memory_space<hbm>> -> memref<8x40xi32, #tpu.memory_space<hbm>>
    %dma_start3A_27 = arith.constant 0 : i32
    %dma_start3A_28 = arith.constant 0 : i32
    %dma_start3A_29 = tpu.memref_slice %arg6[%rem3A_19, %dma_start3A_27, %dma_start3A_28] : memref<2x8x40xi32, #tpu.memory_space<vmem>> -> memref<1x8x40xi32, #tpu.memory_space<vmem>>
    %dma_start3A_30 = tpu.memref_squeeze %dma_start3A_29 : memref<1x8x40xi32, #tpu.memory_space<vmem>> -> memref<8x40xi32, #tpu.memory_space<vmem>>
    %dma_start3A_31 = arith.constant 0 : i32
    %dma_start3A_32 = tpu.memref_slice %arg3[%dma_start3A, %add3A, %multiple_of3A_16, %dma_start3A_31] : memref<2x32x256x40xi32, #tpu.memory_space<hbm>> -> memref<1x1x8x40xi32, #tpu.memory_space<hbm>>
    %dma_start3A_33 = tpu.memref_squeeze %dma_start3A_32 : memref<1x1x8x40xi32, #tpu.memory_space<hbm>> -> memref<8x40xi32, #tpu.memory_space<hbm>>
    tpu.enqueue_dma source(%dma_start3A_33 : memref<8x40xi32, #tpu.memory_space<hbm>>) target(%dma_start3A_30 : memref<8x40xi32, #tpu.memory_space<vmem>>) target_semaphore(%arg18 : memref<!tpu.dma_semaphore, #tpu.memory_space<semaphore_mem>>)
    %dma_start3A_34 = arith.constant 1 : i32
    %dma_start3A_35 = arith.constant 0 : i32
    %dma_start3A_36 = arith.constant 0 : i32
    %dma_start3A_37 = tpu.memref_slice %arg7[%rem3A_19, %dma_start3A_35, %dma_start3A_36] : memref<2x8x40xi32, #tpu.memory_space<vmem>> -> memref<1x8x40xi32, #tpu.memory_space<vmem>>
    %dma_start3A_38 = tpu.memref_squeeze %dma_start3A_37 : memref<1x8x40xi32, #tpu.memory_space<vmem>> -> memref<8x40xi32, #tpu.memory_space<vmem>>
    %dma_start3A_39 = arith.constant 0 : i32
    %dma_start3A_40 = tpu.memref_slice %arg3[%dma_start3A_34, %add3A, %multiple_of3A_16, %dma_start3A_39] : memref<2x32x256x40xi32, #tpu.memory_space<hbm>> -> memref<1x1x8x40xi32, #tpu.memory_space<hbm>>
    %dma_start3A_41 = tpu.memref_squeeze %dma_start3A_40 : memref<1x1x8x40xi32, #tpu.memory_space<hbm>> -> memref<8x40xi32, #tpu.memory_space<hbm>>
    %dma_start3A_42 = arith.constant 0 : i32
    %dma_start3A_43 = arith.constant 0 : i32
    %dma_start3A_44 = tpu.memref_slice %arg7[%rem3A_19, %dma_start3A_42, %dma_start3A_43] : memref<2x8x40xi32, #tpu.memory_space<vmem>> -> memref<1x8x40xi32, #tpu.memory_space<vmem>>
    %dma_start3A_45 = tpu.memref_squeeze %dma_start3A_44 : memref<1x8x40xi32, #tpu.memory_space<vmem>> -> memref<8x40xi32, #tpu.memory_space<vmem>>
    %dma_start3A_46 = arith.constant 0 : i32
    %dma_start3A_47 = tpu.memref_slice %arg3[%dma_start3A_34, %add3A, %multiple_of3A_16, %dma_start3A_46] : memref<2x32x256x40xi32, #tpu.memory_space<hbm>> -> memref<1x1x8x40xi32, #tpu.memory_space<hbm>>
    %dma_start3A_48 = tpu.memref_squeeze %dma_start3A_47 : memref<1x1x8x40xi32, #tpu.memory_space<hbm>> -> memref<8x40xi32, #tpu.memory_space<hbm>>
    tpu.enqueue_dma source(%dma_start3A_48 : memref<8x40xi32, #tpu.memory_space<hbm>>) target(%dma_start3A_45 : memref<8x40xi32, #tpu.memory_space<vmem>>) target_semaphore(%arg19 : memref<!tpu.dma_semaphore, #tpu.memory_space<semaphore_mem>>)
    %barrier3A = arith.constant 0 : index
    tpu.barrier barrier_id(%barrier3A)
    %div3A = arith.constant 0 : i32
    %div3A_49 = arith.constant 8 : i32
    %div3A_50 = arith.divsi %div3A, %div3A_49 : i32
    %rem3A_51 = arith.constant 2 : i32
    %rem3A_52 = arith.remsi %div3A_50, %rem3A_51 : i32
    %rem3A_53 = arith.constant 0 : i32
    %rem3A_54 = arith.constant 8 : i32
    %rem3A_55 = arith.remsi %rem3A_53, %rem3A_54 : i32
    %dma_start3A_56 = arith.constant 0 : i32
    %dma_start3A_57 = arith.constant 0 : i32
    %dma_start3A_58 = arith.constant 0 : i32
    %dma_start3A_59 = tpu.memref_slice %arg8[%dma_start3A_56, %dma_start3A_57, %dma_start3A_58] : memref<4x40x128xf32, #tpu.memory_space<vmem>> -> memref<1x40x128xf32, #tpu.memory_space<vmem>>
    %dma_start3A_60 = tpu.memref_squeeze %dma_start3A_59 : memref<1x40x128xf32, #tpu.memory_space<vmem>> -> memref<40x128xf32, #tpu.memory_space<vmem>>
    %dma_start3A_61 = arith.constant 0 : i32
    %dma_start3A_62 = tpu.memref_slice %arg6[%rem3A_52, %rem3A_55, %dma_start3A_61] : memref<2x8x40xi32, #tpu.memory_space<vmem>> -> memref<1x1x40xi32, #tpu.memory_space<vmem>>
    %dma_start3A_63 = tpu.memref_squeeze %dma_start3A_62 : memref<1x1x40xi32, #tpu.memory_space<vmem>> -> memref<40xi32, #tpu.memory_space<vmem>>
    %dma_start3A_64 = arith.constant 0 : i32
    %dma_start3A_65 = arith.constant 0 : i32
    %dma_start3A_66 = tpu.memref_slice %arg2[%dma_start3A_64, %dma_start3A_65] : memref<10000x128xf32, #tpu.memory_space<hbm>> -> memref<10000x128xf32, #tpu.memory_space<hbm>>
    tpu.enqueue_indirect_dma source(%dma_start3A_66 : memref<10000x128xf32, #tpu.memory_space<hbm>>) target(%dma_start3A_60 : memref<40x128xf32, #tpu.memory_space<vmem>>) offsets(%dma_start3A_63 : memref<40xi32, #tpu.memory_space<vmem>>) semaphore(%arg10 : memref<!tpu.dma_semaphore, #tpu.memory_space<semaphore_mem>>)
    %div3A_67 = arith.constant 1 : i32
    %div3A_68 = arith.constant 8 : i32
    %div3A_69 = arith.divsi %div3A_67, %div3A_68 : i32
    %rem3A_70 = arith.constant 2 : i32
    %rem3A_71 = arith.remsi %div3A_69, %rem3A_70 : i32
    %rem3A_72 = arith.constant 1 : i32
    %rem3A_73 = arith.constant 8 : i32
    %rem3A_74 = arith.remsi %rem3A_72, %rem3A_73 : i32
    %dma_start3A_75 = arith.constant 1 : i32
    %dma_start3A_76 = arith.constant 0 : i32
    %dma_start3A_77 = arith.constant 0 : i32
    %dma_start3A_78 = tpu.memref_slice %arg8[%dma_start3A_75, %dma_start3A_76, %dma_start3A_77] : memref<4x40x128xf32, #tpu.memory_space<vmem>> -> memref<1x40x128xf32, #tpu.memory_space<vmem>>
    %dma_start3A_79 = tpu.memref_squeeze %dma_start3A_78 : memref<1x40x128xf32, #tpu.memory_space<vmem>> -> memref<40x128xf32, #tpu.memory_space<vmem>>
    %dma_start3A_80 = arith.constant 0 : i32
    %dma_start3A_81 = tpu.memref_slice %arg6[%rem3A_71, %rem3A_74, %dma_start3A_80] : memref<2x8x40xi32, #tpu.memory_space<vmem>> -> memref<1x1x40xi32, #tpu.memory_space<vmem>>
    %dma_start3A_82 = tpu.memref_squeeze %dma_start3A_81 : memref<1x1x40xi32, #tpu.memory_space<vmem>> -> memref<40xi32, #tpu.memory_space<vmem>>
    %dma_start3A_83 = arith.constant 0 : i32
    %dma_start3A_84 = arith.constant 0 : i32
    %dma_start3A_85 = tpu.memref_slice %arg2[%dma_start3A_83, %dma_start3A_84] : memref<10000x128xf32, #tpu.memory_space<hbm>> -> memref<10000x128xf32, #tpu.memory_space<hbm>>
    tpu.enqueue_indirect_dma source(%dma_start3A_85 : memref<10000x128xf32, #tpu.memory_space<hbm>>) target(%dma_start3A_79 : memref<40x128xf32, #tpu.memory_space<vmem>>) offsets(%dma_start3A_82 : memref<40xi32, #tpu.memory_space<vmem>>) semaphore(%arg11 : memref<!tpu.dma_semaphore, #tpu.memory_space<semaphore_mem>>)
    %scan3A = arith.constant 0 : i32
    %scan3A_86 = arith.constant 0 : i32
    %scan3A_87 = arith.constant 62 : i32
    %scan3A_88 = arith.addi %scan3A_86, %scan3A_87 : i32
    %scan3A_89 = arith.constant 1 : i32
    scf.for %scan3A_216 = %scan3A_86 to %scan3A_88 step %scan3A_89  : i32 {
      %mul3A_217 = arith.constant 4 : i32
      %mul3A_218 = arith.muli %mul3A_217, %scan3A_216 : i32
      %dma_wait3A_219 = arith.constant 0 : i32
      %dma_wait3A_220 = arith.constant 0 : i32
      %dma_wait3A_221 = arith.constant 0 : i32
      %dma_wait3A_222 = arith.constant 0 : i32
      %dma_wait3A_223 = arith.constant 0 : i32
      %dma_wait3A_224 = tpu.memref_slice %arg8[%dma_wait3A_221, %dma_wait3A_222, %dma_wait3A_223] : memref<4x40x128xf32, #tpu.memory_space<vmem>> -> memref<1x40x128xf32, #tpu.memory_space<vmem>>
      %dma_wait3A_225 = tpu.memref_squeeze %dma_wait3A_224 : memref<1x40x128xf32, #tpu.memory_space<vmem>> -> memref<40x128xf32, #tpu.memory_space<vmem>>
      %dma_wait3A_226 = arith.constant 0 : i32
      %dma_wait3A_227 = tpu.memref_slice %arg6[%dma_wait3A_219, %dma_wait3A_220, %dma_wait3A_226] : memref<2x8x40xi32, #tpu.memory_space<vmem>> -> memref<1x1x40xi32, #tpu.memory_space<vmem>>
      %dma_wait3A_228 = tpu.memref_squeeze %dma_wait3A_227 : memref<1x1x40xi32, #tpu.memory_space<vmem>> -> memref<40xi32, #tpu.memory_space<vmem>>
      %dma_wait3A_229 = arith.constant 0 : i32
      %dma_wait3A_230 = arith.constant 0 : i32
      %dma_wait3A_231 = tpu.memref_slice %arg2[%dma_wait3A_229, %dma_wait3A_230] : memref<10000x128xf32, #tpu.memory_space<hbm>> -> memref<10000x128xf32, #tpu.memory_space<hbm>>
      tpu.wait_indirect_dma semaphore(%arg10 : memref<!tpu.dma_semaphore, #tpu.memory_space<semaphore_mem>>) src(%dma_wait3A_231 : memref<10000x128xf32, #tpu.memory_space<hbm>>) dst(%dma_wait3A_225 : memref<40x128xf32, #tpu.memory_space<vmem>>)
      %div3A_232 = arith.constant 8 : i32
      %div3A_233 = arith.divsi %mul3A_218, %div3A_232 : i32
      %rem3A_234 = arith.constant 2 : i32
      %rem3A_235 = arith.remsi %div3A_233, %rem3A_234 : i32
      %rem3A_236 = arith.constant 8 : i32
      %rem3A_237 = arith.remsi %mul3A_218, %rem3A_236 : i32
      %dma_start3A_238 = arith.constant 0 : i32
      %dma_start3A_239 = arith.constant 0 : i32
      %dma_start3A_240 = arith.constant 0 : i32
      %dma_start3A_241 = tpu.memref_slice %arg8[%dma_start3A_238, %dma_start3A_239, %dma_start3A_240] : memref<4x40x128xf32, #tpu.memory_space<vmem>> -> memref<1x40x128xf32, #tpu.memory_space<vmem>>
      %dma_start3A_242 = tpu.memref_squeeze %dma_start3A_241 : memref<1x40x128xf32, #tpu.memory_space<vmem>> -> memref<40x128xf32, #tpu.memory_space<vmem>>
      %dma_start3A_243 = arith.constant 0 : i32
      %dma_start3A_244 = tpu.memref_slice %arg7[%rem3A_235, %rem3A_237, %dma_start3A_243] : memref<2x8x40xi32, #tpu.memory_space<vmem>> -> memref<1x1x40xi32, #tpu.memory_space<vmem>>
      %dma_start3A_245 = tpu.memref_squeeze %dma_start3A_244 : memref<1x1x40xi32, #tpu.memory_space<vmem>> -> memref<40xi32, #tpu.memory_space<vmem>>
      %dma_start3A_246 = arith.constant 0 : i32
      %dma_start3A_247 = arith.constant 0 : i32
      %dma_start3A_248 = tpu.memref_slice %arg9[%dma_start3A_246, %dma_start3A_247] : memref<10000x128xf32, #tpu.memory_space<vmem_shared>> -> memref<10000x128xf32, #tpu.memory_space<vmem_shared>>
      tpu.enqueue_indirect_dma source(%dma_start3A_242 : memref<40x128xf32, #tpu.memory_space<vmem>>) target(%dma_start3A_248 : memref<10000x128xf32, #tpu.memory_space<vmem_shared>>) offsets(%dma_start3A_245 : memref<40xi32, #tpu.memory_space<vmem>>) semaphore(%arg14 : memref<!tpu.dma_semaphore, #tpu.memory_space<semaphore_mem>>) {add = true}
      %gt3A = arith.constant 0 : i32
      %gt3A_249 = arith.cmpi sgt, %scan3A_216, %gt3A : i32
      %convert_element_type3A_250 = arith.extui %gt3A_249 : i1 to i32
      %cond3A_251 = arith.constant 0 : i32
      %cond3A_252 = arith.cmpi ne, %convert_element_type3A_250, %cond3A_251 : i32
      scf.if %cond3A_252 {
        %dma_wait3A_474 = arith.constant 2 : i32
        %dma_wait3A_475 = arith.constant 0 : i32
        %dma_wait3A_476 = arith.constant 0 : i32
        %dma_wait3A_477 = arith.constant 0 : i32
        %dma_wait3A_478 = arith.constant 0 : i32
        %dma_wait3A_479 = tpu.memref_slice %arg8[%dma_wait3A_474, %dma_wait3A_477, %dma_wait3A_478] : memref<4x40x128xf32, #tpu.memory_space<vmem>> -> memref<1x40x128xf32, #tpu.memory_space<vmem>>
        %dma_wait3A_480 = tpu.memref_squeeze %dma_wait3A_479 : memref<1x40x128xf32, #tpu.memory_space<vmem>> -> memref<40x128xf32, #tpu.memory_space<vmem>>
        %dma_wait3A_481 = arith.constant 0 : i32
        %dma_wait3A_482 = tpu.memref_slice %arg7[%dma_wait3A_475, %dma_wait3A_476, %dma_wait3A_481] : memref<2x8x40xi32, #tpu.memory_space<vmem>> -> memref<1x1x40xi32, #tpu.memory_space<vmem>>
        %dma_wait3A_483 = tpu.memref_squeeze %dma_wait3A_482 : memref<1x1x40xi32, #tpu.memory_space<vmem>> -> memref<40xi32, #tpu.memory_space<vmem>>
        %dma_wait3A_484 = arith.constant 0 : i32
        %dma_wait3A_485 = arith.constant 0 : i32
        %dma_wait3A_486 = tpu.memref_slice %arg9[%dma_wait3A_484, %dma_wait3A_485] : memref<10000x128xf32, #tpu.memory_space<vmem_shared>> -> memref<10000x128xf32, #tpu.memory_space<vmem_shared>>
        tpu.wait_indirect_dma semaphore(%arg16 : memref<!tpu.dma_semaphore, #tpu.memory_space<semaphore_mem>>) src(%dma_wait3A_480 : memref<40x128xf32, #tpu.memory_space<vmem>>) dst(%dma_wait3A_486 : memref<10000x128xf32, #tpu.memory_space<vmem_shared>>)
      } else {
      }
      %add3A_253 = arith.constant 2 : i32
      %add3A_254 = arith.addi %mul3A_218, %add3A_253 : i32
      %div3A_255 = arith.constant 8 : i32
      %div3A_256 = arith.divsi %add3A_254, %div3A_255 : i32
      %rem3A_257 = arith.constant 2 : i32
      %rem3A_258 = arith.remsi %div3A_256, %rem3A_257 : i32
      %rem3A_259 = arith.constant 8 : i32
      %rem3A_260 = arith.remsi %add3A_254, %rem3A_259 : i32
      %dma_start3A_261 = arith.constant 2 : i32
      %dma_start3A_262 = arith.constant 0 : i32
      %dma_start3A_263 = arith.constant 0 : i32
      %dma_start3A_264 = tpu.memref_slice %arg8[%dma_start3A_261, %dma_start3A_262, %dma_start3A_263] : memref<4x40x128xf32, #tpu.memory_space<vmem>> -> memref<1x40x128xf32, #tpu.memory_space<vmem>>
      %dma_start3A_265 = tpu.memref_squeeze %dma_start3A_264 : memref<1x40x128xf32, #tpu.memory_space<vmem>> -> memref<40x128xf32, #tpu.memory_space<vmem>>
      %dma_start3A_266 = arith.constant 0 : i32
      %dma_start3A_267 = tpu.memref_slice %arg6[%rem3A_258, %rem3A_260, %dma_start3A_266] : memref<2x8x40xi32, #tpu.memory_space<vmem>> -> memref<1x1x40xi32, #tpu.memory_space<vmem>>
      %dma_start3A_268 = tpu.memref_squeeze %dma_start3A_267 : memref<1x1x40xi32, #tpu.memory_space<vmem>> -> memref<40xi32, #tpu.memory_space<vmem>>
      %dma_start3A_269 = arith.constant 0 : i32
      %dma_start3A_270 = arith.constant 0 : i32
      %dma_start3A_271 = tpu.memref_slice %arg2[%dma_start3A_269, %dma_start3A_270] : memref<10000x128xf32, #tpu.memory_space<hbm>> -> memref<10000x128xf32, #tpu.memory_space<hbm>>
      tpu.enqueue_indirect_dma source(%dma_start3A_271 : memref<10000x128xf32, #tpu.memory_space<hbm>>) target(%dma_start3A_265 : memref<40x128xf32, #tpu.memory_space<vmem>>) offsets(%dma_start3A_268 : memref<40xi32, #tpu.memory_space<vmem>>) semaphore(%arg12 : memref<!tpu.dma_semaphore, #tpu.memory_space<semaphore_mem>>)
      %dma_wait3A_272 = arith.constant 0 : i32
      %dma_wait3A_273 = arith.constant 0 : i32
      %dma_wait3A_274 = arith.constant 1 : i32
      %dma_wait3A_275 = arith.constant 0 : i32
      %dma_wait3A_276 = arith.constant 0 : i32
      %dma_wait3A_277 = tpu.memref_slice %arg8[%dma_wait3A_274, %dma_wait3A_275, %dma_wait3A_276] : memref<4x40x128xf32, #tpu.memory_space<vmem>> -> memref<1x40x128xf32, #tpu.memory_space<vmem>>
      %dma_wait3A_278 = tpu.memref_squeeze %dma_wait3A_277 : memref<1x40x128xf32, #tpu.memory_space<vmem>> -> memref<40x128xf32, #tpu.memory_space<vmem>>
      %dma_wait3A_279 = arith.constant 0 : i32
      %dma_wait3A_280 = tpu.memref_slice %arg6[%dma_wait3A_272, %dma_wait3A_273, %dma_wait3A_279] : memref<2x8x40xi32, #tpu.memory_space<vmem>> -> memref<1x1x40xi32, #tpu.memory_space<vmem>>
      %dma_wait3A_281 = tpu.memref_squeeze %dma_wait3A_280 : memref<1x1x40xi32, #tpu.memory_space<vmem>> -> memref<40xi32, #tpu.memory_space<vmem>>
      %dma_wait3A_282 = arith.constant 0 : i32
      %dma_wait3A_283 = arith.constant 0 : i32
      %dma_wait3A_284 = tpu.memref_slice %arg2[%dma_wait3A_282, %dma_wait3A_283] : memref<10000x128xf32, #tpu.memory_space<hbm>> -> memref<10000x128xf32, #tpu.memory_space<hbm>>
      tpu.wait_indirect_dma semaphore(%arg11 : memref<!tpu.dma_semaphore, #tpu.memory_space<semaphore_mem>>) src(%dma_wait3A_284 : memref<10000x128xf32, #tpu.memory_space<hbm>>) dst(%dma_wait3A_278 : memref<40x128xf32, #tpu.memory_space<vmem>>)
      %add3A_285 = arith.constant 1 : i32
      %add3A_286 = arith.addi %mul3A_218, %add3A_285 : i32
      %div3A_287 = arith.constant 8 : i32
      %div3A_288 = arith.divsi %add3A_286, %div3A_287 : i32
      %rem3A_289 = arith.constant 2 : i32
      %rem3A_290 = arith.remsi %div3A_288, %rem3A_289 : i32
      %rem3A_291 = arith.constant 8 : i32
      %rem3A_292 = arith.remsi %add3A_286, %rem3A_291 : i32
      %dma_start3A_293 = arith.constant 1 : i32
      %dma_start3A_294 = arith.constant 0 : i32
      %dma_start3A_295 = arith.constant 0 : i32
      %dma_start3A_296 = tpu.memref_slice %arg8[%dma_start3A_293, %dma_start3A_294, %dma_start3A_295] : memref<4x40x128xf32, #tpu.memory_space<vmem>> -> memref<1x40x128xf32, #tpu.memory_space<vmem>>
      %dma_start3A_297 = tpu.memref_squeeze %dma_start3A_296 : memref<1x40x128xf32, #tpu.memory_space<vmem>> -> memref<40x128xf32, #tpu.memory_space<vmem>>
      %dma_start3A_298 = arith.constant 0 : i32
      %dma_start3A_299 = tpu.memref_slice %arg7[%rem3A_290, %rem3A_292, %dma_start3A_298] : memref<2x8x40xi32, #tpu.memory_space<vmem>> -> memref<1x1x40xi32, #tpu.memory_space<vmem>>
      %dma_start3A_300 = tpu.memref_squeeze %dma_start3A_299 : memref<1x1x40xi32, #tpu.memory_space<vmem>> -> memref<40xi32, #tpu.memory_space<vmem>>
      %dma_start3A_301 = arith.constant 0 : i32
      %dma_start3A_302 = arith.constant 0 : i32
      %dma_start3A_303 = tpu.memref_slice %arg9[%dma_start3A_301, %dma_start3A_302] : memref<10000x128xf32, #tpu.memory_space<vmem_shared>> -> memref<10000x128xf32, #tpu.memory_space<vmem_shared>>
      tpu.enqueue_indirect_dma source(%dma_start3A_297 : memref<40x128xf32, #tpu.memory_space<vmem>>) target(%dma_start3A_303 : memref<10000x128xf32, #tpu.memory_space<vmem_shared>>) offsets(%dma_start3A_300 : memref<40xi32, #tpu.memory_space<vmem>>) semaphore(%arg15 : memref<!tpu.dma_semaphore, #tpu.memory_space<semaphore_mem>>) {add = true}
      %gt3A_304 = arith.constant 0 : i32
      %gt3A_305 = arith.cmpi sgt, %scan3A_216, %gt3A_304 : i32
      %convert_element_type3A_306 = arith.extui %gt3A_305 : i1 to i32
      %cond3A_307 = arith.constant 0 : i32
      %cond3A_308 = arith.cmpi ne, %convert_element_type3A_306, %cond3A_307 : i32
      scf.if %cond3A_308 {
        %dma_wait3A_474 = arith.constant 3 : i32
        %dma_wait3A_475 = arith.constant 0 : i32
        %dma_wait3A_476 = arith.constant 0 : i32
        %dma_wait3A_477 = arith.constant 0 : i32
        %dma_wait3A_478 = arith.constant 0 : i32
        %dma_wait3A_479 = tpu.memref_slice %arg8[%dma_wait3A_474, %dma_wait3A_477, %dma_wait3A_478] : memref<4x40x128xf32, #tpu.memory_space<vmem>> -> memref<1x40x128xf32, #tpu.memory_space<vmem>>
        %dma_wait3A_480 = tpu.memref_squeeze %dma_wait3A_479 : memref<1x40x128xf32, #tpu.memory_space<vmem>> -> memref<40x128xf32, #tpu.memory_space<vmem>>
        %dma_wait3A_481 = arith.constant 0 : i32
        %dma_wait3A_482 = tpu.memref_slice %arg7[%dma_wait3A_475, %dma_wait3A_476, %dma_wait3A_481] : memref<2x8x40xi32, #tpu.memory_space<vmem>> -> memref<1x1x40xi32, #tpu.memory_space<vmem>>
        %dma_wait3A_483 = tpu.memref_squeeze %dma_wait3A_482 : memref<1x1x40xi32, #tpu.memory_space<vmem>> -> memref<40xi32, #tpu.memory_space<vmem>>
        %dma_wait3A_484 = arith.constant 0 : i32
        %dma_wait3A_485 = arith.constant 0 : i32
        %dma_wait3A_486 = tpu.memref_slice %arg9[%dma_wait3A_484, %dma_wait3A_485] : memref<10000x128xf32, #tpu.memory_space<vmem_shared>> -> memref<10000x128xf32, #tpu.memory_space<vmem_shared>>
        tpu.wait_indirect_dma semaphore(%arg17 : memref<!tpu.dma_semaphore, #tpu.memory_space<semaphore_mem>>) src(%dma_wait3A_480 : memref<40x128xf32, #tpu.memory_space<vmem>>) dst(%dma_wait3A_486 : memref<10000x128xf32, #tpu.memory_space<vmem_shared>>)
      } else {
      }
      %add3A_309 = arith.constant 3 : i32
      %add3A_310 = arith.addi %mul3A_218, %add3A_309 : i32
      %div3A_311 = arith.constant 8 : i32
      %div3A_312 = arith.divsi %add3A_310, %div3A_311 : i32
      %rem3A_313 = arith.constant 2 : i32
      %rem3A_314 = arith.remsi %div3A_312, %rem3A_313 : i32
      %rem3A_315 = arith.constant 8 : i32
      %rem3A_316 = arith.remsi %add3A_310, %rem3A_315 : i32
      %dma_start3A_317 = arith.constant 3 : i32
      %dma_start3A_318 = arith.constant 0 : i32
      %dma_start3A_319 = arith.constant 0 : i32
      %dma_start3A_320 = tpu.memref_slice %arg8[%dma_start3A_317, %dma_start3A_318, %dma_start3A_319] : memref<4x40x128xf32, #tpu.memory_space<vmem>> -> memref<1x40x128xf32, #tpu.memory_space<vmem>>
      %dma_start3A_321 = tpu.memref_squeeze %dma_start3A_320 : memref<1x40x128xf32, #tpu.memory_space<vmem>> -> memref<40x128xf32, #tpu.memory_space<vmem>>
      %dma_start3A_322 = arith.constant 0 : i32
      %dma_start3A_323 = tpu.memref_slice %arg6[%rem3A_314, %rem3A_316, %dma_start3A_322] : memref<2x8x40xi32, #tpu.memory_space<vmem>> -> memref<1x1x40xi32, #tpu.memory_space<vmem>>
      %dma_start3A_324 = tpu.memref_squeeze %dma_start3A_323 : memref<1x1x40xi32, #tpu.memory_space<vmem>> -> memref<40xi32, #tpu.memory_space<vmem>>
      %dma_start3A_325 = arith.constant 0 : i32
      %dma_start3A_326 = arith.constant 0 : i32
      %dma_start3A_327 = tpu.memref_slice %arg2[%dma_start3A_325, %dma_start3A_326] : memref<10000x128xf32, #tpu.memory_space<hbm>> -> memref<10000x128xf32, #tpu.memory_space<hbm>>
      tpu.enqueue_indirect_dma source(%dma_start3A_327 : memref<10000x128xf32, #tpu.memory_space<hbm>>) target(%dma_start3A_321 : memref<40x128xf32, #tpu.memory_space<vmem>>) offsets(%dma_start3A_324 : memref<40xi32, #tpu.memory_space<vmem>>) semaphore(%arg13 : memref<!tpu.dma_semaphore, #tpu.memory_space<semaphore_mem>>)
      %rem3A_328 = arith.constant 2 : i32
      %rem3A_329 = arith.remsi %scan3A_216, %rem3A_328 : i32
      %eq3A_330 = arith.constant 0 : i32
      %eq3A_331 = arith.cmpi eq, %rem3A_329, %eq3A_330 : i32
      %gt3A_332 = arith.constant 0 : i32
      %gt3A_333 = arith.cmpi sgt, %scan3A_216, %gt3A_332 : i32
      %and3A = arith.andi %eq3A_331, %gt3A_333 : i1
      %lt3A = arith.constant 61 : i32
      %lt3A_334 = arith.cmpi slt, %scan3A_216, %lt3A : i32
      %and3A_335 = arith.andi %and3A, %lt3A_334 : i1
      %convert_element_type3A_336 = arith.extui %and3A_335 : i1 to i32
      %cond3A_337 = arith.constant 0 : i32
      %cond3A_338 = arith.cmpi ne, %convert_element_type3A_336, %cond3A_337 : i32
      scf.if %cond3A_338 {
        %div3A_474 = arith.constant 2 : i32
        %div3A_475 = arith.divsi %scan3A_216, %div3A_474 : i32
        %add3A_476 = arith.constant 1 : i32
        %add3A_477 = arith.addi %div3A_475, %add3A_476 : i32
        %mul3A_478 = arith.constant 8 : i32
        %mul3A_479 = arith.muli %add3A_477, %mul3A_478 : i32
        %multiple_of3A_480 = tpu.assume_multiple %mul3A_479, 8 : i32
        %rem3A_481 = arith.constant 2 : i32
        %rem3A_482 = arith.remsi %add3A_477, %rem3A_481 : i32
        %dma_start3A_483 = arith.constant 0 : i32
        %dma_start3A_484 = arith.constant 0 : i32
        %dma_start3A_485 = arith.constant 0 : i32
        %dma_start3A_486 = tpu.memref_slice %arg6[%rem3A_482, %dma_start3A_484, %dma_start3A_485] : memref<2x8x40xi32, #tpu.memory_space<vmem>> -> memref<1x8x40xi32, #tpu.memory_space<vmem>>
        %dma_start3A_487 = tpu.memref_squeeze %dma_start3A_486 : memref<1x8x40xi32, #tpu.memory_space<vmem>> -> memref<8x40xi32, #tpu.memory_space<vmem>>
        %dma_start3A_488 = arith.constant 0 : i32
        %dma_start3A_489 = tpu.memref_slice %arg3[%dma_start3A_483, %add3A, %multiple_of3A_480, %dma_start3A_488] : memref<2x32x256x40xi32, #tpu.memory_space<hbm>> -> memref<1x1x8x40xi32, #tpu.memory_space<hbm>>
        %dma_start3A_490 = tpu.memref_squeeze %dma_start3A_489 : memref<1x1x8x40xi32, #tpu.memory_space<hbm>> -> memref<8x40xi32, #tpu.memory_space<hbm>>
        %dma_start3A_491 = arith.constant 0 : i32
        %dma_start3A_492 = arith.constant 0 : i32
        %dma_start3A_493 = tpu.memref_slice %arg6[%rem3A_482, %dma_start3A_491, %dma_start3A_492] : memref<2x8x40xi32, #tpu.memory_space<vmem>> -> memref<1x8x40xi32, #tpu.memory_space<vmem>>
        %dma_start3A_494 = tpu.memref_squeeze %dma_start3A_493 : memref<1x8x40xi32, #tpu.memory_space<vmem>> -> memref<8x40xi32, #tpu.memory_space<vmem>>
        %dma_start3A_495 = arith.constant 0 : i32
        %dma_start3A_496 = tpu.memref_slice %arg3[%dma_start3A_483, %add3A, %multiple_of3A_480, %dma_start3A_495] : memref<2x32x256x40xi32, #tpu.memory_space<hbm>> -> memref<1x1x8x40xi32, #tpu.memory_space<hbm>>
        %dma_start3A_497 = tpu.memref_squeeze %dma_start3A_496 : memref<1x1x8x40xi32, #tpu.memory_space<hbm>> -> memref<8x40xi32, #tpu.memory_space<hbm>>
        tpu.enqueue_dma source(%dma_start3A_497 : memref<8x40xi32, #tpu.memory_space<hbm>>) target(%dma_start3A_494 : memref<8x40xi32, #tpu.memory_space<vmem>>) target_semaphore(%arg18 : memref<!tpu.dma_semaphore, #tpu.memory_space<semaphore_mem>>)
        %dma_start3A_498 = arith.constant 1 : i32
        %dma_start3A_499 = arith.constant 0 : i32
        %dma_start3A_500 = arith.constant 0 : i32
        %dma_start3A_501 = tpu.memref_slice %arg7[%rem3A_482, %dma_start3A_499, %dma_start3A_500] : memref<2x8x40xi32, #tpu.memory_space<vmem>> -> memref<1x8x40xi32, #tpu.memory_space<vmem>>
        %dma_start3A_502 = tpu.memref_squeeze %dma_start3A_501 : memref<1x8x40xi32, #tpu.memory_space<vmem>> -> memref<8x40xi32, #tpu.memory_space<vmem>>
        %dma_start3A_503 = arith.constant 0 : i32
        %dma_start3A_504 = tpu.memref_slice %arg3[%dma_start3A_498, %add3A, %multiple_of3A_480, %dma_start3A_503] : memref<2x32x256x40xi32, #tpu.memory_space<hbm>> -> memref<1x1x8x40xi32, #tpu.memory_space<hbm>>
        %dma_start3A_505 = tpu.memref_squeeze %dma_start3A_504 : memref<1x1x8x40xi32, #tpu.memory_space<hbm>> -> memref<8x40xi32, #tpu.memory_space<hbm>>
        %dma_start3A_506 = arith.constant 0 : i32
        %dma_start3A_507 = arith.constant 0 : i32
        %dma_start3A_508 = tpu.memref_slice %arg7[%rem3A_482, %dma_start3A_506, %dma_start3A_507] : memref<2x8x40xi32, #tpu.memory_space<vmem>> -> memref<1x8x40xi32, #tpu.memory_space<vmem>>
        %dma_start3A_509 = tpu.memref_squeeze %dma_start3A_508 : memref<1x8x40xi32, #tpu.memory_space<vmem>> -> memref<8x40xi32, #tpu.memory_space<vmem>>
        %dma_start3A_510 = arith.constant 0 : i32
        %dma_start3A_511 = tpu.memref_slice %arg3[%dma_start3A_498, %add3A, %multiple_of3A_480, %dma_start3A_510] : memref<2x32x256x40xi32, #tpu.memory_space<hbm>> -> memref<1x1x8x40xi32, #tpu.memory_space<hbm>>
        %dma_start3A_512 = tpu.memref_squeeze %dma_start3A_511 : memref<1x1x8x40xi32, #tpu.memory_space<hbm>> -> memref<8x40xi32, #tpu.memory_space<hbm>>
        tpu.enqueue_dma source(%dma_start3A_512 : memref<8x40xi32, #tpu.memory_space<hbm>>) target(%dma_start3A_509 : memref<8x40xi32, #tpu.memory_space<vmem>>) target_semaphore(%arg19 : memref<!tpu.dma_semaphore, #tpu.memory_space<semaphore_mem>>)
      } else {
      }
      %dma_wait3A_339 = arith.constant 0 : i32
      %dma_wait3A_340 = arith.constant 0 : i32
      %dma_wait3A_341 = arith.constant 2 : i32
      %dma_wait3A_342 = arith.constant 0 : i32
      %dma_wait3A_343 = arith.constant 0 : i32
      %dma_wait3A_344 = tpu.memref_slice %arg8[%dma_wait3A_341, %dma_wait3A_342, %dma_wait3A_343] : memref<4x40x128xf32, #tpu.memory_space<vmem>> -> memref<1x40x128xf32, #tpu.memory_space<vmem>>
      %dma_wait3A_345 = tpu.memref_squeeze %dma_wait3A_344 : memref<1x40x128xf32, #tpu.memory_space<vmem>> -> memref<40x128xf32, #tpu.memory_space<vmem>>
      %dma_wait3A_346 = arith.constant 0 : i32
      %dma_wait3A_347 = tpu.memref_slice %arg6[%dma_wait3A_339, %dma_wait3A_340, %dma_wait3A_346] : memref<2x8x40xi32, #tpu.memory_space<vmem>> -> memref<1x1x40xi32, #tpu.memory_space<vmem>>
      %dma_wait3A_348 = tpu.memref_squeeze %dma_wait3A_347 : memref<1x1x40xi32, #tpu.memory_space<vmem>> -> memref<40xi32, #tpu.memory_space<vmem>>
      %dma_wait3A_349 = arith.constant 0 : i32
      %dma_wait3A_350 = arith.constant 0 : i32
      %dma_wait3A_351 = tpu.memref_slice %arg2[%dma_wait3A_349, %dma_wait3A_350] : memref<10000x128xf32, #tpu.memory_space<hbm>> -> memref<10000x128xf32, #tpu.memory_space<hbm>>
      tpu.wait_indirect_dma semaphore(%arg12 : memref<!tpu.dma_semaphore, #tpu.memory_space<semaphore_mem>>) src(%dma_wait3A_351 : memref<10000x128xf32, #tpu.memory_space<hbm>>) dst(%dma_wait3A_345 : memref<40x128xf32, #tpu.memory_space<vmem>>)
      %add3A_352 = arith.constant 2 : i32
      %add3A_353 = arith.addi %mul3A_218, %add3A_352 : i32
      %div3A_354 = arith.constant 8 : i32
      %div3A_355 = arith.divsi %add3A_353, %div3A_354 : i32
      %rem3A_356 = arith.constant 2 : i32
      %rem3A_357 = arith.remsi %div3A_355, %rem3A_356 : i32
      %rem3A_358 = arith.constant 8 : i32
      %rem3A_359 = arith.remsi %add3A_353, %rem3A_358 : i32
      %dma_start3A_360 = arith.constant 2 : i32
      %dma_start3A_361 = arith.constant 0 : i32
      %dma_start3A_362 = arith.constant 0 : i32
      %dma_start3A_363 = tpu.memref_slice %arg8[%dma_start3A_360, %dma_start3A_361, %dma_start3A_362] : memref<4x40x128xf32, #tpu.memory_space<vmem>> -> memref<1x40x128xf32, #tpu.memory_space<vmem>>
      %dma_start3A_364 = tpu.memref_squeeze %dma_start3A_363 : memref<1x40x128xf32, #tpu.memory_space<vmem>> -> memref<40x128xf32, #tpu.memory_space<vmem>>
      %dma_start3A_365 = arith.constant 0 : i32
      %dma_start3A_366 = tpu.memref_slice %arg7[%rem3A_357, %rem3A_359, %dma_start3A_365] : memref<2x8x40xi32, #tpu.memory_space<vmem>> -> memref<1x1x40xi32, #tpu.memory_space<vmem>>
      %dma_start3A_367 = tpu.memref_squeeze %dma_start3A_366 : memref<1x1x40xi32, #tpu.memory_space<vmem>> -> memref<40xi32, #tpu.memory_space<vmem>>
      %dma_start3A_368 = arith.constant 0 : i32
      %dma_start3A_369 = arith.constant 0 : i32
      %dma_start3A_370 = tpu.memref_slice %arg9[%dma_start3A_368, %dma_start3A_369] : memref<10000x128xf32, #tpu.memory_space<vmem_shared>> -> memref<10000x128xf32, #tpu.memory_space<vmem_shared>>
      tpu.enqueue_indirect_dma source(%dma_start3A_364 : memref<40x128xf32, #tpu.memory_space<vmem>>) target(%dma_start3A_370 : memref<10000x128xf32, #tpu.memory_space<vmem_shared>>) offsets(%dma_start3A_367 : memref<40xi32, #tpu.memory_space<vmem>>) semaphore(%arg16 : memref<!tpu.dma_semaphore, #tpu.memory_space<semaphore_mem>>) {add = true}
      %dma_wait3A_371 = arith.constant 0 : i32
      %dma_wait3A_372 = arith.constant 0 : i32
      %dma_wait3A_373 = arith.constant 0 : i32
      %dma_wait3A_374 = arith.constant 0 : i32
      %dma_wait3A_375 = arith.constant 0 : i32
      %dma_wait3A_376 = tpu.memref_slice %arg8[%dma_wait3A_371, %dma_wait3A_374, %dma_wait3A_375] : memref<4x40x128xf32, #tpu.memory_space<vmem>> -> memref<1x40x128xf32, #tpu.memory_space<vmem>>
      %dma_wait3A_377 = tpu.memref_squeeze %dma_wait3A_376 : memref<1x40x128xf32, #tpu.memory_space<vmem>> -> memref<40x128xf32, #tpu.memory_space<vmem>>
      %dma_wait3A_378 = arith.constant 0 : i32
      %dma_wait3A_379 = tpu.memref_slice %arg7[%dma_wait3A_372, %dma_wait3A_373, %dma_wait3A_378] : memref<2x8x40xi32, #tpu.memory_space<vmem>> -> memref<1x1x40xi32, #tpu.memory_space<vmem>>
      %dma_wait3A_380 = tpu.memref_squeeze %dma_wait3A_379 : memref<1x1x40xi32, #tpu.memory_space<vmem>> -> memref<40xi32, #tpu.memory_space<vmem>>
      %dma_wait3A_381 = arith.constant 0 : i32
      %dma_wait3A_382 = arith.constant 0 : i32
      %dma_wait3A_383 = tpu.memref_slice %arg9[%dma_wait3A_381, %dma_wait3A_382] : memref<10000x128xf32, #tpu.memory_space<vmem_shared>> -> memref<10000x128xf32, #tpu.memory_space<vmem_shared>>
      tpu.wait_indirect_dma semaphore(%arg14 : memref<!tpu.dma_semaphore, #tpu.memory_space<semaphore_mem>>) src(%dma_wait3A_377 : memref<40x128xf32, #tpu.memory_space<vmem>>) dst(%dma_wait3A_383 : memref<10000x128xf32, #tpu.memory_space<vmem_shared>>)
      %rem3A_384 = arith.constant 2 : i32
      %rem3A_385 = arith.remsi %scan3A_216, %rem3A_384 : i32
      %eq3A_386 = arith.constant 1 : i32
      %eq3A_387 = arith.cmpi eq, %rem3A_385, %eq3A_386 : i32
      %convert_element_type3A_388 = arith.extui %eq3A_387 : i1 to i32
      %cond3A_389 = arith.constant 0 : i32
      %cond3A_390 = arith.cmpi ne, %convert_element_type3A_388, %cond3A_389 : i32
      scf.if %cond3A_390 {
        %div3A_474 = arith.constant 2 : i32
        %div3A_475 = arith.divsi %scan3A_216, %div3A_474 : i32
        %add3A_476 = arith.constant 1 : i32
        %add3A_477 = arith.addi %div3A_475, %add3A_476 : i32
        %mul3A_478 = arith.constant 8 : i32
        %mul3A_479 = arith.muli %add3A_477, %mul3A_478 : i32
        %multiple_of3A_480 = tpu.assume_multiple %mul3A_479, 8 : i32
        %rem3A_481 = arith.constant 2 : i32
        %rem3A_482 = arith.remsi %add3A_477, %rem3A_481 : i32
        %dma_wait3A_483 = arith.constant 0 : i32
        %dma_wait3A_484 = arith.constant 0 : i32
        %dma_wait3A_485 = arith.constant 0 : i32
        %dma_wait3A_486 = tpu.memref_slice %arg6[%rem3A_482, %dma_wait3A_484, %dma_wait3A_485] : memref<2x8x40xi32, #tpu.memory_space<vmem>> -> memref<1x8x40xi32, #tpu.memory_space<vmem>>
        %dma_wait3A_487 = tpu.memref_squeeze %dma_wait3A_486 : memref<1x8x40xi32, #tpu.memory_space<vmem>> -> memref<8x40xi32, #tpu.memory_space<vmem>>
        %dma_wait3A_488 = arith.constant 0 : i32
        %dma_wait3A_489 = tpu.memref_slice %arg3[%dma_wait3A_483, %add3A, %multiple_of3A_480, %dma_wait3A_488] : memref<2x32x256x40xi32, #tpu.memory_space<hbm>> -> memref<1x1x8x40xi32, #tpu.memory_space<hbm>>
        %dma_wait3A_490 = tpu.memref_squeeze %dma_wait3A_489 : memref<1x1x8x40xi32, #tpu.memory_space<hbm>> -> memref<8x40xi32, #tpu.memory_space<hbm>>
        %dma_wait3A_491 = arith.constant 0 : i32
        %dma_wait3A_492 = arith.constant 0 : i32
        %dma_wait3A_493 = tpu.memref_slice %arg6[%rem3A_482, %dma_wait3A_491, %dma_wait3A_492] : memref<2x8x40xi32, #tpu.memory_space<vmem>> -> memref<1x8x40xi32, #tpu.memory_space<vmem>>
        %dma_wait3A_494 = tpu.memref_squeeze %dma_wait3A_493 : memref<1x8x40xi32, #tpu.memory_space<vmem>> -> memref<8x40xi32, #tpu.memory_space<vmem>>
        %dma_wait3A_495 = arith.constant 0 : i32
        %dma_wait3A_496 = tpu.memref_slice %arg3[%dma_wait3A_483, %add3A, %multiple_of3A_480, %dma_wait3A_495] : memref<2x32x256x40xi32, #tpu.memory_space<hbm>> -> memref<1x1x8x40xi32, #tpu.memory_space<hbm>>
        %dma_wait3A_497 = tpu.memref_squeeze %dma_wait3A_496 : memref<1x1x8x40xi32, #tpu.memory_space<hbm>> -> memref<8x40xi32, #tpu.memory_space<hbm>>
        tpu.wait_dma2 semaphore(%arg18 : memref<!tpu.dma_semaphore, #tpu.memory_space<semaphore_mem>>) src(%dma_wait3A_497 : memref<8x40xi32, #tpu.memory_space<hbm>>) dst(%dma_wait3A_494 : memref<8x40xi32, #tpu.memory_space<vmem>>)
        %dma_wait3A_498 = arith.constant 1 : i32
        %dma_wait3A_499 = arith.constant 0 : i32
        %dma_wait3A_500 = arith.constant 0 : i32
        %dma_wait3A_501 = tpu.memref_slice %arg7[%rem3A_482, %dma_wait3A_499, %dma_wait3A_500] : memref<2x8x40xi32, #tpu.memory_space<vmem>> -> memref<1x8x40xi32, #tpu.memory_space<vmem>>
        %dma_wait3A_502 = tpu.memref_squeeze %dma_wait3A_501 : memref<1x8x40xi32, #tpu.memory_space<vmem>> -> memref<8x40xi32, #tpu.memory_space<vmem>>
        %dma_wait3A_503 = arith.constant 0 : i32
        %dma_wait3A_504 = tpu.memref_slice %arg3[%dma_wait3A_498, %add3A, %multiple_of3A_480, %dma_wait3A_503] : memref<2x32x256x40xi32, #tpu.memory_space<hbm>> -> memref<1x1x8x40xi32, #tpu.memory_space<hbm>>
        %dma_wait3A_505 = tpu.memref_squeeze %dma_wait3A_504 : memref<1x1x8x40xi32, #tpu.memory_space<hbm>> -> memref<8x40xi32, #tpu.memory_space<hbm>>
        %dma_wait3A_506 = arith.constant 0 : i32
        %dma_wait3A_507 = arith.constant 0 : i32
        %dma_wait3A_508 = tpu.memref_slice %arg7[%rem3A_482, %dma_wait3A_506, %dma_wait3A_507] : memref<2x8x40xi32, #tpu.memory_space<vmem>> -> memref<1x8x40xi32, #tpu.memory_space<vmem>>
        %dma_wait3A_509 = tpu.memref_squeeze %dma_wait3A_508 : memref<1x8x40xi32, #tpu.memory_space<vmem>> -> memref<8x40xi32, #tpu.memory_space<vmem>>
        %dma_wait3A_510 = arith.constant 0 : i32
        %dma_wait3A_511 = tpu.memref_slice %arg3[%dma_wait3A_498, %add3A, %multiple_of3A_480, %dma_wait3A_510] : memref<2x32x256x40xi32, #tpu.memory_space<hbm>> -> memref<1x1x8x40xi32, #tpu.memory_space<hbm>>
        %dma_wait3A_512 = tpu.memref_squeeze %dma_wait3A_511 : memref<1x1x8x40xi32, #tpu.memory_space<hbm>> -> memref<8x40xi32, #tpu.memory_space<hbm>>
        tpu.wait_dma2 semaphore(%arg19 : memref<!tpu.dma_semaphore, #tpu.memory_space<semaphore_mem>>) src(%dma_wait3A_512 : memref<8x40xi32, #tpu.memory_space<hbm>>) dst(%dma_wait3A_509 : memref<8x40xi32, #tpu.memory_space<vmem>>)
      } else {
      }
      %add3A_391 = arith.constant 4 : i32
      %add3A_392 = arith.addi %mul3A_218, %add3A_391 : i32
      %div3A_393 = arith.constant 8 : i32
      %div3A_394 = arith.divsi %add3A_392, %div3A_393 : i32
      %rem3A_395 = arith.constant 2 : i32
      %rem3A_396 = arith.remsi %div3A_394, %rem3A_395 : i32
      %rem3A_397 = arith.constant 8 : i32
      %rem3A_398 = arith.remsi %add3A_392, %rem3A_397 : i32
      %dma_start3A_399 = arith.constant 0 : i32
      %dma_start3A_400 = arith.constant 0 : i32
      %dma_start3A_401 = arith.constant 0 : i32
      %dma_start3A_402 = tpu.memref_slice %arg8[%dma_start3A_399, %dma_start3A_400, %dma_start3A_401] : memref<4x40x128xf32, #tpu.memory_space<vmem>> -> memref<1x40x128xf32, #tpu.memory_space<vmem>>
      %dma_start3A_403 = tpu.memref_squeeze %dma_start3A_402 : memref<1x40x128xf32, #tpu.memory_space<vmem>> -> memref<40x128xf32, #tpu.memory_space<vmem>>
      %dma_start3A_404 = arith.constant 0 : i32
      %dma_start3A_405 = tpu.memref_slice %arg6[%rem3A_396, %rem3A_398, %dma_start3A_404] : memref<2x8x40xi32, #tpu.memory_space<vmem>> -> memref<1x1x40xi32, #tpu.memory_space<vmem>>
      %dma_start3A_406 = tpu.memref_squeeze %dma_start3A_405 : memref<1x1x40xi32, #tpu.memory_space<vmem>> -> memref<40xi32, #tpu.memory_space<vmem>>
      %dma_start3A_407 = arith.constant 0 : i32
      %dma_start3A_408 = arith.constant 0 : i32
      %dma_start3A_409 = tpu.memref_slice %arg2[%dma_start3A_407, %dma_start3A_408] : memref<10000x128xf32, #tpu.memory_space<hbm>> -> memref<10000x128xf32, #tpu.memory_space<hbm>>
      tpu.enqueue_indirect_dma source(%dma_start3A_409 : memref<10000x128xf32, #tpu.memory_space<hbm>>) target(%dma_start3A_403 : memref<40x128xf32, #tpu.memory_space<vmem>>) offsets(%dma_start3A_406 : memref<40xi32, #tpu.memory_space<vmem>>) semaphore(%arg10 : memref<!tpu.dma_semaphore, #tpu.memory_space<semaphore_mem>>)
      %dma_wait3A_410 = arith.constant 0 : i32
      %dma_wait3A_411 = arith.constant 0 : i32
      %dma_wait3A_412 = arith.constant 3 : i32
      %dma_wait3A_413 = arith.constant 0 : i32
      %dma_wait3A_414 = arith.constant 0 : i32
      %dma_wait3A_415 = tpu.memref_slice %arg8[%dma_wait3A_412, %dma_wait3A_413, %dma_wait3A_414] : memref<4x40x128xf32, #tpu.memory_space<vmem>> -> memref<1x40x128xf32, #tpu.memory_space<vmem>>
      %dma_wait3A_416 = tpu.memref_squeeze %dma_wait3A_415 : memref<1x40x128xf32, #tpu.memory_space<vmem>> -> memref<40x128xf32, #tpu.memory_space<vmem>>
      %dma_wait3A_417 = arith.constant 0 : i32
      %dma_wait3A_418 = tpu.memref_slice %arg6[%dma_wait3A_410, %dma_wait3A_411, %dma_wait3A_417] : memref<2x8x40xi32, #tpu.memory_space<vmem>> -> memref<1x1x40xi32, #tpu.memory_space<vmem>>
      %dma_wait3A_419 = tpu.memref_squeeze %dma_wait3A_418 : memref<1x1x40xi32, #tpu.memory_space<vmem>> -> memref<40xi32, #tpu.memory_space<vmem>>
      %dma_wait3A_420 = arith.constant 0 : i32
      %dma_wait3A_421 = arith.constant 0 : i32
      %dma_wait3A_422 = tpu.memref_slice %arg2[%dma_wait3A_420, %dma_wait3A_421] : memref<10000x128xf32, #tpu.memory_space<hbm>> -> memref<10000x128xf32, #tpu.memory_space<hbm>>
      tpu.wait_indirect_dma semaphore(%arg13 : memref<!tpu.dma_semaphore, #tpu.memory_space<semaphore_mem>>) src(%dma_wait3A_422 : memref<10000x128xf32, #tpu.memory_space<hbm>>) dst(%dma_wait3A_416 : memref<40x128xf32, #tpu.memory_space<vmem>>)
      %add3A_423 = arith.constant 3 : i32
      %add3A_424 = arith.addi %mul3A_218, %add3A_423 : i32
      %div3A_425 = arith.constant 8 : i32
      %div3A_426 = arith.divsi %add3A_424, %div3A_425 : i32
      %rem3A_427 = arith.constant 2 : i32
      %rem3A_428 = arith.remsi %div3A_426, %rem3A_427 : i32
      %rem3A_429 = arith.constant 8 : i32
      %rem3A_430 = arith.remsi %add3A_424, %rem3A_429 : i32
      %dma_start3A_431 = arith.constant 3 : i32
      %dma_start3A_432 = arith.constant 0 : i32
      %dma_start3A_433 = arith.constant 0 : i32
      %dma_start3A_434 = tpu.memref_slice %arg8[%dma_start3A_431, %dma_start3A_432, %dma_start3A_433] : memref<4x40x128xf32, #tpu.memory_space<vmem>> -> memref<1x40x128xf32, #tpu.memory_space<vmem>>
      %dma_start3A_435 = tpu.memref_squeeze %dma_start3A_434 : memref<1x40x128xf32, #tpu.memory_space<vmem>> -> memref<40x128xf32, #tpu.memory_space<vmem>>
      %dma_start3A_436 = arith.constant 0 : i32
      %dma_start3A_437 = tpu.memref_slice %arg7[%rem3A_428, %rem3A_430, %dma_start3A_436] : memref<2x8x40xi32, #tpu.memory_space<vmem>> -> memref<1x1x40xi32, #tpu.memory_space<vmem>>
      %dma_start3A_438 = tpu.memref_squeeze %dma_start3A_437 : memref<1x1x40xi32, #tpu.memory_space<vmem>> -> memref<40xi32, #tpu.memory_space<vmem>>
      %dma_start3A_439 = arith.constant 0 : i32
      %dma_start3A_440 = arith.constant 0 : i32
      %dma_start3A_441 = tpu.memref_slice %arg9[%dma_start3A_439, %dma_start3A_440] : memref<10000x128xf32, #tpu.memory_space<vmem_shared>> -> memref<10000x128xf32, #tpu.memory_space<vmem_shared>>
      tpu.enqueue_indirect_dma source(%dma_start3A_435 : memref<40x128xf32, #tpu.memory_space<vmem>>) target(%dma_start3A_441 : memref<10000x128xf32, #tpu.memory_space<vmem_shared>>) offsets(%dma_start3A_438 : memref<40xi32, #tpu.memory_space<vmem>>) semaphore(%arg17 : memref<!tpu.dma_semaphore, #tpu.memory_space<semaphore_mem>>) {add = true}
      %dma_wait3A_442 = arith.constant 1 : i32
      %dma_wait3A_443 = arith.constant 0 : i32
      %dma_wait3A_444 = arith.constant 0 : i32
      %dma_wait3A_445 = arith.constant 0 : i32
      %dma_wait3A_446 = arith.constant 0 : i32
      %dma_wait3A_447 = tpu.memref_slice %arg8[%dma_wait3A_442, %dma_wait3A_445, %dma_wait3A_446] : memref<4x40x128xf32, #tpu.memory_space<vmem>> -> memref<1x40x128xf32, #tpu.memory_space<vmem>>
      %dma_wait3A_448 = tpu.memref_squeeze %dma_wait3A_447 : memref<1x40x128xf32, #tpu.memory_space<vmem>> -> memref<40x128xf32, #tpu.memory_space<vmem>>
      %dma_wait3A_449 = arith.constant 0 : i32
      %dma_wait3A_450 = tpu.memref_slice %arg7[%dma_wait3A_443, %dma_wait3A_444, %dma_wait3A_449] : memref<2x8x40xi32, #tpu.memory_space<vmem>> -> memref<1x1x40xi32, #tpu.memory_space<vmem>>
      %dma_wait3A_451 = tpu.memref_squeeze %dma_wait3A_450 : memref<1x1x40xi32, #tpu.memory_space<vmem>> -> memref<40xi32, #tpu.memory_space<vmem>>
      %dma_wait3A_452 = arith.constant 0 : i32
      %dma_wait3A_453 = arith.constant 0 : i32
      %dma_wait3A_454 = tpu.memref_slice %arg9[%dma_wait3A_452, %dma_wait3A_453] : memref<10000x128xf32, #tpu.memory_space<vmem_shared>> -> memref<10000x128xf32, #tpu.memory_space<vmem_shared>>
      tpu.wait_indirect_dma semaphore(%arg15 : memref<!tpu.dma_semaphore, #tpu.memory_space<semaphore_mem>>) src(%dma_wait3A_448 : memref<40x128xf32, #tpu.memory_space<vmem>>) dst(%dma_wait3A_454 : memref<10000x128xf32, #tpu.memory_space<vmem_shared>>)
      %add3A_455 = arith.constant 5 : i32
      %add3A_456 = arith.addi %mul3A_218, %add3A_455 : i32
      %div3A_457 = arith.constant 8 : i32
      %div3A_458 = arith.divsi %add3A_456, %div3A_457 : i32
      %rem3A_459 = arith.constant 2 : i32
      %rem3A_460 = arith.remsi %div3A_458, %rem3A_459 : i32
      %rem3A_461 = arith.constant 8 : i32
      %rem3A_462 = arith.remsi %add3A_456, %rem3A_461 : i32
      %dma_start3A_463 = arith.constant 1 : i32
      %dma_start3A_464 = arith.constant 0 : i32
      %dma_start3A_465 = arith.constant 0 : i32
      %dma_start3A_466 = tpu.memref_slice %arg8[%dma_start3A_463, %dma_start3A_464, %dma_start3A_465] : memref<4x40x128xf32, #tpu.memory_space<vmem>> -> memref<1x40x128xf32, #tpu.memory_space<vmem>>
      %dma_start3A_467 = tpu.memref_squeeze %dma_start3A_466 : memref<1x40x128xf32, #tpu.memory_space<vmem>> -> memref<40x128xf32, #tpu.memory_space<vmem>>
      %dma_start3A_468 = arith.constant 0 : i32
      %dma_start3A_469 = tpu.memref_slice %arg6[%rem3A_460, %rem3A_462, %dma_start3A_468] : memref<2x8x40xi32, #tpu.memory_space<vmem>> -> memref<1x1x40xi32, #tpu.memory_space<vmem>>
      %dma_start3A_470 = tpu.memref_squeeze %dma_start3A_469 : memref<1x1x40xi32, #tpu.memory_space<vmem>> -> memref<40xi32, #tpu.memory_space<vmem>>
      %dma_start3A_471 = arith.constant 0 : i32
      %dma_start3A_472 = arith.constant 0 : i32
      %dma_start3A_473 = tpu.memref_slice %arg2[%dma_start3A_471, %dma_start3A_472] : memref<10000x128xf32, #tpu.memory_space<hbm>> -> memref<10000x128xf32, #tpu.memory_space<hbm>>
      tpu.enqueue_indirect_dma source(%dma_start3A_473 : memref<10000x128xf32, #tpu.memory_space<hbm>>) target(%dma_start3A_467 : memref<40x128xf32, #tpu.memory_space<vmem>>) offsets(%dma_start3A_470 : memref<40xi32, #tpu.memory_space<vmem>>) semaphore(%arg11 : memref<!tpu.dma_semaphore, #tpu.memory_space<semaphore_mem>>)
    }
    %scan3A_90 = arith.constant 62 : i32
    %dma_wait3A = arith.constant 0 : i32
    %dma_wait3A_91 = arith.constant 0 : i32
    %dma_wait3A_92 = arith.constant 0 : i32
    %dma_wait3A_93 = arith.constant 0 : i32
    %dma_wait3A_94 = arith.constant 0 : i32
    %dma_wait3A_95 = tpu.memref_slice %arg8[%dma_wait3A_92, %dma_wait3A_93, %dma_wait3A_94] : memref<4x40x128xf32, #tpu.memory_space<vmem>> -> memref<1x40x128xf32, #tpu.memory_space<vmem>>
    %dma_wait3A_96 = tpu.memref_squeeze %dma_wait3A_95 : memref<1x40x128xf32, #tpu.memory_space<vmem>> -> memref<40x128xf32, #tpu.memory_space<vmem>>
    %dma_wait3A_97 = arith.constant 0 : i32
    %dma_wait3A_98 = tpu.memref_slice %arg6[%dma_wait3A, %dma_wait3A_91, %dma_wait3A_97] : memref<2x8x40xi32, #tpu.memory_space<vmem>> -> memref<1x1x40xi32, #tpu.memory_space<vmem>>
    %dma_wait3A_99 = tpu.memref_squeeze %dma_wait3A_98 : memref<1x1x40xi32, #tpu.memory_space<vmem>> -> memref<40xi32, #tpu.memory_space<vmem>>
    %dma_wait3A_100 = arith.constant 0 : i32
    %dma_wait3A_101 = arith.constant 0 : i32
    %dma_wait3A_102 = tpu.memref_slice %arg2[%dma_wait3A_100, %dma_wait3A_101] : memref<10000x128xf32, #tpu.memory_space<hbm>> -> memref<10000x128xf32, #tpu.memory_space<hbm>>
    tpu.wait_indirect_dma semaphore(%arg10 : memref<!tpu.dma_semaphore, #tpu.memory_space<semaphore_mem>>) src(%dma_wait3A_102 : memref<10000x128xf32, #tpu.memory_space<hbm>>) dst(%dma_wait3A_96 : memref<40x128xf32, #tpu.memory_space<vmem>>)
    %div3A_103 = arith.constant 248 : i32
    %div3A_104 = arith.constant 8 : i32
    %div3A_105 = arith.divsi %div3A_103, %div3A_104 : i32
    %rem3A_106 = arith.constant 2 : i32
    %rem3A_107 = arith.remsi %div3A_105, %rem3A_106 : i32
    %rem3A_108 = arith.constant 248 : i32
    %rem3A_109 = arith.constant 8 : i32
    %rem3A_110 = arith.remsi %rem3A_108, %rem3A_109 : i32
    %dma_start3A_111 = arith.constant 0 : i32
    %dma_start3A_112 = arith.constant 0 : i32
    %dma_start3A_113 = arith.constant 0 : i32
    %dma_start3A_114 = tpu.memref_slice %arg8[%dma_start3A_111, %dma_start3A_112, %dma_start3A_113] : memref<4x40x128xf32, #tpu.memory_space<vmem>> -> memref<1x40x128xf32, #tpu.memory_space<vmem>>
    %dma_start3A_115 = tpu.memref_squeeze %dma_start3A_114 : memref<1x40x128xf32, #tpu.memory_space<vmem>> -> memref<40x128xf32, #tpu.memory_space<vmem>>
    %dma_start3A_116 = arith.constant 0 : i32
    %dma_start3A_117 = tpu.memref_slice %arg7[%rem3A_107, %rem3A_110, %dma_start3A_116] : memref<2x8x40xi32, #tpu.memory_space<vmem>> -> memref<1x1x40xi32, #tpu.memory_space<vmem>>
    %dma_start3A_118 = tpu.memref_squeeze %dma_start3A_117 : memref<1x1x40xi32, #tpu.memory_space<vmem>> -> memref<40xi32, #tpu.memory_space<vmem>>
    %dma_start3A_119 = arith.constant 0 : i32
    %dma_start3A_120 = arith.constant 0 : i32
    %dma_start3A_121 = tpu.memref_slice %arg9[%dma_start3A_119, %dma_start3A_120] : memref<10000x128xf32, #tpu.memory_space<vmem_shared>> -> memref<10000x128xf32, #tpu.memory_space<vmem_shared>>
    tpu.enqueue_indirect_dma source(%dma_start3A_115 : memref<40x128xf32, #tpu.memory_space<vmem>>) target(%dma_start3A_121 : memref<10000x128xf32, #tpu.memory_space<vmem_shared>>) offsets(%dma_start3A_118 : memref<40xi32, #tpu.memory_space<vmem>>) semaphore(%arg14 : memref<!tpu.dma_semaphore, #tpu.memory_space<semaphore_mem>>) {add = true}
    %dma_wait3A_122 = arith.constant 2 : i32
    %dma_wait3A_123 = arith.constant 0 : i32
    %dma_wait3A_124 = arith.constant 0 : i32
    %dma_wait3A_125 = arith.constant 0 : i32
    %dma_wait3A_126 = arith.constant 0 : i32
    %dma_wait3A_127 = tpu.memref_slice %arg8[%dma_wait3A_122, %dma_wait3A_125, %dma_wait3A_126] : memref<4x40x128xf32, #tpu.memory_space<vmem>> -> memref<1x40x128xf32, #tpu.memory_space<vmem>>
    %dma_wait3A_128 = tpu.memref_squeeze %dma_wait3A_127 : memref<1x40x128xf32, #tpu.memory_space<vmem>> -> memref<40x128xf32, #tpu.memory_space<vmem>>
    %dma_wait3A_129 = arith.constant 0 : i32
    %dma_wait3A_130 = tpu.memref_slice %arg7[%dma_wait3A_123, %dma_wait3A_124, %dma_wait3A_129] : memref<2x8x40xi32, #tpu.memory_space<vmem>> -> memref<1x1x40xi32, #tpu.memory_space<vmem>>
    %dma_wait3A_131 = tpu.memref_squeeze %dma_wait3A_130 : memref<1x1x40xi32, #tpu.memory_space<vmem>> -> memref<40xi32, #tpu.memory_space<vmem>>
    %dma_wait3A_132 = arith.constant 0 : i32
    %dma_wait3A_133 = arith.constant 0 : i32
    %dma_wait3A_134 = tpu.memref_slice %arg9[%dma_wait3A_132, %dma_wait3A_133] : memref<10000x128xf32, #tpu.memory_space<vmem_shared>> -> memref<10000x128xf32, #tpu.memory_space<vmem_shared>>
    tpu.wait_indirect_dma semaphore(%arg16 : memref<!tpu.dma_semaphore, #tpu.memory_space<semaphore_mem>>) src(%dma_wait3A_128 : memref<40x128xf32, #tpu.memory_space<vmem>>) dst(%dma_wait3A_134 : memref<10000x128xf32, #tpu.memory_space<vmem_shared>>)
    %dma_wait3A_135 = arith.constant 0 : i32
    %dma_wait3A_136 = arith.constant 0 : i32
    %dma_wait3A_137 = arith.constant 1 : i32
    %dma_wait3A_138 = arith.constant 0 : i32
    %dma_wait3A_139 = arith.constant 0 : i32
    %dma_wait3A_140 = tpu.memref_slice %arg8[%dma_wait3A_137, %dma_wait3A_138, %dma_wait3A_139] : memref<4x40x128xf32, #tpu.memory_space<vmem>> -> memref<1x40x128xf32, #tpu.memory_space<vmem>>
    %dma_wait3A_141 = tpu.memref_squeeze %dma_wait3A_140 : memref<1x40x128xf32, #tpu.memory_space<vmem>> -> memref<40x128xf32, #tpu.memory_space<vmem>>
    %dma_wait3A_142 = arith.constant 0 : i32
    %dma_wait3A_143 = tpu.memref_slice %arg6[%dma_wait3A_135, %dma_wait3A_136, %dma_wait3A_142] : memref<2x8x40xi32, #tpu.memory_space<vmem>> -> memref<1x1x40xi32, #tpu.memory_space<vmem>>
    %dma_wait3A_144 = tpu.memref_squeeze %dma_wait3A_143 : memref<1x1x40xi32, #tpu.memory_space<vmem>> -> memref<40xi32, #tpu.memory_space<vmem>>
    %dma_wait3A_145 = arith.constant 0 : i32
    %dma_wait3A_146 = arith.constant 0 : i32
    %dma_wait3A_147 = tpu.memref_slice %arg2[%dma_wait3A_145, %dma_wait3A_146] : memref<10000x128xf32, #tpu.memory_space<hbm>> -> memref<10000x128xf32, #tpu.memory_space<hbm>>
    tpu.wait_indirect_dma semaphore(%arg11 : memref<!tpu.dma_semaphore, #tpu.memory_space<semaphore_mem>>) src(%dma_wait3A_147 : memref<10000x128xf32, #tpu.memory_space<hbm>>) dst(%dma_wait3A_141 : memref<40x128xf32, #tpu.memory_space<vmem>>)
    %div3A_148 = arith.constant 249 : i32
    %div3A_149 = arith.constant 8 : i32
    %div3A_150 = arith.divsi %div3A_148, %div3A_149 : i32
    %rem3A_151 = arith.constant 2 : i32
    %rem3A_152 = arith.remsi %div3A_150, %rem3A_151 : i32
    %rem3A_153 = arith.constant 249 : i32
    %rem3A_154 = arith.constant 8 : i32
    %rem3A_155 = arith.remsi %rem3A_153, %rem3A_154 : i32
    %dma_start3A_156 = arith.constant 1 : i32
    %dma_start3A_157 = arith.constant 0 : i32
    %dma_start3A_158 = arith.constant 0 : i32
    %dma_start3A_159 = tpu.memref_slice %arg8[%dma_start3A_156, %dma_start3A_157, %dma_start3A_158] : memref<4x40x128xf32, #tpu.memory_space<vmem>> -> memref<1x40x128xf32, #tpu.memory_space<vmem>>
    %dma_start3A_160 = tpu.memref_squeeze %dma_start3A_159 : memref<1x40x128xf32, #tpu.memory_space<vmem>> -> memref<40x128xf32, #tpu.memory_space<vmem>>
    %dma_start3A_161 = arith.constant 0 : i32
    %dma_start3A_162 = tpu.memref_slice %arg7[%rem3A_152, %rem3A_155, %dma_start3A_161] : memref<2x8x40xi32, #tpu.memory_space<vmem>> -> memref<1x1x40xi32, #tpu.memory_space<vmem>>
    %dma_start3A_163 = tpu.memref_squeeze %dma_start3A_162 : memref<1x1x40xi32, #tpu.memory_space<vmem>> -> memref<40xi32, #tpu.memory_space<vmem>>
    %dma_start3A_164 = arith.constant 0 : i32
    %dma_start3A_165 = arith.constant 0 : i32
    %dma_start3A_166 = tpu.memref_slice %arg9[%dma_start3A_164, %dma_start3A_165] : memref<10000x128xf32, #tpu.memory_space<vmem_shared>> -> memref<10000x128xf32, #tpu.memory_space<vmem_shared>>
    tpu.enqueue_indirect_dma source(%dma_start3A_160 : memref<40x128xf32, #tpu.memory_space<vmem>>) target(%dma_start3A_166 : memref<10000x128xf32, #tpu.memory_space<vmem_shared>>) offsets(%dma_start3A_163 : memref<40xi32, #tpu.memory_space<vmem>>) semaphore(%arg15 : memref<!tpu.dma_semaphore, #tpu.memory_space<semaphore_mem>>) {add = true}
    %dma_wait3A_167 = arith.constant 3 : i32
    %dma_wait3A_168 = arith.constant 0 : i32
    %dma_wait3A_169 = arith.constant 0 : i32
    %dma_wait3A_170 = arith.constant 0 : i32
    %dma_wait3A_171 = arith.constant 0 : i32
    %dma_wait3A_172 = tpu.memref_slice %arg8[%dma_wait3A_167, %dma_wait3A_170, %dma_wait3A_171] : memref<4x40x128xf32, #tpu.memory_space<vmem>> -> memref<1x40x128xf32, #tpu.memory_space<vmem>>
    %dma_wait3A_173 = tpu.memref_squeeze %dma_wait3A_172 : memref<1x40x128xf32, #tpu.memory_space<vmem>> -> memref<40x128xf32, #tpu.memory_space<vmem>>
    %dma_wait3A_174 = arith.constant 0 : i32
    %dma_wait3A_175 = tpu.memref_slice %arg7[%dma_wait3A_168, %dma_wait3A_169, %dma_wait3A_174] : memref<2x8x40xi32, #tpu.memory_space<vmem>> -> memref<1x1x40xi32, #tpu.memory_space<vmem>>
    %dma_wait3A_176 = tpu.memref_squeeze %dma_wait3A_175 : memref<1x1x40xi32, #tpu.memory_space<vmem>> -> memref<40xi32, #tpu.memory_space<vmem>>
    %dma_wait3A_177 = arith.constant 0 : i32
    %dma_wait3A_178 = arith.constant 0 : i32
    %dma_wait3A_179 = tpu.memref_slice %arg9[%dma_wait3A_177, %dma_wait3A_178] : memref<10000x128xf32, #tpu.memory_space<vmem_shared>> -> memref<10000x128xf32, #tpu.memory_space<vmem_shared>>
    tpu.wait_indirect_dma semaphore(%arg17 : memref<!tpu.dma_semaphore, #tpu.memory_space<semaphore_mem>>) src(%dma_wait3A_173 : memref<40x128xf32, #tpu.memory_space<vmem>>) dst(%dma_wait3A_179 : memref<10000x128xf32, #tpu.memory_space<vmem_shared>>)
    %dma_wait3A_180 = arith.constant 0 : i32
    %dma_wait3A_181 = arith.constant 0 : i32
    %dma_wait3A_182 = arith.constant 0 : i32
    %dma_wait3A_183 = arith.constant 0 : i32
    %dma_wait3A_184 = arith.constant 0 : i32
    %dma_wait3A_185 = tpu.memref_slice %arg8[%dma_wait3A_180, %dma_wait3A_183, %dma_wait3A_184] : memref<4x40x128xf32, #tpu.memory_space<vmem>> -> memref<1x40x128xf32, #tpu.memory_space<vmem>>
    %dma_wait3A_186 = tpu.memref_squeeze %dma_wait3A_185 : memref<1x40x128xf32, #tpu.memory_space<vmem>> -> memref<40x128xf32, #tpu.memory_space<vmem>>
    %dma_wait3A_187 = arith.constant 0 : i32
    %dma_wait3A_188 = tpu.memref_slice %arg7[%dma_wait3A_181, %dma_wait3A_182, %dma_wait3A_187] : memref<2x8x40xi32, #tpu.memory_space<vmem>> -> memref<1x1x40xi32, #tpu.memory_space<vmem>>
    %dma_wait3A_189 = tpu.memref_squeeze %dma_wait3A_188 : memref<1x1x40xi32, #tpu.memory_space<vmem>> -> memref<40xi32, #tpu.memory_space<vmem>>
    %dma_wait3A_190 = arith.constant 0 : i32
    %dma_wait3A_191 = arith.constant 0 : i32
    %dma_wait3A_192 = tpu.memref_slice %arg9[%dma_wait3A_190, %dma_wait3A_191] : memref<10000x128xf32, #tpu.memory_space<vmem_shared>> -> memref<10000x128xf32, #tpu.memory_space<vmem_shared>>
    tpu.wait_indirect_dma semaphore(%arg14 : memref<!tpu.dma_semaphore, #tpu.memory_space<semaphore_mem>>) src(%dma_wait3A_186 : memref<40x128xf32, #tpu.memory_space<vmem>>) dst(%dma_wait3A_192 : memref<10000x128xf32, #tpu.memory_space<vmem_shared>>)
    %dma_wait3A_193 = arith.constant 1 : i32
    %dma_wait3A_194 = arith.constant 0 : i32
    %dma_wait3A_195 = arith.constant 0 : i32
    %dma_wait3A_196 = arith.constant 0 : i32
    %dma_wait3A_197 = arith.constant 0 : i32
    %dma_wait3A_198 = tpu.memref_slice %arg8[%dma_wait3A_193, %dma_wait3A_196, %dma_wait3A_197] : memref<4x40x128xf32, #tpu.memory_space<vmem>> -> memref<1x40x128xf32, #tpu.memory_space<vmem>>
    %dma_wait3A_199 = tpu.memref_squeeze %dma_wait3A_198 : memref<1x40x128xf32, #tpu.memory_space<vmem>> -> memref<40x128xf32, #tpu.memory_space<vmem>>
    %dma_wait3A_200 = arith.constant 0 : i32
    %dma_wait3A_201 = tpu.memref_slice %arg7[%dma_wait3A_194, %dma_wait3A_195, %dma_wait3A_200] : memref<2x8x40xi32, #tpu.memory_space<vmem>> -> memref<1x1x40xi32, #tpu.memory_space<vmem>>
    %dma_wait3A_202 = tpu.memref_squeeze %dma_wait3A_201 : memref<1x1x40xi32, #tpu.memory_space<vmem>> -> memref<40xi32, #tpu.memory_space<vmem>>
    %dma_wait3A_203 = arith.constant 0 : i32
    %dma_wait3A_204 = arith.constant 0 : i32
    %dma_wait3A_205 = tpu.memref_slice %arg9[%dma_wait3A_203, %dma_wait3A_204] : memref<10000x128xf32, #tpu.memory_space<vmem_shared>> -> memref<10000x128xf32, #tpu.memory_space<vmem_shared>>
    tpu.wait_indirect_dma semaphore(%arg15 : memref<!tpu.dma_semaphore, #tpu.memory_space<semaphore_mem>>) src(%dma_wait3A_199 : memref<40x128xf32, #tpu.memory_space<vmem>>) dst(%dma_wait3A_205 : memref<10000x128xf32, #tpu.memory_space<vmem_shared>>)
    %barrier3A_206 = arith.constant 0 : index
    tpu.barrier barrier_id(%barrier3A_206)
    %mul3A_207 = arith.constant 624 : i32
    %mul3A_208 = arith.muli %arg1, %mul3A_207 : i32
    %mul3A_209 = arith.constant 624 : i32
    %mul3A_210 = arith.muli %arg1, %mul3A_209 : i32
    "tpu.region"() ({
      %run_scoped3A_216 = tpu.sem_alloc : memref<!tpu.dma_semaphore, #tpu.memory_space<semaphore_mem>>
      %dma_start3A_217 = arith.constant 0 : i32
      %dma_start3A_218 = tpu.memref_slice %arg5[%arg0, %mul3A_210, %dma_start3A_217] : memref<2x10000x128xf32, #tpu.memory_space<hbm>> -> memref<1x624x128xf32, #tpu.memory_space<hbm>>
      %dma_start3A_219 = tpu.memref_squeeze %dma_start3A_218 : memref<1x624x128xf32, #tpu.memory_space<hbm>> -> memref<624x128xf32, #tpu.memory_space<hbm>>
      %dma_start3A_220 = arith.constant 0 : i32
      %dma_start3A_221 = tpu.memref_slice %arg9[%mul3A_208, %dma_start3A_220] : memref<10000x128xf32, #tpu.memory_space<vmem_shared>> -> memref<624x128xf32, #tpu.memory_space<vmem_shared>>
      tpu.enqueue_dma source(%dma_start3A_221 : memref<624x128xf32, #tpu.memory_space<vmem_shared>>) target(%dma_start3A_219 : memref<624x128xf32, #tpu.memory_space<hbm>>) target_semaphore(%run_scoped3A_216 : memref<!tpu.dma_semaphore, #tpu.memory_space<semaphore_mem>>)
      %dma_wait3A_222 = arith.constant 0 : i32
      %dma_wait3A_223 = tpu.memref_slice %arg5[%arg0, %mul3A_210, %dma_wait3A_222] : memref<2x10000x128xf32, #tpu.memory_space<hbm>> -> memref<1x624x128xf32, #tpu.memory_space<hbm>>
      %dma_wait3A_224 = tpu.memref_squeeze %dma_wait3A_223 : memref<1x624x128xf32, #tpu.memory_space<hbm>> -> memref<624x128xf32, #tpu.memory_space<hbm>>
      %dma_wait3A_225 = arith.constant 0 : i32
      %dma_wait3A_226 = tpu.memref_slice %arg9[%mul3A_208, %dma_wait3A_225] : memref<10000x128xf32, #tpu.memory_space<vmem_shared>> -> memref<624x128xf32, #tpu.memory_space<vmem_shared>>
      tpu.wait_dma2 semaphore(%run_scoped3A_216 : memref<!tpu.dma_semaphore, #tpu.memory_space<semaphore_mem>>) src(%dma_wait3A_226 : memref<624x128xf32, #tpu.memory_space<vmem_shared>>) dst(%dma_wait3A_224 : memref<624x128xf32, #tpu.memory_space<hbm>>)
      tpu.yield
    }) : () -> ()
    %eq3A_211 = arith.constant 0 : i32
    %eq3A_212 = arith.cmpi eq, %arg1, %eq3A_211 : i32
    %convert_element_type3A_213 = arith.extui %eq3A_212 : i1 to i32
    %cond3A_214 = arith.constant 0 : i32
    %cond3A_215 = arith.cmpi ne, %convert_element_type3A_213, %cond3A_214 : i32
    scf.if %cond3A_215 {
      "tpu.region"() ({
        %run_scoped3A_216 = tpu.sem_alloc : memref<!tpu.dma_semaphore, #tpu.memory_space<semaphore_mem>>
        %dma_start3A_217 = arith.constant 9984 : i32
        %dma_start3A_218 = arith.constant 0 : i32
        %dma_start3A_219 = tpu.memref_slice %arg5[%arg0, %dma_start3A_217, %dma_start3A_218] : memref<2x10000x128xf32, #tpu.memory_space<hbm>> -> memref<1x16x128xf32, #tpu.memory_space<hbm>>
        %dma_start3A_220 = tpu.memref_squeeze %dma_start3A_219 : memref<1x16x128xf32, #tpu.memory_space<hbm>> -> memref<16x128xf32, #tpu.memory_space<hbm>>
        %dma_start3A_221 = arith.constant 9984 : i32
        %dma_start3A_222 = arith.constant 0 : i32
        %dma_start3A_223 = tpu.memref_slice %arg9[%dma_start3A_221, %dma_start3A_222] : memref<10000x128xf32, #tpu.memory_space<vmem_shared>> -> memref<16x128xf32, #tpu.memory_space<vmem_shared>>
        tpu.enqueue_dma source(%dma_start3A_223 : memref<16x128xf32, #tpu.memory_space<vmem_shared>>) target(%dma_start3A_220 : memref<16x128xf32, #tpu.memory_space<hbm>>) target_semaphore(%run_scoped3A_216 : memref<!tpu.dma_semaphore, #tpu.memory_space<semaphore_mem>>)
        %dma_wait3A_224 = arith.constant 9984 : i32
        %dma_wait3A_225 = arith.constant 0 : i32
        %dma_wait3A_226 = tpu.memref_slice %arg5[%arg0, %dma_wait3A_224, %dma_wait3A_225] : memref<2x10000x128xf32, #tpu.memory_space<hbm>> -> memref<1x16x128xf32, #tpu.memory_space<hbm>>
        %dma_wait3A_227 = tpu.memref_squeeze %dma_wait3A_226 : memref<1x16x128xf32, #tpu.memory_space<hbm>> -> memref<16x128xf32, #tpu.memory_space<hbm>>
        %dma_wait3A_228 = arith.constant 9984 : i32
        %dma_wait3A_229 = arith.constant 0 : i32
        %dma_wait3A_230 = tpu.memref_slice %arg9[%dma_wait3A_228, %dma_wait3A_229] : memref<10000x128xf32, #tpu.memory_space<vmem_shared>> -> memref<16x128xf32, #tpu.memory_space<vmem_shared>>
        tpu.wait_dma2 semaphore(%run_scoped3A_216 : memref<!tpu.dma_semaphore, #tpu.memory_space<semaphore_mem>>) src(%dma_wait3A_230 : memref<16x128xf32, #tpu.memory_space<vmem_shared>>) dst(%dma_wait3A_227 : memref<16x128xf32, #tpu.memory_space<hbm>>)
        tpu.yield
      }) : () -> ()
    } else {
    }
    return
  }
}

module attributes {stable_mosaic.version = 14 : i64} {
  func.func @_dinv_body(%arg0: memref<32x10000xf32, #tpu.memory_space<vmem>>, %arg1: memref<10000x1xf32, #tpu.memory_space<vmem>>) attributes {dimension_semantics = [], scalar_prefetch = 0 : i64, scratch_operands = 0 : i64, tpu.core_type = #tpu.core_type<tc>} {
    %get3A = arith.constant 0 : index
    %get3A_0 = arith.constant 0 : index
    %get3A_1 = vector.load %arg0[%get3A, %get3A_0] : memref<32x10000xf32, #tpu.memory_space<vmem>>, vector<32x10000xf32>
    %reduce_sum3A = arith.constant dense<0.000000e+00> : vector<10000xf32>
    %reduce_sum3A_2 = vector.multi_reduction <add>, %get3A_1, %reduce_sum3A [0] : vector<32x10000xf32> to vector<10000xf32>
    %add3A = arith.constant 1.000000e+00 : f32
    %add3A_3 = vector.broadcast %add3A : f32 to vector<10000xf32>
    %add3A_4 = arith.addf %reduce_sum3A_2, %add3A_3 : vector<10000xf32>
    %rsqrt3A = math.rsqrt %add3A_4 : vector<10000xf32>
    %reshape3A = vector.shape_cast %rsqrt3A : vector<10000xf32> to vector<10000x1xf32>
    %swap3A = arith.constant 0 : index
    %swap3A_5 = arith.constant 0 : index
    %swap3A_6 = vector.load %arg1[%swap3A, %swap3A_5] : memref<10000x1xf32, #tpu.memory_space<vmem>>, vector<10000x1xf32>
    tpu.vector_store %arg1[%swap3A, %swap3A_5], %reshape3A {strides = array<i32>} : memref<10000x1xf32, #tpu.memory_space<vmem>>, vector<10000x1xf32>,
    return
  }
}

module attributes {stable_mosaic.version = 14 : i64} {
  func.func @_enc_body(%arg0: i32, %arg1: memref<1000x128xf32, #tpu.memory_space<vmem>>, %arg2: memref<1000x1xf32, #tpu.memory_space<vmem>>, %arg3: memref<128x128xf32, #tpu.memory_space<vmem>>, %arg4: memref<1x128xf32, #tpu.memory_space<vmem>>, %arg5: memref<128x128xf32, #tpu.memory_space<vmem>>, %arg6: memref<1000x128xf32, #tpu.memory_space<vmem>>) attributes {dimension_semantics = [#tpu.dimension_semantics<arbitrary>], iteration_bounds = array<i64: 10>, scalar_prefetch = 0 : i64, scratch_operands = 0 : i64, tpu.core_type = #tpu.core_type<tc>, window_params = [{transform_indices = @transform_0, window_bounds = array<i64: 1000, 128>}, {transform_indices = @transform_1, window_bounds = array<i64: 1000, 1>}, {pipeline_mode = #tpu.pipeline_mode<synchronous>, transform_indices = @transform_2, window_bounds = array<i64: 128, 128>}, {pipeline_mode = #tpu.pipeline_mode<synchronous>, transform_indices = @transform_3, window_bounds = array<i64: 1, 128>}, {pipeline_mode = #tpu.pipeline_mode<synchronous>, transform_indices = @transform_4, window_bounds = array<i64: 128, 128>}, {transform_indices = @transform_5, window_bounds = array<i64: 1000, 128>}]} {
    %get3A = arith.constant 0 : index
    %get3A_0 = arith.constant 0 : index
    %get3A_1 = vector.load %arg1[%get3A, %get3A_0] : memref<1000x128xf32, #tpu.memory_space<vmem>>, vector<1000x128xf32>
    %get3A_2 = arith.constant 0 : index
    %get3A_3 = arith.constant 0 : index
    %get3A_4 = vector.load %arg3[%get3A_2, %get3A_3] : memref<128x128xf32, #tpu.memory_space<vmem>>, vector<128x128xf32>
    %dot_general3A = arith.constant dense<0.000000e+00> : vector<1000x128xf32>
    %dot_general3A_5 = tpu.matmul %get3A_1, %get3A_4, %dot_general3A {dimension_numbers = #tpu.dot_dimension_numbers<[1], [0], [0], [1], [0, 0, 1, 1], [], []>, transpose_lhs_hint = false} : vector<1000x128xf32>, vector<128x128xf32>, vector<1000x128xf32> -> vector<1000x128xf32>
    %get3A_6 = arith.constant 0 : index
    %get3A_7 = arith.constant 0 : index
    %get3A_8 = vector.load %arg4[%get3A_6, %get3A_7] : memref<1x128xf32, #tpu.memory_space<vmem>>, vector<1x128xf32>
    %add3A = vector.broadcast %get3A_8 : vector<1x128xf32> to vector<1000x128xf32>
    %add3A_9 = arith.addf %dot_general3A_5, %add3A : vector<1000x128xf32>
    %max3A = arith.constant 0.000000e+00 : f32
    %max3A_10 = vector.broadcast %max3A : f32 to vector<1000x128xf32>
    %max3A_11 = arith.maximumf %add3A_9, %max3A_10 : vector<1000x128xf32>
    %get3A_12 = arith.constant 0 : index
    %get3A_13 = arith.constant 0 : index
    %get3A_14 = vector.load %arg5[%get3A_12, %get3A_13] : memref<128x128xf32, #tpu.memory_space<vmem>>, vector<128x128xf32>
    %dot_general3A_15 = arith.constant dense<0.000000e+00> : vector<1000x128xf32>
    %dot_general3A_16 = tpu.matmul %max3A_11, %get3A_14, %dot_general3A_15 {dimension_numbers = #tpu.dot_dimension_numbers<[1], [0], [0], [1], [0, 0, 1, 1], [], []>, transpose_lhs_hint = false} : vector<1000x128xf32>, vector<128x128xf32>, vector<1000x128xf32> -> vector<1000x128xf32>
    %get3A_17 = arith.constant 0 : index
    %get3A_18 = arith.constant 0 : index
    %get3A_19 = vector.load %arg2[%get3A_17, %get3A_18] : memref<1000x1xf32, #tpu.memory_space<vmem>>, vector<1000x1xf32>
    %mul3A = vector.broadcast %get3A_19 : vector<1000x1xf32> to vector<1000x128xf32>
    %mul3A_20 = arith.mulf %dot_general3A_16, %mul3A : vector<1000x128xf32>
    %swap3A = arith.constant 0 : index
    %swap3A_21 = arith.constant 0 : index
    %swap3A_22 = vector.load %arg6[%swap3A, %swap3A_21] : memref<1000x128xf32, #tpu.memory_space<vmem>>, vector<1000x128xf32>
    tpu.vector_store %arg6[%swap3A, %swap3A_21], %mul3A_20 {strides = array<i32>} : memref<1000x128xf32, #tpu.memory_space<vmem>>, vector<1000x128xf32>,
    return
  }
  func.func @transform_0(%arg0: i32) -> (i32, i32) {
    %c0_i32 = arith.constant 0 : i32
    %c0_i32_0 = arith.constant 0 : i32
    return %arg0, %c0_i32 : i32, i32
  }
  func.func @transform_1(%arg0: i32) -> (i32, i32) {
    %c0_i32 = arith.constant 0 : i32
    %c0_i32_0 = arith.constant 0 : i32
    return %arg0, %c0_i32 : i32, i32
  }
  func.func @transform_2(%arg0: i32) -> (i32, i32) {
    %c0_i32 = arith.constant 0 : i32
    %c0_i32_0 = arith.constant 0 : i32
    %c0_i32_1 = arith.constant 0 : i32
    return %c0_i32, %c0_i32_0 : i32, i32
  }
  func.func @transform_3(%arg0: i32) -> (i32, i32) {
    %c0_i32 = arith.constant 0 : i32
    %c0_i32_0 = arith.constant 0 : i32
    %c0_i32_1 = arith.constant 0 : i32
    return %c0_i32, %c0_i32_0 : i32, i32
  }
  func.func @transform_4(%arg0: i32) -> (i32, i32) {
    %c0_i32 = arith.constant 0 : i32
    %c0_i32_0 = arith.constant 0 : i32
    %c0_i32_1 = arith.constant 0 : i32
    return %c0_i32, %c0_i32_0 : i32, i32
  }
  func.func @transform_5(%arg0: i32) -> (i32, i32) {
    %c0_i32 = arith.constant 0 : i32
    %c0_i32_0 = arith.constant 0 : i32
    return %arg0, %c0_i32 : i32, i32
  }
}

module attributes {stable_mosaic.version = 14 : i64} {
  func.func @_mid_body(%arg0: i32, %arg1: memref<2x1000x128xf32, #tpu.memory_space<vmem>>, %arg2: memref<1000x128xf32, #tpu.memory_space<vmem>>, %arg3: memref<1000x1xf32, #tpu.memory_space<vmem>>, %arg4: memref<1x128xf32, #tpu.memory_space<vmem>>, %arg5: memref<128x128xf32, #tpu.memory_space<vmem>>, %arg6: memref<1000x128xf32, #tpu.memory_space<vmem>>) attributes {dimension_semantics = [#tpu.dimension_semantics<arbitrary>], iteration_bounds = array<i64: 10>, scalar_prefetch = 0 : i64, scratch_operands = 0 : i64, tpu.core_type = #tpu.core_type<tc>, window_params = [{transform_indices = @transform_0, window_bounds = array<i64: 2, 1000, 128>}, {transform_indices = @transform_1, window_bounds = array<i64: 1000, 128>}, {transform_indices = @transform_2, window_bounds = array<i64: 1000, 1>}, {pipeline_mode = #tpu.pipeline_mode<synchronous>, transform_indices = @transform_3, window_bounds = array<i64: 1, 128>}, {pipeline_mode = #tpu.pipeline_mode<synchronous>, transform_indices = @transform_4, window_bounds = array<i64: 128, 128>}, {transform_indices = @transform_5, window_bounds = array<i64: 1000, 128>}]} {
    %get3A = arith.constant 0 : index
    %get3A_0 = arith.constant 0 : index
    %get3A_1 = arith.constant 0 : index
    %get3A_2 = vector.load %arg1[%get3A, %get3A_0, %get3A_1] : memref<2x1000x128xf32, #tpu.memory_space<vmem>>, vector<1x1000x128xf32>
    %get3A_3 = vector.shape_cast %get3A_2 : vector<1x1000x128xf32> to vector<1000x128xf32>
    %get3A_4 = arith.constant 1 : index
    %get3A_5 = arith.constant 0 : index
    %get3A_6 = arith.constant 0 : index
    %get3A_7 = vector.load %arg1[%get3A_4, %get3A_5, %get3A_6] : memref<2x1000x128xf32, #tpu.memory_space<vmem>>, vector<1x1000x128xf32>
    %get3A_8 = vector.shape_cast %get3A_7 : vector<1x1000x128xf32> to vector<1000x128xf32>
    %add3A = arith.addf %get3A_3, %get3A_8 : vector<1000x128xf32>
    %get3A_9 = arith.constant 0 : index
    %get3A_10 = arith.constant 0 : index
    %get3A_11 = vector.load %arg3[%get3A_9, %get3A_10] : memref<1000x1xf32, #tpu.memory_space<vmem>>, vector<1000x1xf32>
    %get3A_12 = arith.constant 0 : index
    %get3A_13 = arith.constant 0 : index
    %get3A_14 = vector.load %arg2[%get3A_12, %get3A_13] : memref<1000x128xf32, #tpu.memory_space<vmem>>, vector<1000x128xf32>
    %add3A_15 = arith.addf %add3A, %get3A_14 : vector<1000x128xf32>
    %mul3A = vector.broadcast %get3A_11 : vector<1000x1xf32> to vector<1000x128xf32>
    %mul3A_16 = arith.mulf %mul3A, %add3A_15 : vector<1000x128xf32>
    %get3A_17 = arith.constant 0 : index
    %get3A_18 = arith.constant 0 : index
    %get3A_19 = vector.load %arg4[%get3A_17, %get3A_18] : memref<1x128xf32, #tpu.memory_space<vmem>>, vector<1x128xf32>
    %add3A_20 = vector.broadcast %get3A_19 : vector<1x128xf32> to vector<1000x128xf32>
    %add3A_21 = arith.addf %mul3A_16, %add3A_20 : vector<1000x128xf32>
    %max3A = arith.constant 0.000000e+00 : f32
    %max3A_22 = vector.broadcast %max3A : f32 to vector<1000x128xf32>
    %max3A_23 = arith.maximumf %add3A_21, %max3A_22 : vector<1000x128xf32>
    %get3A_24 = arith.constant 0 : index
    %get3A_25 = arith.constant 0 : index
    %get3A_26 = vector.load %arg5[%get3A_24, %get3A_25] : memref<128x128xf32, #tpu.memory_space<vmem>>, vector<128x128xf32>
    %dot_general3A = arith.constant dense<0.000000e+00> : vector<1000x128xf32>
    %dot_general3A_27 = tpu.matmul %max3A_23, %get3A_26, %dot_general3A {dimension_numbers = #tpu.dot_dimension_numbers<[1], [0], [0], [1], [0, 0, 1, 1], [], []>, transpose_lhs_hint = false} : vector<1000x128xf32>, vector<128x128xf32>, vector<1000x128xf32> -> vector<1000x128xf32>
    %mul3A_28 = vector.broadcast %get3A_11 : vector<1000x1xf32> to vector<1000x128xf32>
    %mul3A_29 = arith.mulf %dot_general3A_27, %mul3A_28 : vector<1000x128xf32>
    %swap3A = arith.constant 0 : index
    %swap3A_30 = arith.constant 0 : index
    %swap3A_31 = vector.load %arg6[%swap3A, %swap3A_30] : memref<1000x128xf32, #tpu.memory_space<vmem>>, vector<1000x128xf32>
    tpu.vector_store %arg6[%swap3A, %swap3A_30], %mul3A_29 {strides = array<i32>} : memref<1000x128xf32, #tpu.memory_space<vmem>>, vector<1000x128xf32>,
    return
  }
  func.func @transform_0(%arg0: i32) -> (i32, i32, i32) {
    %c0_i32 = arith.constant 0 : i32
    %c0_i32_0 = arith.constant 0 : i32
    %c0_i32_1 = arith.constant 0 : i32
    return %c0_i32, %arg0, %c0_i32_0 : i32, i32, i32
  }
  func.func @transform_1(%arg0: i32) -> (i32, i32) {
    %c0_i32 = arith.constant 0 : i32
    %c0_i32_0 = arith.constant 0 : i32
    return %arg0, %c0_i32 : i32, i32
  }
  func.func @transform_2(%arg0: i32) -> (i32, i32) {
    %c0_i32 = arith.constant 0 : i32
    %c0_i32_0 = arith.constant 0 : i32
    return %arg0, %c0_i32 : i32, i32
  }
  func.func @transform_3(%arg0: i32) -> (i32, i32) {
    %c0_i32 = arith.constant 0 : i32
    %c0_i32_0 = arith.constant 0 : i32
    %c0_i32_1 = arith.constant 0 : i32
    return %c0_i32, %c0_i32_0 : i32, i32
  }
  func.func @transform_4(%arg0: i32) -> (i32, i32) {
    %c0_i32 = arith.constant 0 : i32
    %c0_i32_0 = arith.constant 0 : i32
    %c0_i32_1 = arith.constant 0 : i32
    return %c0_i32, %c0_i32_0 : i32, i32
  }
  func.func @transform_5(%arg0: i32) -> (i32, i32) {
    %c0_i32 = arith.constant 0 : i32
    %c0_i32_0 = arith.constant 0 : i32
    return %arg0, %c0_i32 : i32, i32
  }
}

module attributes {stable_mosaic.version = 14 : i64} {
  func.func @_dec_body(%arg0: i32, %arg1: memref<2x1000x128xf32, #tpu.memory_space<vmem>>, %arg2: memref<1000x128xf32, #tpu.memory_space<vmem>>, %arg3: memref<1000x1xf32, #tpu.memory_space<vmem>>, %arg4: memref<1x128xf32, #tpu.memory_space<vmem>>, %arg5: memref<128x40xf32, #tpu.memory_space<vmem>>, %arg6: memref<1x40xf32, #tpu.memory_space<vmem>>, %arg7: memref<1000x40xf32, #tpu.memory_space<vmem>>) attributes {dimension_semantics = [#tpu.dimension_semantics<arbitrary>], iteration_bounds = array<i64: 10>, scalar_prefetch = 0 : i64, scratch_operands = 0 : i64, tpu.core_type = #tpu.core_type<tc>, window_params = [{transform_indices = @transform_0, window_bounds = array<i64: 2, 1000, 128>}, {transform_indices = @transform_1, window_bounds = array<i64: 1000, 128>}, {transform_indices = @transform_2, window_bounds = array<i64: 1000, 1>}, {pipeline_mode = #tpu.pipeline_mode<synchronous>, transform_indices = @transform_3, window_bounds = array<i64: 1, 128>}, {pipeline_mode = #tpu.pipeline_mode<synchronous>, transform_indices = @transform_4, window_bounds = array<i64: 128, 40>}, {pipeline_mode = #tpu.pipeline_mode<synchronous>, transform_indices = @transform_5, window_bounds = array<i64: 1, 40>}, {transform_indices = @transform_6, window_bounds = array<i64: 1000, 40>}]} {
    %get3A = arith.constant 0 : index
    %get3A_0 = arith.constant 0 : index
    %get3A_1 = arith.constant 0 : index
    %get3A_2 = vector.load %arg1[%get3A, %get3A_0, %get3A_1] : memref<2x1000x128xf32, #tpu.memory_space<vmem>>, vector<1x1000x128xf32>
    %get3A_3 = vector.shape_cast %get3A_2 : vector<1x1000x128xf32> to vector<1000x128xf32>
    %get3A_4 = arith.constant 1 : index
    %get3A_5 = arith.constant 0 : index
    %get3A_6 = arith.constant 0 : index
    %get3A_7 = vector.load %arg1[%get3A_4, %get3A_5, %get3A_6] : memref<2x1000x128xf32, #tpu.memory_space<vmem>>, vector<1x1000x128xf32>
    %get3A_8 = vector.shape_cast %get3A_7 : vector<1x1000x128xf32> to vector<1000x128xf32>
    %add3A = arith.addf %get3A_3, %get3A_8 : vector<1000x128xf32>
    %get3A_9 = arith.constant 0 : index
    %get3A_10 = arith.constant 0 : index
    %get3A_11 = vector.load %arg3[%get3A_9, %get3A_10] : memref<1000x1xf32, #tpu.memory_space<vmem>>, vector<1000x1xf32>
    %get3A_12 = arith.constant 0 : index
    %get3A_13 = arith.constant 0 : index
    %get3A_14 = vector.load %arg2[%get3A_12, %get3A_13] : memref<1000x128xf32, #tpu.memory_space<vmem>>, vector<1000x128xf32>
    %add3A_15 = arith.addf %add3A, %get3A_14 : vector<1000x128xf32>
    %mul3A = vector.broadcast %get3A_11 : vector<1000x1xf32> to vector<1000x128xf32>
    %mul3A_16 = arith.mulf %mul3A, %add3A_15 : vector<1000x128xf32>
    %get3A_17 = arith.constant 0 : index
    %get3A_18 = arith.constant 0 : index
    %get3A_19 = vector.load %arg4[%get3A_17, %get3A_18] : memref<1x128xf32, #tpu.memory_space<vmem>>, vector<1x128xf32>
    %add3A_20 = vector.broadcast %get3A_19 : vector<1x128xf32> to vector<1000x128xf32>
    %add3A_21 = arith.addf %mul3A_16, %add3A_20 : vector<1000x128xf32>
    %max3A = arith.constant 0.000000e+00 : f32
    %max3A_22 = vector.broadcast %max3A : f32 to vector<1000x128xf32>
    %max3A_23 = arith.maximumf %add3A_21, %max3A_22 : vector<1000x128xf32>
    %get3A_24 = arith.constant 0 : index
    %get3A_25 = arith.constant 0 : index
    %get3A_26 = vector.load %arg5[%get3A_24, %get3A_25] : memref<128x40xf32, #tpu.memory_space<vmem>>, vector<128x40xf32>
    %dot_general3A = arith.constant dense<0.000000e+00> : vector<1000x40xf32>
    %dot_general3A_27 = tpu.matmul %max3A_23, %get3A_26, %dot_general3A {dimension_numbers = #tpu.dot_dimension_numbers<[1], [0], [0], [1], [0, 0, 1, 1], [], []>, transpose_lhs_hint = false} : vector<1000x128xf32>, vector<128x40xf32>, vector<1000x40xf32> -> vector<1000x40xf32>
    %get3A_28 = arith.constant 0 : index
    %get3A_29 = arith.constant 0 : index
    %get3A_30 = vector.load %arg6[%get3A_28, %get3A_29] : memref<1x40xf32, #tpu.memory_space<vmem>>, vector<1x40xf32>
    %add3A_31 = vector.broadcast %get3A_30 : vector<1x40xf32> to vector<1000x40xf32>
    %add3A_32 = arith.addf %dot_general3A_27, %add3A_31 : vector<1000x40xf32>
    %swap3A = arith.constant 0 : index
    %swap3A_33 = arith.constant 0 : index
    %swap3A_34 = vector.load %arg7[%swap3A, %swap3A_33] : memref<1000x40xf32, #tpu.memory_space<vmem>>, vector<1000x40xf32>
    tpu.vector_store %arg7[%swap3A, %swap3A_33], %add3A_32 {strides = array<i32>} : memref<1000x40xf32, #tpu.memory_space<vmem>>, vector<1000x40xf32>,
    return
  }
  func.func @transform_0(%arg0: i32) -> (i32, i32, i32) {
    %c0_i32 = arith.constant 0 : i32
    %c0_i32_0 = arith.constant 0 : i32
    %c0_i32_1 = arith.constant 0 : i32
    return %c0_i32, %arg0, %c0_i32_0 : i32, i32, i32
  }
  func.func @transform_1(%arg0: i32) -> (i32, i32) {
    %c0_i32 = arith.constant 0 : i32
    %c0_i32_0 = arith.constant 0 : i32
    return %arg0, %c0_i32 : i32, i32
  }
  func.func @transform_2(%arg0: i32) -> (i32, i32) {
    %c0_i32 = arith.constant 0 : i32
    %c0_i32_0 = arith.constant 0 : i32
    return %arg0, %c0_i32 : i32, i32
  }
  func.func @transform_3(%arg0: i32) -> (i32, i32) {
    %c0_i32 = arith.constant 0 : i32
    %c0_i32_0 = arith.constant 0 : i32
    %c0_i32_1 = arith.constant 0 : i32
    return %c0_i32, %c0_i32_0 : i32, i32
  }
  func.func @transform_4(%arg0: i32) -> (i32, i32) {
    %c0_i32 = arith.constant 0 : i32
    %c0_i32_0 = arith.constant 0 : i32
    %c0_i32_1 = arith.constant 0 : i32
    return %c0_i32, %c0_i32_0 : i32, i32
  }
  func.func @transform_5(%arg0: i32) -> (i32, i32) {
    %c0_i32 = arith.constant 0 : i32
    %c0_i32_0 = arith.constant 0 : i32
    %c0_i32_1 = arith.constant 0 : i32
    return %c0_i32, %c0_i32_0 : i32, i32
  }
  func.func @transform_6(%arg0: i32) -> (i32, i32) {
    %c0_i32 = arith.constant 0 : i32
    %c0_i32_0 = arith.constant 0 : i32
    return %arg0, %c0_i32 : i32, i32
  }
}

</mosaic_0001>

<sc_bundles>
// kernel: kernel.11.cloned.1.call-start
scs
__scs_entry_jumppad:
0x0: {  	(pc) =	sbr.rel $0x88, $3  }
0x1: {  	(tag) =	ssettag $0x0;
	lr =	simm.s32 $0x1  }
0x2: {  	[smem:$0x3F99] =	sst lr;
	_ =	strace $0xD0000000  }
0x3: {  	_ = 	snop  }
0x4: {  	_ = 	snop  }
0x5: {  	_ = 	snop  }
0x6: {  	_ = 	snop  }
0x7: {  	_ = 	snop  }
__scs_overlays_trampoline_lowered:
0x8: {  	[smem:$0x3FA8] =	sst s0  }
0x9: {  	[smem:$0x3FA9] =	sst s1  }
0xa: {  	[smem:$0x3FAA] =	sst s2  }
0xb: {  	[smem:$0x3FAB] =	sst s3  }
0xc: {  	[smem:$0x3FAC] =	sst s4  }
0xd: {  	[smem:$0x3FAD] =	sst s5  }
0xe: {  	[smem:$0x3FAE] =	sst s6  }
0xf: {  	[smem:$0x3FAF] =	sst s7  }
0x10: {  	[smem:$0x3FB0] =	sst s8  }
0x11: {  	[smem:$0x3FB1] =	sst s9;
	s0 =	simm.s32 @!p0 $0x0  }
0x12: {  	s1 =	sld [smem:$0x3F97];
	s0 =	simm.s32 @p0 $0x1  }
0x13: {  	[smem:$0x3FB2] =	sst s0;
	s0 =	simm.s32 @!p1 $0x0  }
0x14: {  	s2 =	sld [smem:$0x3F96];
	s0 =	simm.s32 @p1 $0x1  }
0x15: {  	[smem:$0x3FB3] =	sst s0;
	s0 =	simm.s32 @!p2 $0x0  }
0x16: {  	s3 =	sld [smem:$0x3FDB];
	s0 =	simm.s32 @p2 $0x1  }
0x17: {  	s4 =	simm.s32 $0x1BF5;
	[smem:$0x3FB5] =	sst s0  }
0x18: {  	s0 =	sld [smem:$0x3F98];
	_ =	swait.ge [sflag:s4], $0x0  }
0x19: {  	s7 =	sld [smem:$0x3F99]  }
0x1a: {  	s8 =	sadd.s32 $0xFFFFE003, lr  }
0x1b: {  	s9 =	sadd.s32 $0xFFFFFEF7, lr;
	s5 =	simm.s32 $0xFFFFFFFF;
	p2 =	slt.u32 s8, $0xFFFFF086  }
0x1c: {  	p1 =	slt.u32 s9, $0xF7A;
	s5 =	simm.s32 @!p2 $0x0  }
0x1d: {  	s5 =	simm.s32 @p1 $0x1;
	p0 =	seq.s32 s7, s2  }
0x1e: {  	s7 =	smul.u32 @!p0 $0xF7A, s2;
	p2 =	seq.s32 @!p0 s5, $0x0  }
0x1f: {  	s9 =	smul.u32 $0xF7A, s1;
	s8 =	simm.s32 @!p0 $0x1BF5;
	p2 =	por !p2, p0  }
0x20: {  	[sflag:s8] =	ssyncset.s32 @!p0 $0xFFFFF086;
	s6 =	sadd.s32 @!p0 s3, s7;
	s7 =	simm.s32 @!p0 $0x108  }
0x21: {  	s3 =	sadd.s32 s3, s9;
	s6 =	sadd.s32 @!p0 $0x88, s6;
	s7 =	simm.s32 @p2 $0x1082  }
0x22: {  	[simem:s7], [sflag:s8] =	dma.local @!p0 [hbm:s6], $0xF7A  }
0x23: {  	s9 =	sor.u32 $0xD0000000, s2;
	s6 =	simm.s32 $0x108;
	_ =	swait.ge @!p0 [sflag:s8], $0x0  }
0x24: {  	s3 =	sadd.s32 $0x88, s3;
	s6 =	simm.s32 @!p1 $0x1082;
	[sflag:s4] =	ssyncset.s32 $0xFFFFF086  }
0x25: {  	[simem:s6], [sflag:s4] =	dma.local [hbm:s3], $0xF7A  }
0x26: {  	[smem:$0x3F99] =	sst s1;
	(tag) =	ssettag s2;
	_ =	strace s9  }
0x27: {  	s1 =	sld [smem:$0x3FA9]  }
0x28: {  	s2 =	sld [smem:$0x3FAA]  }
0x29: {  	s4 =	sld [smem:$0x3FAC]  }
0x2a: {  	p0 =	seq.s32 s5, $0x0;
	s5 =	sld [smem:$0x3FAD]  }
0x2b: {  	s6 =	sld [smem:$0x3FAE]  }
0x2c: {  	s7 =	sld [smem:$0x3FAF]  }
0x2d: {  	s3 =	simm.s32 $0x108;
	s8 =	sld [smem:$0x3FB0]  }
0x2e: {  	s3 =	simm.s32 @!p0 $0x1082;
	s9 =	sld [smem:$0x3FB1]  }
0x2f: {  	lr =	sadd.s32 s0, s3;
	s0 =	sld [smem:$0x3FA8]  }
0x30: {  	s3 =	sld [smem:$0x3FAB]  }
0x31: {  	[smem:$0x3FB4] =	sst s10  }
0x32: {  	s10 =	sld [smem:$0x3FB2];
	_ =	sdelay $0x3  }
0x33: {  	p0 =	seq.s32 s10, $0x1;
	s10 =	sld [smem:$0x3FB4];
	_ =	sdelay $0x3  }
0x34: {  	[smem:$0x3FB4] =	sst s10  }
0x35: {  	s10 =	sld [smem:$0x3FB3];
	_ =	sdelay $0x3  }
0x36: {  	p1 =	seq.s32 s10, $0x1;
	s10 =	sld [smem:$0x3FB4];
	_ =	sdelay $0x3  }
0x37: {  	[smem:$0x3FB4] =	sst s10  }
0x38: {  	s10 =	sld [smem:$0x3FB5]  }
0x39: {  	_ = 	snop;
	(pc) =	sbr.ind lr, $3  }
0x3a: {  	_ = 	snop  }
0x3b: {  	_ = 	snop  }
0x3c: {  	p2 =	seq.s32 s10, $0x1;
	s10 =	sld [smem:$0x3FB4]  }
0x3d: {  	_ =	shalt  }
0x3e: {  	_ =	shalt  }
0x3f: {  	_ =	shalt  }
0x40: {  	_ =	shalt  }
0x41: {  	_ =	shalt  }
0x42: {  	_ =	shalt  }
0x43: {  	_ =	shalt  }
0x44: {  	_ =	shalt  }
0x45: {  	_ =	shalt  }
0x46: {  	_ =	shalt  }
0x47: {  	_ =	shalt  }
0x48: {  	_ =	shalt  }
0x49: {  	_ =	shalt  }
0x4a: {  	_ =	shalt  }
0x4b: {  	_ =	shalt  }
0x4c: {  	_ =	shalt  }
0x4d: {  	_ =	shalt  }
0x4e: {  	_ =	shalt  }
0x4f: {  	_ =	shalt  }
0x50: {  	_ =	shalt  }
0x51: {  	_ =	shalt  }
0x52: {  	_ =	shalt  }
0x53: {  	_ =	shalt  }
0x54: {  	_ =	shalt  }
0x55: {  	_ =	shalt  }
0x56: {  	_ =	shalt  }
0x57: {  	_ =	shalt  }
0x58: {  	_ =	shalt  }
0x59: {  	_ =	shalt  }
0x5a: {  	_ =	shalt  }
0x5b: {  	_ =	shalt  }
0x5c: {  	_ =	shalt  }
0x5d: {  	_ =	shalt  }
0x5e: {  	_ =	shalt  }
0x5f: {  	_ =	shalt  }
0x60: {  	_ =	shalt  }
0x61: {  	_ =	shalt  }
0x62: {  	_ =	shalt  }
0x63: {  	_ =	shalt  }
0x64: {  	_ =	shalt  }
0x65: {  	_ =	shalt  }
0x66: {  	_ =	shalt  }
0x67: {  	_ =	shalt  }
0x68: {  	_ =	shalt  }
0x69: {  	_ =	shalt  }
0x6a: {  	_ =	shalt  }
0x6b: {  	_ =	shalt  }
0x6c: {  	_ =	shalt  }
0x6d: {  	_ =	shalt  }
0x6e: {  	_ =	shalt  }
0x6f: {  	_ =	shalt  }
0x70: {  	_ =	shalt  }
0x71: {  	_ =	shalt  }
0x72: {  	_ =	shalt  }
0x73: {  	_ =	shalt  }
0x74: {  	_ =	shalt  }
0x75: {  	_ =	shalt  }
0x76: {  	_ =	shalt  }
0x77: {  	_ =	shalt  }
0x78: {  	_ =	shalt  }
0x79: {  	_ =	shalt  }
0x7a: {  	_ =	shalt  }
0x7b: {  	_ =	shalt  }
0x7c: {  	_ =	shalt  }
0x7d: {  	_ =	shalt  }
0x7e: {  	_ =	shalt  }
0x7f: {  	_ =	shalt  }
0x80: {  	_ =	shalt  }
0x81: {  	_ =	shalt  }
0x82: {  	_ =	shalt  }
0x83: {  	_ =	shalt  }
0x84: {  	_ =	shalt  }
0x85: {  	_ =	shalt  }
0x86: {  	_ =	shalt  }
0x87: {  	_ =	shalt  }
.Lfunc_end0:
.L_simem_size_0:
called_computation_lowered:
.L_overlay_start_0:
0x88: {  	s2 =	sld [smem:$0x3FD9]  }
0x89: {  	s3 =	sld [smem:$0x3FFE];
	_ =	sdelay $0x1  }
0x8a: {  	s1 =	srdreg.scid  }
0x8b: {  	s0 =	sand.u32 $0x1, s1  }
0x8c: {  	s17 =	sshll.u32 s0, $0xA;
	s2 =	sadd.s32 s3, s2  }
0x8d: {  	s2 =	sadd.s32 s2, s17  }
0x8e: {  	[smem:$0x3FC0] =	sst s2  }
0x8f: {  	_ = 	snop  }
0x90: {  	s2 =	sld [smem:$0x3FD0];
	(tm) =	ssettm $0x1  }
0x91: {  	s18 =	sld [smem:$0x3FFB];
	_ =	sdelay $0x3  }
0x92: {  	_ =	strace s18  }
0x93: {  	s3 =	sld [smem:$0x3FFC];
	_ =	sdelay $0x3  }
0x94: {  	_ =	strace s3  }
0x95: {  	s3 =	sld [smem:$0x3FFD];
	_ =	sdelay $0x3  }
0x96: {  	_ =	strace s3  }
0x97: {  	_ =	strace $0x8FFFFFFF  }
0x98: {  	s19 =	sld [smem:$0x3FDB];
	_ =	sdelay $0x1  }
0x99: {  	s4 =	simm.s32 $_scs_section_size  }
0x9a: {  	s5 =	simm.s32 $_size__tile_overlayer_lowered;
	s6 =	simm.s32 $_tile_overlayer_lowered  }
0x9b: {  	s22 =	simm.s32 $0x1BFF;
	s21 =	sshll.u32 s6, $0x1;
	s3 =	sadd.s32 s4, s19  }
0x9c: {  	s7 =	simm.s32 $0x0;
	s20 =	sshll.u32 s5, $0x1;
	s5 =	sadd.s32 s21, s3  }
0x9d: {  	[timem:s7], [sflag:s22] =	dma.local [hbm:s5], s20  }
0x9e: {  	_ =	swait.ge [sflag:s22], s20  }
0x9f: {  	s4 =	ssub.s32 $0x0, s20;
	[sflag:s22] =	ssyncset.done $0x0  }
0xa0: {  	[sflag:s22] =	ssyncadd.s32 s4;
	_ =	sdelay $0x1  }
0xa1: {  	s23 =	simm.s32 $0x1B8B  }
0xa2: {  	_ =	swait.ge [sflag:s23], $0x1  }
0xa3: {  	[sflag:s23] =	ssyncset.done $0x0  }
0xa4: {  	s25 =	simm.s32 $0x1B8E;
	s24 =	sld [smem:$0x3FFE];
	[sflag:s23] =	ssyncadd.s32 $0xFFFFFFFF  }
0xa5: {  	s26 =	simm.s32 $execute0_lowered;
	[smem:$0x3FD2] =	sst s25  }
0xa6: {  	s5 =	sshll.u32 s26, $0x1;
	_ =	strace $0x80000046;
	[dreg:$0x1] =	wrdreg $0xFFFFFFFF  }
0xa7: {  	s28 =	simm.s32 $_size_execute0_lowered;
	s3 =	sadd.s32 s3, s5;
	[dreg:$0x0] =	wrdreg $0x0  }
0xa8: {  	s5 =	sshll.u32 s28, $0x1;
	[dreg:$0x2] =	wrdreg s3  }
0xa9: {  	[dreg:$0x3] =	wrdreg s5  }
0xaa: {  	[dreg:$0x4] =	wrdreg $0xC0  }
0xab: {  	_ =	task [dreg:s7], $0x5FFFF  }
0xac: {  	[dreg:$0x1] =	wrdreg $0xFFFFFFFF  }
0xad: {  	[dreg:$0x0] =	wrdreg $0x60  }
0xae: {  	[dreg:$0x2] =	wrdreg s24  }
0xaf: {  	[dreg:$0x3] =	wrdreg s2  }
0xb0: {  	[dreg:$0x4] =	wrdreg $0x9  }
0xb1: {  	_ =	task.clear_ibuf [dreg:s7], $0x5FFFF;
	_ =	strace $0x90000046  }
0xb2: {  	s29 =	simm.s32 $0x9;
	_ =	strace $0x80000048  }
0xb3: {  	_ =	swait.ge [sflag:s29], $0x1  }
0xb4: {  	[sflag:s29] =	ssyncadd.s32 $0xFFFFFFFF  }
0xb5: {  	_ =	strace $0x90000048  }
0xb6: {  	_ =	sfence  }
0xb7: {  	s30 =	sld [smem:$0x0];
	_ =	sdelay $0x2  }
0xb8: {  	s31 =	sshll.u32 s1, $0xD;
	s1 =	sshrl.u32 s1, $0x2  }
0xb9: {  	s3 =	sand.u32 $0x4000, s31;
	s1 =	sadd.s32 s1, s30  }
0xba: {  	s0 =	sor.u32 s3, s0;
	s1 =	sshll.u32 s1, $0x11  }
0xbb: {  	s0 =	sor.u32 s1, s0  }
0xbc: {  	s0 =	sadd.s32 $0x8F2B, s0  }
0xbd: {  	[sflag:s0] =	ssyncadd.remote.s32 $0x1  }
0xbe: {  	_ =	sfence.sel $0xFFFF  }
0xbf: {  	[dreg:$0x0] =	wrdreg $0xFFFFFFFF;
	(pc) =	sbr.abs _section_cstart, $3  }
0xc0: {  	[dreg:$0x1] =	wrdreg $0xFFFFFFFF  }
0xc1: {  	_ =	task.clear_ibuf [dreg:s7], $0x2FFFF;
	_ =	strace $0x9FFFFFFF  }
0xc2: {  	(tm) =	ssettm $0x7FFFFFFF  }
0xc3: {  	_ =	shalt  }
tec
execute0_lowered:
.L_overlay_start_1:
0x0: {  	(tag) =	ssettag $0x1  }
0x1: {  	s3 =	rddreg [dreg:$0x0]  }
0x2: {  	s4 =	rddreg [dreg:$0x1];
	s2 =	srdreg.scid  }
0x3: {  	s1 =	stileid.u32;
	s0 =	rddreg [dreg:$0x2];
	s9 =	simm.s32 $0x400  }
0x4: {  	s10 =	simm.s32 $0x0;
	s5 =	sand.u32 $0x1, s2;
	s6 =	sshll.u32 s1, $0x1  }
0x5: {  	s2 =	simm.s32 $0x0;
	s7 =	sshrl.u32 s1, $0x2;
	s6 =	sor.u32 s5, s6  }
0x6: {  	[smem:$0x7FF] =	sst s2;
	s7 =	smul.u32 $0x13C00, s7;
	s5 =	ssub.s32 $0x2, s5  }
0x7: {  	s8 =	sshll.u32 s6, $0x7;
	_ =	strace $0x80000047;
	s6 =	sshll.u32 s6, $0xC  }
0x8: {  	s31 =	sshrl.u32 s5, $0x1;
	s8 =	sand.u32 $0x380, s8;
	s3 =	sadd.s32 s6, s3  }
0x9: {  	s5 =	ssub.s32 s5, s31;
	s6 =	simm.s32 $0x1;
	s7 =	sor.u32 s7, s8  }
0xa: {  	s3 =	sadd.s32 $0x23600, s3;
	s5 =	smax.u32 s5, $0x1;
	s7 =	sshrl.u32 s7, $0x3  }
0xb: {  	v0 =	vimm.f32 $0.0e+00;
	v1 =	vimm.f32 $1.000000000e+00;
	vm0 =	vcmask $0x3F20;
	s8 =	simm.s32 $0x80;
	s4 =	sadd.s32 s4, s7;
	s7 =	simm.s32 $0x8000  }
.LBB2_1:
0xc: {  	[tilespmem:s2], [sflag:$0x1] =	stream.linear.gather [hbm4b:s3+s2], $0x8000, $0x38;
	[tilespmem:$0xA780] =	vst v63  }
0xd: {  	_ =	swait.ge [sflag:s6], $0x8000  }
0xe: {  	[sflag:s6] =	ssyncset.done $0x0  }
0xf: {  	s11 =	simm.s32 $0x0;
	[sflag:s6] =	ssyncadd.s32 $0xFFFF8000  }
.LBB2_2:
0x10: {  	p0 =	sne.s32 s11, $0x9C00  }
.Ltmp0:
0x11: {  	_ = 	snop;
	(pc) =	sbr.rel @p0 .LBB2_2-.Ltmp0, $3  }
0x12: {  	_ =	sdelay $0x1  }
0x13: {  	s12 =	sshra.s32 s11, $0x2  }
0x14: {  	s11 =	sadd.s32 $0x40, s11;
	[tilespmem:s12+$0x8000] =	vst v0  }
0x15: {  	s11 =	simm.s32 $0x0  }
.LBB2_4:
0x16: {  	s12 =	sshra.s32 s11, $0x2  }
0x17: {  	v2 =	vld [tilespmem:s12+$0x0];
	_ =	sdelay $0x7  }
0x18: {  	[tilespmem:v2+s7+$0x0] =	vst.idx.add.f32.msk $0xffff, v1  }
0x19: {  	v2 =	vld [tilespmem:s12+$0x10];
	_ =	sdelay $0x7  }
0x1a: {  	[tilespmem:v2+s7+$0x0] =	vst.idx.add.f32.msk $0xffff, v1  }
0x1b: {  	v2 =	vld [tilespmem:s12+$0x18];
	_ =	sdelay $0x2  }
0x1c: {  	p0 =	sne.s32 s11, $0x1F200  }
.Ltmp1:
0x1d: {  	_ = 	snop;
	(pc) =	sbr.rel @p0 .LBB2_4-.Ltmp1, $2  }
0x1e: {  	_ =	sdelay $0x2  }
0x1f: {  	s11 =	sadd.s32 $0x200, s11;
	[tilespmem:v2+s7+$0x0] =	vst.idx.add.f32.msk vm0, v1  }
0x20: {  	s10 =	sadd.s32 $0x1, s10  }
0x21: {  	p0 =	sne.s32 s10, s5  }
.Ltmp2:
0x22: {  	_ = 	snop;
	(pc) =	sbr.rel @p0 .LBB2_1-.Ltmp2, $4  }
0x23: {  	[hbm4b:s4+s8] =	stream.strided.scatter [tilespmem:s7], [sflag:$0x1], $0x2780, s9, s8, $0x38;
	[tilespmem:$0xA780] =	vst v63  }
0x24: {  	_ =	swait.ge [sflag:s6], $0x2780  }
0x25: {  	[sflag:s6] =	ssyncset.done $0x0  }
0x26: {  	[sflag:s6] =	ssyncadd.s32 $0xFFFFD880  }
0x27: {  	_ =	sfence.sel $0x180000  }
0x28: {  	[bflag:$0x0] =	sbarrier.arrive $0xFFFF  }
0x29: {  	p0 =	sne.s32 s1, $0x0;
	_ =	strace $0x90000047  }
0x2a: {  	s0 =	sadd.s32 @!p0 $0x100000, s0;
	[bflag:$0x2] =	sbarrier.arrive $0xFFFF  }
0x2b: {  	[sflag:s0] =	ssyncadd.tile.s32 @!p0 $0x1;
	_ =	shalt  }
.Lfunc_end2:
_tile_overlayer_lowered:
.L_overlay_start_2:
0x2c: {  	(tag) =	ssettag $0x2  }
0x2d: {  	s0 =	rddreg [dreg:$0x0];
	s2 =	stileid.u32  }
0x2e: {  	s1 =	rddreg [dreg:$0x1];
	p0 =	sne.s32 s2, $0x0  }
0x2f: {  	s3 =	rddreg [dreg:$0x2];
	[bflag:$0x3] =	sbarrier.arrive $0xFFFF;
	s2 =	simm.s32 @!p0 $0x1C01  }
0x30: {  	[timem:s3], [sflag:s2] =	dma.local @!p0 [hbm:s0], s1  }
0x31: {  	s0 =	simm.s32 @!p0 $0x1  }
0x32: {  	_ =	swait.ge @!p0 [sflag:s0], s1  }
0x33: {  	s1 =	ssub.s32 @!p0 $0x0, s1;
	[sflag:s0] =	ssyncset.done @!p0 $0x0  }
0x34: {  	[sflag:s0] =	ssyncadd.s32 @!p0 s1  }
0x35: {  	[bflag:$0x3] =	sbarrier.arrive $0xFFFF  }
0x36: {  	_ =	shalt  }

// kernel: kernel.14.cloned.1.call-start
scs
__scs_entry_jumppad:
0x0: {  	(pc) =	sbr.rel $0x88, $3  }
0x1: {  	(tag) =	ssettag $0x0;
	lr =	simm.s32 $0x1  }
0x2: {  	[smem:$0x3F99] =	sst lr;
	_ =	strace $0xD0000000  }
0x3: {  	_ = 	snop  }
0x4: {  	_ = 	snop  }
0x5: {  	_ = 	snop  }
0x6: {  	_ = 	snop  }
0x7: {  	_ = 	snop  }
__scs_overlays_trampoline_lowered:
0x8: {  	[smem:$0x3FA8] =	sst s0  }
0x9: {  	[smem:$0x3FA9] =	sst s1  }
0xa: {  	[smem:$0x3FAA] =	sst s2  }
0xb: {  	[smem:$0x3FAB] =	sst s3  }
0xc: {  	[smem:$0x3FAC] =	sst s4  }
0xd: {  	[smem:$0x3FAD] =	sst s5  }
0xe: {  	[smem:$0x3FAE] =	sst s6  }
0xf: {  	[smem:$0x3FAF] =	sst s7  }
0x10: {  	[smem:$0x3FB0] =	sst s8  }
0x11: {  	[smem:$0x3FB1] =	sst s9;
	s0 =	simm.s32 @!p0 $0x0  }
0x12: {  	s1 =	sld [smem:$0x3F97];
	s0 =	simm.s32 @p0 $0x1  }
0x13: {  	[smem:$0x3FB2] =	sst s0;
	s0 =	simm.s32 @!p1 $0x0  }
0x14: {  	s2 =	sld [smem:$0x3F96];
	s0 =	simm.s32 @p1 $0x1  }
0x15: {  	[smem:$0x3FB3] =	sst s0;
	s0 =	simm.s32 @!p2 $0x0  }
0x16: {  	s3 =	sld [smem:$0x3FDB];
	s0 =	simm.s32 @p2 $0x1  }
0x17: {  	s4 =	simm.s32 $0x1BF5;
	[smem:$0x3FB5] =	sst s0  }
0x18: {  	s0 =	sld [smem:$0x3F98];
	_ =	swait.ge [sflag:s4], $0x0  }
0x19: {  	s7 =	sld [smem:$0x3F99]  }
0x1a: {  	s8 =	sadd.s32 $0xFFFFE003, lr  }
0x1b: {  	s9 =	sadd.s32 $0xFFFFFEF7, lr;
	s5 =	simm.s32 $0xFFFFFFFF;
	p2 =	slt.u32 s8, $0xFFFFF086  }
0x1c: {  	p1 =	slt.u32 s9, $0xF7A;
	s5 =	simm.s32 @!p2 $0x0  }
0x1d: {  	s5 =	simm.s32 @p1 $0x1;
	p0 =	seq.s32 s7, s2  }
0x1e: {  	s7 =	smul.u32 @!p0 $0xF7A, s2;
	p2 =	seq.s32 @!p0 s5, $0x0  }
0x1f: {  	s9 =	smul.u32 $0xF7A, s1;
	s8 =	simm.s32 @!p0 $0x1BF5;
	p2 =	por !p2, p0  }
0x20: {  	[sflag:s8] =	ssyncset.s32 @!p0 $0xFFFFF086;
	s6 =	sadd.s32 @!p0 s3, s7;
	s7 =	simm.s32 @!p0 $0x108  }
0x21: {  	s3 =	sadd.s32 s3, s9;
	s6 =	sadd.s32 @!p0 $0x88, s6;
	s7 =	simm.s32 @p2 $0x1082  }
0x22: {  	[simem:s7], [sflag:s8] =	dma.local @!p0 [hbm:s6], $0xF7A  }
0x23: {  	s9 =	sor.u32 $0xD0000000, s2;
	s6 =	simm.s32 $0x108;
	_ =	swait.ge @!p0 [sflag:s8], $0x0  }
0x24: {  	s3 =	sadd.s32 $0x88, s3;
	s6 =	simm.s32 @!p1 $0x1082;
	[sflag:s4] =	ssyncset.s32 $0xFFFFF086  }
0x25: {  	[simem:s6], [sflag:s4] =	dma.local [hbm:s3], $0xF7A  }
0x26: {  	[smem:$0x3F99] =	sst s1;
	(tag) =	ssettag s2;
	_ =	strace s9  }
0x27: {  	s1 =	sld [smem:$0x3FA9]  }
0x28: {  	s2 =	sld [smem:$0x3FAA]  }
0x29: {  	s4 =	sld [smem:$0x3FAC]  }
0x2a: {  	p0 =	seq.s32 s5, $0x0;
	s5 =	sld [smem:$0x3FAD]  }
0x2b: {  	s6 =	sld [smem:$0x3FAE]  }
0x2c: {  	s7 =	sld [smem:$0x3FAF]  }
0x2d: {  	s3 =	simm.s32 $0x108;
	s8 =	sld [smem:$0x3FB0]  }
0x2e: {  	s3 =	simm.s32 @!p0 $0x1082;
	s9 =	sld [smem:$0x3FB1]  }
0x2f: {  	lr =	sadd.s32 s0, s3;
	s0 =	sld [smem:$0x3FA8]  }
0x30: {  	s3 =	sld [smem:$0x3FAB]  }
0x31: {  	[smem:$0x3FB4] =	sst s10  }
0x32: {  	s10 =	sld [smem:$0x3FB2];
	_ =	sdelay $0x3  }
0x33: {  	p0 =	seq.s32 s10, $0x1;
	s10 =	sld [smem:$0x3FB4];
	_ =	sdelay $0x3  }
0x34: {  	[smem:$0x3FB4] =	sst s10  }
0x35: {  	s10 =	sld [smem:$0x3FB3];
	_ =	sdelay $0x3  }
0x36: {  	p1 =	seq.s32 s10, $0x1;
	s10 =	sld [smem:$0x3FB4];
	_ =	sdelay $0x3  }
0x37: {  	[smem:$0x3FB4] =	sst s10  }
0x38: {  	s10 =	sld [smem:$0x3FB5]  }
0x39: {  	_ = 	snop;
	(pc) =	sbr.ind lr, $3  }
0x3a: {  	_ = 	snop  }
0x3b: {  	_ = 	snop  }
0x3c: {  	p2 =	seq.s32 s10, $0x1;
	s10 =	sld [smem:$0x3FB4]  }
0x3d: {  	_ =	shalt  }
0x3e: {  	_ =	shalt  }
0x3f: {  	_ =	shalt  }
0x40: {  	_ =	shalt  }
0x41: {  	_ =	shalt  }
0x42: {  	_ =	shalt  }
0x43: {  	_ =	shalt  }
0x44: {  	_ =	shalt  }
0x45: {  	_ =	shalt  }
0x46: {  	_ =	shalt  }
0x47: {  	_ =	shalt  }
0x48: {  	_ =	shalt  }
0x49: {  	_ =	shalt  }
0x4a: {  	_ =	shalt  }
0x4b: {  	_ =	shalt  }
0x4c: {  	_ =	shalt  }
0x4d: {  	_ =	shalt  }
0x4e: {  	_ =	shalt  }
0x4f: {  	_ =	shalt  }
0x50: {  	_ =	shalt  }
0x51: {  	_ =	shalt  }
0x52: {  	_ =	shalt  }
0x53: {  	_ =	shalt  }
0x54: {  	_ =	shalt  }
0x55: {  	_ =	shalt  }
0x56: {  	_ =	shalt  }
0x57: {  	_ =	shalt  }
0x58: {  	_ =	shalt  }
0x59: {  	_ =	shalt  }
0x5a: {  	_ =	shalt  }
0x5b: {  	_ =	shalt  }
0x5c: {  	_ =	shalt  }
0x5d: {  	_ =	shalt  }
0x5e: {  	_ =	shalt  }
0x5f: {  	_ =	shalt  }
0x60: {  	_ =	shalt  }
0x61: {  	_ =	shalt  }
0x62: {  	_ =	shalt  }
0x63: {  	_ =	shalt  }
0x64: {  	_ =	shalt  }
0x65: {  	_ =	shalt  }
0x66: {  	_ =	shalt  }
0x67: {  	_ =	shalt  }
0x68: {  	_ =	shalt  }
0x69: {  	_ =	shalt  }
0x6a: {  	_ =	shalt  }
0x6b: {  	_ =	shalt  }
0x6c: {  	_ =	shalt  }
0x6d: {  	_ =	shalt  }
0x6e: {  	_ =	shalt  }
0x6f: {  	_ =	shalt  }
0x70: {  	_ =	shalt  }
0x71: {  	_ =	shalt  }
0x72: {  	_ =	shalt  }
0x73: {  	_ =	shalt  }
0x74: {  	_ =	shalt  }
0x75: {  	_ =	shalt  }
0x76: {  	_ =	shalt  }
0x77: {  	_ =	shalt  }
0x78: {  	_ =	shalt  }
0x79: {  	_ =	shalt  }
0x7a: {  	_ =	shalt  }
0x7b: {  	_ =	shalt  }
0x7c: {  	_ =	shalt  }
0x7d: {  	_ =	shalt  }
0x7e: {  	_ =	shalt  }
0x7f: {  	_ =	shalt  }
0x80: {  	_ =	shalt  }
0x81: {  	_ =	shalt  }
0x82: {  	_ =	shalt  }
0x83: {  	_ =	shalt  }
0x84: {  	_ =	shalt  }
0x85: {  	_ =	shalt  }
0x86: {  	_ =	shalt  }
0x87: {  	_ =	shalt  }
.Lfunc_end0:
.L_simem_size_0:
called_computation.1_lowered:
.L_overlay_start_0:
0x88: {  	s2 =	sld [smem:$0x3FD9]  }
0x89: {  	s3 =	sld [smem:$0x3FFE];
	_ =	sdelay $0x1  }
0x8a: {  	s1 =	srdreg.scid  }
0x8b: {  	s0 =	sand.u32 $0x1, s1  }
0x8c: {  	s16 =	sshll.u32 s0, $0xA;
	s2 =	sadd.s32 s3, s2  }
0x8d: {  	s2 =	sadd.s32 s2, s16  }
0x8e: {  	[smem:$0x3FC0] =	sst s2  }
0x8f: {  	_ = 	snop  }
0x90: {  	(tm) =	ssettm $0x1  }
0x91: {  	s17 =	sld [smem:$0x3FFB];
	_ =	sdelay $0x3  }
0x92: {  	_ =	strace s17  }
0x93: {  	s2 =	sld [smem:$0x3FFC];
	_ =	sdelay $0x3  }
0x94: {  	_ =	strace s2  }
0x95: {  	s2 =	sld [smem:$0x3FFD];
	_ =	sdelay $0x3  }
0x96: {  	_ =	strace s2  }
0x97: {  	_ =	strace $0x8FFFFFFF  }
0x98: {  	s18 =	sld [smem:$0x3FDB];
	_ =	sdelay $0x1  }
0x99: {  	s19 =	simm.s32 $_scs_section_size  }
0x9a: {  	s4 =	simm.s32 $_size__tile_overlayer_lowered;
	s5 =	simm.s32 $_tile_overlayer_lowered  }
0x9b: {  	s22 =	simm.s32 $0x1BFF;
	s21 =	sshll.u32 s5, $0x1;
	s2 =	sadd.s32 s19, s18  }
0x9c: {  	s6 =	simm.s32 $0x0;
	s20 =	sshll.u32 s4, $0x1;
	s4 =	sadd.s32 s21, s2  }
0x9d: {  	[timem:s6], [sflag:s22] =	dma.local [hbm:s4], s20  }
0x9e: {  	_ =	swait.ge [sflag:s22], s20  }
0x9f: {  	s3 =	ssub.s32 $0x0, s20;
	[sflag:s22] =	ssyncset.done $0x0  }
0xa0: {  	[sflag:s22] =	ssyncadd.s32 s3;
	_ =	sdelay $0x1  }
0xa1: {  	s23 =	simm.s32 $0x1B8B  }
0xa2: {  	_ =	swait.ge [sflag:s23], $0x1  }
0xa3: {  	[sflag:s23] =	ssyncset.done $0x0  }
0xa4: {  	s25 =	simm.s32 $0x1B8E;
	s24 =	sld [smem:$0x3FFE];
	[sflag:s23] =	ssyncadd.s32 $0xFFFFFFFF  }
0xa5: {  	s26 =	simm.s32 $execute0_lowered;
	[smem:$0x3FD2] =	sst s25  }
0xa6: {  	s4 =	sshll.u32 s26, $0x1;
	_ =	strace $0x80000049;
	[dreg:$0x1] =	wrdreg $0xFFFFFFFF  }
0xa7: {  	s28 =	simm.s32 $_size_execute0_lowered;
	s2 =	sadd.s32 s2, s4;
	[dreg:$0x0] =	wrdreg $0x0  }
0xa8: {  	s4 =	sshll.u32 s28, $0x1;
	[dreg:$0x2] =	wrdreg s2  }
0xa9: {  	[dreg:$0x3] =	wrdreg s4  }
0xaa: {  	[dreg:$0x4] =	wrdreg $0xC0  }
0xab: {  	_ =	task [dreg:s6], $0x5FFFF  }
0xac: {  	[dreg:$0x1] =	wrdreg $0xFFFFFFFF  }
0xad: {  	[dreg:$0x0] =	wrdreg $0x60  }
0xae: {  	[dreg:$0x2] =	wrdreg s24  }
0xaf: {  	[dreg:$0x3] =	wrdreg $0x60000  }
0xb0: {  	[dreg:$0x4] =	wrdreg $0x9  }
0xb1: {  	_ =	task.clear_ibuf [dreg:s6], $0x5FFFF;
	_ =	strace $0x90000049  }
0xb2: {  	s29 =	simm.s32 $0x9;
	_ =	strace $0x8000004B  }
0xb3: {  	_ =	swait.ge [sflag:s29], $0x1  }
0xb4: {  	[sflag:s29] =	ssyncadd.s32 $0xFFFFFFFF  }
0xb5: {  	_ =	strace $0x9000004B  }
0xb6: {  	_ =	sfence  }
0xb7: {  	s30 =	sld [smem:$0x0];
	_ =	sdelay $0x2  }
0xb8: {  	s31 =	sshll.u32 s1, $0xD;
	s1 =	sshrl.u32 s1, $0x2  }
0xb9: {  	s3 =	sand.u32 $0x4000, s31;
	s1 =	sadd.s32 s1, s30  }
0xba: {  	s0 =	sor.u32 s3, s0;
	s1 =	sshll.u32 s1, $0x11  }
0xbb: {  	s0 =	sor.u32 s1, s0  }
0xbc: {  	s0 =	sadd.s32 $0x8F2B, s0  }
0xbd: {  	[sflag:s0] =	ssyncadd.remote.s32 $0x1  }
0xbe: {  	_ =	sfence.sel $0xFFFF  }
0xbf: {  	[dreg:$0x0] =	wrdreg $0xFFFFFFFF;
	(pc) =	sbr.abs _section_cstart, $3  }
0xc0: {  	[dreg:$0x1] =	wrdreg $0xFFFFFFFF  }
0xc1: {  	_ =	task.clear_ibuf [dreg:s6], $0x2FFFF;
	_ =	strace $0x9FFFFFFF  }
0xc2: {  	(tm) =	ssettm $0x7FFFFFFF  }
0xc3: {  	_ =	shalt  }
tec
execute0_lowered:
.L_overlay_start_1:
0x0: {  	(tag) =	ssettag $0x1  }
0x1: {  	s0 =	rddreg [dreg:$0x0]  }
0x2: {  	s1 =	rddreg [dreg:$0x1];
	s2 =	simm.s32 $0x0;
	s4 =	stileid.u32  }
0x3: {  	s3 =	srdreg.scid;
	s28 =	simm.s32 $0x2;
	s29 =	simm.s32 $0x4C00  }
0x4: {  	s30 =	simm.s32 $0x3;
	s31 =	simm.s32 $0x5;
	[smem:$0x7FF] =	sst s2  }
0x5: {  	s6 =	smul.u32 $0x13800, s4;
	s5 =	sand.u32 $0x1, s3;
	s3 =	sadd.s32 $0x43600, s0  }
0x6: {  	s7 =	sadd.s32 $0x3600, s0;
	s11 =	smul.u32 $0x4E000, s4;
	s12 =	sadd.s32 $0x91A00, s0  }
0x7: {  	s16 =	sshll.u32 s4, $0x10;
	s18 =	sshll.u32 s4, $0x6;
	p0 =	sne.s32 s4, $0x0  }
0x8: {  	_ =	strace $0x8000004A;
	s8 =	ssub.s32 $0x2, s5;
	s13 =	sshll.u32 s5, $0xF  }
0x9: {  	s14 =	smul.u32 $0x138800, s5;
	s5 =	sor.u32 $0x1C0B, s18;
	s9 =	sshrl.u32 s6, $0x3  }
0xa: {  	s10 =	sshrl.u32 s8, $0x1;
	s15 =	sshrl.u32 s11, $0x2;
	s17 =	sor.u32 s13, s16  }
0xb: {  	s11 =	sadd.s32 $0x138000, s1;
	s9 =	sadd.s32 s9, s0;
	s8 =	ssub.s32 s8, s10  }
0xc: {  	s10 =	sadd.s32 s15, s1;
	s13 =	sshrl.u32 s17, $0x3;
	s0 =	sadd.s32 $0x91800, s0  }
0xd: {  	s20 =	sadd.s32 s6, s14;
	s22 =	sshrl.u32 s14, $0x3;
	s24 =	sor.u32 $0x400, s17  }
0xe: {  	s25 =	sor.u32 $0x100400, s17;
	s17 =	simm.s32 $0xB;
	s9 =	sadd.s32 $0x6A800, s9  }
0xf: {  	s13 =	sadd.s32 s7, s13;
	[dreg:$0x5] =	wrdreg s0;
	s0 =	sshrl.u32 s20, $0x3  }
0x10: {  	s23 =	sadd.s32 s12, s22;
	s8 =	smax.u32 s8, $0x1;
	[dreg:$0x3] =	wrdreg s9  }
0x11: {  	s6 =	sshrl.u32 s25, $0x3;
	s22 =	simm.s32 $0x1000;
	[dreg:$0x4] =	wrdreg s13  }
0x12: {  	s25 =	simm.s32 $0x1;
	s19 =	sadd.s32 $0x20000, s13;
	[dreg:$0xb] =	wrdreg s8  }
0x13: {  	s21 =	sadd.s32 $0x80, s13;
	s13 =	sadd.s32 $0x20080, s13;
	[dreg:$0x6] =	wrdreg s19  }
0x14: {  	s0 =	sadd.s32 s12, s0;
	s26 =	sadd.s32 s6, s7;
	[dreg:$0x7] =	wrdreg s21  }
0x15: {  	s8 =	sshrl.u32 s10, $0x3;
	s9 =	sshrl.u32 @!p0 s11, $0x3;
	[dreg:$0x8] =	wrdreg s13  }
0x16: {  	s10 =	simm.s32 $0xC00;
	[dreg:$0x9] =	wrdreg s0;
	s0 =	sadd.s32 $0x27000, s23  }
0x17: {  	[dreg:$0xd] =	wrdreg s26;
	s21 =	simm.s32 $0x28;
	s26 =	simm.s32 $0x3800  }
0x18: {  	s19 =	simm.s32 $0x6;
	[dreg:$0xa] =	wrdreg s0;
	s0 =	sshrl.u32 s24, $0x3  }
0x19: {  	[dreg:$0xe] =	wrdreg s9;
	s24 =	simm.s32 $0x2400;
	s0 =	sadd.s32 s0, s7  }
0x1a: {  	s7 =	simm.s32 $0x0;
	[dreg:$0xc] =	wrdreg s0;
	s0 =	simm.s32 $0x4  }
.LBB2_1:
0x1b: {  	s4 =	rddreg [dreg:$0x3]  }
0x1c: {  	[spmem:s8], [sflag:s5] =	dma.local [hbm:s4], $0x2700  }
0x1d: {  	_ =	swait.ge [sflag:s17], $0x2700  }
0x1e: {  	[sflag:s17] =	ssyncset.done $0x0  }
0x1f: {  	s6 =	simm.s32 @!p0 $0xB;
	s4 =	rddreg [dreg:$0x5];
	[sflag:s17] =	ssyncadd.s32 $0xFFFFD900  }
0x20: {  	[spmem:s9], [sflag:s5] =	dma.local @!p0 [hbm:s4], $0x100  }
0x21: {  	_ =	swait.ge @!p0 [sflag:s6], $0x100  }
0x22: {  	[sflag:s6] =	ssyncset.done @!p0 $0x0  }
0x23: {  	s23 =	rddreg [dreg:$0x4];
	[sflag:s6] =	ssyncadd.s32 @!p0 $0xFFFFFF00  }
0x24: {  	[tilespmem:s2], [sflag:$0xB] =	stream.linear.gather [hbm4b:s23+s2], $0x400, $0x38;
	[tilespmem:$0x19880] =	vst v63  }
0x25: {  	_ =	swait.ge [sflag:s17], $0x400  }
0x26: {  	s18 =	smov.u32 s8;
	[sflag:s17] =	ssyncset.done $0x0  }
0x27: {  	s8 =	simm.s32 $0x800;
	s6 =	rddreg [dreg:$0x6];
	[sflag:s17] =	ssyncadd.s32 $0xFFFFFC00  }
0x28: {  	[tilespmem:s8], [sflag:$0xB] =	stream.linear.gather [hbm4b:s6+s2], $0x400, $0x38;
	[tilespmem:$0x19880] =	vst v63  }
0x29: {  	_ =	swait.ge [sflag:s17], $0x400  }
0x2a: {  	[sflag:s17] =	ssyncset.done $0x0  }
0x2b: {  	s6 =	simm.s32 $0x400;
	s9 =	rddreg [dreg:$0x7];
	[sflag:s17] =	ssyncadd.s32 $0xFFFFFC00  }
0x2c: {  	[tilespmem:s6], [sflag:$0x9] =	stream.linear.gather [hbm4b:s9+s2], $0x400, $0x38;
	[tilespmem:$0x19880] =	vst v63  }
0x2d: {  	s11 =	rddreg [dreg:$0x8]  }
0x2e: {  	[tilespmem:s10], [sflag:$0xA] =	stream.linear.gather [hbm4b:s11+s2], $0x400, $0x38;
	[tilespmem:$0x19880] =	vst v63  }
0x2f: {  	[bflag:$0x0] =	sbarrier.arrive $0xFFFF  }
0x30: {  	[tilespmem:s22], [sflag:$0x1] =	stream.indirect.gather [hbm4b:s3+s21], $0x80, s2, s21, $0xb8;
	[tilespmem:$0x19880] =	vst v63  }
0x31: {  	s12 =	simm.s32 $0x80  }
0x32: {  	[tilespmem:s24], [sflag:$0x2] =	stream.indirect.gather [hbm4b:s3+s21], $0x80, s12, s21, $0xb8;
	[tilespmem:$0x19880] =	vst v63  }
0x33: {  	s13 =	sand.u32 $0x1800, s2;
	_ =	swait.ge [sflag:s25], $0x1400  }
0x34: {  	p1 =	por $0x1, $0x1;
	s8 =	sshrl.u32 s13, $0x2;
	[sflag:s25] =	ssyncset.done $0x0  }
0x35: {  	s8 =	sor.u32 $0x800, s8;
	s9 =	simm.s32 @!p1 $0x7;
	[sflag:s25] =	ssyncadd.s32 $0xFFFFEC00  }
0x36: {  	[spmem:s1] =	stream.indirect.scatter.add.f32 [tilespmem:s22], [sflag:$0x5], $0x80, s8, s21, $0xb8;
	[tilespmem:$0x19880] =	vst v63  }
0x37: {  	s14 =	simm.s32 $0x0;
	_ =	swait.ge @!p1 [sflag:s9], $0x1400  }
0x38: {  	s10 =	sand.u32 $0x600, s14;
	[sflag:s9] =	ssyncset.done @!p1 $0x0  }
0x39: {  	s11 =	sor.u32 $0x100, s10;
	[sflag:s9] =	ssyncadd.s32 @!p1 $0xFFFFEC00  }
0x3a: {  	[tilespmem:s26], [sflag:$0x3] =	stream.indirect.gather [hbm4b:s3+s21], $0x80, s11, s21, $0xb8;
	[tilespmem:$0x19880] =	vst v63  }
0x3b: {  	_ =	swait.ge [sflag:s28], $0x1400  }
0x3c: {  	[sflag:s28] =	ssyncset.done $0x0  }
0x3d: {  	s8 =	sadd.s32 $0x80, s8;
	s9 =	simm.s32 @!p1 $0x8;
	[sflag:s28] =	ssyncadd.s32 $0xFFFFEC00  }
0x3e: {  	[spmem:s1] =	stream.indirect.scatter.add.f32 [tilespmem:s24], [sflag:$0x6], $0x80, s8, s21, $0xb8;
	[tilespmem:$0x19880] =	vst v63  }
0x3f: {  	s8 =	sand.u32 $0x1, s2;
	_ =	swait.ge @!p1 [sflag:s9], $0x1400  }
0x40: {  	p2 =	sne.s32 @!p1 s8, $0x0;
	[sflag:s9] =	ssyncset.done @!p1 $0x0  }
0x41: {  	s10 =	sor.u32 $0x180, s10;
	[sflag:s9] =	ssyncadd.s32 @!p1 $0xFFFFEC00;
	p1 =	por p2, p1  }
0x42: {  	[tilespmem:s29], [sflag:$0x4] =	stream.indirect.gather [hbm4b:s3+s21], $0x80, s10, s21, $0xb8;
	[tilespmem:$0x19880] =	vst v63  }
0x43: {  	s4 =	rddreg [dreg:$0xc];
	s6 =	sand.u32 @!p1 $0x400, s6;
	s9 =	simm.s32 @!p1 $0x0  }
0x44: {  	[tilespmem:s6], [sflag:$0x9] =	stream.linear.gather @!p1 [hbm4b:s4+s9], $0x400, $0x38;
	[tilespmem:$0x19880] =	vst v63  }
0x45: {  	s12 =	rddreg [dreg:$0xd];
	s6 =	sor.u32 @!p1 $0x800, s6  }
0x46: {  	[tilespmem:s6], [sflag:$0xA] =	stream.linear.gather @!p1 [hbm4b:s12+s9], $0x400, $0x38;
	[tilespmem:$0x19880] =	vst v63  }
0x47: {  	_ =	swait.ge [sflag:s30], $0x1400  }
0x48: {  	[sflag:s30] =	ssyncset.done $0x0  }
0x49: {  	s15 =	sor.u32 $0x800, s11;
	[sflag:s30] =	ssyncadd.s32 $0xFFFFEC00  }
0x4a: {  	[spmem:s1] =	stream.indirect.scatter.add.f32 [tilespmem:s26], [sflag:$0x7], $0x80, s15, s21, $0xb8;
	[tilespmem:$0x19880] =	vst v63  }
0x4b: {  	_ =	swait.ge [sflag:s31], $0x1400  }
0x4c: {  	p1 =	seq.s32 s8, $0x0;
	[sflag:s31] =	ssyncset.done $0x0  }
0x4d: {  	s6 =	simm.s32 @!p1 $0x9;
	[sflag:s31] =	ssyncadd.s32 $0xFFFFEC00  }
0x4e: {  	_ =	swait.ge @!p1 [sflag:s6], $0x400  }
0x4f: {  	[sflag:s6] =	ssyncset.done @!p1 $0x0  }
0x50: {  	s9 =	simm.s32 @!p1 $0xA;
	[sflag:s6] =	ssyncadd.s32 @!p1 $0xFFFFFC00  }
0x51: {  	s8 =	simm.s32 $0x800;
	_ =	swait.ge @!p1 [sflag:s9], $0x400  }
0x52: {  	s16 =	sand.u32 $0x1800, s8;
	[sflag:s9] =	ssyncset.done @!p1 $0x0  }
0x53: {  	s6 =	sshrl.u32 s16, $0x2;
	[sflag:s9] =	ssyncadd.s32 @!p1 $0xFFFFFC00  }
0x54: {  	[tilespmem:s22], [sflag:$0x1] =	stream.indirect.gather [hbm4b:s3+s21], $0x80, s6, s21, $0xb8;
	[tilespmem:$0x19880] =	vst v63  }
0x55: {  	s23 =	simm.s32 $0xA00;
	_ =	swait.ge [sflag:s0], $0x1400  }
0x56: {  	s20 =	sor.u32 $0x800, s10;
	s11 =	sadd.s32 $0x40, s4;
	[sflag:s0] =	ssyncset.done $0x0  }
0x57: {  	s10 =	sadd.s32 $0x40, s12;
	s12 =	simm.s32 $0x1;
	[sflag:s0] =	ssyncadd.s32 $0xFFFFEC00  }
0x58: {  	[spmem:s1] =	stream.indirect.scatter.add.f32 [tilespmem:s29], [sflag:$0x8], $0x80, s20, s21, $0xb8;
	[tilespmem:$0x19880] =	vst v63  }
0x59: {  	s9 =	simm.s32 $0x600;
	s6 =	sand.u32 $0x1A00, s23;
	_ =	swait.ge [sflag:s19], $0x1400  }
.LBB2_2:
0x5a: {  	[sflag:s19] =	ssyncset.done $0x0  }
0x5b: {  	s6 =	sshrl.u32 s6, $0x2;
	s13 =	smov.u32 s8;
	s8 =	sadd.s32 $0x800, s8  }
0x5c: {  	s23 =	sand.u32 $0x1800, s13;
	s20 =	sand.u32 $0x1800, s8;
	[sflag:s19] =	ssyncadd.s32 $0xFFFFEC00  }
0x5d: {  	[tilespmem:s24], [sflag:$0x2] =	stream.indirect.gather [hbm4b:s3+s21], $0x80, s6, s21, $0xb8;
	[tilespmem:$0x19880] =	vst v63  }
0x5e: {  	s23 =	sshrl.u32 s23, $0x2;
	s6 =	sand.u32 $0x1, s12;
	_ =	swait.ge [sflag:s25], $0x1400  }
0x5f: {  	p2 =	seq.s32 s13, $0x0;
	s23 =	sor.u32 $0x800, s23;
	[sflag:s25] =	ssyncset.done $0x0  }
0x60: {  	s14 =	sadd.s32 $0xFFFFFC00, s9;
	s4 =	simm.s32 @!p2 $0x7;
	[sflag:s25] =	ssyncadd.s32 $0xFFFFEC00  }
0x61: {  	[spmem:s1] =	stream.indirect.scatter.add.f32 [tilespmem:s22], [sflag:$0x5], $0x80, s23, s21, $0xb8;
	[tilespmem:$0x19880] =	vst v63  }
0x62: {  	s14 =	sand.u32 $0x600, s14;
	p3 =	sne.s32 @!p2 s6, $0x0;
	_ =	swait.ge @!p2 [sflag:s4], $0x1400  }
0x63: {  	p1 =	sne.s32 s8, $0x1F000;
	s15 =	sor.u32 $0x100, s14;
	[sflag:s4] =	ssyncset.done @!p2 $0x0  }
0x64: {  	[sflag:s4] =	ssyncadd.s32 @!p2 $0xFFFFEC00  }
0x65: {  	[tilespmem:s26], [sflag:$0x3] =	stream.indirect.gather [hbm4b:s3+s21], $0x80, s15, s21, $0xb8;
	[tilespmem:$0x19880] =	vst v63  }
0x66: {  	_ =	swait.ge [sflag:s28], $0x1400  }
0x67: {  	s4 =	sadd.s32 $0x80, s23;
	[sflag:s28] =	ssyncset.done $0x0  }
0x68: {  	s23 =	simm.s32 @!p2 $0x8;
	[sflag:s28] =	ssyncadd.s32 $0xFFFFEC00  }
0x69: {  	[spmem:s1] =	stream.indirect.scatter.add.f32 [tilespmem:s24], [sflag:$0x6], $0x80, s4, s21, $0xb8;
	[tilespmem:$0x19880] =	vst v63  }
0x6a: {  	_ =	swait.ge @!p2 [sflag:s23], $0x1400  }
0x6b: {  	s4 =	sor.u32 $0x180, s14;
	[sflag:s23] =	ssyncset.done @!p2 $0x0  }
0x6c: {  	[sflag:s23] =	ssyncadd.s32 @!p2 $0xFFFFEC00;
	p2 =	por p3, p2  }
0x6d: {  	s14 =	sand.u32 @!p2 $0x400, s9;
	s23 =	simm.s32 @!p2 $0x0  }
0x6e: {  	[tilespmem:s29], [sflag:$0x4] =	stream.indirect.gather [hbm4b:s3+s21], $0x80, s4, s21, $0xb8;
	[tilespmem:$0x19880] =	vst v63  }
0x6f: {  	s16 =	sor.u32 @!p2 $0x800, s14  }
0x70: {  	[tilespmem:s14], [sflag:$0x9] =	stream.linear.gather @!p2 [hbm4b:s11+s23], $0x400, $0x38;
	[tilespmem:$0x19880] =	vst v63  }
0x71: {  	_ = 	snop  }
0x72: {  	[tilespmem:s16], [sflag:$0xA] =	stream.linear.gather @!p2 [hbm4b:s10+s23], $0x400, $0x38;
	[tilespmem:$0x19880] =	vst v63  }
0x73: {  	_ =	swait.ge [sflag:s30], $0x1400  }
0x74: {  	s14 =	sor.u32 $0x800, s15;
	[sflag:s30] =	ssyncset.done $0x0  }
0x75: {  	[sflag:s30] =	ssyncadd.s32 $0xFFFFEC00  }
0x76: {  	[spmem:s1] =	stream.indirect.scatter.add.f32 [tilespmem:s26], [sflag:$0x7], $0x80, s14, s21, $0xb8;
	[tilespmem:$0x19880] =	vst v63  }
0x77: {  	p2 =	seq.s32 s6, $0x0;
	_ =	swait.ge [sflag:s31], $0x1400  }
0x78: {  	s6 =	simm.s32 @!p2 $0x9;
	[sflag:s31] =	ssyncset.done $0x0  }
0x79: {  	[sflag:s31] =	ssyncadd.s32 $0xFFFFEC00  }
0x7a: {  	_ =	swait.ge @!p2 [sflag:s6], $0x400  }
0x7b: {  	s14 =	simm.s32 @!p2 $0xA;
	[sflag:s6] =	ssyncset.done @!p2 $0x0  }
0x7c: {  	[sflag:s6] =	ssyncadd.s32 @!p2 $0xFFFFFC00  }
0x7d: {  	_ =	swait.ge @!p2 [sflag:s14], $0x400  }
0x7e: {  	s6 =	sshrl.u32 s20, $0x2;
	[sflag:s14] =	ssyncset.done @!p2 $0x0  }
0x7f: {  	[sflag:s14] =	ssyncadd.s32 @!p2 $0xFFFFFC00  }
0x80: {  	[tilespmem:s22], [sflag:$0x1] =	stream.indirect.gather [hbm4b:s3+s21], $0x80, s6, s21, $0xb8;
	[tilespmem:$0x19880] =	vst v63  }
.Ltmp0:
0x81: {  	s9 =	sadd.s32 $0x200, s9;
	_ =	swait.ge [sflag:s0], $0x1400;
	(pc) =	sbr.rel @p1 .LBB2_2-.Ltmp0, $4  }
0x82: {  	s4 =	sor.u32 $0x800, s4;
	s10 =	sadd.s32 $0x40, s10;
	[sflag:s0] =	ssyncset.done $0x0  }
0x83: {  	s11 =	sadd.s32 $0x40, s11;
	s6 =	sadd.s32 $0xA00, s13;
	[sflag:s0] =	ssyncadd.s32 $0xFFFFEC00  }
0x84: {  	[spmem:s1] =	stream.indirect.scatter.add.f32 [tilespmem:s29], [sflag:$0x8], $0x80, s4, s21, $0xb8;
	[tilespmem:$0x19880] =	vst v63  }
0x85: {  	s12 =	sadd.s32 $0x1, s12;
	s6 =	sand.u32 $0x1A00, s6;
	_ =	swait.ge [sflag:s19], $0x1400  }
0x86: {  	[sflag:s19] =	ssyncset.done $0x0  }
0x87: {  	s4 =	sshrl.u32 s6, $0x2;
	[sflag:s19] =	ssyncadd.s32 $0xFFFFEC00  }
0x88: {  	[tilespmem:s24], [sflag:$0x2] =	stream.indirect.gather [hbm4b:s3+s21], $0x80, s4, s21, $0xb8;
	[tilespmem:$0x19880] =	vst v63  }
0x89: {  	_ =	swait.ge [sflag:s25], $0x1400  }
0x8a: {  	[sflag:s25] =	ssyncset.done $0x0  }
0x8b: {  	s10 =	simm.s32 $0xC00;
	s14 =	simm.s32 $0x7;
	[sflag:s25] =	ssyncadd.s32 $0xFFFFEC00  }
0x8c: {  	[spmem:s1] =	stream.indirect.scatter.add.f32 [tilespmem:s22], [sflag:$0x5], $0x80, s10, s21, $0xb8;
	[tilespmem:$0x19880] =	vst v63  }
0x8d: {  	_ =	swait.ge [sflag:s14], $0x1400  }
0x8e: {  	[sflag:s14] =	ssyncset.done $0x0  }
0x8f: {  	[sflag:s14] =	ssyncadd.s32 $0xFFFFEC00  }
0x90: {  	_ =	swait.ge [sflag:s28], $0x1400  }
0x91: {  	[sflag:s28] =	ssyncset.done $0x0  }
0x92: {  	s15 =	simm.s32 $0xC80;
	s16 =	simm.s32 $0x8;
	[sflag:s28] =	ssyncadd.s32 $0xFFFFEC00  }
0x93: {  	[spmem:s1] =	stream.indirect.scatter.add.f32 [tilespmem:s24], [sflag:$0x6], $0x80, s15, s21, $0xb8;
	[tilespmem:$0x19880] =	vst v63  }
0x94: {  	_ =	swait.ge [sflag:s16], $0x1400  }
0x95: {  	[sflag:s16] =	ssyncset.done $0x0  }
0x96: {  	[sflag:s16] =	ssyncadd.s32 $0xFFFFEC00  }
0x97: {  	_ =	swait.ge [sflag:s31], $0x1400  }
0x98: {  	[sflag:s31] =	ssyncset.done $0x0  }
0x99: {  	[sflag:s31] =	ssyncadd.s32 $0xFFFFEC00  }
0x9a: {  	_ =	swait.ge [sflag:s19], $0x1400  }
0x9b: {  	[sflag:s19] =	ssyncset.done $0x0  }
0x9c: {  	[sflag:s19] =	ssyncadd.s32 $0xFFFFEC00  }
0x9d: {  	[bflag:$0x0] =	sbarrier.arrive $0xFFFF  }
0x9e: {  	s20 =	rddreg [dreg:$0x9]  }
0x9f: {  	[hbm:s20], [sflag:s5] =	dma.local [spmem:s18], $0x2700  }
0xa0: {  	_ =	swait.ge [sflag:s17], $0x2700  }
0xa1: {  	[sflag:s17] =	ssyncset.done $0x0;
	s4 =	rddreg [dreg:$0xa]  }
0xa2: {  	s9 =	rddreg [dreg:$0xe];
	[sflag:s17] =	ssyncadd.s32 $0xFFFFD900  }
0xa3: {  	[hbm:s4], [sflag:s5] =	dma.local @!p0 [spmem:s9], $0x100  }
0xa4: {  	s4 =	simm.s32 @!p0 $0xB  }
0xa5: {  	_ =	swait.ge @!p0 [sflag:s4], $0x100  }
0xa6: {  	s7 =	sadd.s32 $0x1, s7;
	s23 =	rddreg [dreg:$0xb]  }
0xa7: {  	p1 =	sne.s32 s7, s23  }
.Ltmp1:
0xa8: {  	_ = 	snop;
	(pc) =	sbr.rel @p1 .LBB2_1-.Ltmp1, $3  }
0xa9: {  	_ =	sdelay $0x1  }
0xaa: {  	[sflag:s4] =	ssyncset.done @!p0 $0x0  }
0xab: {  	s8 =	smov.u32 s18;
	[sflag:s4] =	ssyncadd.s32 @!p0 $0xFFFFFF00  }
0xac: {  	_ =	sfence.sel $0x180000  }
0xad: {  	[bflag:$0x0] =	sbarrier.arrive $0xFFFF  }
0xae: {  	_ =	strace $0x9000004A  }
0xaf: {  	[bflag:$0x2] =	sbarrier.arrive $0xFFFF  }
0xb0: {  	s0 =	rddreg [dreg:$0x2]  }
0xb1: {  	s0 =	sadd.s32 @!p0 $0x100000, s0  }
0xb2: {  	[sflag:s0] =	ssyncadd.tile.s32 @!p0 $0x1;
	_ =	shalt  }
.Lfunc_end2:
_tile_overlayer_lowered:
.L_overlay_start_2:
0xb3: {  	(tag) =	ssettag $0x2  }
0xb4: {  	s0 =	rddreg [dreg:$0x0];
	s2 =	stileid.u32  }
0xb5: {  	s1 =	rddreg [dreg:$0x1];
	p0 =	sne.s32 s2, $0x0  }
0xb6: {  	s3 =	rddreg [dreg:$0x2];
	[bflag:$0x3] =	sbarrier.arrive $0xFFFF;
	s2 =	simm.s32 @!p0 $0x1C0B  }
0xb7: {  	[timem:s3], [sflag:s2] =	dma.local @!p0 [hbm:s0], s1  }
0xb8: {  	s0 =	simm.s32 @!p0 $0xB  }
0xb9: {  	_ =	swait.ge @!p0 [sflag:s0], s1  }
0xba: {  	s1 =	ssub.s32 @!p0 $0x0, s1;
	[sflag:s0] =	ssyncset.done @!p0 $0x0  }
0xbb: {  	[sflag:s0] =	ssyncadd.s32 @!p0 s1  }
0xbc: {  	[bflag:$0x3] =	sbarrier.arrive $0xFFFF  }
0xbd: {  	_ =	shalt  }

// kernel: kernel.17.cloned.1.call-start
scs
__scs_entry_jumppad:
0x0: {  	(pc) =	sbr.rel $0x88, $3  }
0x1: {  	(tag) =	ssettag $0x0;
	lr =	simm.s32 $0x1  }
0x2: {  	[smem:$0x3F99] =	sst lr;
	_ =	strace $0xD0000000  }
0x3: {  	_ = 	snop  }
0x4: {  	_ = 	snop  }
0x5: {  	_ = 	snop  }
0x6: {  	_ = 	snop  }
0x7: {  	_ = 	snop  }
__scs_overlays_trampoline_lowered:
0x8: {  	[smem:$0x3FA8] =	sst s0  }
0x9: {  	[smem:$0x3FA9] =	sst s1  }
0xa: {  	[smem:$0x3FAA] =	sst s2  }
0xb: {  	[smem:$0x3FAB] =	sst s3  }
0xc: {  	[smem:$0x3FAC] =	sst s4  }
0xd: {  	[smem:$0x3FAD] =	sst s5  }
0xe: {  	[smem:$0x3FAE] =	sst s6  }
0xf: {  	[smem:$0x3FAF] =	sst s7  }
0x10: {  	[smem:$0x3FB0] =	sst s8  }
0x11: {  	[smem:$0x3FB1] =	sst s9;
	s0 =	simm.s32 @!p0 $0x0  }
0x12: {  	s1 =	sld [smem:$0x3F97];
	s0 =	simm.s32 @p0 $0x1  }
0x13: {  	[smem:$0x3FB2] =	sst s0;
	s0 =	simm.s32 @!p1 $0x0  }
0x14: {  	s2 =	sld [smem:$0x3F96];
	s0 =	simm.s32 @p1 $0x1  }
0x15: {  	[smem:$0x3FB3] =	sst s0;
	s0 =	simm.s32 @!p2 $0x0  }
0x16: {  	s3 =	sld [smem:$0x3FDB];
	s0 =	simm.s32 @p2 $0x1  }
0x17: {  	s4 =	simm.s32 $0x1BF5;
	[smem:$0x3FB5] =	sst s0  }
0x18: {  	s0 =	sld [smem:$0x3F98];
	_ =	swait.ge [sflag:s4], $0x0  }
0x19: {  	s7 =	sld [smem:$0x3F99]  }
0x1a: {  	s8 =	sadd.s32 $0xFFFFE003, lr  }
0x1b: {  	s9 =	sadd.s32 $0xFFFFFEF7, lr;
	s5 =	simm.s32 $0xFFFFFFFF;
	p2 =	slt.u32 s8, $0xFFFFF086  }
0x1c: {  	p1 =	slt.u32 s9, $0xF7A;
	s5 =	simm.s32 @!p2 $0x0  }
0x1d: {  	s5 =	simm.s32 @p1 $0x1;
	p0 =	seq.s32 s7, s2  }
0x1e: {  	s7 =	smul.u32 @!p0 $0xF7A, s2;
	p2 =	seq.s32 @!p0 s5, $0x0  }
0x1f: {  	s9 =	smul.u32 $0xF7A, s1;
	s8 =	simm.s32 @!p0 $0x1BF5;
	p2 =	por !p2, p0  }
0x20: {  	[sflag:s8] =	ssyncset.s32 @!p0 $0xFFFFF086;
	s6 =	sadd.s32 @!p0 s3, s7;
	s7 =	simm.s32 @!p0 $0x108  }
0x21: {  	s3 =	sadd.s32 s3, s9;
	s6 =	sadd.s32 @!p0 $0x88, s6;
	s7 =	simm.s32 @p2 $0x1082  }
0x22: {  	[simem:s7], [sflag:s8] =	dma.local @!p0 [hbm:s6], $0xF7A  }
0x23: {  	s9 =	sor.u32 $0xD0000000, s2;
	s6 =	simm.s32 $0x108;
	_ =	swait.ge @!p0 [sflag:s8], $0x0  }
0x24: {  	s3 =	sadd.s32 $0x88, s3;
	s6 =	simm.s32 @!p1 $0x1082;
	[sflag:s4] =	ssyncset.s32 $0xFFFFF086  }
0x25: {  	[simem:s6], [sflag:s4] =	dma.local [hbm:s3], $0xF7A  }
0x26: {  	[smem:$0x3F99] =	sst s1;
	(tag) =	ssettag s2;
	_ =	strace s9  }
0x27: {  	s1 =	sld [smem:$0x3FA9]  }
0x28: {  	s2 =	sld [smem:$0x3FAA]  }
0x29: {  	s4 =	sld [smem:$0x3FAC]  }
0x2a: {  	p0 =	seq.s32 s5, $0x0;
	s5 =	sld [smem:$0x3FAD]  }
0x2b: {  	s6 =	sld [smem:$0x3FAE]  }
0x2c: {  	s7 =	sld [smem:$0x3FAF]  }
0x2d: {  	s3 =	simm.s32 $0x108;
	s8 =	sld [smem:$0x3FB0]  }
0x2e: {  	s3 =	simm.s32 @!p0 $0x1082;
	s9 =	sld [smem:$0x3FB1]  }
0x2f: {  	lr =	sadd.s32 s0, s3;
	s0 =	sld [smem:$0x3FA8]  }
0x30: {  	s3 =	sld [smem:$0x3FAB]  }
0x31: {  	[smem:$0x3FB4] =	sst s10  }
0x32: {  	s10 =	sld [smem:$0x3FB2];
	_ =	sdelay $0x3  }
0x33: {  	p0 =	seq.s32 s10, $0x1;
	s10 =	sld [smem:$0x3FB4];
	_ =	sdelay $0x3  }
0x34: {  	[smem:$0x3FB4] =	sst s10  }
0x35: {  	s10 =	sld [smem:$0x3FB3];
	_ =	sdelay $0x3  }
0x36: {  	p1 =	seq.s32 s10, $0x1;
	s10 =	sld [smem:$0x3FB4];
	_ =	sdelay $0x3  }
0x37: {  	[smem:$0x3FB4] =	sst s10  }
0x38: {  	s10 =	sld [smem:$0x3FB5]  }
0x39: {  	_ = 	snop;
	(pc) =	sbr.ind lr, $3  }
0x3a: {  	_ = 	snop  }
0x3b: {  	_ = 	snop  }
0x3c: {  	p2 =	seq.s32 s10, $0x1;
	s10 =	sld [smem:$0x3FB4]  }
0x3d: {  	_ =	shalt  }
0x3e: {  	_ =	shalt  }
0x3f: {  	_ =	shalt  }
0x40: {  	_ =	shalt  }
0x41: {  	_ =	shalt  }
0x42: {  	_ =	shalt  }
0x43: {  	_ =	shalt  }
0x44: {  	_ =	shalt  }
0x45: {  	_ =	shalt  }
0x46: {  	_ =	shalt  }
0x47: {  	_ =	shalt  }
0x48: {  	_ =	shalt  }
0x49: {  	_ =	shalt  }
0x4a: {  	_ =	shalt  }
0x4b: {  	_ =	shalt  }
0x4c: {  	_ =	shalt  }
0x4d: {  	_ =	shalt  }
0x4e: {  	_ =	shalt  }
0x4f: {  	_ =	shalt  }
0x50: {  	_ =	shalt  }
0x51: {  	_ =	shalt  }
0x52: {  	_ =	shalt  }
0x53: {  	_ =	shalt  }
0x54: {  	_ =	shalt  }
0x55: {  	_ =	shalt  }
0x56: {  	_ =	shalt  }
0x57: {  	_ =	shalt  }
0x58: {  	_ =	shalt  }
0x59: {  	_ =	shalt  }
0x5a: {  	_ =	shalt  }
0x5b: {  	_ =	shalt  }
0x5c: {  	_ =	shalt  }
0x5d: {  	_ =	shalt  }
0x5e: {  	_ =	shalt  }
0x5f: {  	_ =	shalt  }
0x60: {  	_ =	shalt  }
0x61: {  	_ =	shalt  }
0x62: {  	_ =	shalt  }
0x63: {  	_ =	shalt  }
0x64: {  	_ =	shalt  }
0x65: {  	_ =	shalt  }
0x66: {  	_ =	shalt  }
0x67: {  	_ =	shalt  }
0x68: {  	_ =	shalt  }
0x69: {  	_ =	shalt  }
0x6a: {  	_ =	shalt  }
0x6b: {  	_ =	shalt  }
0x6c: {  	_ =	shalt  }
0x6d: {  	_ =	shalt  }
0x6e: {  	_ =	shalt  }
0x6f: {  	_ =	shalt  }
0x70: {  	_ =	shalt  }
0x71: {  	_ =	shalt  }
0x72: {  	_ =	shalt  }
0x73: {  	_ =	shalt  }
0x74: {  	_ =	shalt  }
0x75: {  	_ =	shalt  }
0x76: {  	_ =	shalt  }
0x77: {  	_ =	shalt  }
0x78: {  	_ =	shalt  }
0x79: {  	_ =	shalt  }
0x7a: {  	_ =	shalt  }
0x7b: {  	_ =	shalt  }
0x7c: {  	_ =	shalt  }
0x7d: {  	_ =	shalt  }
0x7e: {  	_ =	shalt  }
0x7f: {  	_ =	shalt  }
0x80: {  	_ =	shalt  }
0x81: {  	_ =	shalt  }
0x82: {  	_ =	shalt  }
0x83: {  	_ =	shalt  }
0x84: {  	_ =	shalt  }
0x85: {  	_ =	shalt  }
0x86: {  	_ =	shalt  }
0x87: {  	_ =	shalt  }
.Lfunc_end0:
.L_simem_size_0:
called_computation.2_lowered:
.L_overlay_start_0:
0x88: {  	s2 =	sld [smem:$0x3FD9]  }
0x89: {  	s3 =	sld [smem:$0x3FFE];
	_ =	sdelay $0x1  }
0x8a: {  	s1 =	srdreg.scid  }
0x8b: {  	s0 =	sand.u32 $0x1, s1  }
0x8c: {  	s16 =	sshll.u32 s0, $0xA;
	s2 =	sadd.s32 s3, s2  }
0x8d: {  	s2 =	sadd.s32 s2, s16  }
0x8e: {  	[smem:$0x3FC0] =	sst s2  }
0x8f: {  	_ = 	snop  }
0x90: {  	(tm) =	ssettm $0x1  }
0x91: {  	s17 =	sld [smem:$0x3FFB];
	_ =	sdelay $0x3  }
0x92: {  	_ =	strace s17  }
0x93: {  	s2 =	sld [smem:$0x3FFC];
	_ =	sdelay $0x3  }
0x94: {  	_ =	strace s2  }
0x95: {  	s2 =	sld [smem:$0x3FFD];
	_ =	sdelay $0x3  }
0x96: {  	_ =	strace s2  }
0x97: {  	_ =	strace $0x8FFFFFFF  }
0x98: {  	s18 =	sld [smem:$0x3FDB];
	_ =	sdelay $0x1  }
0x99: {  	s19 =	simm.s32 $_scs_section_size  }
0x9a: {  	s4 =	simm.s32 $_size__tile_overlayer_lowered;
	s5 =	simm.s32 $_tile_overlayer_lowered  }
0x9b: {  	s22 =	simm.s32 $0x1BFF;
	s21 =	sshll.u32 s5, $0x1;
	s2 =	sadd.s32 s19, s18  }
0x9c: {  	s6 =	simm.s32 $0x0;
	s20 =	sshll.u32 s4, $0x1;
	s4 =	sadd.s32 s21, s2  }
0x9d: {  	[timem:s6], [sflag:s22] =	dma.local [hbm:s4], s20  }
0x9e: {  	_ =	swait.ge [sflag:s22], s20  }
0x9f: {  	s3 =	ssub.s32 $0x0, s20;
	[sflag:s22] =	ssyncset.done $0x0  }
0xa0: {  	[sflag:s22] =	ssyncadd.s32 s3;
	_ =	sdelay $0x1  }
0xa1: {  	s23 =	simm.s32 $0x1B8B  }
0xa2: {  	_ =	swait.ge [sflag:s23], $0x1  }
0xa3: {  	[sflag:s23] =	ssyncset.done $0x0  }
0xa4: {  	s25 =	simm.s32 $0x1B8E;
	s24 =	sld [smem:$0x3FFE];
	[sflag:s23] =	ssyncadd.s32 $0xFFFFFFFF  }
0xa5: {  	s26 =	simm.s32 $execute0_lowered;
	[smem:$0x3FD2] =	sst s25  }
0xa6: {  	s4 =	sshll.u32 s26, $0x1;
	_ =	strace $0x8000004C;
	[dreg:$0x1] =	wrdreg $0xFFFFFFFF  }
0xa7: {  	s28 =	simm.s32 $_size_execute0_lowered;
	s2 =	sadd.s32 s2, s4;
	[dreg:$0x0] =	wrdreg $0x0  }
0xa8: {  	s4 =	sshll.u32 s28, $0x1;
	[dreg:$0x2] =	wrdreg s2  }
0xa9: {  	[dreg:$0x3] =	wrdreg s4  }
0xaa: {  	[dreg:$0x4] =	wrdreg $0xC0  }
0xab: {  	_ =	task [dreg:s6], $0x5FFFF  }
0xac: {  	[dreg:$0x1] =	wrdreg $0xFFFFFFFF  }
0xad: {  	[dreg:$0x0] =	wrdreg $0x60  }
0xae: {  	[dreg:$0x2] =	wrdreg s24  }
0xaf: {  	[dreg:$0x3] =	wrdreg $0x60000  }
0xb0: {  	[dreg:$0x4] =	wrdreg $0x9  }
0xb1: {  	_ =	task.clear_ibuf [dreg:s6], $0x5FFFF;
	_ =	strace $0x9000004C  }
0xb2: {  	s29 =	simm.s32 $0x9;
	_ =	strace $0x8000004E  }
0xb3: {  	_ =	swait.ge [sflag:s29], $0x1  }
0xb4: {  	[sflag:s29] =	ssyncadd.s32 $0xFFFFFFFF  }
0xb5: {  	_ =	strace $0x9000004E  }
0xb6: {  	_ =	sfence  }
0xb7: {  	s30 =	sld [smem:$0x0];
	_ =	sdelay $0x2  }
0xb8: {  	s31 =	sshll.u32 s1, $0xD;
	s1 =	sshrl.u32 s1, $0x2  }
0xb9: {  	s3 =	sand.u32 $0x4000, s31;
	s1 =	sadd.s32 s1, s30  }
0xba: {  	s0 =	sor.u32 s3, s0;
	s1 =	sshll.u32 s1, $0x11  }
0xbb: {  	s0 =	sor.u32 s1, s0  }
0xbc: {  	s0 =	sadd.s32 $0x8F2B, s0  }
0xbd: {  	[sflag:s0] =	ssyncadd.remote.s32 $0x1  }
0xbe: {  	_ =	sfence.sel $0xFFFF  }
0xbf: {  	[dreg:$0x0] =	wrdreg $0xFFFFFFFF;
	(pc) =	sbr.abs _section_cstart, $3  }
0xc0: {  	[dreg:$0x1] =	wrdreg $0xFFFFFFFF  }
0xc1: {  	_ =	task.clear_ibuf [dreg:s6], $0x2FFFF;
	_ =	strace $0x9FFFFFFF  }
0xc2: {  	(tm) =	ssettm $0x7FFFFFFF  }
0xc3: {  	_ =	shalt  }
tec
execute0_lowered:
.L_overlay_start_1:
0x0: {  	(tag) =	ssettag $0x1  }
0x1: {  	s0 =	rddreg [dreg:$0x0]  }
0x2: {  	s1 =	rddreg [dreg:$0x1];
	s2 =	simm.s32 $0x0;
	s4 =	stileid.u32  }
0x3: {  	s3 =	srdreg.scid;
	s28 =	simm.s32 $0x2;
	s29 =	simm.s32 $0x4C00  }
0x4: {  	s30 =	simm.s32 $0x3;
	s31 =	simm.s32 $0x5;
	[smem:$0x7FF] =	sst s2  }
0x5: {  	s6 =	smul.u32 $0x13800, s4;
	s5 =	sand.u32 $0x1, s3;
	s3 =	sadd.s32 $0x43600, s0  }
0x6: {  	s7 =	sadd.s32 $0x3600, s0;
	s11 =	smul.u32 $0x4E000, s4;
	s12 =	sadd.s32 $0x91A00, s0  }
0x7: {  	s16 =	sshll.u32 s4, $0x10;
	s18 =	sshll.u32 s4, $0x6;
	p0 =	sne.s32 s4, $0x0  }
0x8: {  	_ =	strace $0x8000004D;
	s8 =	ssub.s32 $0x2, s5;
	s13 =	sshll.u32 s5, $0xF  }
0x9: {  	s14 =	smul.u32 $0x138800, s5;
	s5 =	sor.u32 $0x1C0B, s18;
	s9 =	sshrl.u32 s6, $0x3  }
0xa: {  	s10 =	sshrl.u32 s8, $0x1;
	s15 =	sshrl.u32 s11, $0x2;
	s17 =	sor.u32 s13, s16  }
0xb: {  	s11 =	sadd.s32 $0x138000, s1;
	s9 =	sadd.s32 s9, s0;
	s8 =	ssub.s32 s8, s10  }
0xc: {  	s10 =	sadd.s32 s15, s1;
	s13 =	sshrl.u32 s17, $0x3;
	s0 =	sadd.s32 $0x91800, s0  }
0xd: {  	s20 =	sadd.s32 s6, s14;
	s22 =	sshrl.u32 s14, $0x3;
	s24 =	sor.u32 $0x400, s17  }
0xe: {  	s25 =	sor.u32 $0x100400, s17;
	s17 =	simm.s32 $0xB;
	s9 =	sadd.s32 $0x6A800, s9  }
0xf: {  	s13 =	sadd.s32 s7, s13;
	[dreg:$0x5] =	wrdreg s0;
	s0 =	sshrl.u32 s20, $0x3  }
0x10: {  	s23 =	sadd.s32 s12, s22;
	s8 =	smax.u32 s8, $0x1;
	[dreg:$0x3] =	wrdreg s9  }
0x11: {  	s6 =	sshrl.u32 s25, $0x3;
	s22 =	simm.s32 $0x1000;
	[dreg:$0x4] =	wrdreg s13  }
0x12: {  	s25 =	simm.s32 $0x1;
	s19 =	sadd.s32 $0x20000, s13;
	[dreg:$0xb] =	wrdreg s8  }
0x13: {  	s21 =	sadd.s32 $0x80, s13;
	s13 =	sadd.s32 $0x20080, s13;
	[dreg:$0x6] =	wrdreg s19  }
0x14: {  	s0 =	sadd.s32 s12, s0;
	s26 =	sadd.s32 s6, s7;
	[dreg:$0x7] =	wrdreg s21  }
0x15: {  	s8 =	sshrl.u32 s10, $0x3;
	s9 =	sshrl.u32 @!p0 s11, $0x3;
	[dreg:$0x8] =	wrdreg s13  }
0x16: {  	s10 =	simm.s32 $0xC00;
	[dreg:$0x9] =	wrdreg s0;
	s0 =	sadd.s32 $0x27000, s23  }
0x17: {  	[dreg:$0xd] =	wrdreg s26;
	s21 =	simm.s32 $0x28;
	s26 =	simm.s32 $0x3800  }
0x18: {  	s19 =	simm.s32 $0x6;
	[dreg:$0xa] =	wrdreg s0;
	s0 =	sshrl.u32 s24, $0x3  }
0x19: {  	[dreg:$0xe] =	wrdreg s9;
	s24 =	simm.s32 $0x2400;
	s0 =	sadd.s32 s0, s7  }
0x1a: {  	s7 =	simm.s32 $0x0;
	[dreg:$0xc] =	wrdreg s0;
	s0 =	simm.s32 $0x4  }
.LBB2_1:
0x1b: {  	s4 =	rddreg [dreg:$0x3]  }
0x1c: {  	[spmem:s8], [sflag:s5] =	dma.local [hbm:s4], $0x2700  }
0x1d: {  	_ =	swait.ge [sflag:s17], $0x2700  }
0x1e: {  	[sflag:s17] =	ssyncset.done $0x0  }
0x1f: {  	s6 =	simm.s32 @!p0 $0xB;
	s4 =	rddreg [dreg:$0x5];
	[sflag:s17] =	ssyncadd.s32 $0xFFFFD900  }
0x20: {  	[spmem:s9], [sflag:s5] =	dma.local @!p0 [hbm:s4], $0x100  }
0x21: {  	_ =	swait.ge @!p0 [sflag:s6], $0x100  }
0x22: {  	[sflag:s6] =	ssyncset.done @!p0 $0x0  }
0x23: {  	s23 =	rddreg [dreg:$0x4];
	[sflag:s6] =	ssyncadd.s32 @!p0 $0xFFFFFF00  }
0x24: {  	[tilespmem:s2], [sflag:$0xB] =	stream.linear.gather [hbm4b:s23+s2], $0x400, $0x38;
	[tilespmem:$0x19880] =	vst v63  }
0x25: {  	_ =	swait.ge [sflag:s17], $0x400  }
0x26: {  	s18 =	smov.u32 s8;
	[sflag:s17] =	ssyncset.done $0x0  }
0x27: {  	s8 =	simm.s32 $0x800;
	s6 =	rddreg [dreg:$0x6];
	[sflag:s17] =	ssyncadd.s32 $0xFFFFFC00  }
0x28: {  	[tilespmem:s8], [sflag:$0xB] =	stream.linear.gather [hbm4b:s6+s2], $0x400, $0x38;
	[tilespmem:$0x19880] =	vst v63  }
0x29: {  	_ =	swait.ge [sflag:s17], $0x400  }
0x2a: {  	[sflag:s17] =	ssyncset.done $0x0  }
0x2b: {  	s6 =	simm.s32 $0x400;
	s9 =	rddreg [dreg:$0x7];
	[sflag:s17] =	ssyncadd.s32 $0xFFFFFC00  }
0x2c: {  	[tilespmem:s6], [sflag:$0x9] =	stream.linear.gather [hbm4b:s9+s2], $0x400, $0x38;
	[tilespmem:$0x19880] =	vst v63  }
0x2d: {  	s11 =	rddreg [dreg:$0x8]  }
0x2e: {  	[tilespmem:s10], [sflag:$0xA] =	stream.linear.gather [hbm4b:s11+s2], $0x400, $0x38;
	[tilespmem:$0x19880] =	vst v63  }
0x2f: {  	[bflag:$0x0] =	sbarrier.arrive $0xFFFF  }
0x30: {  	[tilespmem:s22], [sflag:$0x1] =	stream.indirect.gather [hbm4b:s3+s21], $0x80, s2, s21, $0xb8;
	[tilespmem:$0x19880] =	vst v63  }
0x31: {  	s12 =	simm.s32 $0x80  }
0x32: {  	[tilespmem:s24], [sflag:$0x2] =	stream.indirect.gather [hbm4b:s3+s21], $0x80, s12, s21, $0xb8;
	[tilespmem:$0x19880] =	vst v63  }
0x33: {  	s13 =	sand.u32 $0x1800, s2;
	_ =	swait.ge [sflag:s25], $0x1400  }
0x34: {  	p1 =	por $0x1, $0x1;
	s8 =	sshrl.u32 s13, $0x2;
	[sflag:s25] =	ssyncset.done $0x0  }
0x35: {  	s8 =	sor.u32 $0x800, s8;
	s9 =	simm.s32 @!p1 $0x7;
	[sflag:s25] =	ssyncadd.s32 $0xFFFFEC00  }
0x36: {  	[spmem:s1] =	stream.indirect.scatter.add.f32 [tilespmem:s22], [sflag:$0x5], $0x80, s8, s21, $0xb8;
	[tilespmem:$0x19880] =	vst v63  }
0x37: {  	s14 =	simm.s32 $0x0;
	_ =	swait.ge @!p1 [sflag:s9], $0x1400  }
0x38: {  	s10 =	sand.u32 $0x600, s14;
	[sflag:s9] =	ssyncset.done @!p1 $0x0  }
0x39: {  	s11 =	sor.u32 $0x100, s10;
	[sflag:s9] =	ssyncadd.s32 @!p1 $0xFFFFEC00  }
0x3a: {  	[tilespmem:s26], [sflag:$0x3] =	stream.indirect.gather [hbm4b:s3+s21], $0x80, s11, s21, $0xb8;
	[tilespmem:$0x19880] =	vst v63  }
0x3b: {  	_ =	swait.ge [sflag:s28], $0x1400  }
0x3c: {  	[sflag:s28] =	ssyncset.done $0x0  }
0x3d: {  	s8 =	sadd.s32 $0x80, s8;
	s9 =	simm.s32 @!p1 $0x8;
	[sflag:s28] =	ssyncadd.s32 $0xFFFFEC00  }
0x3e: {  	[spmem:s1] =	stream.indirect.scatter.add.f32 [tilespmem:s24], [sflag:$0x6], $0x80, s8, s21, $0xb8;
	[tilespmem:$0x19880] =	vst v63  }
0x3f: {  	s8 =	sand.u32 $0x1, s2;
	_ =	swait.ge @!p1 [sflag:s9], $0x1400  }
0x40: {  	p2 =	sne.s32 @!p1 s8, $0x0;
	[sflag:s9] =	ssyncset.done @!p1 $0x0  }
0x41: {  	s10 =	sor.u32 $0x180, s10;
	[sflag:s9] =	ssyncadd.s32 @!p1 $0xFFFFEC00;
	p1 =	por p2, p1  }
0x42: {  	[tilespmem:s29], [sflag:$0x4] =	stream.indirect.gather [hbm4b:s3+s21], $0x80, s10, s21, $0xb8;
	[tilespmem:$0x19880] =	vst v63  }
0x43: {  	s4 =	rddreg [dreg:$0xc];
	s6 =	sand.u32 @!p1 $0x400, s6;
	s9 =	simm.s32 @!p1 $0x0  }
0x44: {  	[tilespmem:s6], [sflag:$0x9] =	stream.linear.gather @!p1 [hbm4b:s4+s9], $0x400, $0x38;
	[tilespmem:$0x19880] =	vst v63  }
0x45: {  	s12 =	rddreg [dreg:$0xd];
	s6 =	sor.u32 @!p1 $0x800, s6  }
0x46: {  	[tilespmem:s6], [sflag:$0xA] =	stream.linear.gather @!p1 [hbm4b:s12+s9], $0x400, $0x38;
	[tilespmem:$0x19880] =	vst v63  }
0x47: {  	_ =	swait.ge [sflag:s30], $0x1400  }
0x48: {  	[sflag:s30] =	ssyncset.done $0x0  }
0x49: {  	s15 =	sor.u32 $0x800, s11;
	[sflag:s30] =	ssyncadd.s32 $0xFFFFEC00  }
0x4a: {  	[spmem:s1] =	stream.indirect.scatter.add.f32 [tilespmem:s26], [sflag:$0x7], $0x80, s15, s21, $0xb8;
	[tilespmem:$0x19880] =	vst v63  }
0x4b: {  	_ =	swait.ge [sflag:s31], $0x1400  }
0x4c: {  	p1 =	seq.s32 s8, $0x0;
	[sflag:s31] =	ssyncset.done $0x0  }
0x4d: {  	s6 =	simm.s32 @!p1 $0x9;
	[sflag:s31] =	ssyncadd.s32 $0xFFFFEC00  }
0x4e: {  	_ =	swait.ge @!p1 [sflag:s6], $0x400  }
0x4f: {  	[sflag:s6] =	ssyncset.done @!p1 $0x0  }
0x50: {  	s9 =	simm.s32 @!p1 $0xA;
	[sflag:s6] =	ssyncadd.s32 @!p1 $0xFFFFFC00  }
0x51: {  	s8 =	simm.s32 $0x800;
	_ =	swait.ge @!p1 [sflag:s9], $0x400  }
0x52: {  	s16 =	sand.u32 $0x1800, s8;
	[sflag:s9] =	ssyncset.done @!p1 $0x0  }
0x53: {  	s6 =	sshrl.u32 s16, $0x2;
	[sflag:s9] =	ssyncadd.s32 @!p1 $0xFFFFFC00  }
0x54: {  	[tilespmem:s22], [sflag:$0x1] =	stream.indirect.gather [hbm4b:s3+s21], $0x80, s6, s21, $0xb8;
	[tilespmem:$0x19880] =	vst v63  }
0x55: {  	s23 =	simm.s32 $0xA00;
	_ =	swait.ge [sflag:s0], $0x1400  }
0x56: {  	s20 =	sor.u32 $0x800, s10;
	s11 =	sadd.s32 $0x40, s4;
	[sflag:s0] =	ssyncset.done $0x0  }
0x57: {  	s10 =	sadd.s32 $0x40, s12;
	s12 =	simm.s32 $0x1;
	[sflag:s0] =	ssyncadd.s32 $0xFFFFEC00  }
0x58: {  	[spmem:s1] =	stream.indirect.scatter.add.f32 [tilespmem:s29], [sflag:$0x8], $0x80, s20, s21, $0xb8;
	[tilespmem:$0x19880] =	vst v63  }
0x59: {  	s9 =	simm.s32 $0x600;
	s6 =	sand.u32 $0x1A00, s23;
	_ =	swait.ge [sflag:s19], $0x1400  }
.LBB2_2:
0x5a: {  	[sflag:s19] =	ssyncset.done $0x0  }
0x5b: {  	s6 =	sshrl.u32 s6, $0x2;
	s13 =	smov.u32 s8;
	s8 =	sadd.s32 $0x800, s8  }
0x5c: {  	s23 =	sand.u32 $0x1800, s13;
	s20 =	sand.u32 $0x1800, s8;
	[sflag:s19] =	ssyncadd.s32 $0xFFFFEC00  }
0x5d: {  	[tilespmem:s24], [sflag:$0x2] =	stream.indirect.gather [hbm4b:s3+s21], $0x80, s6, s21, $0xb8;
	[tilespmem:$0x19880] =	vst v63  }
0x5e: {  	s23 =	sshrl.u32 s23, $0x2;
	s6 =	sand.u32 $0x1, s12;
	_ =	swait.ge [sflag:s25], $0x1400  }
0x5f: {  	p2 =	seq.s32 s13, $0x0;
	s23 =	sor.u32 $0x800, s23;
	[sflag:s25] =	ssyncset.done $0x0  }
0x60: {  	s14 =	sadd.s32 $0xFFFFFC00, s9;
	s4 =	simm.s32 @!p2 $0x7;
	[sflag:s25] =	ssyncadd.s32 $0xFFFFEC00  }
0x61: {  	[spmem:s1] =	stream.indirect.scatter.add.f32 [tilespmem:s22], [sflag:$0x5], $0x80, s23, s21, $0xb8;
	[tilespmem:$0x19880] =	vst v63  }
0x62: {  	s14 =	sand.u32 $0x600, s14;
	p3 =	sne.s32 @!p2 s6, $0x0;
	_ =	swait.ge @!p2 [sflag:s4], $0x1400  }
0x63: {  	p1 =	sne.s32 s8, $0x1F000;
	s15 =	sor.u32 $0x100, s14;
	[sflag:s4] =	ssyncset.done @!p2 $0x0  }
0x64: {  	[sflag:s4] =	ssyncadd.s32 @!p2 $0xFFFFEC00  }
0x65: {  	[tilespmem:s26], [sflag:$0x3] =	stream.indirect.gather [hbm4b:s3+s21], $0x80, s15, s21, $0xb8;
	[tilespmem:$0x19880] =	vst v63  }
0x66: {  	_ =	swait.ge [sflag:s28], $0x1400  }
0x67: {  	s4 =	sadd.s32 $0x80, s23;
	[sflag:s28] =	ssyncset.done $0x0  }
0x68: {  	s23 =	simm.s32 @!p2 $0x8;
	[sflag:s28] =	ssyncadd.s32 $0xFFFFEC00  }
0x69: {  	[spmem:s1] =	stream.indirect.scatter.add.f32 [tilespmem:s24], [sflag:$0x6], $0x80, s4, s21, $0xb8;
	[tilespmem:$0x19880] =	vst v63  }
0x6a: {  	_ =	swait.ge @!p2 [sflag:s23], $0x1400  }
0x6b: {  	s4 =	sor.u32 $0x180, s14;
	[sflag:s23] =	ssyncset.done @!p2 $0x0  }
0x6c: {  	[sflag:s23] =	ssyncadd.s32 @!p2 $0xFFFFEC00;
	p2 =	por p3, p2  }
0x6d: {  	s14 =	sand.u32 @!p2 $0x400, s9;
	s23 =	simm.s32 @!p2 $0x0  }
0x6e: {  	[tilespmem:s29], [sflag:$0x4] =	stream.indirect.gather [hbm4b:s3+s21], $0x80, s4, s21, $0xb8;
	[tilespmem:$0x19880] =	vst v63  }
0x6f: {  	s16 =	sor.u32 @!p2 $0x800, s14  }
0x70: {  	[tilespmem:s14], [sflag:$0x9] =	stream.linear.gather @!p2 [hbm4b:s11+s23], $0x400, $0x38;
	[tilespmem:$0x19880] =	vst v63  }
0x71: {  	_ = 	snop  }
0x72: {  	[tilespmem:s16], [sflag:$0xA] =	stream.linear.gather @!p2 [hbm4b:s10+s23], $0x400, $0x38;
	[tilespmem:$0x19880] =	vst v63  }
0x73: {  	_ =	swait.ge [sflag:s30], $0x1400  }
0x74: {  	s14 =	sor.u32 $0x800, s15;
	[sflag:s30] =	ssyncset.done $0x0  }
0x75: {  	[sflag:s30] =	ssyncadd.s32 $0xFFFFEC00  }
0x76: {  	[spmem:s1] =	stream.indirect.scatter.add.f32 [tilespmem:s26], [sflag:$0x7], $0x80, s14, s21, $0xb8;
	[tilespmem:$0x19880] =	vst v63  }
0x77: {  	p2 =	seq.s32 s6, $0x0;
	_ =	swait.ge [sflag:s31], $0x1400  }
0x78: {  	s6 =	simm.s32 @!p2 $0x9;
	[sflag:s31] =	ssyncset.done $0x0  }
0x79: {  	[sflag:s31] =	ssyncadd.s32 $0xFFFFEC00  }
0x7a: {  	_ =	swait.ge @!p2 [sflag:s6], $0x400  }
0x7b: {  	s14 =	simm.s32 @!p2 $0xA;
	[sflag:s6] =	ssyncset.done @!p2 $0x0  }
0x7c: {  	[sflag:s6] =	ssyncadd.s32 @!p2 $0xFFFFFC00  }
0x7d: {  	_ =	swait.ge @!p2 [sflag:s14], $0x400  }
0x7e: {  	s6 =	sshrl.u32 s20, $0x2;
	[sflag:s14] =	ssyncset.done @!p2 $0x0  }
0x7f: {  	[sflag:s14] =	ssyncadd.s32 @!p2 $0xFFFFFC00  }
0x80: {  	[tilespmem:s22], [sflag:$0x1] =	stream.indirect.gather [hbm4b:s3+s21], $0x80, s6, s21, $0xb8;
	[tilespmem:$0x19880] =	vst v63  }
.Ltmp0:
0x81: {  	s9 =	sadd.s32 $0x200, s9;
	_ =	swait.ge [sflag:s0], $0x1400;
	(pc) =	sbr.rel @p1 .LBB2_2-.Ltmp0, $4  }
0x82: {  	s4 =	sor.u32 $0x800, s4;
	s10 =	sadd.s32 $0x40, s10;
	[sflag:s0] =	ssyncset.done $0x0  }
0x83: {  	s11 =	sadd.s32 $0x40, s11;
	s6 =	sadd.s32 $0xA00, s13;
	[sflag:s0] =	ssyncadd.s32 $0xFFFFEC00  }
0x84: {  	[spmem:s1] =	stream.indirect.scatter.add.f32 [tilespmem:s29], [sflag:$0x8], $0x80, s4, s21, $0xb8;
	[tilespmem:$0x19880] =	vst v63  }
0x85: {  	s12 =	sadd.s32 $0x1, s12;
	s6 =	sand.u32 $0x1A00, s6;
	_ =	swait.ge [sflag:s19], $0x1400  }
0x86: {  	[sflag:s19] =	ssyncset.done $0x0  }
0x87: {  	s4 =	sshrl.u32 s6, $0x2;
	[sflag:s19] =	ssyncadd.s32 $0xFFFFEC00  }
0x88: {  	[tilespmem:s24], [sflag:$0x2] =	stream.indirect.gather [hbm4b:s3+s21], $0x80, s4, s21, $0xb8;
	[tilespmem:$0x19880] =	vst v63  }
0x89: {  	_ =	swait.ge [sflag:s25], $0x1400  }
0x8a: {  	[sflag:s25] =	ssyncset.done $0x0  }
0x8b: {  	s10 =	simm.s32 $0xC00;
	s14 =	simm.s32 $0x7;
	[sflag:s25] =	ssyncadd.s32 $0xFFFFEC00  }
0x8c: {  	[spmem:s1] =	stream.indirect.scatter.add.f32 [tilespmem:s22], [sflag:$0x5], $0x80, s10, s21, $0xb8;
	[tilespmem:$0x19880] =	vst v63  }
0x8d: {  	_ =	swait.ge [sflag:s14], $0x1400  }
0x8e: {  	[sflag:s14] =	ssyncset.done $0x0  }
0x8f: {  	[sflag:s14] =	ssyncadd.s32 $0xFFFFEC00  }
0x90: {  	_ =	swait.ge [sflag:s28], $0x1400  }
0x91: {  	[sflag:s28] =	ssyncset.done $0x0  }
0x92: {  	s15 =	simm.s32 $0xC80;
	s16 =	simm.s32 $0x8;
	[sflag:s28] =	ssyncadd.s32 $0xFFFFEC00  }
0x93: {  	[spmem:s1] =	stream.indirect.scatter.add.f32 [tilespmem:s24], [sflag:$0x6], $0x80, s15, s21, $0xb8;
	[tilespmem:$0x19880] =	vst v63  }
0x94: {  	_ =	swait.ge [sflag:s16], $0x1400  }
0x95: {  	[sflag:s16] =	ssyncset.done $0x0  }
0x96: {  	[sflag:s16] =	ssyncadd.s32 $0xFFFFEC00  }
0x97: {  	_ =	swait.ge [sflag:s31], $0x1400  }
0x98: {  	[sflag:s31] =	ssyncset.done $0x0  }
0x99: {  	[sflag:s31] =	ssyncadd.s32 $0xFFFFEC00  }
0x9a: {  	_ =	swait.ge [sflag:s19], $0x1400  }
0x9b: {  	[sflag:s19] =	ssyncset.done $0x0  }
0x9c: {  	[sflag:s19] =	ssyncadd.s32 $0xFFFFEC00  }
0x9d: {  	[bflag:$0x0] =	sbarrier.arrive $0xFFFF  }
0x9e: {  	s20 =	rddreg [dreg:$0x9]  }
0x9f: {  	[hbm:s20], [sflag:s5] =	dma.local [spmem:s18], $0x2700  }
0xa0: {  	_ =	swait.ge [sflag:s17], $0x2700  }
0xa1: {  	[sflag:s17] =	ssyncset.done $0x0;
	s4 =	rddreg [dreg:$0xa]  }
0xa2: {  	s9 =	rddreg [dreg:$0xe];
	[sflag:s17] =	ssyncadd.s32 $0xFFFFD900  }
0xa3: {  	[hbm:s4], [sflag:s5] =	dma.local @!p0 [spmem:s9], $0x100  }
0xa4: {  	s4 =	simm.s32 @!p0 $0xB  }
0xa5: {  	_ =	swait.ge @!p0 [sflag:s4], $0x100  }
0xa6: {  	s7 =	sadd.s32 $0x1, s7;
	s23 =	rddreg [dreg:$0xb]  }
0xa7: {  	p1 =	sne.s32 s7, s23  }
.Ltmp1:
0xa8: {  	_ = 	snop;
	(pc) =	sbr.rel @p1 .LBB2_1-.Ltmp1, $3  }
0xa9: {  	_ =	sdelay $0x1  }
0xaa: {  	[sflag:s4] =	ssyncset.done @!p0 $0x0  }
0xab: {  	s8 =	smov.u32 s18;
	[sflag:s4] =	ssyncadd.s32 @!p0 $0xFFFFFF00  }
0xac: {  	_ =	sfence.sel $0x180000  }
0xad: {  	[bflag:$0x0] =	sbarrier.arrive $0xFFFF  }
0xae: {  	_ =	strace $0x9000004D  }
0xaf: {  	[bflag:$0x2] =	sbarrier.arrive $0xFFFF  }
0xb0: {  	s0 =	rddreg [dreg:$0x2]  }
0xb1: {  	s0 =	sadd.s32 @!p0 $0x100000, s0  }
0xb2: {  	[sflag:s0] =	ssyncadd.tile.s32 @!p0 $0x1;
	_ =	shalt  }
.Lfunc_end2:
_tile_overlayer_lowered:
.L_overlay_start_2:
0xb3: {  	(tag) =	ssettag $0x2  }
0xb4: {  	s0 =	rddreg [dreg:$0x0];
	s2 =	stileid.u32  }
0xb5: {  	s1 =	rddreg [dreg:$0x1];
	p0 =	sne.s32 s2, $0x0  }
0xb6: {  	s3 =	rddreg [dreg:$0x2];
	[bflag:$0x3] =	sbarrier.arrive $0xFFFF;
	s2 =	simm.s32 @!p0 $0x1C0B  }
0xb7: {  	[timem:s3], [sflag:s2] =	dma.local @!p0 [hbm:s0], s1  }
0xb8: {  	s0 =	simm.s32 @!p0 $0xB  }
0xb9: {  	_ =	swait.ge @!p0 [sflag:s0], s1  }
0xba: {  	s1 =	ssub.s32 @!p0 $0x0, s1;
	[sflag:s0] =	ssyncset.done @!p0 $0x0  }
0xbb: {  	[sflag:s0] =	ssyncadd.s32 @!p0 s1  }
0xbc: {  	[bflag:$0x3] =	sbarrier.arrive $0xFFFF  }
0xbd: {  	_ =	shalt  }

// kernel: kernel.20.cloned.1.call-start
scs
__scs_entry_jumppad:
0x0: {  	(pc) =	sbr.rel $0x88, $3  }
0x1: {  	(tag) =	ssettag $0x0;
	lr =	simm.s32 $0x1  }
0x2: {  	[smem:$0x3F99] =	sst lr;
	_ =	strace $0xD0000000  }
0x3: {  	_ = 	snop  }
0x4: {  	_ = 	snop  }
0x5: {  	_ = 	snop  }
0x6: {  	_ = 	snop  }
0x7: {  	_ = 	snop  }
__scs_overlays_trampoline_lowered:
0x8: {  	[smem:$0x3FA8] =	sst s0  }
0x9: {  	[smem:$0x3FA9] =	sst s1  }
0xa: {  	[smem:$0x3FAA] =	sst s2  }
0xb: {  	[smem:$0x3FAB] =	sst s3  }
0xc: {  	[smem:$0x3FAC] =	sst s4  }
0xd: {  	[smem:$0x3FAD] =	sst s5  }
0xe: {  	[smem:$0x3FAE] =	sst s6  }
0xf: {  	[smem:$0x3FAF] =	sst s7  }
0x10: {  	[smem:$0x3FB0] =	sst s8  }
0x11: {  	[smem:$0x3FB1] =	sst s9;
	s0 =	simm.s32 @!p0 $0x0  }
0x12: {  	s1 =	sld [smem:$0x3F97];
	s0 =	simm.s32 @p0 $0x1  }
0x13: {  	[smem:$0x3FB2] =	sst s0;
	s0 =	simm.s32 @!p1 $0x0  }
0x14: {  	s2 =	sld [smem:$0x3F96];
	s0 =	simm.s32 @p1 $0x1  }
0x15: {  	[smem:$0x3FB3] =	sst s0;
	s0 =	simm.s32 @!p2 $0x0  }
0x16: {  	s3 =	sld [smem:$0x3FDB];
	s0 =	simm.s32 @p2 $0x1  }
0x17: {  	s4 =	simm.s32 $0x1BF5;
	[smem:$0x3FB5] =	sst s0  }
0x18: {  	s0 =	sld [smem:$0x3F98];
	_ =	swait.ge [sflag:s4], $0x0  }
0x19: {  	s7 =	sld [smem:$0x3F99]  }
0x1a: {  	s8 =	sadd.s32 $0xFFFFE003, lr  }
0x1b: {  	s9 =	sadd.s32 $0xFFFFFEF7, lr;
	s5 =	simm.s32 $0xFFFFFFFF;
	p2 =	slt.u32 s8, $0xFFFFF086  }
0x1c: {  	p1 =	slt.u32 s9, $0xF7A;
	s5 =	simm.s32 @!p2 $0x0  }
0x1d: {  	s5 =	simm.s32 @p1 $0x1;
	p0 =	seq.s32 s7, s2  }
0x1e: {  	s7 =	smul.u32 @!p0 $0xF7A, s2;
	p2 =	seq.s32 @!p0 s5, $0x0  }
0x1f: {  	s9 =	smul.u32 $0xF7A, s1;
	s8 =	simm.s32 @!p0 $0x1BF5;
	p2 =	por !p2, p0  }
0x20: {  	[sflag:s8] =	ssyncset.s32 @!p0 $0xFFFFF086;
	s6 =	sadd.s32 @!p0 s3, s7;
	s7 =	simm.s32 @!p0 $0x108  }
0x21: {  	s3 =	sadd.s32 s3, s9;
	s6 =	sadd.s32 @!p0 $0x88, s6;
	s7 =	simm.s32 @p2 $0x1082  }
0x22: {  	[simem:s7], [sflag:s8] =	dma.local @!p0 [hbm:s6], $0xF7A  }
0x23: {  	s9 =	sor.u32 $0xD0000000, s2;
	s6 =	simm.s32 $0x108;
	_ =	swait.ge @!p0 [sflag:s8], $0x0  }
0x24: {  	s3 =	sadd.s32 $0x88, s3;
	s6 =	simm.s32 @!p1 $0x1082;
	[sflag:s4] =	ssyncset.s32 $0xFFFFF086  }
0x25: {  	[simem:s6], [sflag:s4] =	dma.local [hbm:s3], $0xF7A  }
0x26: {  	[smem:$0x3F99] =	sst s1;
	(tag) =	ssettag s2;
	_ =	strace s9  }
0x27: {  	s1 =	sld [smem:$0x3FA9]  }
0x28: {  	s2 =	sld [smem:$0x3FAA]  }
0x29: {  	s4 =	sld [smem:$0x3FAC]  }
0x2a: {  	p0 =	seq.s32 s5, $0x0;
	s5 =	sld [smem:$0x3FAD]  }
0x2b: {  	s6 =	sld [smem:$0x3FAE]  }
0x2c: {  	s7 =	sld [smem:$0x3FAF]  }
0x2d: {  	s3 =	simm.s32 $0x108;
	s8 =	sld [smem:$0x3FB0]  }
0x2e: {  	s3 =	simm.s32 @!p0 $0x1082;
	s9 =	sld [smem:$0x3FB1]  }
0x2f: {  	lr =	sadd.s32 s0, s3;
	s0 =	sld [smem:$0x3FA8]  }
0x30: {  	s3 =	sld [smem:$0x3FAB]  }
0x31: {  	[smem:$0x3FB4] =	sst s10  }
0x32: {  	s10 =	sld [smem:$0x3FB2];
	_ =	sdelay $0x3  }
0x33: {  	p0 =	seq.s32 s10, $0x1;
	s10 =	sld [smem:$0x3FB4];
	_ =	sdelay $0x3  }
0x34: {  	[smem:$0x3FB4] =	sst s10  }
0x35: {  	s10 =	sld [smem:$0x3FB3];
	_ =	sdelay $0x3  }
0x36: {  	p1 =	seq.s32 s10, $0x1;
	s10 =	sld [smem:$0x3FB4];
	_ =	sdelay $0x3  }
0x37: {  	[smem:$0x3FB4] =	sst s10  }
0x38: {  	s10 =	sld [smem:$0x3FB5]  }
0x39: {  	_ = 	snop;
	(pc) =	sbr.ind lr, $3  }
0x3a: {  	_ = 	snop  }
0x3b: {  	_ = 	snop  }
0x3c: {  	p2 =	seq.s32 s10, $0x1;
	s10 =	sld [smem:$0x3FB4]  }
0x3d: {  	_ =	shalt  }
0x3e: {  	_ =	shalt  }
0x3f: {  	_ =	shalt  }
0x40: {  	_ =	shalt  }
0x41: {  	_ =	shalt  }
0x42: {  	_ =	shalt  }
0x43: {  	_ =	shalt  }
0x44: {  	_ =	shalt  }
0x45: {  	_ =	shalt  }
0x46: {  	_ =	shalt  }
0x47: {  	_ =	shalt  }
0x48: {  	_ =	shalt  }
0x49: {  	_ =	shalt  }
0x4a: {  	_ =	shalt  }
0x4b: {  	_ =	shalt  }
0x4c: {  	_ =	shalt  }
0x4d: {  	_ =	shalt  }
0x4e: {  	_ =	shalt  }
0x4f: {  	_ =	shalt  }
0x50: {  	_ =	shalt  }
0x51: {  	_ =	shalt  }
0x52: {  	_ =	shalt  }
0x53: {  	_ =	shalt  }
0x54: {  	_ =	shalt  }
0x55: {  	_ =	shalt  }
0x56: {  	_ =	shalt  }
0x57: {  	_ =	shalt  }
0x58: {  	_ =	shalt  }
0x59: {  	_ =	shalt  }
0x5a: {  	_ =	shalt  }
0x5b: {  	_ =	shalt  }
0x5c: {  	_ =	shalt  }
0x5d: {  	_ =	shalt  }
0x5e: {  	_ =	shalt  }
0x5f: {  	_ =	shalt  }
0x60: {  	_ =	shalt  }
0x61: {  	_ =	shalt  }
0x62: {  	_ =	shalt  }
0x63: {  	_ =	shalt  }
0x64: {  	_ =	shalt  }
0x65: {  	_ =	shalt  }
0x66: {  	_ =	shalt  }
0x67: {  	_ =	shalt  }
0x68: {  	_ =	shalt  }
0x69: {  	_ =	shalt  }
0x6a: {  	_ =	shalt  }
0x6b: {  	_ =	shalt  }
0x6c: {  	_ =	shalt  }
0x6d: {  	_ =	shalt  }
0x6e: {  	_ =	shalt  }
0x6f: {  	_ =	shalt  }
0x70: {  	_ =	shalt  }
0x71: {  	_ =	shalt  }
0x72: {  	_ =	shalt  }
0x73: {  	_ =	shalt  }
0x74: {  	_ =	shalt  }
0x75: {  	_ =	shalt  }
0x76: {  	_ =	shalt  }
0x77: {  	_ =	shalt  }
0x78: {  	_ =	shalt  }
0x79: {  	_ =	shalt  }
0x7a: {  	_ =	shalt  }
0x7b: {  	_ =	shalt  }
0x7c: {  	_ =	shalt  }
0x7d: {  	_ =	shalt  }
0x7e: {  	_ =	shalt  }
0x7f: {  	_ =	shalt  }
0x80: {  	_ =	shalt  }
0x81: {  	_ =	shalt  }
0x82: {  	_ =	shalt  }
0x83: {  	_ =	shalt  }
0x84: {  	_ =	shalt  }
0x85: {  	_ =	shalt  }
0x86: {  	_ =	shalt  }
0x87: {  	_ =	shalt  }
.Lfunc_end0:
.L_simem_size_0:
called_computation.3_lowered:
.L_overlay_start_0:
0x88: {  	s2 =	sld [smem:$0x3FD9]  }
0x89: {  	s3 =	sld [smem:$0x3FFE];
	_ =	sdelay $0x1  }
0x8a: {  	s1 =	srdreg.scid  }
0x8b: {  	s0 =	sand.u32 $0x1, s1  }
0x8c: {  	s16 =	sshll.u32 s0, $0xA;
	s2 =	sadd.s32 s3, s2  }
0x8d: {  	s2 =	sadd.s32 s2, s16  }
0x8e: {  	[smem:$0x3FC0] =	sst s2  }
0x8f: {  	_ = 	snop  }
0x90: {  	(tm) =	ssettm $0x1  }
0x91: {  	s17 =	sld [smem:$0x3FFB];
	_ =	sdelay $0x3  }
0x92: {  	_ =	strace s17  }
0x93: {  	s2 =	sld [smem:$0x3FFC];
	_ =	sdelay $0x3  }
0x94: {  	_ =	strace s2  }
0x95: {  	s2 =	sld [smem:$0x3FFD];
	_ =	sdelay $0x3  }
0x96: {  	_ =	strace s2  }
0x97: {  	_ =	strace $0x8FFFFFFF  }
0x98: {  	s18 =	sld [smem:$0x3FDB];
	_ =	sdelay $0x1  }
0x99: {  	s19 =	simm.s32 $_scs_section_size  }
0x9a: {  	s4 =	simm.s32 $_size__tile_overlayer_lowered;
	s5 =	simm.s32 $_tile_overlayer_lowered  }
0x9b: {  	s22 =	simm.s32 $0x1BFF;
	s21 =	sshll.u32 s5, $0x1;
	s2 =	sadd.s32 s19, s18  }
0x9c: {  	s6 =	simm.s32 $0x0;
	s20 =	sshll.u32 s4, $0x1;
	s4 =	sadd.s32 s21, s2  }
0x9d: {  	[timem:s6], [sflag:s22] =	dma.local [hbm:s4], s20  }
0x9e: {  	_ =	swait.ge [sflag:s22], s20  }
0x9f: {  	s3 =	ssub.s32 $0x0, s20;
	[sflag:s22] =	ssyncset.done $0x0  }
0xa0: {  	[sflag:s22] =	ssyncadd.s32 s3;
	_ =	sdelay $0x1  }
0xa1: {  	s23 =	simm.s32 $0x1B8B  }
0xa2: {  	_ =	swait.ge [sflag:s23], $0x1  }
0xa3: {  	[sflag:s23] =	ssyncset.done $0x0  }
0xa4: {  	s25 =	simm.s32 $0x1B8E;
	s24 =	sld [smem:$0x3FFE];
	[sflag:s23] =	ssyncadd.s32 $0xFFFFFFFF  }
0xa5: {  	s26 =	simm.s32 $execute0_lowered;
	[smem:$0x3FD2] =	sst s25  }
0xa6: {  	s4 =	sshll.u32 s26, $0x1;
	_ =	strace $0x8000004F;
	[dreg:$0x1] =	wrdreg $0xFFFFFFFF  }
0xa7: {  	s28 =	simm.s32 $_size_execute0_lowered;
	s2 =	sadd.s32 s2, s4;
	[dreg:$0x0] =	wrdreg $0x0  }
0xa8: {  	s4 =	sshll.u32 s28, $0x1;
	[dreg:$0x2] =	wrdreg s2  }
0xa9: {  	[dreg:$0x3] =	wrdreg s4  }
0xaa: {  	[dreg:$0x4] =	wrdreg $0xC0  }
0xab: {  	_ =	task [dreg:s6], $0x5FFFF  }
0xac: {  	[dreg:$0x1] =	wrdreg $0xFFFFFFFF  }
0xad: {  	[dreg:$0x0] =	wrdreg $0x60  }
0xae: {  	[dreg:$0x2] =	wrdreg s24  }
0xaf: {  	[dreg:$0x3] =	wrdreg $0x60000  }
0xb0: {  	[dreg:$0x4] =	wrdreg $0x9  }
0xb1: {  	_ =	task.clear_ibuf [dreg:s6], $0x5FFFF;
	_ =	strace $0x9000004F  }
0xb2: {  	s29 =	simm.s32 $0x9;
	_ =	strace $0x80000051  }
0xb3: {  	_ =	swait.ge [sflag:s29], $0x1  }
0xb4: {  	[sflag:s29] =	ssyncadd.s32 $0xFFFFFFFF  }
0xb5: {  	_ =	strace $0x90000051  }
0xb6: {  	_ =	sfence  }
0xb7: {  	s30 =	sld [smem:$0x0];
	_ =	sdelay $0x2  }
0xb8: {  	s31 =	sshll.u32 s1, $0xD;
	s1 =	sshrl.u32 s1, $0x2  }
0xb9: {  	s3 =	sand.u32 $0x4000, s31;
	s1 =	sadd.s32 s1, s30  }
0xba: {  	s0 =	sor.u32 s3, s0;
	s1 =	sshll.u32 s1, $0x11  }
0xbb: {  	s0 =	sor.u32 s1, s0  }
0xbc: {  	s0 =	sadd.s32 $0x8F2B, s0  }
0xbd: {  	[sflag:s0] =	ssyncadd.remote.s32 $0x1  }
0xbe: {  	_ =	sfence.sel $0xFFFF  }
0xbf: {  	[dreg:$0x0] =	wrdreg $0xFFFFFFFF;
	(pc) =	sbr.abs _section_cstart, $3  }
0xc0: {  	[dreg:$0x1] =	wrdreg $0xFFFFFFFF  }
0xc1: {  	_ =	task.clear_ibuf [dreg:s6], $0x2FFFF;
	_ =	strace $0x9FFFFFFF  }
0xc2: {  	(tm) =	ssettm $0x7FFFFFFF  }
0xc3: {  	_ =	shalt  }
tec
execute0_lowered:
.L_overlay_start_1:
0x0: {  	(tag) =	ssettag $0x1  }
0x1: {  	s0 =	rddreg [dreg:$0x0]  }
0x2: {  	s1 =	rddreg [dreg:$0x1];
	s2 =	simm.s32 $0x0;
	s4 =	stileid.u32  }
0x3: {  	s3 =	srdreg.scid;
	s28 =	simm.s32 $0x2;
	s29 =	simm.s32 $0x4C00  }
0x4: {  	s30 =	simm.s32 $0x3;
	s31 =	simm.s32 $0x5;
	[smem:$0x7FF] =	sst s2  }
0x5: {  	s6 =	smul.u32 $0x13800, s4;
	s5 =	sand.u32 $0x1, s3;
	s3 =	sadd.s32 $0x43600, s0  }
0x6: {  	s7 =	sadd.s32 $0x3600, s0;
	s11 =	smul.u32 $0x4E000, s4;
	s12 =	sadd.s32 $0x91A00, s0  }
0x7: {  	s16 =	sshll.u32 s4, $0x10;
	s18 =	sshll.u32 s4, $0x6;
	p0 =	sne.s32 s4, $0x0  }
0x8: {  	_ =	strace $0x80000050;
	s8 =	ssub.s32 $0x2, s5;
	s13 =	sshll.u32 s5, $0xF  }
0x9: {  	s14 =	smul.u32 $0x138800, s5;
	s5 =	sor.u32 $0x1C0B, s18;
	s9 =	sshrl.u32 s6, $0x3  }
0xa: {  	s10 =	sshrl.u32 s8, $0x1;
	s15 =	sshrl.u32 s11, $0x2;
	s17 =	sor.u32 s13, s16  }
0xb: {  	s11 =	sadd.s32 $0x138000, s1;
	s9 =	sadd.s32 s9, s0;
	s8 =	ssub.s32 s8, s10  }
0xc: {  	s10 =	sadd.s32 s15, s1;
	s13 =	sshrl.u32 s17, $0x3;
	s0 =	sadd.s32 $0x91800, s0  }
0xd: {  	s20 =	sadd.s32 s6, s14;
	s22 =	sshrl.u32 s14, $0x3;
	s24 =	sor.u32 $0x400, s17  }
0xe: {  	s25 =	sor.u32 $0x100400, s17;
	s17 =	simm.s32 $0xB;
	s9 =	sadd.s32 $0x6A800, s9  }
0xf: {  	s13 =	sadd.s32 s7, s13;
	[dreg:$0x5] =	wrdreg s0;
	s0 =	sshrl.u32 s20, $0x3  }
0x10: {  	s23 =	sadd.s32 s12, s22;
	s8 =	smax.u32 s8, $0x1;
	[dreg:$0x3] =	wrdreg s9  }
0x11: {  	s6 =	sshrl.u32 s25, $0x3;
	s22 =	simm.s32 $0x1000;
	[dreg:$0x4] =	wrdreg s13  }
0x12: {  	s25 =	simm.s32 $0x1;
	s19 =	sadd.s32 $0x20000, s13;
	[dreg:$0xb] =	wrdreg s8  }
0x13: {  	s21 =	sadd.s32 $0x80, s13;
	s13 =	sadd.s32 $0x20080, s13;
	[dreg:$0x6] =	wrdreg s19  }
0x14: {  	s0 =	sadd.s32 s12, s0;
	s26 =	sadd.s32 s6, s7;
	[dreg:$0x7] =	wrdreg s21  }
0x15: {  	s8 =	sshrl.u32 s10, $0x3;
	s9 =	sshrl.u32 @!p0 s11, $0x3;
	[dreg:$0x8] =	wrdreg s13  }
0x16: {  	s10 =	simm.s32 $0xC00;
	[dreg:$0x9] =	wrdreg s0;
	s0 =	sadd.s32 $0x27000, s23  }
0x17: {  	[dreg:$0xd] =	wrdreg s26;
	s21 =	simm.s32 $0x28;
	s26 =	simm.s32 $0x3800  }
0x18: {  	s19 =	simm.s32 $0x6;
	[dreg:$0xa] =	wrdreg s0;
	s0 =	sshrl.u32 s24, $0x3  }
0x19: {  	[dreg:$0xe] =	wrdreg s9;
	s24 =	simm.s32 $0x2400;
	s0 =	sadd.s32 s0, s7  }
0x1a: {  	s7 =	simm.s32 $0x0;
	[dreg:$0xc] =	wrdreg s0;
	s0 =	simm.s32 $0x4  }
.LBB2_1:
0x1b: {  	s4 =	rddreg [dreg:$0x3]  }
0x1c: {  	[spmem:s8], [sflag:s5] =	dma.local [hbm:s4], $0x2700  }
0x1d: {  	_ =	swait.ge [sflag:s17], $0x2700  }
0x1e: {  	[sflag:s17] =	ssyncset.done $0x0  }
0x1f: {  	s6 =	simm.s32 @!p0 $0xB;
	s4 =	rddreg [dreg:$0x5];
	[sflag:s17] =	ssyncadd.s32 $0xFFFFD900  }
0x20: {  	[spmem:s9], [sflag:s5] =	dma.local @!p0 [hbm:s4], $0x100  }
0x21: {  	_ =	swait.ge @!p0 [sflag:s6], $0x100  }
0x22: {  	[sflag:s6] =	ssyncset.done @!p0 $0x0  }
0x23: {  	s23 =	rddreg [dreg:$0x4];
	[sflag:s6] =	ssyncadd.s32 @!p0 $0xFFFFFF00  }
0x24: {  	[tilespmem:s2], [sflag:$0xB] =	stream.linear.gather [hbm4b:s23+s2], $0x400, $0x38;
	[tilespmem:$0x19880] =	vst v63  }
0x25: {  	_ =	swait.ge [sflag:s17], $0x400  }
0x26: {  	s18 =	smov.u32 s8;
	[sflag:s17] =	ssyncset.done $0x0  }
0x27: {  	s8 =	simm.s32 $0x800;
	s6 =	rddreg [dreg:$0x6];
	[sflag:s17] =	ssyncadd.s32 $0xFFFFFC00  }
0x28: {  	[tilespmem:s8], [sflag:$0xB] =	stream.linear.gather [hbm4b:s6+s2], $0x400, $0x38;
	[tilespmem:$0x19880] =	vst v63  }
0x29: {  	_ =	swait.ge [sflag:s17], $0x400  }
0x2a: {  	[sflag:s17] =	ssyncset.done $0x0  }
0x2b: {  	s6 =	simm.s32 $0x400;
	s9 =	rddreg [dreg:$0x7];
	[sflag:s17] =	ssyncadd.s32 $0xFFFFFC00  }
0x2c: {  	[tilespmem:s6], [sflag:$0x9] =	stream.linear.gather [hbm4b:s9+s2], $0x400, $0x38;
	[tilespmem:$0x19880] =	vst v63  }
0x2d: {  	s11 =	rddreg [dreg:$0x8]  }
0x2e: {  	[tilespmem:s10], [sflag:$0xA] =	stream.linear.gather [hbm4b:s11+s2], $0x400, $0x38;
	[tilespmem:$0x19880] =	vst v63  }
0x2f: {  	[bflag:$0x0] =	sbarrier.arrive $0xFFFF  }
0x30: {  	[tilespmem:s22], [sflag:$0x1] =	stream.indirect.gather [hbm4b:s3+s21], $0x80, s2, s21, $0xb8;
	[tilespmem:$0x19880] =	vst v63  }
0x31: {  	s12 =	simm.s32 $0x80  }
0x32: {  	[tilespmem:s24], [sflag:$0x2] =	stream.indirect.gather [hbm4b:s3+s21], $0x80, s12, s21, $0xb8;
	[tilespmem:$0x19880] =	vst v63  }
0x33: {  	s13 =	sand.u32 $0x1800, s2;
	_ =	swait.ge [sflag:s25], $0x1400  }
0x34: {  	p1 =	por $0x1, $0x1;
	s8 =	sshrl.u32 s13, $0x2;
	[sflag:s25] =	ssyncset.done $0x0  }
0x35: {  	s8 =	sor.u32 $0x800, s8;
	s9 =	simm.s32 @!p1 $0x7;
	[sflag:s25] =	ssyncadd.s32 $0xFFFFEC00  }
0x36: {  	[spmem:s1] =	stream.indirect.scatter.add.f32 [tilespmem:s22], [sflag:$0x5], $0x80, s8, s21, $0xb8;
	[tilespmem:$0x19880] =	vst v63  }
0x37: {  	s14 =	simm.s32 $0x0;
	_ =	swait.ge @!p1 [sflag:s9], $0x1400  }
0x38: {  	s10 =	sand.u32 $0x600, s14;
	[sflag:s9] =	ssyncset.done @!p1 $0x0  }
0x39: {  	s11 =	sor.u32 $0x100, s10;
	[sflag:s9] =	ssyncadd.s32 @!p1 $0xFFFFEC00  }
0x3a: {  	[tilespmem:s26], [sflag:$0x3] =	stream.indirect.gather [hbm4b:s3+s21], $0x80, s11, s21, $0xb8;
	[tilespmem:$0x19880] =	vst v63  }
0x3b: {  	_ =	swait.ge [sflag:s28], $0x1400  }
0x3c: {  	[sflag:s28] =	ssyncset.done $0x0  }
0x3d: {  	s8 =	sadd.s32 $0x80, s8;
	s9 =	simm.s32 @!p1 $0x8;
	[sflag:s28] =	ssyncadd.s32 $0xFFFFEC00  }
0x3e: {  	[spmem:s1] =	stream.indirect.scatter.add.f32 [tilespmem:s24], [sflag:$0x6], $0x80, s8, s21, $0xb8;
	[tilespmem:$0x19880] =	vst v63  }
0x3f: {  	s8 =	sand.u32 $0x1, s2;
	_ =	swait.ge @!p1 [sflag:s9], $0x1400  }
0x40: {  	p2 =	sne.s32 @!p1 s8, $0x0;
	[sflag:s9] =	ssyncset.done @!p1 $0x0  }
0x41: {  	s10 =	sor.u32 $0x180, s10;
	[sflag:s9] =	ssyncadd.s32 @!p1 $0xFFFFEC00;
	p1 =	por p2, p1  }
0x42: {  	[tilespmem:s29], [sflag:$0x4] =	stream.indirect.gather [hbm4b:s3+s21], $0x80, s10, s21, $0xb8;
	[tilespmem:$0x19880] =	vst v63  }
0x43: {  	s4 =	rddreg [dreg:$0xc];
	s6 =	sand.u32 @!p1 $0x400, s6;
	s9 =	simm.s32 @!p1 $0x0  }
0x44: {  	[tilespmem:s6], [sflag:$0x9] =	stream.linear.gather @!p1 [hbm4b:s4+s9], $0x400, $0x38;
	[tilespmem:$0x19880] =	vst v63  }
0x45: {  	s12 =	rddreg [dreg:$0xd];
	s6 =	sor.u32 @!p1 $0x800, s6  }
0x46: {  	[tilespmem:s6], [sflag:$0xA] =	stream.linear.gather @!p1 [hbm4b:s12+s9], $0x400, $0x38;
	[tilespmem:$0x19880] =	vst v63  }
0x47: {  	_ =	swait.ge [sflag:s30], $0x1400  }
0x48: {  	[sflag:s30] =	ssyncset.done $0x0  }
0x49: {  	s15 =	sor.u32 $0x800, s11;
	[sflag:s30] =	ssyncadd.s32 $0xFFFFEC00  }
0x4a: {  	[spmem:s1] =	stream.indirect.scatter.add.f32 [tilespmem:s26], [sflag:$0x7], $0x80, s15, s21, $0xb8;
	[tilespmem:$0x19880] =	vst v63  }
0x4b: {  	_ =	swait.ge [sflag:s31], $0x1400  }
0x4c: {  	p1 =	seq.s32 s8, $0x0;
	[sflag:s31] =	ssyncset.done $0x0  }
0x4d: {  	s6 =	simm.s32 @!p1 $0x9;
	[sflag:s31] =	ssyncadd.s32 $0xFFFFEC00  }
0x4e: {  	_ =	swait.ge @!p1 [sflag:s6], $0x400  }
0x4f: {  	[sflag:s6] =	ssyncset.done @!p1 $0x0  }
0x50: {  	s9 =	simm.s32 @!p1 $0xA;
	[sflag:s6] =	ssyncadd.s32 @!p1 $0xFFFFFC00  }
0x51: {  	s8 =	simm.s32 $0x800;
	_ =	swait.ge @!p1 [sflag:s9], $0x400  }
0x52: {  	s16 =	sand.u32 $0x1800, s8;
	[sflag:s9] =	ssyncset.done @!p1 $0x0  }
0x53: {  	s6 =	sshrl.u32 s16, $0x2;
	[sflag:s9] =	ssyncadd.s32 @!p1 $0xFFFFFC00  }
0x54: {  	[tilespmem:s22], [sflag:$0x1] =	stream.indirect.gather [hbm4b:s3+s21], $0x80, s6, s21, $0xb8;
	[tilespmem:$0x19880] =	vst v63  }
0x55: {  	s23 =	simm.s32 $0xA00;
	_ =	swait.ge [sflag:s0], $0x1400  }
0x56: {  	s20 =	sor.u32 $0x800, s10;
	s11 =	sadd.s32 $0x40, s4;
	[sflag:s0] =	ssyncset.done $0x0  }
0x57: {  	s10 =	sadd.s32 $0x40, s12;
	s12 =	simm.s32 $0x1;
	[sflag:s0] =	ssyncadd.s32 $0xFFFFEC00  }
0x58: {  	[spmem:s1] =	stream.indirect.scatter.add.f32 [tilespmem:s29], [sflag:$0x8], $0x80, s20, s21, $0xb8;
	[tilespmem:$0x19880] =	vst v63  }
0x59: {  	s9 =	simm.s32 $0x600;
	s6 =	sand.u32 $0x1A00, s23;
	_ =	swait.ge [sflag:s19], $0x1400  }
.LBB2_2:
0x5a: {  	[sflag:s19] =	ssyncset.done $0x0  }
0x5b: {  	s6 =	sshrl.u32 s6, $0x2;
	s13 =	smov.u32 s8;
	s8 =	sadd.s32 $0x800, s8  }
0x5c: {  	s23 =	sand.u32 $0x1800, s13;
	s20 =	sand.u32 $0x1800, s8;
	[sflag:s19] =	ssyncadd.s32 $0xFFFFEC00  }
0x5d: {  	[tilespmem:s24], [sflag:$0x2] =	stream.indirect.gather [hbm4b:s3+s21], $0x80, s6, s21, $0xb8;
	[tilespmem:$0x19880] =	vst v63  }
0x5e: {  	s23 =	sshrl.u32 s23, $0x2;
	s6 =	sand.u32 $0x1, s12;
	_ =	swait.ge [sflag:s25], $0x1400  }
0x5f: {  	p2 =	seq.s32 s13, $0x0;
	s23 =	sor.u32 $0x800, s23;
	[sflag:s25] =	ssyncset.done $0x0  }
0x60: {  	s14 =	sadd.s32 $0xFFFFFC00, s9;
	s4 =	simm.s32 @!p2 $0x7;
	[sflag:s25] =	ssyncadd.s32 $0xFFFFEC00  }
0x61: {  	[spmem:s1] =	stream.indirect.scatter.add.f32 [tilespmem:s22], [sflag:$0x5], $0x80, s23, s21, $0xb8;
	[tilespmem:$0x19880] =	vst v63  }
0x62: {  	s14 =	sand.u32 $0x600, s14;
	p3 =	sne.s32 @!p2 s6, $0x0;
	_ =	swait.ge @!p2 [sflag:s4], $0x1400  }
0x63: {  	p1 =	sne.s32 s8, $0x1F000;
	s15 =	sor.u32 $0x100, s14;
	[sflag:s4] =	ssyncset.done @!p2 $0x0  }
0x64: {  	[sflag:s4] =	ssyncadd.s32 @!p2 $0xFFFFEC00  }
0x65: {  	[tilespmem:s26], [sflag:$0x3] =	stream.indirect.gather [hbm4b:s3+s21], $0x80, s15, s21, $0xb8;
	[tilespmem:$0x19880] =	vst v63  }
0x66: {  	_ =	swait.ge [sflag:s28], $0x1400  }
0x67: {  	s4 =	sadd.s32 $0x80, s23;
	[sflag:s28] =	ssyncset.done $0x0  }
0x68: {  	s23 =	simm.s32 @!p2 $0x8;
	[sflag:s28] =	ssyncadd.s32 $0xFFFFEC00  }
0x69: {  	[spmem:s1] =	stream.indirect.scatter.add.f32 [tilespmem:s24], [sflag:$0x6], $0x80, s4, s21, $0xb8;
	[tilespmem:$0x19880] =	vst v63  }
0x6a: {  	_ =	swait.ge @!p2 [sflag:s23], $0x1400  }
0x6b: {  	s4 =	sor.u32 $0x180, s14;
	[sflag:s23] =	ssyncset.done @!p2 $0x0  }
0x6c: {  	[sflag:s23] =	ssyncadd.s32 @!p2 $0xFFFFEC00;
	p2 =	por p3, p2  }
0x6d: {  	s14 =	sand.u32 @!p2 $0x400, s9;
	s23 =	simm.s32 @!p2 $0x0  }
0x6e: {  	[tilespmem:s29], [sflag:$0x4] =	stream.indirect.gather [hbm4b:s3+s21], $0x80, s4, s21, $0xb8;
	[tilespmem:$0x19880] =	vst v63  }
0x6f: {  	s16 =	sor.u32 @!p2 $0x800, s14  }
0x70: {  	[tilespmem:s14], [sflag:$0x9] =	stream.linear.gather @!p2 [hbm4b:s11+s23], $0x400, $0x38;
	[tilespmem:$0x19880] =	vst v63  }
0x71: {  	_ = 	snop  }
0x72: {  	[tilespmem:s16], [sflag:$0xA] =	stream.linear.gather @!p2 [hbm4b:s10+s23], $0x400, $0x38;
	[tilespmem:$0x19880] =	vst v63  }
0x73: {  	_ =	swait.ge [sflag:s30], $0x1400  }
0x74: {  	s14 =	sor.u32 $0x800, s15;
	[sflag:s30] =	ssyncset.done $0x0  }
0x75: {  	[sflag:s30] =	ssyncadd.s32 $0xFFFFEC00  }
0x76: {  	[spmem:s1] =	stream.indirect.scatter.add.f32 [tilespmem:s26], [sflag:$0x7], $0x80, s14, s21, $0xb8;
	[tilespmem:$0x19880] =	vst v63  }
0x77: {  	p2 =	seq.s32 s6, $0x0;
	_ =	swait.ge [sflag:s31], $0x1400  }
0x78: {  	s6 =	simm.s32 @!p2 $0x9;
	[sflag:s31] =	ssyncset.done $0x0  }
0x79: {  	[sflag:s31] =	ssyncadd.s32 $0xFFFFEC00  }
0x7a: {  	_ =	swait.ge @!p2 [sflag:s6], $0x400  }
0x7b: {  	s14 =	simm.s32 @!p2 $0xA;
	[sflag:s6] =	ssyncset.done @!p2 $0x0  }
0x7c: {  	[sflag:s6] =	ssyncadd.s32 @!p2 $0xFFFFFC00  }
0x7d: {  	_ =	swait.ge @!p2 [sflag:s14], $0x400  }
0x7e: {  	s6 =	sshrl.u32 s20, $0x2;
	[sflag:s14] =	ssyncset.done @!p2 $0x0  }
0x7f: {  	[sflag:s14] =	ssyncadd.s32 @!p2 $0xFFFFFC00  }
0x80: {  	[tilespmem:s22], [sflag:$0x1] =	stream.indirect.gather [hbm4b:s3+s21], $0x80, s6, s21, $0xb8;
	[tilespmem:$0x19880] =	vst v63  }
.Ltmp0:
0x81: {  	s9 =	sadd.s32 $0x200, s9;
	_ =	swait.ge [sflag:s0], $0x1400;
	(pc) =	sbr.rel @p1 .LBB2_2-.Ltmp0, $4  }
0x82: {  	s4 =	sor.u32 $0x800, s4;
	s10 =	sadd.s32 $0x40, s10;
	[sflag:s0] =	ssyncset.done $0x0  }
0x83: {  	s11 =	sadd.s32 $0x40, s11;
	s6 =	sadd.s32 $0xA00, s13;
	[sflag:s0] =	ssyncadd.s32 $0xFFFFEC00  }
0x84: {  	[spmem:s1] =	stream.indirect.scatter.add.f32 [tilespmem:s29], [sflag:$0x8], $0x80, s4, s21, $0xb8;
	[tilespmem:$0x19880] =	vst v63  }
0x85: {  	s12 =	sadd.s32 $0x1, s12;
	s6 =	sand.u32 $0x1A00, s6;
	_ =	swait.ge [sflag:s19], $0x1400  }
0x86: {  	[sflag:s19] =	ssyncset.done $0x0  }
0x87: {  	s4 =	sshrl.u32 s6, $0x2;
	[sflag:s19] =	ssyncadd.s32 $0xFFFFEC00  }
0x88: {  	[tilespmem:s24], [sflag:$0x2] =	stream.indirect.gather [hbm4b:s3+s21], $0x80, s4, s21, $0xb8;
	[tilespmem:$0x19880] =	vst v63  }
0x89: {  	_ =	swait.ge [sflag:s25], $0x1400  }
0x8a: {  	[sflag:s25] =	ssyncset.done $0x0  }
0x8b: {  	s10 =	simm.s32 $0xC00;
	s14 =	simm.s32 $0x7;
	[sflag:s25] =	ssyncadd.s32 $0xFFFFEC00  }
0x8c: {  	[spmem:s1] =	stream.indirect.scatter.add.f32 [tilespmem:s22], [sflag:$0x5], $0x80, s10, s21, $0xb8;
	[tilespmem:$0x19880] =	vst v63  }
0x8d: {  	_ =	swait.ge [sflag:s14], $0x1400  }
0x8e: {  	[sflag:s14] =	ssyncset.done $0x0  }
0x8f: {  	[sflag:s14] =	ssyncadd.s32 $0xFFFFEC00  }
0x90: {  	_ =	swait.ge [sflag:s28], $0x1400  }
0x91: {  	[sflag:s28] =	ssyncset.done $0x0  }
0x92: {  	s15 =	simm.s32 $0xC80;
	s16 =	simm.s32 $0x8;
	[sflag:s28] =	ssyncadd.s32 $0xFFFFEC00  }
0x93: {  	[spmem:s1] =	stream.indirect.scatter.add.f32 [tilespmem:s24], [sflag:$0x6], $0x80, s15, s21, $0xb8;
	[tilespmem:$0x19880] =	vst v63  }
0x94: {  	_ =	swait.ge [sflag:s16], $0x1400  }
0x95: {  	[sflag:s16] =	ssyncset.done $0x0  }
0x96: {  	[sflag:s16] =	ssyncadd.s32 $0xFFFFEC00  }
0x97: {  	_ =	swait.ge [sflag:s31], $0x1400  }
0x98: {  	[sflag:s31] =	ssyncset.done $0x0  }
0x99: {  	[sflag:s31] =	ssyncadd.s32 $0xFFFFEC00  }
0x9a: {  	_ =	swait.ge [sflag:s19], $0x1400  }
0x9b: {  	[sflag:s19] =	ssyncset.done $0x0  }
0x9c: {  	[sflag:s19] =	ssyncadd.s32 $0xFFFFEC00  }
0x9d: {  	[bflag:$0x0] =	sbarrier.arrive $0xFFFF  }
0x9e: {  	s20 =	rddreg [dreg:$0x9]  }
0x9f: {  	[hbm:s20], [sflag:s5] =	dma.local [spmem:s18], $0x2700  }
0xa0: {  	_ =	swait.ge [sflag:s17], $0x2700  }
0xa1: {  	[sflag:s17] =	ssyncset.done $0x0;
	s4 =	rddreg [dreg:$0xa]  }
0xa2: {  	s9 =	rddreg [dreg:$0xe];
	[sflag:s17] =	ssyncadd.s32 $0xFFFFD900  }
0xa3: {  	[hbm:s4], [sflag:s5] =	dma.local @!p0 [spmem:s9], $0x100  }
0xa4: {  	s4 =	simm.s32 @!p0 $0xB  }
0xa5: {  	_ =	swait.ge @!p0 [sflag:s4], $0x100  }
0xa6: {  	s7 =	sadd.s32 $0x1, s7;
	s23 =	rddreg [dreg:$0xb]  }
0xa7: {  	p1 =	sne.s32 s7, s23  }
.Ltmp1:
0xa8: {  	_ = 	snop;
	(pc) =	sbr.rel @p1 .LBB2_1-.Ltmp1, $3  }
0xa9: {  	_ =	sdelay $0x1  }
0xaa: {  	[sflag:s4] =	ssyncset.done @!p0 $0x0  }
0xab: {  	s8 =	smov.u32 s18;
	[sflag:s4] =	ssyncadd.s32 @!p0 $0xFFFFFF00  }
0xac: {  	_ =	sfence.sel $0x180000  }
0xad: {  	[bflag:$0x0] =	sbarrier.arrive $0xFFFF  }
0xae: {  	_ =	strace $0x90000050  }
0xaf: {  	[bflag:$0x2] =	sbarrier.arrive $0xFFFF  }
0xb0: {  	s0 =	rddreg [dreg:$0x2]  }
0xb1: {  	s0 =	sadd.s32 @!p0 $0x100000, s0  }
0xb2: {  	[sflag:s0] =	ssyncadd.tile.s32 @!p0 $0x1;
	_ =	shalt  }
.Lfunc_end2:
_tile_overlayer_lowered:
.L_overlay_start_2:
0xb3: {  	(tag) =	ssettag $0x2  }
0xb4: {  	s0 =	rddreg [dreg:$0x0];
	s2 =	stileid.u32  }
0xb5: {  	s1 =	rddreg [dreg:$0x1];
	p0 =	sne.s32 s2, $0x0  }
0xb6: {  	s3 =	rddreg [dreg:$0x2];
	[bflag:$0x3] =	sbarrier.arrive $0xFFFF;
	s2 =	simm.s32 @!p0 $0x1C0B  }
0xb7: {  	[timem:s3], [sflag:s2] =	dma.local @!p0 [hbm:s0], s1  }
0xb8: {  	s0 =	simm.s32 @!p0 $0xB  }
0xb9: {  	_ =	swait.ge @!p0 [sflag:s0], s1  }
0xba: {  	s1 =	ssub.s32 @!p0 $0x0, s1;
	[sflag:s0] =	ssyncset.done @!p0 $0x0  }
0xbb: {  	[sflag:s0] =	ssyncadd.s32 @!p0 s1  }
0xbc: {  	[bflag:$0x3] =	sbarrier.arrive $0xFFFF  }
0xbd: {  	_ =	shalt  }

</sc_bundles>
